<compile_context>
chip_gen: v7x
topology: tpu7x:2x2x1
jax: 0.10.2.dev20260603
libtpu: 0.0.44.dev20260713+nightly
codegen_flags: <defaults>
</compile_context>

<pallas_src>
import functools

import jax
import jax.numpy as jnp
from jax import lax
from jax.experimental import pallas as pl
from jax.experimental.pallas import tpu as pltpu, tpu_sc as plsc

N = 10000
E = 320000
D = 128
H = 128
B = 4096
TAU = 0.2

NROW = 10112
ET = E + N
EROWS = 2688
EPAD = EROWS * 128 - ET
NCORE = 2
NSUB = 16
NW = NCORE * NSUB
ROWS_PER_TILE = NROW // NSUB
WBATCH = EROWS // NW
SBATCH = EROWS // NSUB
BLK = 1264
NG = NROW // BLK


def _chunks(total, size):
  out = []
  o = 0
  while o < total:
    n = min(size, total - o)
    out.append((o, n))
    o += n
  return out

_MESH = plsc.VectorSubcoreMesh(
    core_axis_name="c", subcore_axis_name="s", num_cores=NCORE,
    num_subcores=NSUB)
_SC_PARAMS = pltpu.CompilerParams(
    use_tc_tiling_on_sc=False, needs_layout_passes=False)


def _zero_vmem(ref, nrows, ncolgroups):
  z = jnp.zeros((16,), jnp.float32)

  def body(i, _):
    for k in range(ncolgroups):
      ref[i, pl.ds(k * 16, 16)] = z
    return None

  lax.fori_loop(0, nrows, body, None)


@functools.partial(
    pl.kernel,
    out_type=jax.ShapeDtypeStruct((NCORE, NROW, 16), jnp.float32),
    mesh=_MESH,
    compiler_params=_SC_PARAMS,
    scratch_types=[
        pltpu.VMEM((WBATCH, 128), jnp.int32),
        pltpu.VMEM((128, 16), jnp.float32),
        pltpu.VMEM((64, 16), jnp.float32),
        pltpu.VMEM_SHARED((NROW, 16), jnp.float32),
        pltpu.SemaphoreType.DMA,
        pltpu.SemaphoreType.DMA,
        pltpu.SemaphoreType.DMA,
        pltpu.SemaphoreType.DMA,
    ],
)
def _sc_deg(dst_hbm, out_hbm, idx_v, ones_v, zbuf, acc, d0, d1, d2, d3):
  c = lax.axis_index("c")
  s = lax.axis_index("s")
  w = s * NCORE + c
  rows0 = s * ROWS_PER_TILE

  _zero_vmem(zbuf, 64, 1)
  one = jnp.ones((16,), jnp.float32)

  def fill_ones(i, _):
    ones_v[i, :] = one
    return None

  lax.fori_loop(0, 128, fill_ones, None)
  for (o, n) in _chunks(ROWS_PER_TILE, 64):
    pltpu.sync_copy(zbuf.at[pl.ds(0, n)], acc.at[pl.ds(rows0 + o, n)])
  pltpu.sync_copy(dst_hbm.at[pl.ds(w * WBATCH, WBATCH)], idx_v)
  plsc.subcore_barrier()

  sems = (d0, d1, d2, d3)

  def s_start(k, j):
    pltpu.async_copy(ones_v, acc.at[idx_v.at[j]], sems[k], add=True)

  def s_wait(k, j):
    pltpu.make_async_copy(ones_v, acc.at[idx_v.at[j]], sems[k]).wait()

  for k in range(4):
    s_start(k, k)

  def body(jj, _):
    for k in range(4):
      j = 4 * jj + k
      s_wait(k, j - 4)
      s_start(k, j)
    return None

  lax.fori_loop(1, WBATCH // 4, body, None)
  for k in range(4):
    s_wait(k, WBATCH - 4 + k)
  plsc.subcore_barrier()
  for (o, n) in _chunks(ROWS_PER_TILE, 64):
    pltpu.sync_copy(acc.at[pl.ds(rows0 + o, n)], zbuf.at[pl.ds(0, n)])
    pltpu.sync_copy(zbuf.at[pl.ds(0, n)], out_hbm.at[c, pl.ds(rows0 + o, n)])


def _mp_body(c, s, tbl_hbm, src2_hbm, dst_hbm, sidx, didx, rbufs, zbuf, acc,
             sgs, sss):
  rows0 = s * ROWS_PER_TILE
  _zero_vmem(zbuf, 64, 4)
  for (o, n) in _chunks(ROWS_PER_TILE, 64):
    pltpu.sync_copy(zbuf.at[pl.ds(0, n)], acc.at[pl.ds(rows0 + o, n)])
  pltpu.sync_copy(src2_hbm.at[c, pl.ds(s * SBATCH, SBATCH)], sidx)
  pltpu.sync_copy(dst_hbm.at[pl.ds(s * SBATCH, SBATCH)], didx)
  plsc.subcore_barrier()

  def g_start(k, j):
    pltpu.make_async_copy(tbl_hbm.at[sidx.at[j]], rbufs[k], sgs[k]).start()

  def g_wait(k, j):
    pltpu.make_async_copy(tbl_hbm.at[sidx.at[j]], rbufs[k], sgs[k]).wait()

  def s_start(k, j):
    pltpu.async_copy(rbufs[k], acc.at[didx.at[j]], sss[k], add=True)

  def s_wait(k, j):
    pltpu.make_async_copy(rbufs[k], acc.at[didx.at[j]], sss[k]).wait()

  def step(j, k):
    g_wait(k, j)
    s_start(k, j)

  g_start(0, 0)
  g_start(1, 1)
  step(0, 0)
  g_start(2, 2)
  step(1, 1)
  g_start(3, 3)

  def body(jj, _):
    j0 = 4 * jj
    for m in range(4):
      j = j0 + 2 + m
      k = (2 + m) % 4
      step(j, k)
      kf = m % 4
      s_wait(kf, j - 2)
      g_start(kf, j + 2)
    return None

  lax.fori_loop(0, (SBATCH - 4) // 4, body, None)
  for m in range(2):
    j = SBATCH - 2 + m
    k = (2 + m) % 4
    step(j, k)
    s_wait(m, j - 2)
  s_wait(2, SBATCH - 2)
  s_wait(3, SBATCH - 1)
  plsc.subcore_barrier()


_MP_SCRATCH = [
    pltpu.VMEM((SBATCH, 128), jnp.int32),
    pltpu.VMEM((SBATCH, 128), jnp.int32),
    pltpu.VMEM((128, 64), jnp.float32),
    pltpu.VMEM((128, 64), jnp.float32),
    pltpu.VMEM((128, 64), jnp.float32),
    pltpu.VMEM((128, 64), jnp.float32),
    pltpu.VMEM((64, 64), jnp.float32),
    pltpu.VMEM_SHARED((NROW, 64), jnp.float32),
] + [pltpu.SemaphoreType.DMA] * 8


@functools.partial(
    pl.kernel,
    out_type=jax.ShapeDtypeStruct((NCORE, NROW, 64), jnp.float32),
    mesh=_MESH,
    compiler_params=_SC_PARAMS,
    scratch_types=_MP_SCRATCH,
)
def _sc_mp(tbl_hbm, src2_hbm, dst_hbm, out_hbm, sidx, didx, rb0, rb1, rb2,
           rb3, zbuf, acc, sg0, sg1, sg2, sg3, ss0, ss1, ss2, ss3):
  c = lax.axis_index("c")
  s = lax.axis_index("s")
  _mp_body(c, s, tbl_hbm, src2_hbm, dst_hbm, sidx, didx,
           (rb0, rb1, rb2, rb3), zbuf, acc,
           (sg0, sg1, sg2, sg3), (ss0, ss1, ss2, ss3))
  rows0 = s * ROWS_PER_TILE
  for (o, n) in _chunks(ROWS_PER_TILE, 128):
    pltpu.sync_copy(acc.at[pl.ds(rows0 + o, n)], rb0.at[pl.ds(0, n)])
    pltpu.sync_copy(rb0.at[pl.ds(0, n)], out_hbm.at[c, pl.ds(rows0 + o, n)])


@functools.partial(
    pl.kernel,
    out_type=(
        jax.ShapeDtypeStruct((2 * NROW, 64), jnp.float32),
        jax.ShapeDtypeStruct((3, NCORE, B, 64), jnp.float32),
        jax.ShapeDtypeStruct((3, B, 16), jnp.float32),
    ),
    mesh=_MESH,
    compiler_params=_SC_PARAMS,
    scratch_types=_MP_SCRATCH + [
        pltpu.VMEM((3, 256), jnp.int32),
        pltpu.VMEM((256, 16), jnp.float32),
    ],
)
def _sc_mp2(tbl_hbm, src2_hbm, dst_hbm, vab2_hbm, dinv16_hbm,
            emb_hbm, trip_hbm, dg_hbm,
            sidx, didx, rb0, rb1, rb2, rb3, zbuf, acc,
            sg0, sg1, sg2, sg3, ss0, ss1, ss2, ss3,
            tidx, dgbuf):
  c = lax.axis_index("c")
  s = lax.axis_index("s")
  for t in range(3):
    pltpu.sync_copy(vab2_hbm.at[c, t, 0, pl.ds(s * 256, 256)], tidx.at[t])

  _mp_body(c, s, tbl_hbm, src2_hbm, dst_hbm, sidx, didx,
           (rb0, rb1, rb2, rb3), zbuf, acc,
           (sg0, sg1, sg2, sg3), (ss0, ss1, ss2, ss3))

  rows0 = s * ROWS_PER_TILE
  for (o, n) in _chunks(ROWS_PER_TILE, 128):
    pltpu.sync_copy(acc.at[pl.ds(rows0 + o, n)], rb0.at[pl.ds(0, n)])
    pltpu.sync_copy(rb0.at[pl.ds(0, n)],
                    emb_hbm.at[pl.ds(c * NROW + rows0 + o, n)])
  plsc.subcore_barrier()

  tbufs = (rb0, rb1)
  tsems = (sg0, sg1)

  def tg_start(i):
    t, q = divmod(i, 2)
    pltpu.make_async_copy(emb_hbm.at[tidx.at[t, pl.ds(q * 128, 128)]],
                          tbufs[i % 2], tsems[i % 2]).start()

  def tg_finish(i):
    t, q = divmod(i, 2)
    pltpu.make_async_copy(emb_hbm.at[tidx.at[t, pl.ds(q * 128, 128)]],
                          tbufs[i % 2], tsems[i % 2]).wait()
    pltpu.sync_copy(tbufs[i % 2],
                    trip_hbm.at[t, c, pl.ds(s * 256 + q * 128, 128)])

  def dg_start(t):
    pltpu.make_async_copy(dinv16_hbm.at[tidx.at[t]], dgbuf, sg2).start()

  def dg_finish(t):
    pltpu.make_async_copy(dinv16_hbm.at[tidx.at[t]], dgbuf, sg2).wait()
    pltpu.sync_copy(dgbuf, dg_hbm.at[t, pl.ds(s * 256, 256)])

  tg_start(0)
  tg_start(1)

  @pl.when(c == 0)
  def _():
    dg_start(0)

  for i in range(6):
    tg_finish(i)
    if i + 2 < 6:
      tg_start(i + 2)
    if i % 2 == 1:
      t = i // 2

      @pl.when(c == 0)
      def _():
        dg_finish(t)
        if t < 2:
          dg_start(t + 1)


def _dinv_block(degp_ref, i):
  deg = degp_ref[0, :, 0:1] + degp_ref[1, :, 0:1]
  dinv = lax.rsqrt(jnp.maximum(deg, 1.0))
  row = lax.broadcasted_iota(jnp.int32, (BLK, 1), 0) + i * BLK
  return jnp.where(row < N, dinv, 0.0)


def _tc1_body(x_ref, w_ref, b_ref, degp_ref, g_ref, dinv_ref):
  dinv = _dinv_block(degp_ref, pl.program_id(0))
  hw = jnp.dot(x_ref[...], w_ref[...],
               preferred_element_type=jnp.float32) + b_ref[...]
  g = hw * dinv
  g_ref[0] = g[:, :64]
  g_ref[1] = g[:, 64:]
  dinv_ref[...] = jnp.broadcast_to(dinv, (BLK, 16))


def _tc1(xp, w1, b1r, degp):
  return pl.pallas_call(
      _tc1_body,
      grid=(NG,),
      in_specs=[
          pl.BlockSpec((BLK, 128), lambda i: (i, 0)),
          pl.BlockSpec((128, 128), lambda i: (0, 0)),
          pl.BlockSpec((1, 128), lambda i: (0, 0)),
          pl.BlockSpec((2, BLK, 16), lambda i: (0, i, 0)),
      ],
      out_specs=[
          pl.BlockSpec((2, BLK, 64), lambda i: (0, i, 0)),
          pl.BlockSpec((BLK, 16), lambda i: (i, 0)),
      ],
      out_shape=[
          jax.ShapeDtypeStruct((2, NROW, 64), jnp.float32),
          jax.ShapeDtypeStruct((NROW, 16), jnp.float32),
      ],
  )(xp, w1, b1r, degp)


def _tc2_body(acc_ref, w_ref, b_ref, degp_ref, g_ref):
  dinv = _dinv_block(degp_ref, pl.program_id(0))
  h1a = jnp.maximum(acc_ref[0] * dinv, 0.0)
  h1b = jnp.maximum(acc_ref[1] * dinv, 0.0)
  hw = (jnp.dot(h1a, w_ref[0:64, :], preferred_element_type=jnp.float32)
        + jnp.dot(h1b, w_ref[64:128, :], preferred_element_type=jnp.float32)
        + b_ref[...])
  g = hw * dinv
  g_ref[0] = g[:, :64]
  g_ref[1] = g[:, 64:]


def _tc2(acc1, w2, b2r, degp):
  return pl.pallas_call(
      _tc2_body,
      grid=(NG,),
      in_specs=[
          pl.BlockSpec((2, BLK, 64), lambda i: (0, i, 0)),
          pl.BlockSpec((128, 128), lambda i: (0, 0)),
          pl.BlockSpec((1, 128), lambda i: (0, 0)),
          pl.BlockSpec((2, BLK, 16), lambda i: (0, i, 0)),
      ],
      out_specs=pl.BlockSpec((2, BLK, 64), lambda i: (0, i, 0)),
      out_shape=jax.ShapeDtypeStruct((2, NROW, 64), jnp.float32),
  )(acc1, w2, b2r, degp)


def _tc3_body(trip_ref, dg_ref, p1_ref, pb1_ref, p2_ref, pb2_ref, out_ref):
  def proj(t):
    dg = dg_ref[t, :, 0:1]
    za = trip_ref[t, 0] * dg
    zb = trip_ref[t, 1] * dg
    y = jnp.maximum(
        jnp.dot(za, p1_ref[0:64, :], preferred_element_type=jnp.float32)
        + jnp.dot(zb, p1_ref[64:128, :], preferred_element_type=jnp.float32)
        + pb1_ref[...], 0.0)
    return jnp.dot(y, p2_ref[...],
                   preferred_element_type=jnp.float32) + pb2_ref[...]

  sv = proj(0)
  sa = proj(1)
  sb = proj(2)

  def rnorm(u):
    return jnp.maximum(jnp.sqrt(jnp.sum(u * u, axis=-1, keepdims=True)), 1e-8)

  nv = rnorm(sv)
  pos = jnp.sum(sv * sa, axis=-1, keepdims=True) / (nv * rnorm(sa))
  neg = jnp.sum(sv * sb, axis=-1, keepdims=True) / (nv * rnorm(sb))
  loss = jnp.log(1.0 + jnp.exp((neg - pos) / TAU))
  out_ref[...] = jnp.sum(loss, axis=0, keepdims=True) / B


def _tc3(trip, dg, p1, pb1r, p2, pb2r):
  return pl.pallas_call(
      _tc3_body,
      out_shape=jax.ShapeDtypeStruct((1, 1), jnp.float32),
  )(trip, dg, p1, pb1r, p2, pb2r)


def kernel(x, W1, b1, W2, b2, P1, pb1, P2, pb2, edge_index, v_idx, a_idx,
           b_idx):
  xp = jnp.pad(x, ((0, NROW - N), (0, 0)))
  loops = jnp.arange(N, dtype=jnp.int32)
  padr = N + (jnp.arange(EPAD, dtype=jnp.int32) % (NROW - N))
  srcs = jnp.concatenate([edge_index[0], loops, padr])
  dsts = jnp.concatenate([edge_index[1], loops, padr])
  src2 = jnp.stack([srcs, srcs + NROW]).reshape(2, EROWS, 128)
  dstr = dsts.reshape(EROWS, 128)
  vab = jnp.stack([v_idx, a_idx, b_idx]).reshape(1, 3, 1, B)
  vab2 = jnp.concatenate([vab, vab + NROW])

  degp = _sc_deg(dstr)
  g1, dinv16 = _tc1(xp, W1, b1.reshape(1, 128), degp)
  acc1 = _sc_mp(g1.reshape(2 * NROW, 64), src2, dstr)
  g2 = _tc2(acc1, W2, b2.reshape(1, 128), degp)
  _, trip, dg = _sc_mp2(g2.reshape(2 * NROW, 64), src2, dstr, vab2, dinv16)
  loss = _tc3(trip, dg, P1, pb1.reshape(1, 128), P2, pb2.reshape(1, 128))
  return jnp.reshape(loss, ())

# --- scband reference (transcript-rebuilt; emitter-appended) ---
"""Pipeline reference for scband-edge-pred-graph-prompt-34110630265399 (READ-ONLY COPY).

The authoritative reference and input builder live on the scoring server;
editing this copy changes nothing except your own understanding.
"""

import jax, jax.numpy as jnp
import numpy as np

N = 10000
E = 320000
D = 128
H = 128
B = 4096
TAU = 0.2


def setup_inputs(seed: int = 0) -> dict:
    key = jax.random.key(seed)
    ks = jax.random.split(key, 16)
    x = jax.random.normal(ks[0], (N, D), dtype=jnp.float32)
    edge_index = jax.random.randint(ks[1], (2, E), 0, N, dtype=jnp.int32)
    v_idx = jax.random.randint(ks[2], (B,), 0, N, dtype=jnp.int32)
    a_idx = jax.random.randint(ks[3], (B,), 0, N, dtype=jnp.int32)
    b_idx = jax.random.randint(ks[4], (B,), 0, N, dtype=jnp.int32)
    s1 = 1.0 / np.sqrt(D)
    s2 = 1.0 / np.sqrt(H)
    W1 = jax.random.normal(ks[5], (D, H), dtype=jnp.float32) * s1
    b1 = jnp.zeros((H,), dtype=jnp.float32)
    W2 = jax.random.normal(ks[6], (H, H), dtype=jnp.float32) * s2
    b2 = jnp.zeros((H,), dtype=jnp.float32)
    P1 = jax.random.normal(ks[7], (H, H), dtype=jnp.float32) * s2
    pb1 = jnp.zeros((H,), dtype=jnp.float32)
    P2 = jax.random.normal(ks[8], (H, H), dtype=jnp.float32) * s2
    pb2 = jnp.zeros((H,), dtype=jnp.float32)
    return {"x": x, "W1": W1, "b1": b1, "W2": W2, "b2": b2,
            "P1": P1, "pb1": pb1, "P2": P2, "pb2": pb2,
            "edge_index": edge_index, "v_idx": v_idx, "a_idx": a_idx, "b_idx": b_idx}


def _gcn_layer(h, W, b, src, dst, norm):
    hw = h @ W + b
    msg = hw[src] * norm[:, None]
    return jnp.zeros_like(hw).at[dst].add(msg)


def _cos(a, b):
    na = jnp.maximum(jnp.linalg.norm(a, axis=-1), 1e-8)
    nb = jnp.maximum(jnp.linalg.norm(b, axis=-1), 1e-8)
    return jnp.sum(a * b, axis=-1) / (na * nb)


def reference(x, W1, b1, W2, b2, P1, pb1, P2, pb2, edge_index, v_idx, a_idx, b_idx):
    # GCN with symmetric normalization and self-loops
    loops = jnp.arange(N, dtype=edge_index.dtype)
    src = jnp.concatenate([edge_index[0], loops])
    dst = jnp.concatenate([edge_index[1], loops])
    deg = jnp.zeros((N,), dtype=jnp.float32).at[dst].add(1.0)
    dinv = jax.lax.rsqrt(jnp.maximum(deg, 1.0))
    norm = dinv[src] * dinv[dst]
    h1 = jax.nn.relu(_gcn_layer(x, W1, b1, src, dst, norm))
    emb = _gcn_layer(h1, W2, b2, src, dst, norm)
    # projection head on sampled triplets
    def proj(z):
        return jax.nn.relu(z @ P1 + pb1) @ P2 + pb2
    s_v = proj(emb[v_idx])
    s_a = proj(emb[a_idx])
    s_b = proj(emb[b_idx])
    pos_sim = _cos(s_v, s_a)
    neg_sim = _cos(s_v, s_b)
    numerator = jnp.exp(pos_sim / TAU)
    denominator = numerator + jnp.exp(neg_sim / TAU)
    loss = -jnp.log(numerator / denominator).mean()
    return loss

if __name__ == "__main__":
    import jax
    _d = setup_inputs()
    print(jax.jit(kernel)(*tuple(_d.values())))

</pallas_src>

<mosaic_0001>
#map = affine_map<(d0, d1) -> (0, 0)>
#map1 = affine_map<(d0, d1) -> (0, 0, 0)>
module attributes {stable_mosaic.version = 14 : i64} {
  func.func @_sc_deg(%arg0: i32, %arg1: i32, %arg2: memref<2688x128xi32, #tpu.memory_space<hbm>>, %arg3: memref<2x10112x16xf32, #tpu.memory_space<hbm>>, %arg4: memref<84x128xi32, #tpu.memory_space<vmem>>, %arg5: memref<128x16xf32, #tpu.memory_space<vmem>>, %arg6: memref<64x16xf32, #tpu.memory_space<vmem>>, %arg7: memref<10112x16xf32, #tpu.memory_space<vmem_shared>>, %arg8: memref<!tpu.dma_semaphore, #tpu.memory_space<semaphore_mem>>, %arg9: memref<!tpu.dma_semaphore, #tpu.memory_space<semaphore_mem>>, %arg10: memref<!tpu.dma_semaphore, #tpu.memory_space<semaphore_mem>>, %arg11: memref<!tpu.dma_semaphore, #tpu.memory_space<semaphore_mem>>) attributes {dimension_semantics = [#tpu.dimension_semantics<core_parallel>, #tpu.dimension_semantics<subcore_parallel>], iteration_bounds = array<i64: 2, 16>, scalar_prefetch = 0 : i64, scratch_operands = 8 : i64, tpu.core_type = #tpu.core_type<sc_vector_subcore>, window_params = [{transform_indices = #map}, {transform_indices = #map1}]} {
    %mul3A = arith.constant 2 : i32
    %mul3A_0 = arith.muli %arg1, %mul3A : i32
    %add3A = arith.addi %mul3A_0, %arg0 : i32
    %mul3A_1 = arith.constant 632 : i32
    %mul3A_2 = arith.muli %arg1, %mul3A_1 : i32
    %broadcast_in_dim3A = arith.constant 0.000000e+00 : f32
    %broadcast_in_dim3A_3 = vector.broadcast %broadcast_in_dim3A : f32 to vector<16xf32>
    %scan3A = arith.constant 0 : i32
    %scan3A_4 = arith.constant 64 : i32
    %scan3A_5 = arith.addi %scan3A, %scan3A_4 : i32
    %scan3A_6 = arith.constant 1 : i32
    scf.for %scan3A_137 = %scan3A to %scan3A_5 step %scan3A_6  : i32 {
      %swap3A = arith.index_cast %scan3A_137 : i32 to index
      %swap3A_138 = arith.constant 0 : index
      %swap3A_139 = tpu.vector_load %arg6[%swap3A, %swap3A_138] {strides = array<i32>} : memref<64x16xf32, #tpu.memory_space<vmem>>, vector<16xf32>,
      tpu.vector_store %arg6[%swap3A, %swap3A_138], %broadcast_in_dim3A_3 {strides = array<i32>} : memref<64x16xf32, #tpu.memory_space<vmem>>, vector<16xf32>,
    }
    %scan3A_7 = arith.constant 64 : i32
    %broadcast_in_dim3A_8 = arith.constant 1.000000e+00 : f32
    %broadcast_in_dim3A_9 = vector.broadcast %broadcast_in_dim3A_8 : f32 to vector<16xf32>
    %scan3A_10 = arith.constant 0 : i32
    %scan3A_11 = arith.constant 128 : i32
    %scan3A_12 = arith.addi %scan3A_10, %scan3A_11 : i32
    %scan3A_13 = arith.constant 1 : i32
    scf.for %scan3A_137 = %scan3A_10 to %scan3A_12 step %scan3A_13  : i32 {
      %swap3A = arith.index_cast %scan3A_137 : i32 to index
      %swap3A_138 = arith.constant 0 : index
      %swap3A_139 = tpu.vector_load %arg5[%swap3A, %swap3A_138] {strides = array<i32>} : memref<128x16xf32, #tpu.memory_space<vmem>>, vector<16xf32>,
      tpu.vector_store %arg5[%swap3A, %swap3A_138], %broadcast_in_dim3A_9 {strides = array<i32>} : memref<128x16xf32, #tpu.memory_space<vmem>>, vector<16xf32>,
    }
    %scan3A_14 = arith.constant 128 : i32
    %add3A_15 = arith.constant 0 : i32
    %add3A_16 = arith.addi %mul3A_2, %add3A_15 : i32
    "tpu.region"() ({
      %run_scoped3A = tpu.sem_alloc : memref<!tpu.dma_semaphore, #tpu.memory_space<semaphore_mem>>
      %dma_start3A_137 = arith.constant 0 : i32
      %dma_start3A_138 = arith.constant 0 : i32
      %dma_start3A_139 = tpu.memref_slice %arg6[%dma_start3A_137, %dma_start3A_138] : memref<64x16xf32, #tpu.memory_space<vmem>> -> memref<64x16xf32, #tpu.memory_space<vmem>>
      %dma_start3A_140 = arith.constant 0 : i32
      %dma_start3A_141 = tpu.memref_slice %arg7[%add3A_16, %dma_start3A_140] : memref<10112x16xf32, #tpu.memory_space<vmem_shared>> -> memref<64x16xf32, #tpu.memory_space<vmem_shared>>
      %dma_start3A_142 = arith.constant 0 : i32
      %dma_start3A_143 = tpu.memref_slice %arg7[%add3A_16, %dma_start3A_142] : memref<10112x16xf32, #tpu.memory_space<vmem_shared>> -> memref<64x16xf32, #tpu.memory_space<vmem_shared>>
      %dma_start3A_144 = arith.constant 0 : i32
      %dma_start3A_145 = arith.constant 0 : i32
      %dma_start3A_146 = tpu.memref_slice %arg6[%dma_start3A_144, %dma_start3A_145] : memref<64x16xf32, #tpu.memory_space<vmem>> -> memref<64x16xf32, #tpu.memory_space<vmem>>
      tpu.enqueue_dma source(%dma_start3A_146 : memref<64x16xf32, #tpu.memory_space<vmem>>) target(%dma_start3A_143 : memref<64x16xf32, #tpu.memory_space<vmem_shared>>) target_semaphore(%run_scoped3A : memref<!tpu.dma_semaphore, #tpu.memory_space<semaphore_mem>>)
      %dma_wait3A_147 = arith.constant 0 : i32
      %dma_wait3A_148 = arith.constant 0 : i32
      %dma_wait3A_149 = tpu.memref_slice %arg6[%dma_wait3A_147, %dma_wait3A_148] : memref<64x16xf32, #tpu.memory_space<vmem>> -> memref<64x16xf32, #tpu.memory_space<vmem>>
      %dma_wait3A_150 = arith.constant 0 : i32
      %dma_wait3A_151 = tpu.memref_slice %arg7[%add3A_16, %dma_wait3A_150] : memref<10112x16xf32, #tpu.memory_space<vmem_shared>> -> memref<64x16xf32, #tpu.memory_space<vmem_shared>>
      %dma_wait3A_152 = arith.constant 0 : i32
      %dma_wait3A_153 = tpu.memref_slice %arg7[%add3A_16, %dma_wait3A_152] : memref<10112x16xf32, #tpu.memory_space<vmem_shared>> -> memref<64x16xf32, #tpu.memory_space<vmem_shared>>
      %dma_wait3A_154 = arith.constant 0 : i32
      %dma_wait3A_155 = arith.constant 0 : i32
      %dma_wait3A_156 = tpu.memref_slice %arg6[%dma_wait3A_154, %dma_wait3A_155] : memref<64x16xf32, #tpu.memory_space<vmem>> -> memref<64x16xf32, #tpu.memory_space<vmem>>
      tpu.wait_dma2 semaphore(%run_scoped3A : memref<!tpu.dma_semaphore, #tpu.memory_space<semaphore_mem>>) src(%dma_wait3A_156 : memref<64x16xf32, #tpu.memory_space<vmem>>) dst(%dma_wait3A_153 : memref<64x16xf32, #tpu.memory_space<vmem_shared>>)
      tpu.yield
    }) : () -> ()
    %add3A_17 = arith.constant 64 : i32
    %add3A_18 = arith.addi %mul3A_2, %add3A_17 : i32
    "tpu.region"() ({
      %run_scoped3A = tpu.sem_alloc : memref<!tpu.dma_semaphore, #tpu.memory_space<semaphore_mem>>
      %dma_start3A_137 = arith.constant 0 : i32
      %dma_start3A_138 = arith.constant 0 : i32
      %dma_start3A_139 = tpu.memref_slice %arg6[%dma_start3A_137, %dma_start3A_138] : memref<64x16xf32, #tpu.memory_space<vmem>> -> memref<64x16xf32, #tpu.memory_space<vmem>>
      %dma_start3A_140 = arith.constant 0 : i32
      %dma_start3A_141 = tpu.memref_slice %arg7[%add3A_18, %dma_start3A_140] : memref<10112x16xf32, #tpu.memory_space<vmem_shared>> -> memref<64x16xf32, #tpu.memory_space<vmem_shared>>
      %dma_start3A_142 = arith.constant 0 : i32
      %dma_start3A_143 = tpu.memref_slice %arg7[%add3A_18, %dma_start3A_142] : memref<10112x16xf32, #tpu.memory_space<vmem_shared>> -> memref<64x16xf32, #tpu.memory_space<vmem_shared>>
      %dma_start3A_144 = arith.constant 0 : i32
      %dma_start3A_145 = arith.constant 0 : i32
      %dma_start3A_146 = tpu.memref_slice %arg6[%dma_start3A_144, %dma_start3A_145] : memref<64x16xf32, #tpu.memory_space<vmem>> -> memref<64x16xf32, #tpu.memory_space<vmem>>
      tpu.enqueue_dma source(%dma_start3A_146 : memref<64x16xf32, #tpu.memory_space<vmem>>) target(%dma_start3A_143 : memref<64x16xf32, #tpu.memory_space<vmem_shared>>) target_semaphore(%run_scoped3A : memref<!tpu.dma_semaphore, #tpu.memory_space<semaphore_mem>>)
      %dma_wait3A_147 = arith.constant 0 : i32
      %dma_wait3A_148 = arith.constant 0 : i32
      %dma_wait3A_149 = tpu.memref_slice %arg6[%dma_wait3A_147, %dma_wait3A_148] : memref<64x16xf32, #tpu.memory_space<vmem>> -> memref<64x16xf32, #tpu.memory_space<vmem>>
      %dma_wait3A_150 = arith.constant 0 : i32
      %dma_wait3A_151 = tpu.memref_slice %arg7[%add3A_18, %dma_wait3A_150] : memref<10112x16xf32, #tpu.memory_space<vmem_shared>> -> memref<64x16xf32, #tpu.memory_space<vmem_shared>>
      %dma_wait3A_152 = arith.constant 0 : i32
      %dma_wait3A_153 = tpu.memref_slice %arg7[%add3A_18, %dma_wait3A_152] : memref<10112x16xf32, #tpu.memory_space<vmem_shared>> -> memref<64x16xf32, #tpu.memory_space<vmem_shared>>
      %dma_wait3A_154 = arith.constant 0 : i32
      %dma_wait3A_155 = arith.constant 0 : i32
      %dma_wait3A_156 = tpu.memref_slice %arg6[%dma_wait3A_154, %dma_wait3A_155] : memref<64x16xf32, #tpu.memory_space<vmem>> -> memref<64x16xf32, #tpu.memory_space<vmem>>
      tpu.wait_dma2 semaphore(%run_scoped3A : memref<!tpu.dma_semaphore, #tpu.memory_space<semaphore_mem>>) src(%dma_wait3A_156 : memref<64x16xf32, #tpu.memory_space<vmem>>) dst(%dma_wait3A_153 : memref<64x16xf32, #tpu.memory_space<vmem_shared>>)
      tpu.yield
    }) : () -> ()
    %add3A_19 = arith.constant 128 : i32
    %add3A_20 = arith.addi %mul3A_2, %add3A_19 : i32
    "tpu.region"() ({
      %run_scoped3A = tpu.sem_alloc : memref<!tpu.dma_semaphore, #tpu.memory_space<semaphore_mem>>
      %dma_start3A_137 = arith.constant 0 : i32
      %dma_start3A_138 = arith.constant 0 : i32
      %dma_start3A_139 = tpu.memref_slice %arg6[%dma_start3A_137, %dma_start3A_138] : memref<64x16xf32, #tpu.memory_space<vmem>> -> memref<64x16xf32, #tpu.memory_space<vmem>>
      %dma_start3A_140 = arith.constant 0 : i32
      %dma_start3A_141 = tpu.memref_slice %arg7[%add3A_20, %dma_start3A_140] : memref<10112x16xf32, #tpu.memory_space<vmem_shared>> -> memref<64x16xf32, #tpu.memory_space<vmem_shared>>
      %dma_start3A_142 = arith.constant 0 : i32
      %dma_start3A_143 = tpu.memref_slice %arg7[%add3A_20, %dma_start3A_142] : memref<10112x16xf32, #tpu.memory_space<vmem_shared>> -> memref<64x16xf32, #tpu.memory_space<vmem_shared>>
      %dma_start3A_144 = arith.constant 0 : i32
      %dma_start3A_145 = arith.constant 0 : i32
      %dma_start3A_146 = tpu.memref_slice %arg6[%dma_start3A_144, %dma_start3A_145] : memref<64x16xf32, #tpu.memory_space<vmem>> -> memref<64x16xf32, #tpu.memory_space<vmem>>
      tpu.enqueue_dma source(%dma_start3A_146 : memref<64x16xf32, #tpu.memory_space<vmem>>) target(%dma_start3A_143 : memref<64x16xf32, #tpu.memory_space<vmem_shared>>) target_semaphore(%run_scoped3A : memref<!tpu.dma_semaphore, #tpu.memory_space<semaphore_mem>>)
      %dma_wait3A_147 = arith.constant 0 : i32
      %dma_wait3A_148 = arith.constant 0 : i32
      %dma_wait3A_149 = tpu.memref_slice %arg6[%dma_wait3A_147, %dma_wait3A_148] : memref<64x16xf32, #tpu.memory_space<vmem>> -> memref<64x16xf32, #tpu.memory_space<vmem>>
      %dma_wait3A_150 = arith.constant 0 : i32
      %dma_wait3A_151 = tpu.memref_slice %arg7[%add3A_20, %dma_wait3A_150] : memref<10112x16xf32, #tpu.memory_space<vmem_shared>> -> memref<64x16xf32, #tpu.memory_space<vmem_shared>>
      %dma_wait3A_152 = arith.constant 0 : i32
      %dma_wait3A_153 = tpu.memref_slice %arg7[%add3A_20, %dma_wait3A_152] : memref<10112x16xf32, #tpu.memory_space<vmem_shared>> -> memref<64x16xf32, #tpu.memory_space<vmem_shared>>
      %dma_wait3A_154 = arith.constant 0 : i32
      %dma_wait3A_155 = arith.constant 0 : i32
      %dma_wait3A_156 = tpu.memref_slice %arg6[%dma_wait3A_154, %dma_wait3A_155] : memref<64x16xf32, #tpu.memory_space<vmem>> -> memref<64x16xf32, #tpu.memory_space<vmem>>
      tpu.wait_dma2 semaphore(%run_scoped3A : memref<!tpu.dma_semaphore, #tpu.memory_space<semaphore_mem>>) src(%dma_wait3A_156 : memref<64x16xf32, #tpu.memory_space<vmem>>) dst(%dma_wait3A_153 : memref<64x16xf32, #tpu.memory_space<vmem_shared>>)
      tpu.yield
    }) : () -> ()
    %add3A_21 = arith.constant 192 : i32
    %add3A_22 = arith.addi %mul3A_2, %add3A_21 : i32
    "tpu.region"() ({
      %run_scoped3A = tpu.sem_alloc : memref<!tpu.dma_semaphore, #tpu.memory_space<semaphore_mem>>
      %dma_start3A_137 = arith.constant 0 : i32
      %dma_start3A_138 = arith.constant 0 : i32
      %dma_start3A_139 = tpu.memref_slice %arg6[%dma_start3A_137, %dma_start3A_138] : memref<64x16xf32, #tpu.memory_space<vmem>> -> memref<64x16xf32, #tpu.memory_space<vmem>>
      %dma_start3A_140 = arith.constant 0 : i32
      %dma_start3A_141 = tpu.memref_slice %arg7[%add3A_22, %dma_start3A_140] : memref<10112x16xf32, #tpu.memory_space<vmem_shared>> -> memref<64x16xf32, #tpu.memory_space<vmem_shared>>
      %dma_start3A_142 = arith.constant 0 : i32
      %dma_start3A_143 = tpu.memref_slice %arg7[%add3A_22, %dma_start3A_142] : memref<10112x16xf32, #tpu.memory_space<vmem_shared>> -> memref<64x16xf32, #tpu.memory_space<vmem_shared>>
      %dma_start3A_144 = arith.constant 0 : i32
      %dma_start3A_145 = arith.constant 0 : i32
      %dma_start3A_146 = tpu.memref_slice %arg6[%dma_start3A_144, %dma_start3A_145] : memref<64x16xf32, #tpu.memory_space<vmem>> -> memref<64x16xf32, #tpu.memory_space<vmem>>
      tpu.enqueue_dma source(%dma_start3A_146 : memref<64x16xf32, #tpu.memory_space<vmem>>) target(%dma_start3A_143 : memref<64x16xf32, #tpu.memory_space<vmem_shared>>) target_semaphore(%run_scoped3A : memref<!tpu.dma_semaphore, #tpu.memory_space<semaphore_mem>>)
      %dma_wait3A_147 = arith.constant 0 : i32
      %dma_wait3A_148 = arith.constant 0 : i32
      %dma_wait3A_149 = tpu.memref_slice %arg6[%dma_wait3A_147, %dma_wait3A_148] : memref<64x16xf32, #tpu.memory_space<vmem>> -> memref<64x16xf32, #tpu.memory_space<vmem>>
      %dma_wait3A_150 = arith.constant 0 : i32
      %dma_wait3A_151 = tpu.memref_slice %arg7[%add3A_22, %dma_wait3A_150] : memref<10112x16xf32, #tpu.memory_space<vmem_shared>> -> memref<64x16xf32, #tpu.memory_space<vmem_shared>>
      %dma_wait3A_152 = arith.constant 0 : i32
      %dma_wait3A_153 = tpu.memref_slice %arg7[%add3A_22, %dma_wait3A_152] : memref<10112x16xf32, #tpu.memory_space<vmem_shared>> -> memref<64x16xf32, #tpu.memory_space<vmem_shared>>
      %dma_wait3A_154 = arith.constant 0 : i32
      %dma_wait3A_155 = arith.constant 0 : i32
      %dma_wait3A_156 = tpu.memref_slice %arg6[%dma_wait3A_154, %dma_wait3A_155] : memref<64x16xf32, #tpu.memory_space<vmem>> -> memref<64x16xf32, #tpu.memory_space<vmem>>
      tpu.wait_dma2 semaphore(%run_scoped3A : memref<!tpu.dma_semaphore, #tpu.memory_space<semaphore_mem>>) src(%dma_wait3A_156 : memref<64x16xf32, #tpu.memory_space<vmem>>) dst(%dma_wait3A_153 : memref<64x16xf32, #tpu.memory_space<vmem_shared>>)
      tpu.yield
    }) : () -> ()
    %add3A_23 = arith.constant 256 : i32
    %add3A_24 = arith.addi %mul3A_2, %add3A_23 : i32
    "tpu.region"() ({
      %run_scoped3A = tpu.sem_alloc : memref<!tpu.dma_semaphore, #tpu.memory_space<semaphore_mem>>
      %dma_start3A_137 = arith.constant 0 : i32
      %dma_start3A_138 = arith.constant 0 : i32
      %dma_start3A_139 = tpu.memref_slice %arg6[%dma_start3A_137, %dma_start3A_138] : memref<64x16xf32, #tpu.memory_space<vmem>> -> memref<64x16xf32, #tpu.memory_space<vmem>>
      %dma_start3A_140 = arith.constant 0 : i32
      %dma_start3A_141 = tpu.memref_slice %arg7[%add3A_24, %dma_start3A_140] : memref<10112x16xf32, #tpu.memory_space<vmem_shared>> -> memref<64x16xf32, #tpu.memory_space<vmem_shared>>
      %dma_start3A_142 = arith.constant 0 : i32
      %dma_start3A_143 = tpu.memref_slice %arg7[%add3A_24, %dma_start3A_142] : memref<10112x16xf32, #tpu.memory_space<vmem_shared>> -> memref<64x16xf32, #tpu.memory_space<vmem_shared>>
      %dma_start3A_144 = arith.constant 0 : i32
      %dma_start3A_145 = arith.constant 0 : i32
      %dma_start3A_146 = tpu.memref_slice %arg6[%dma_start3A_144, %dma_start3A_145] : memref<64x16xf32, #tpu.memory_space<vmem>> -> memref<64x16xf32, #tpu.memory_space<vmem>>
      tpu.enqueue_dma source(%dma_start3A_146 : memref<64x16xf32, #tpu.memory_space<vmem>>) target(%dma_start3A_143 : memref<64x16xf32, #tpu.memory_space<vmem_shared>>) target_semaphore(%run_scoped3A : memref<!tpu.dma_semaphore, #tpu.memory_space<semaphore_mem>>)
      %dma_wait3A_147 = arith.constant 0 : i32
      %dma_wait3A_148 = arith.constant 0 : i32
      %dma_wait3A_149 = tpu.memref_slice %arg6[%dma_wait3A_147, %dma_wait3A_148] : memref<64x16xf32, #tpu.memory_space<vmem>> -> memref<64x16xf32, #tpu.memory_space<vmem>>
      %dma_wait3A_150 = arith.constant 0 : i32
      %dma_wait3A_151 = tpu.memref_slice %arg7[%add3A_24, %dma_wait3A_150] : memref<10112x16xf32, #tpu.memory_space<vmem_shared>> -> memref<64x16xf32, #tpu.memory_space<vmem_shared>>
      %dma_wait3A_152 = arith.constant 0 : i32
      %dma_wait3A_153 = tpu.memref_slice %arg7[%add3A_24, %dma_wait3A_152] : memref<10112x16xf32, #tpu.memory_space<vmem_shared>> -> memref<64x16xf32, #tpu.memory_space<vmem_shared>>
      %dma_wait3A_154 = arith.constant 0 : i32
      %dma_wait3A_155 = arith.constant 0 : i32
      %dma_wait3A_156 = tpu.memref_slice %arg6[%dma_wait3A_154, %dma_wait3A_155] : memref<64x16xf32, #tpu.memory_space<vmem>> -> memref<64x16xf32, #tpu.memory_space<vmem>>
      tpu.wait_dma2 semaphore(%run_scoped3A : memref<!tpu.dma_semaphore, #tpu.memory_space<semaphore_mem>>) src(%dma_wait3A_156 : memref<64x16xf32, #tpu.memory_space<vmem>>) dst(%dma_wait3A_153 : memref<64x16xf32, #tpu.memory_space<vmem_shared>>)
      tpu.yield
    }) : () -> ()
    %add3A_25 = arith.constant 320 : i32
    %add3A_26 = arith.addi %mul3A_2, %add3A_25 : i32
    "tpu.region"() ({
      %run_scoped3A = tpu.sem_alloc : memref<!tpu.dma_semaphore, #tpu.memory_space<semaphore_mem>>
      %dma_start3A_137 = arith.constant 0 : i32
      %dma_start3A_138 = arith.constant 0 : i32
      %dma_start3A_139 = tpu.memref_slice %arg6[%dma_start3A_137, %dma_start3A_138] : memref<64x16xf32, #tpu.memory_space<vmem>> -> memref<64x16xf32, #tpu.memory_space<vmem>>
      %dma_start3A_140 = arith.constant 0 : i32
      %dma_start3A_141 = tpu.memref_slice %arg7[%add3A_26, %dma_start3A_140] : memref<10112x16xf32, #tpu.memory_space<vmem_shared>> -> memref<64x16xf32, #tpu.memory_space<vmem_shared>>
      %dma_start3A_142 = arith.constant 0 : i32
      %dma_start3A_143 = tpu.memref_slice %arg7[%add3A_26, %dma_start3A_142] : memref<10112x16xf32, #tpu.memory_space<vmem_shared>> -> memref<64x16xf32, #tpu.memory_space<vmem_shared>>
      %dma_start3A_144 = arith.constant 0 : i32
      %dma_start3A_145 = arith.constant 0 : i32
      %dma_start3A_146 = tpu.memref_slice %arg6[%dma_start3A_144, %dma_start3A_145] : memref<64x16xf32, #tpu.memory_space<vmem>> -> memref<64x16xf32, #tpu.memory_space<vmem>>
      tpu.enqueue_dma source(%dma_start3A_146 : memref<64x16xf32, #tpu.memory_space<vmem>>) target(%dma_start3A_143 : memref<64x16xf32, #tpu.memory_space<vmem_shared>>) target_semaphore(%run_scoped3A : memref<!tpu.dma_semaphore, #tpu.memory_space<semaphore_mem>>)
      %dma_wait3A_147 = arith.constant 0 : i32
      %dma_wait3A_148 = arith.constant 0 : i32
      %dma_wait3A_149 = tpu.memref_slice %arg6[%dma_wait3A_147, %dma_wait3A_148] : memref<64x16xf32, #tpu.memory_space<vmem>> -> memref<64x16xf32, #tpu.memory_space<vmem>>
      %dma_wait3A_150 = arith.constant 0 : i32
      %dma_wait3A_151 = tpu.memref_slice %arg7[%add3A_26, %dma_wait3A_150] : memref<10112x16xf32, #tpu.memory_space<vmem_shared>> -> memref<64x16xf32, #tpu.memory_space<vmem_shared>>
      %dma_wait3A_152 = arith.constant 0 : i32
      %dma_wait3A_153 = tpu.memref_slice %arg7[%add3A_26, %dma_wait3A_152] : memref<10112x16xf32, #tpu.memory_space<vmem_shared>> -> memref<64x16xf32, #tpu.memory_space<vmem_shared>>
      %dma_wait3A_154 = arith.constant 0 : i32
      %dma_wait3A_155 = arith.constant 0 : i32
      %dma_wait3A_156 = tpu.memref_slice %arg6[%dma_wait3A_154, %dma_wait3A_155] : memref<64x16xf32, #tpu.memory_space<vmem>> -> memref<64x16xf32, #tpu.memory_space<vmem>>
      tpu.wait_dma2 semaphore(%run_scoped3A : memref<!tpu.dma_semaphore, #tpu.memory_space<semaphore_mem>>) src(%dma_wait3A_156 : memref<64x16xf32, #tpu.memory_space<vmem>>) dst(%dma_wait3A_153 : memref<64x16xf32, #tpu.memory_space<vmem_shared>>)
      tpu.yield
    }) : () -> ()
    %add3A_27 = arith.constant 384 : i32
    %add3A_28 = arith.addi %mul3A_2, %add3A_27 : i32
    "tpu.region"() ({
      %run_scoped3A = tpu.sem_alloc : memref<!tpu.dma_semaphore, #tpu.memory_space<semaphore_mem>>
      %dma_start3A_137 = arith.constant 0 : i32
      %dma_start3A_138 = arith.constant 0 : i32
      %dma_start3A_139 = tpu.memref_slice %arg6[%dma_start3A_137, %dma_start3A_138] : memref<64x16xf32, #tpu.memory_space<vmem>> -> memref<64x16xf32, #tpu.memory_space<vmem>>
      %dma_start3A_140 = arith.constant 0 : i32
      %dma_start3A_141 = tpu.memref_slice %arg7[%add3A_28, %dma_start3A_140] : memref<10112x16xf32, #tpu.memory_space<vmem_shared>> -> memref<64x16xf32, #tpu.memory_space<vmem_shared>>
      %dma_start3A_142 = arith.constant 0 : i32
      %dma_start3A_143 = tpu.memref_slice %arg7[%add3A_28, %dma_start3A_142] : memref<10112x16xf32, #tpu.memory_space<vmem_shared>> -> memref<64x16xf32, #tpu.memory_space<vmem_shared>>
      %dma_start3A_144 = arith.constant 0 : i32
      %dma_start3A_145 = arith.constant 0 : i32
      %dma_start3A_146 = tpu.memref_slice %arg6[%dma_start3A_144, %dma_start3A_145] : memref<64x16xf32, #tpu.memory_space<vmem>> -> memref<64x16xf32, #tpu.memory_space<vmem>>
      tpu.enqueue_dma source(%dma_start3A_146 : memref<64x16xf32, #tpu.memory_space<vmem>>) target(%dma_start3A_143 : memref<64x16xf32, #tpu.memory_space<vmem_shared>>) target_semaphore(%run_scoped3A : memref<!tpu.dma_semaphore, #tpu.memory_space<semaphore_mem>>)
      %dma_wait3A_147 = arith.constant 0 : i32
      %dma_wait3A_148 = arith.constant 0 : i32
      %dma_wait3A_149 = tpu.memref_slice %arg6[%dma_wait3A_147, %dma_wait3A_148] : memref<64x16xf32, #tpu.memory_space<vmem>> -> memref<64x16xf32, #tpu.memory_space<vmem>>
      %dma_wait3A_150 = arith.constant 0 : i32
      %dma_wait3A_151 = tpu.memref_slice %arg7[%add3A_28, %dma_wait3A_150] : memref<10112x16xf32, #tpu.memory_space<vmem_shared>> -> memref<64x16xf32, #tpu.memory_space<vmem_shared>>
      %dma_wait3A_152 = arith.constant 0 : i32
      %dma_wait3A_153 = tpu.memref_slice %arg7[%add3A_28, %dma_wait3A_152] : memref<10112x16xf32, #tpu.memory_space<vmem_shared>> -> memref<64x16xf32, #tpu.memory_space<vmem_shared>>
      %dma_wait3A_154 = arith.constant 0 : i32
      %dma_wait3A_155 = arith.constant 0 : i32
      %dma_wait3A_156 = tpu.memref_slice %arg6[%dma_wait3A_154, %dma_wait3A_155] : memref<64x16xf32, #tpu.memory_space<vmem>> -> memref<64x16xf32, #tpu.memory_space<vmem>>
      tpu.wait_dma2 semaphore(%run_scoped3A : memref<!tpu.dma_semaphore, #tpu.memory_space<semaphore_mem>>) src(%dma_wait3A_156 : memref<64x16xf32, #tpu.memory_space<vmem>>) dst(%dma_wait3A_153 : memref<64x16xf32, #tpu.memory_space<vmem_shared>>)
      tpu.yield
    }) : () -> ()
    %add3A_29 = arith.constant 448 : i32
    %add3A_30 = arith.addi %mul3A_2, %add3A_29 : i32
    "tpu.region"() ({
      %run_scoped3A = tpu.sem_alloc : memref<!tpu.dma_semaphore, #tpu.memory_space<semaphore_mem>>
      %dma_start3A_137 = arith.constant 0 : i32
      %dma_start3A_138 = arith.constant 0 : i32
      %dma_start3A_139 = tpu.memref_slice %arg6[%dma_start3A_137, %dma_start3A_138] : memref<64x16xf32, #tpu.memory_space<vmem>> -> memref<64x16xf32, #tpu.memory_space<vmem>>
      %dma_start3A_140 = arith.constant 0 : i32
      %dma_start3A_141 = tpu.memref_slice %arg7[%add3A_30, %dma_start3A_140] : memref<10112x16xf32, #tpu.memory_space<vmem_shared>> -> memref<64x16xf32, #tpu.memory_space<vmem_shared>>
      %dma_start3A_142 = arith.constant 0 : i32
      %dma_start3A_143 = tpu.memref_slice %arg7[%add3A_30, %dma_start3A_142] : memref<10112x16xf32, #tpu.memory_space<vmem_shared>> -> memref<64x16xf32, #tpu.memory_space<vmem_shared>>
      %dma_start3A_144 = arith.constant 0 : i32
      %dma_start3A_145 = arith.constant 0 : i32
      %dma_start3A_146 = tpu.memref_slice %arg6[%dma_start3A_144, %dma_start3A_145] : memref<64x16xf32, #tpu.memory_space<vmem>> -> memref<64x16xf32, #tpu.memory_space<vmem>>
      tpu.enqueue_dma source(%dma_start3A_146 : memref<64x16xf32, #tpu.memory_space<vmem>>) target(%dma_start3A_143 : memref<64x16xf32, #tpu.memory_space<vmem_shared>>) target_semaphore(%run_scoped3A : memref<!tpu.dma_semaphore, #tpu.memory_space<semaphore_mem>>)
      %dma_wait3A_147 = arith.constant 0 : i32
      %dma_wait3A_148 = arith.constant 0 : i32
      %dma_wait3A_149 = tpu.memref_slice %arg6[%dma_wait3A_147, %dma_wait3A_148] : memref<64x16xf32, #tpu.memory_space<vmem>> -> memref<64x16xf32, #tpu.memory_space<vmem>>
      %dma_wait3A_150 = arith.constant 0 : i32
      %dma_wait3A_151 = tpu.memref_slice %arg7[%add3A_30, %dma_wait3A_150] : memref<10112x16xf32, #tpu.memory_space<vmem_shared>> -> memref<64x16xf32, #tpu.memory_space<vmem_shared>>
      %dma_wait3A_152 = arith.constant 0 : i32
      %dma_wait3A_153 = tpu.memref_slice %arg7[%add3A_30, %dma_wait3A_152] : memref<10112x16xf32, #tpu.memory_space<vmem_shared>> -> memref<64x16xf32, #tpu.memory_space<vmem_shared>>
      %dma_wait3A_154 = arith.constant 0 : i32
      %dma_wait3A_155 = arith.constant 0 : i32
      %dma_wait3A_156 = tpu.memref_slice %arg6[%dma_wait3A_154, %dma_wait3A_155] : memref<64x16xf32, #tpu.memory_space<vmem>> -> memref<64x16xf32, #tpu.memory_space<vmem>>
      tpu.wait_dma2 semaphore(%run_scoped3A : memref<!tpu.dma_semaphore, #tpu.memory_space<semaphore_mem>>) src(%dma_wait3A_156 : memref<64x16xf32, #tpu.memory_space<vmem>>) dst(%dma_wait3A_153 : memref<64x16xf32, #tpu.memory_space<vmem_shared>>)
      tpu.yield
    }) : () -> ()
    %add3A_31 = arith.constant 512 : i32
    %add3A_32 = arith.addi %mul3A_2, %add3A_31 : i32
    "tpu.region"() ({
      %run_scoped3A = tpu.sem_alloc : memref<!tpu.dma_semaphore, #tpu.memory_space<semaphore_mem>>
      %dma_start3A_137 = arith.constant 0 : i32
      %dma_start3A_138 = arith.constant 0 : i32
      %dma_start3A_139 = tpu.memref_slice %arg6[%dma_start3A_137, %dma_start3A_138] : memref<64x16xf32, #tpu.memory_space<vmem>> -> memref<64x16xf32, #tpu.memory_space<vmem>>
      %dma_start3A_140 = arith.constant 0 : i32
      %dma_start3A_141 = tpu.memref_slice %arg7[%add3A_32, %dma_start3A_140] : memref<10112x16xf32, #tpu.memory_space<vmem_shared>> -> memref<64x16xf32, #tpu.memory_space<vmem_shared>>
      %dma_start3A_142 = arith.constant 0 : i32
      %dma_start3A_143 = tpu.memref_slice %arg7[%add3A_32, %dma_start3A_142] : memref<10112x16xf32, #tpu.memory_space<vmem_shared>> -> memref<64x16xf32, #tpu.memory_space<vmem_shared>>
      %dma_start3A_144 = arith.constant 0 : i32
      %dma_start3A_145 = arith.constant 0 : i32
      %dma_start3A_146 = tpu.memref_slice %arg6[%dma_start3A_144, %dma_start3A_145] : memref<64x16xf32, #tpu.memory_space<vmem>> -> memref<64x16xf32, #tpu.memory_space<vmem>>
      tpu.enqueue_dma source(%dma_start3A_146 : memref<64x16xf32, #tpu.memory_space<vmem>>) target(%dma_start3A_143 : memref<64x16xf32, #tpu.memory_space<vmem_shared>>) target_semaphore(%run_scoped3A : memref<!tpu.dma_semaphore, #tpu.memory_space<semaphore_mem>>)
      %dma_wait3A_147 = arith.constant 0 : i32
      %dma_wait3A_148 = arith.constant 0 : i32
      %dma_wait3A_149 = tpu.memref_slice %arg6[%dma_wait3A_147, %dma_wait3A_148] : memref<64x16xf32, #tpu.memory_space<vmem>> -> memref<64x16xf32, #tpu.memory_space<vmem>>
      %dma_wait3A_150 = arith.constant 0 : i32
      %dma_wait3A_151 = tpu.memref_slice %arg7[%add3A_32, %dma_wait3A_150] : memref<10112x16xf32, #tpu.memory_space<vmem_shared>> -> memref<64x16xf32, #tpu.memory_space<vmem_shared>>
      %dma_wait3A_152 = arith.constant 0 : i32
      %dma_wait3A_153 = tpu.memref_slice %arg7[%add3A_32, %dma_wait3A_152] : memref<10112x16xf32, #tpu.memory_space<vmem_shared>> -> memref<64x16xf32, #tpu.memory_space<vmem_shared>>
      %dma_wait3A_154 = arith.constant 0 : i32
      %dma_wait3A_155 = arith.constant 0 : i32
      %dma_wait3A_156 = tpu.memref_slice %arg6[%dma_wait3A_154, %dma_wait3A_155] : memref<64x16xf32, #tpu.memory_space<vmem>> -> memref<64x16xf32, #tpu.memory_space<vmem>>
      tpu.wait_dma2 semaphore(%run_scoped3A : memref<!tpu.dma_semaphore, #tpu.memory_space<semaphore_mem>>) src(%dma_wait3A_156 : memref<64x16xf32, #tpu.memory_space<vmem>>) dst(%dma_wait3A_153 : memref<64x16xf32, #tpu.memory_space<vmem_shared>>)
      tpu.yield
    }) : () -> ()
    %add3A_33 = arith.constant 576 : i32
    %add3A_34 = arith.addi %mul3A_2, %add3A_33 : i32
    "tpu.region"() ({
      %run_scoped3A = tpu.sem_alloc : memref<!tpu.dma_semaphore, #tpu.memory_space<semaphore_mem>>
      %dma_start3A_137 = arith.constant 0 : i32
      %dma_start3A_138 = arith.constant 0 : i32
      %dma_start3A_139 = tpu.memref_slice %arg6[%dma_start3A_137, %dma_start3A_138] : memref<64x16xf32, #tpu.memory_space<vmem>> -> memref<56x16xf32, #tpu.memory_space<vmem>>
      %dma_start3A_140 = arith.constant 0 : i32
      %dma_start3A_141 = tpu.memref_slice %arg7[%add3A_34, %dma_start3A_140] : memref<10112x16xf32, #tpu.memory_space<vmem_shared>> -> memref<56x16xf32, #tpu.memory_space<vmem_shared>>
      %dma_start3A_142 = arith.constant 0 : i32
      %dma_start3A_143 = tpu.memref_slice %arg7[%add3A_34, %dma_start3A_142] : memref<10112x16xf32, #tpu.memory_space<vmem_shared>> -> memref<56x16xf32, #tpu.memory_space<vmem_shared>>
      %dma_start3A_144 = arith.constant 0 : i32
      %dma_start3A_145 = arith.constant 0 : i32
      %dma_start3A_146 = tpu.memref_slice %arg6[%dma_start3A_144, %dma_start3A_145] : memref<64x16xf32, #tpu.memory_space<vmem>> -> memref<56x16xf32, #tpu.memory_space<vmem>>
      tpu.enqueue_dma source(%dma_start3A_146 : memref<56x16xf32, #tpu.memory_space<vmem>>) target(%dma_start3A_143 : memref<56x16xf32, #tpu.memory_space<vmem_shared>>) target_semaphore(%run_scoped3A : memref<!tpu.dma_semaphore, #tpu.memory_space<semaphore_mem>>)
      %dma_wait3A_147 = arith.constant 0 : i32
      %dma_wait3A_148 = arith.constant 0 : i32
      %dma_wait3A_149 = tpu.memref_slice %arg6[%dma_wait3A_147, %dma_wait3A_148] : memref<64x16xf32, #tpu.memory_space<vmem>> -> memref<56x16xf32, #tpu.memory_space<vmem>>
      %dma_wait3A_150 = arith.constant 0 : i32
      %dma_wait3A_151 = tpu.memref_slice %arg7[%add3A_34, %dma_wait3A_150] : memref<10112x16xf32, #tpu.memory_space<vmem_shared>> -> memref<56x16xf32, #tpu.memory_space<vmem_shared>>
      %dma_wait3A_152 = arith.constant 0 : i32
      %dma_wait3A_153 = tpu.memref_slice %arg7[%add3A_34, %dma_wait3A_152] : memref<10112x16xf32, #tpu.memory_space<vmem_shared>> -> memref<56x16xf32, #tpu.memory_space<vmem_shared>>
      %dma_wait3A_154 = arith.constant 0 : i32
      %dma_wait3A_155 = arith.constant 0 : i32
      %dma_wait3A_156 = tpu.memref_slice %arg6[%dma_wait3A_154, %dma_wait3A_155] : memref<64x16xf32, #tpu.memory_space<vmem>> -> memref<56x16xf32, #tpu.memory_space<vmem>>
      tpu.wait_dma2 semaphore(%run_scoped3A : memref<!tpu.dma_semaphore, #tpu.memory_space<semaphore_mem>>) src(%dma_wait3A_156 : memref<56x16xf32, #tpu.memory_space<vmem>>) dst(%dma_wait3A_153 : memref<56x16xf32, #tpu.memory_space<vmem_shared>>)
      tpu.yield
    }) : () -> ()
    %mul3A_35 = arith.constant 84 : i32
    %mul3A_36 = arith.muli %add3A, %mul3A_35 : i32
    "tpu.region"() ({
      %run_scoped3A = tpu.sem_alloc : memref<!tpu.dma_semaphore, #tpu.memory_space<semaphore_mem>>
      %dma_start3A_137 = arith.constant 0 : i32
      %dma_start3A_138 = tpu.memref_slice %arg2[%mul3A_36, %dma_start3A_137] : memref<2688x128xi32, #tpu.memory_space<hbm>> -> memref<84x128xi32, #tpu.memory_space<hbm>>
      %dma_start3A_139 = arith.constant 0 : i32
      %dma_start3A_140 = tpu.memref_slice %arg2[%mul3A_36, %dma_start3A_139] : memref<2688x128xi32, #tpu.memory_space<hbm>> -> memref<84x128xi32, #tpu.memory_space<hbm>>
      tpu.enqueue_dma source(%dma_start3A_140 : memref<84x128xi32, #tpu.memory_space<hbm>>) target(%arg4 : memref<84x128xi32, #tpu.memory_space<vmem>>) target_semaphore(%run_scoped3A : memref<!tpu.dma_semaphore, #tpu.memory_space<semaphore_mem>>)
      %dma_wait3A_141 = arith.constant 0 : i32
      %dma_wait3A_142 = tpu.memref_slice %arg2[%mul3A_36, %dma_wait3A_141] : memref<2688x128xi32, #tpu.memory_space<hbm>> -> memref<84x128xi32, #tpu.memory_space<hbm>>
      %dma_wait3A_143 = arith.constant 0 : i32
      %dma_wait3A_144 = tpu.memref_slice %arg2[%mul3A_36, %dma_wait3A_143] : memref<2688x128xi32, #tpu.memory_space<hbm>> -> memref<84x128xi32, #tpu.memory_space<hbm>>
      tpu.wait_dma2 semaphore(%run_scoped3A : memref<!tpu.dma_semaphore, #tpu.memory_space<semaphore_mem>>) src(%dma_wait3A_144 : memref<84x128xi32, #tpu.memory_space<hbm>>) dst(%arg4 : memref<84x128xi32, #tpu.memory_space<vmem>>)
      tpu.yield
    }) : () -> ()
    %barrier3A = arith.constant 0 : index
    tpu.barrier barrier_id(%barrier3A)
    %dma_start3A = arith.constant 0 : i32
    %dma_start3A_37 = arith.constant 0 : i32
    %dma_start3A_38 = tpu.memref_slice %arg4[%dma_start3A, %dma_start3A_37] : memref<84x128xi32, #tpu.memory_space<vmem>> -> memref<1x128xi32, #tpu.memory_space<vmem>>
    %dma_start3A_39 = tpu.memref_squeeze %dma_start3A_38 : memref<1x128xi32, #tpu.memory_space<vmem>> -> memref<128xi32, #tpu.memory_space<vmem>>
    %dma_start3A_40 = arith.constant 0 : i32
    %dma_start3A_41 = arith.constant 0 : i32
    %dma_start3A_42 = tpu.memref_slice %arg7[%dma_start3A_40, %dma_start3A_41] : memref<10112x16xf32, #tpu.memory_space<vmem_shared>> -> memref<10112x16xf32, #tpu.memory_space<vmem_shared>>
    tpu.enqueue_indirect_dma source(%arg5 : memref<128x16xf32, #tpu.memory_space<vmem>>) target(%dma_start3A_42 : memref<10112x16xf32, #tpu.memory_space<vmem_shared>>) offsets(%dma_start3A_39 : memref<128xi32, #tpu.memory_space<vmem>>) semaphore(%arg8 : memref<!tpu.dma_semaphore, #tpu.memory_space<semaphore_mem>>) {add = true}
    %dma_start3A_43 = arith.constant 1 : i32
    %dma_start3A_44 = arith.constant 0 : i32
    %dma_start3A_45 = tpu.memref_slice %arg4[%dma_start3A_43, %dma_start3A_44] : memref<84x128xi32, #tpu.memory_space<vmem>> -> memref<1x128xi32, #tpu.memory_space<vmem>>
    %dma_start3A_46 = tpu.memref_squeeze %dma_start3A_45 : memref<1x128xi32, #tpu.memory_space<vmem>> -> memref<128xi32, #tpu.memory_space<vmem>>
    %dma_start3A_47 = arith.constant 0 : i32
    %dma_start3A_48 = arith.constant 0 : i32
    %dma_start3A_49 = tpu.memref_slice %arg7[%dma_start3A_47, %dma_start3A_48] : memref<10112x16xf32, #tpu.memory_space<vmem_shared>> -> memref<10112x16xf32, #tpu.memory_space<vmem_shared>>
    tpu.enqueue_indirect_dma source(%arg5 : memref<128x16xf32, #tpu.memory_space<vmem>>) target(%dma_start3A_49 : memref<10112x16xf32, #tpu.memory_space<vmem_shared>>) offsets(%dma_start3A_46 : memref<128xi32, #tpu.memory_space<vmem>>) semaphore(%arg9 : memref<!tpu.dma_semaphore, #tpu.memory_space<semaphore_mem>>) {add = true}
    %dma_start3A_50 = arith.constant 2 : i32
    %dma_start3A_51 = arith.constant 0 : i32
    %dma_start3A_52 = tpu.memref_slice %arg4[%dma_start3A_50, %dma_start3A_51] : memref<84x128xi32, #tpu.memory_space<vmem>> -> memref<1x128xi32, #tpu.memory_space<vmem>>
    %dma_start3A_53 = tpu.memref_squeeze %dma_start3A_52 : memref<1x128xi32, #tpu.memory_space<vmem>> -> memref<128xi32, #tpu.memory_space<vmem>>
    %dma_start3A_54 = arith.constant 0 : i32
    %dma_start3A_55 = arith.constant 0 : i32
    %dma_start3A_56 = tpu.memref_slice %arg7[%dma_start3A_54, %dma_start3A_55] : memref<10112x16xf32, #tpu.memory_space<vmem_shared>> -> memref<10112x16xf32, #tpu.memory_space<vmem_shared>>
    tpu.enqueue_indirect_dma source(%arg5 : memref<128x16xf32, #tpu.memory_space<vmem>>) target(%dma_start3A_56 : memref<10112x16xf32, #tpu.memory_space<vmem_shared>>) offsets(%dma_start3A_53 : memref<128xi32, #tpu.memory_space<vmem>>) semaphore(%arg10 : memref<!tpu.dma_semaphore, #tpu.memory_space<semaphore_mem>>) {add = true}
    %dma_start3A_57 = arith.constant 3 : i32
    %dma_start3A_58 = arith.constant 0 : i32
    %dma_start3A_59 = tpu.memref_slice %arg4[%dma_start3A_57, %dma_start3A_58] : memref<84x128xi32, #tpu.memory_space<vmem>> -> memref<1x128xi32, #tpu.memory_space<vmem>>
    %dma_start3A_60 = tpu.memref_squeeze %dma_start3A_59 : memref<1x128xi32, #tpu.memory_space<vmem>> -> memref<128xi32, #tpu.memory_space<vmem>>
    %dma_start3A_61 = arith.constant 0 : i32
    %dma_start3A_62 = arith.constant 0 : i32
    %dma_start3A_63 = tpu.memref_slice %arg7[%dma_start3A_61, %dma_start3A_62] : memref<10112x16xf32, #tpu.memory_space<vmem_shared>> -> memref<10112x16xf32, #tpu.memory_space<vmem_shared>>
    tpu.enqueue_indirect_dma source(%arg5 : memref<128x16xf32, #tpu.memory_space<vmem>>) target(%dma_start3A_63 : memref<10112x16xf32, #tpu.memory_space<vmem_shared>>) offsets(%dma_start3A_60 : memref<128xi32, #tpu.memory_space<vmem>>) semaphore(%arg11 : memref<!tpu.dma_semaphore, #tpu.memory_space<semaphore_mem>>) {add = true}
    %scan3A_64 = arith.constant 1 : i32
    %scan3A_65 = arith.constant 20 : i32
    %scan3A_66 = arith.addi %scan3A_64, %scan3A_65 : i32
    %scan3A_67 = arith.constant 1 : i32
    scf.for %scan3A_137 = %scan3A_64 to %scan3A_66 step %scan3A_67  : i32 {
      %mul3A_138 = arith.constant 4 : i32
      %mul3A_139 = arith.muli %mul3A_138, %scan3A_137 : i32
      %add3A_140 = arith.constant 0 : i32
      %add3A_141 = arith.addi %mul3A_139, %add3A_140 : i32
      %sub3A = arith.constant 4 : i32
      %sub3A_142 = arith.subi %add3A_141, %sub3A : i32
      %dma_wait3A_143 = arith.constant 0 : i32
      %dma_wait3A_144 = tpu.memref_slice %arg4[%sub3A_142, %dma_wait3A_143] : memref<84x128xi32, #tpu.memory_space<vmem>> -> memref<1x128xi32, #tpu.memory_space<vmem>>
      %dma_wait3A_145 = tpu.memref_squeeze %dma_wait3A_144 : memref<1x128xi32, #tpu.memory_space<vmem>> -> memref<128xi32, #tpu.memory_space<vmem>>
      %dma_wait3A_146 = arith.constant 0 : i32
      %dma_wait3A_147 = arith.constant 0 : i32
      %dma_wait3A_148 = tpu.memref_slice %arg7[%dma_wait3A_146, %dma_wait3A_147] : memref<10112x16xf32, #tpu.memory_space<vmem_shared>> -> memref<10112x16xf32, #tpu.memory_space<vmem_shared>>
      tpu.wait_indirect_dma semaphore(%arg8 : memref<!tpu.dma_semaphore, #tpu.memory_space<semaphore_mem>>) src(%arg5 : memref<128x16xf32, #tpu.memory_space<vmem>>) dst(%dma_wait3A_148 : memref<10112x16xf32, #tpu.memory_space<vmem_shared>>)
      %dma_start3A_149 = arith.constant 0 : i32
      %dma_start3A_150 = tpu.memref_slice %arg4[%add3A_141, %dma_start3A_149] : memref<84x128xi32, #tpu.memory_space<vmem>> -> memref<1x128xi32, #tpu.memory_space<vmem>>
      %dma_start3A_151 = tpu.memref_squeeze %dma_start3A_150 : memref<1x128xi32, #tpu.memory_space<vmem>> -> memref<128xi32, #tpu.memory_space<vmem>>
      %dma_start3A_152 = arith.constant 0 : i32
      %dma_start3A_153 = arith.constant 0 : i32
      %dma_start3A_154 = tpu.memref_slice %arg7[%dma_start3A_152, %dma_start3A_153] : memref<10112x16xf32, #tpu.memory_space<vmem_shared>> -> memref<10112x16xf32, #tpu.memory_space<vmem_shared>>
      tpu.enqueue_indirect_dma source(%arg5 : memref<128x16xf32, #tpu.memory_space<vmem>>) target(%dma_start3A_154 : memref<10112x16xf32, #tpu.memory_space<vmem_shared>>) offsets(%dma_start3A_151 : memref<128xi32, #tpu.memory_space<vmem>>) semaphore(%arg8 : memref<!tpu.dma_semaphore, #tpu.memory_space<semaphore_mem>>) {add = true}
      %mul3A_155 = arith.constant 4 : i32
      %mul3A_156 = arith.muli %mul3A_155, %scan3A_137 : i32
      %add3A_157 = arith.constant 1 : i32
      %add3A_158 = arith.addi %mul3A_156, %add3A_157 : i32
      %sub3A_159 = arith.constant 4 : i32
      %sub3A_160 = arith.subi %add3A_158, %sub3A_159 : i32
      %dma_wait3A_161 = arith.constant 0 : i32
      %dma_wait3A_162 = tpu.memref_slice %arg4[%sub3A_160, %dma_wait3A_161] : memref<84x128xi32, #tpu.memory_space<vmem>> -> memref<1x128xi32, #tpu.memory_space<vmem>>
      %dma_wait3A_163 = tpu.memref_squeeze %dma_wait3A_162 : memref<1x128xi32, #tpu.memory_space<vmem>> -> memref<128xi32, #tpu.memory_space<vmem>>
      %dma_wait3A_164 = arith.constant 0 : i32
      %dma_wait3A_165 = arith.constant 0 : i32
      %dma_wait3A_166 = tpu.memref_slice %arg7[%dma_wait3A_164, %dma_wait3A_165] : memref<10112x16xf32, #tpu.memory_space<vmem_shared>> -> memref<10112x16xf32, #tpu.memory_space<vmem_shared>>
      tpu.wait_indirect_dma semaphore(%arg9 : memref<!tpu.dma_semaphore, #tpu.memory_space<semaphore_mem>>) src(%arg5 : memref<128x16xf32, #tpu.memory_space<vmem>>) dst(%dma_wait3A_166 : memref<10112x16xf32, #tpu.memory_space<vmem_shared>>)
      %dma_start3A_167 = arith.constant 0 : i32
      %dma_start3A_168 = tpu.memref_slice %arg4[%add3A_158, %dma_start3A_167] : memref<84x128xi32, #tpu.memory_space<vmem>> -> memref<1x128xi32, #tpu.memory_space<vmem>>
      %dma_start3A_169 = tpu.memref_squeeze %dma_start3A_168 : memref<1x128xi32, #tpu.memory_space<vmem>> -> memref<128xi32, #tpu.memory_space<vmem>>
      %dma_start3A_170 = arith.constant 0 : i32
      %dma_start3A_171 = arith.constant 0 : i32
      %dma_start3A_172 = tpu.memref_slice %arg7[%dma_start3A_170, %dma_start3A_171] : memref<10112x16xf32, #tpu.memory_space<vmem_shared>> -> memref<10112x16xf32, #tpu.memory_space<vmem_shared>>
      tpu.enqueue_indirect_dma source(%arg5 : memref<128x16xf32, #tpu.memory_space<vmem>>) target(%dma_start3A_172 : memref<10112x16xf32, #tpu.memory_space<vmem_shared>>) offsets(%dma_start3A_169 : memref<128xi32, #tpu.memory_space<vmem>>) semaphore(%arg9 : memref<!tpu.dma_semaphore, #tpu.memory_space<semaphore_mem>>) {add = true}
      %mul3A_173 = arith.constant 4 : i32
      %mul3A_174 = arith.muli %mul3A_173, %scan3A_137 : i32
      %add3A_175 = arith.constant 2 : i32
      %add3A_176 = arith.addi %mul3A_174, %add3A_175 : i32
      %sub3A_177 = arith.constant 4 : i32
      %sub3A_178 = arith.subi %add3A_176, %sub3A_177 : i32
      %dma_wait3A_179 = arith.constant 0 : i32
      %dma_wait3A_180 = tpu.memref_slice %arg4[%sub3A_178, %dma_wait3A_179] : memref<84x128xi32, #tpu.memory_space<vmem>> -> memref<1x128xi32, #tpu.memory_space<vmem>>
      %dma_wait3A_181 = tpu.memref_squeeze %dma_wait3A_180 : memref<1x128xi32, #tpu.memory_space<vmem>> -> memref<128xi32, #tpu.memory_space<vmem>>
      %dma_wait3A_182 = arith.constant 0 : i32
      %dma_wait3A_183 = arith.constant 0 : i32
      %dma_wait3A_184 = tpu.memref_slice %arg7[%dma_wait3A_182, %dma_wait3A_183] : memref<10112x16xf32, #tpu.memory_space<vmem_shared>> -> memref<10112x16xf32, #tpu.memory_space<vmem_shared>>
      tpu.wait_indirect_dma semaphore(%arg10 : memref<!tpu.dma_semaphore, #tpu.memory_space<semaphore_mem>>) src(%arg5 : memref<128x16xf32, #tpu.memory_space<vmem>>) dst(%dma_wait3A_184 : memref<10112x16xf32, #tpu.memory_space<vmem_shared>>)
      %dma_start3A_185 = arith.constant 0 : i32
      %dma_start3A_186 = tpu.memref_slice %arg4[%add3A_176, %dma_start3A_185] : memref<84x128xi32, #tpu.memory_space<vmem>> -> memref<1x128xi32, #tpu.memory_space<vmem>>
      %dma_start3A_187 = tpu.memref_squeeze %dma_start3A_186 : memref<1x128xi32, #tpu.memory_space<vmem>> -> memref<128xi32, #tpu.memory_space<vmem>>
      %dma_start3A_188 = arith.constant 0 : i32
      %dma_start3A_189 = arith.constant 0 : i32
      %dma_start3A_190 = tpu.memref_slice %arg7[%dma_start3A_188, %dma_start3A_189] : memref<10112x16xf32, #tpu.memory_space<vmem_shared>> -> memref<10112x16xf32, #tpu.memory_space<vmem_shared>>
      tpu.enqueue_indirect_dma source(%arg5 : memref<128x16xf32, #tpu.memory_space<vmem>>) target(%dma_start3A_190 : memref<10112x16xf32, #tpu.memory_space<vmem_shared>>) offsets(%dma_start3A_187 : memref<128xi32, #tpu.memory_space<vmem>>) semaphore(%arg10 : memref<!tpu.dma_semaphore, #tpu.memory_space<semaphore_mem>>) {add = true}
      %mul3A_191 = arith.constant 4 : i32
      %mul3A_192 = arith.muli %mul3A_191, %scan3A_137 : i32
      %add3A_193 = arith.constant 3 : i32
      %add3A_194 = arith.addi %mul3A_192, %add3A_193 : i32
      %sub3A_195 = arith.constant 4 : i32
      %sub3A_196 = arith.subi %add3A_194, %sub3A_195 : i32
      %dma_wait3A_197 = arith.constant 0 : i32
      %dma_wait3A_198 = tpu.memref_slice %arg4[%sub3A_196, %dma_wait3A_197] : memref<84x128xi32, #tpu.memory_space<vmem>> -> memref<1x128xi32, #tpu.memory_space<vmem>>
      %dma_wait3A_199 = tpu.memref_squeeze %dma_wait3A_198 : memref<1x128xi32, #tpu.memory_space<vmem>> -> memref<128xi32, #tpu.memory_space<vmem>>
      %dma_wait3A_200 = arith.constant 0 : i32
      %dma_wait3A_201 = arith.constant 0 : i32
      %dma_wait3A_202 = tpu.memref_slice %arg7[%dma_wait3A_200, %dma_wait3A_201] : memref<10112x16xf32, #tpu.memory_space<vmem_shared>> -> memref<10112x16xf32, #tpu.memory_space<vmem_shared>>
      tpu.wait_indirect_dma semaphore(%arg11 : memref<!tpu.dma_semaphore, #tpu.memory_space<semaphore_mem>>) src(%arg5 : memref<128x16xf32, #tpu.memory_space<vmem>>) dst(%dma_wait3A_202 : memref<10112x16xf32, #tpu.memory_space<vmem_shared>>)
      %dma_start3A_203 = arith.constant 0 : i32
      %dma_start3A_204 = tpu.memref_slice %arg4[%add3A_194, %dma_start3A_203] : memref<84x128xi32, #tpu.memory_space<vmem>> -> memref<1x128xi32, #tpu.memory_space<vmem>>
      %dma_start3A_205 = tpu.memref_squeeze %dma_start3A_204 : memref<1x128xi32, #tpu.memory_space<vmem>> -> memref<128xi32, #tpu.memory_space<vmem>>
      %dma_start3A_206 = arith.constant 0 : i32
      %dma_start3A_207 = arith.constant 0 : i32
      %dma_start3A_208 = tpu.memref_slice %arg7[%dma_start3A_206, %dma_start3A_207] : memref<10112x16xf32, #tpu.memory_space<vmem_shared>> -> memref<10112x16xf32, #tpu.memory_space<vmem_shared>>
      tpu.enqueue_indirect_dma source(%arg5 : memref<128x16xf32, #tpu.memory_space<vmem>>) target(%dma_start3A_208 : memref<10112x16xf32, #tpu.memory_space<vmem_shared>>) offsets(%dma_start3A_205 : memref<128xi32, #tpu.memory_space<vmem>>) semaphore(%arg11 : memref<!tpu.dma_semaphore, #tpu.memory_space<semaphore_mem>>) {add = true}
    }
    %scan3A_68 = arith.constant 20 : i32
    %dma_wait3A = arith.constant 80 : i32
    %dma_wait3A_69 = arith.constant 0 : i32
    %dma_wait3A_70 = tpu.memref_slice %arg4[%dma_wait3A, %dma_wait3A_69] : memref<84x128xi32, #tpu.memory_space<vmem>> -> memref<1x128xi32, #tpu.memory_space<vmem>>
    %dma_wait3A_71 = tpu.memref_squeeze %dma_wait3A_70 : memref<1x128xi32, #tpu.memory_space<vmem>> -> memref<128xi32, #tpu.memory_space<vmem>>
    %dma_wait3A_72 = arith.constant 0 : i32
    %dma_wait3A_73 = arith.constant 0 : i32
    %dma_wait3A_74 = tpu.memref_slice %arg7[%dma_wait3A_72, %dma_wait3A_73] : memref<10112x16xf32, #tpu.memory_space<vmem_shared>> -> memref<10112x16xf32, #tpu.memory_space<vmem_shared>>
    tpu.wait_indirect_dma semaphore(%arg8 : memref<!tpu.dma_semaphore, #tpu.memory_space<semaphore_mem>>) src(%arg5 : memref<128x16xf32, #tpu.memory_space<vmem>>) dst(%dma_wait3A_74 : memref<10112x16xf32, #tpu.memory_space<vmem_shared>>)
    %dma_wait3A_75 = arith.constant 81 : i32
    %dma_wait3A_76 = arith.constant 0 : i32
    %dma_wait3A_77 = tpu.memref_slice %arg4[%dma_wait3A_75, %dma_wait3A_76] : memref<84x128xi32, #tpu.memory_space<vmem>> -> memref<1x128xi32, #tpu.memory_space<vmem>>
    %dma_wait3A_78 = tpu.memref_squeeze %dma_wait3A_77 : memref<1x128xi32, #tpu.memory_space<vmem>> -> memref<128xi32, #tpu.memory_space<vmem>>
    %dma_wait3A_79 = arith.constant 0 : i32
    %dma_wait3A_80 = arith.constant 0 : i32
    %dma_wait3A_81 = tpu.memref_slice %arg7[%dma_wait3A_79, %dma_wait3A_80] : memref<10112x16xf32, #tpu.memory_space<vmem_shared>> -> memref<10112x16xf32, #tpu.memory_space<vmem_shared>>
    tpu.wait_indirect_dma semaphore(%arg9 : memref<!tpu.dma_semaphore, #tpu.memory_space<semaphore_mem>>) src(%arg5 : memref<128x16xf32, #tpu.memory_space<vmem>>) dst(%dma_wait3A_81 : memref<10112x16xf32, #tpu.memory_space<vmem_shared>>)
    %dma_wait3A_82 = arith.constant 82 : i32
    %dma_wait3A_83 = arith.constant 0 : i32
    %dma_wait3A_84 = tpu.memref_slice %arg4[%dma_wait3A_82, %dma_wait3A_83] : memref<84x128xi32, #tpu.memory_space<vmem>> -> memref<1x128xi32, #tpu.memory_space<vmem>>
    %dma_wait3A_85 = tpu.memref_squeeze %dma_wait3A_84 : memref<1x128xi32, #tpu.memory_space<vmem>> -> memref<128xi32, #tpu.memory_space<vmem>>
    %dma_wait3A_86 = arith.constant 0 : i32
    %dma_wait3A_87 = arith.constant 0 : i32
    %dma_wait3A_88 = tpu.memref_slice %arg7[%dma_wait3A_86, %dma_wait3A_87] : memref<10112x16xf32, #tpu.memory_space<vmem_shared>> -> memref<10112x16xf32, #tpu.memory_space<vmem_shared>>
    tpu.wait_indirect_dma semaphore(%arg10 : memref<!tpu.dma_semaphore, #tpu.memory_space<semaphore_mem>>) src(%arg5 : memref<128x16xf32, #tpu.memory_space<vmem>>) dst(%dma_wait3A_88 : memref<10112x16xf32, #tpu.memory_space<vmem_shared>>)
    %dma_wait3A_89 = arith.constant 83 : i32
    %dma_wait3A_90 = arith.constant 0 : i32
    %dma_wait3A_91 = tpu.memref_slice %arg4[%dma_wait3A_89, %dma_wait3A_90] : memref<84x128xi32, #tpu.memory_space<vmem>> -> memref<1x128xi32, #tpu.memory_space<vmem>>
    %dma_wait3A_92 = tpu.memref_squeeze %dma_wait3A_91 : memref<1x128xi32, #tpu.memory_space<vmem>> -> memref<128xi32, #tpu.memory_space<vmem>>
    %dma_wait3A_93 = arith.constant 0 : i32
    %dma_wait3A_94 = arith.constant 0 : i32
    %dma_wait3A_95 = tpu.memref_slice %arg7[%dma_wait3A_93, %dma_wait3A_94] : memref<10112x16xf32, #tpu.memory_space<vmem_shared>> -> memref<10112x16xf32, #tpu.memory_space<vmem_shared>>
    tpu.wait_indirect_dma semaphore(%arg11 : memref<!tpu.dma_semaphore, #tpu.memory_space<semaphore_mem>>) src(%arg5 : memref<128x16xf32, #tpu.memory_space<vmem>>) dst(%dma_wait3A_95 : memref<10112x16xf32, #tpu.memory_space<vmem_shared>>)
    %barrier3A_96 = arith.constant 0 : index
    tpu.barrier barrier_id(%barrier3A_96)
    %add3A_97 = arith.constant 0 : i32
    %add3A_98 = arith.addi %mul3A_2, %add3A_97 : i32
    "tpu.region"() ({
      %run_scoped3A = tpu.sem_alloc : memref<!tpu.dma_semaphore, #tpu.memory_space<semaphore_mem>>
      %dma_start3A_137 = arith.constant 0 : i32
      %dma_start3A_138 = arith.constant 0 : i32
      %dma_start3A_139 = tpu.memref_slice %arg6[%dma_start3A_137, %dma_start3A_138] : memref<64x16xf32, #tpu.memory_space<vmem>> -> memref<64x16xf32, #tpu.memory_space<vmem>>
      %dma_start3A_140 = arith.constant 0 : i32
      %dma_start3A_141 = tpu.memref_slice %arg7[%add3A_98, %dma_start3A_140] : memref<10112x16xf32, #tpu.memory_space<vmem_shared>> -> memref<64x16xf32, #tpu.memory_space<vmem_shared>>
      %dma_start3A_142 = arith.constant 0 : i32
      %dma_start3A_143 = arith.constant 0 : i32
      %dma_start3A_144 = tpu.memref_slice %arg6[%dma_start3A_142, %dma_start3A_143] : memref<64x16xf32, #tpu.memory_space<vmem>> -> memref<64x16xf32, #tpu.memory_space<vmem>>
      %dma_start3A_145 = arith.constant 0 : i32
      %dma_start3A_146 = tpu.memref_slice %arg7[%add3A_98, %dma_start3A_145] : memref<10112x16xf32, #tpu.memory_space<vmem_shared>> -> memref<64x16xf32, #tpu.memory_space<vmem_shared>>
      tpu.enqueue_dma source(%dma_start3A_146 : memref<64x16xf32, #tpu.memory_space<vmem_shared>>) target(%dma_start3A_144 : memref<64x16xf32, #tpu.memory_space<vmem>>) target_semaphore(%run_scoped3A : memref<!tpu.dma_semaphore, #tpu.memory_space<semaphore_mem>>)
      %dma_wait3A_147 = arith.constant 0 : i32
      %dma_wait3A_148 = arith.constant 0 : i32
      %dma_wait3A_149 = tpu.memref_slice %arg6[%dma_wait3A_147, %dma_wait3A_148] : memref<64x16xf32, #tpu.memory_space<vmem>> -> memref<64x16xf32, #tpu.memory_space<vmem>>
      %dma_wait3A_150 = arith.constant 0 : i32
      %dma_wait3A_151 = tpu.memref_slice %arg7[%add3A_98, %dma_wait3A_150] : memref<10112x16xf32, #tpu.memory_space<vmem_shared>> -> memref<64x16xf32, #tpu.memory_space<vmem_shared>>
      %dma_wait3A_152 = arith.constant 0 : i32
      %dma_wait3A_153 = arith.constant 0 : i32
      %dma_wait3A_154 = tpu.memref_slice %arg6[%dma_wait3A_152, %dma_wait3A_153] : memref<64x16xf32, #tpu.memory_space<vmem>> -> memref<64x16xf32, #tpu.memory_space<vmem>>
      %dma_wait3A_155 = arith.constant 0 : i32
      %dma_wait3A_156 = tpu.memref_slice %arg7[%add3A_98, %dma_wait3A_155] : memref<10112x16xf32, #tpu.memory_space<vmem_shared>> -> memref<64x16xf32, #tpu.memory_space<vmem_shared>>
      tpu.wait_dma2 semaphore(%run_scoped3A : memref<!tpu.dma_semaphore, #tpu.memory_space<semaphore_mem>>) src(%dma_wait3A_156 : memref<64x16xf32, #tpu.memory_space<vmem_shared>>) dst(%dma_wait3A_154 : memref<64x16xf32, #tpu.memory_space<vmem>>)
      tpu.yield
    }) : () -> ()
    %add3A_99 = arith.constant 0 : i32
    %add3A_100 = arith.addi %mul3A_2, %add3A_99 : i32
    "tpu.region"() ({
      %run_scoped3A = tpu.sem_alloc : memref<!tpu.dma_semaphore, #tpu.memory_space<semaphore_mem>>
      %dma_start3A_137 = arith.constant 0 : i32
      %dma_start3A_138 = arith.constant 0 : i32
      %dma_start3A_139 = tpu.memref_slice %arg6[%dma_start3A_137, %dma_start3A_138] : memref<64x16xf32, #tpu.memory_space<vmem>> -> memref<64x16xf32, #tpu.memory_space<vmem>>
      %dma_start3A_140 = arith.constant 0 : i32
      %dma_start3A_141 = tpu.memref_slice %arg3[%arg0, %add3A_100, %dma_start3A_140] : memref<2x10112x16xf32, #tpu.memory_space<hbm>> -> memref<1x64x16xf32, #tpu.memory_space<hbm>>
      %dma_start3A_142 = tpu.memref_squeeze %dma_start3A_141 : memref<1x64x16xf32, #tpu.memory_space<hbm>> -> memref<64x16xf32, #tpu.memory_space<hbm>>
      %dma_start3A_143 = arith.constant 0 : i32
      %dma_start3A_144 = tpu.memref_slice %arg3[%arg0, %add3A_100, %dma_start3A_143] : memref<2x10112x16xf32, #tpu.memory_space<hbm>> -> memref<1x64x16xf32, #tpu.memory_space<hbm>>
      %dma_start3A_145 = tpu.memref_squeeze %dma_start3A_144 : memref<1x64x16xf32, #tpu.memory_space<hbm>> -> memref<64x16xf32, #tpu.memory_space<hbm>>
      %dma_start3A_146 = arith.constant 0 : i32
      %dma_start3A_147 = arith.constant 0 : i32
      %dma_start3A_148 = tpu.memref_slice %arg6[%dma_start3A_146, %dma_start3A_147] : memref<64x16xf32, #tpu.memory_space<vmem>> -> memref<64x16xf32, #tpu.memory_space<vmem>>
      tpu.enqueue_dma source(%dma_start3A_148 : memref<64x16xf32, #tpu.memory_space<vmem>>) target(%dma_start3A_145 : memref<64x16xf32, #tpu.memory_space<hbm>>) target_semaphore(%run_scoped3A : memref<!tpu.dma_semaphore, #tpu.memory_space<semaphore_mem>>)
      %dma_wait3A_149 = arith.constant 0 : i32
      %dma_wait3A_150 = arith.constant 0 : i32
      %dma_wait3A_151 = tpu.memref_slice %arg6[%dma_wait3A_149, %dma_wait3A_150] : memref<64x16xf32, #tpu.memory_space<vmem>> -> memref<64x16xf32, #tpu.memory_space<vmem>>
      %dma_wait3A_152 = arith.constant 0 : i32
      %dma_wait3A_153 = tpu.memref_slice %arg3[%arg0, %add3A_100, %dma_wait3A_152] : memref<2x10112x16xf32, #tpu.memory_space<hbm>> -> memref<1x64x16xf32, #tpu.memory_space<hbm>>
      %dma_wait3A_154 = tpu.memref_squeeze %dma_wait3A_153 : memref<1x64x16xf32, #tpu.memory_space<hbm>> -> memref<64x16xf32, #tpu.memory_space<hbm>>
      %dma_wait3A_155 = arith.constant 0 : i32
      %dma_wait3A_156 = tpu.memref_slice %arg3[%arg0, %add3A_100, %dma_wait3A_155] : memref<2x10112x16xf32, #tpu.memory_space<hbm>> -> memref<1x64x16xf32, #tpu.memory_space<hbm>>
      %dma_wait3A_157 = tpu.memref_squeeze %dma_wait3A_156 : memref<1x64x16xf32, #tpu.memory_space<hbm>> -> memref<64x16xf32, #tpu.memory_space<hbm>>
      %dma_wait3A_158 = arith.constant 0 : i32
      %dma_wait3A_159 = arith.constant 0 : i32
      %dma_wait3A_160 = tpu.memref_slice %arg6[%dma_wait3A_158, %dma_wait3A_159] : memref<64x16xf32, #tpu.memory_space<vmem>> -> memref<64x16xf32, #tpu.memory_space<vmem>>
      tpu.wait_dma2 semaphore(%run_scoped3A : memref<!tpu.dma_semaphore, #tpu.memory_space<semaphore_mem>>) src(%dma_wait3A_160 : memref<64x16xf32, #tpu.memory_space<vmem>>) dst(%dma_wait3A_157 : memref<64x16xf32, #tpu.memory_space<hbm>>)
      tpu.yield
    }) : () -> ()
    %add3A_101 = arith.constant 64 : i32
    %add3A_102 = arith.addi %mul3A_2, %add3A_101 : i32
    "tpu.region"() ({
      %run_scoped3A = tpu.sem_alloc : memref<!tpu.dma_semaphore, #tpu.memory_space<semaphore_mem>>
      %dma_start3A_137 = arith.constant 0 : i32
      %dma_start3A_138 = arith.constant 0 : i32
      %dma_start3A_139 = tpu.memref_slice %arg6[%dma_start3A_137, %dma_start3A_138] : memref<64x16xf32, #tpu.memory_space<vmem>> -> memref<64x16xf32, #tpu.memory_space<vmem>>
      %dma_start3A_140 = arith.constant 0 : i32
      %dma_start3A_141 = tpu.memref_slice %arg7[%add3A_102, %dma_start3A_140] : memref<10112x16xf32, #tpu.memory_space<vmem_shared>> -> memref<64x16xf32, #tpu.memory_space<vmem_shared>>
      %dma_start3A_142 = arith.constant 0 : i32
      %dma_start3A_143 = arith.constant 0 : i32
      %dma_start3A_144 = tpu.memref_slice %arg6[%dma_start3A_142, %dma_start3A_143] : memref<64x16xf32, #tpu.memory_space<vmem>> -> memref<64x16xf32, #tpu.memory_space<vmem>>
      %dma_start3A_145 = arith.constant 0 : i32
      %dma_start3A_146 = tpu.memref_slice %arg7[%add3A_102, %dma_start3A_145] : memref<10112x16xf32, #tpu.memory_space<vmem_shared>> -> memref<64x16xf32, #tpu.memory_space<vmem_shared>>
      tpu.enqueue_dma source(%dma_start3A_146 : memref<64x16xf32, #tpu.memory_space<vmem_shared>>) target(%dma_start3A_144 : memref<64x16xf32, #tpu.memory_space<vmem>>) target_semaphore(%run_scoped3A : memref<!tpu.dma_semaphore, #tpu.memory_space<semaphore_mem>>)
      %dma_wait3A_147 = arith.constant 0 : i32
      %dma_wait3A_148 = arith.constant 0 : i32
      %dma_wait3A_149 = tpu.memref_slice %arg6[%dma_wait3A_147, %dma_wait3A_148] : memref<64x16xf32, #tpu.memory_space<vmem>> -> memref<64x16xf32, #tpu.memory_space<vmem>>
      %dma_wait3A_150 = arith.constant 0 : i32
      %dma_wait3A_151 = tpu.memref_slice %arg7[%add3A_102, %dma_wait3A_150] : memref<10112x16xf32, #tpu.memory_space<vmem_shared>> -> memref<64x16xf32, #tpu.memory_space<vmem_shared>>
      %dma_wait3A_152 = arith.constant 0 : i32
      %dma_wait3A_153 = arith.constant 0 : i32
      %dma_wait3A_154 = tpu.memref_slice %arg6[%dma_wait3A_152, %dma_wait3A_153] : memref<64x16xf32, #tpu.memory_space<vmem>> -> memref<64x16xf32, #tpu.memory_space<vmem>>
      %dma_wait3A_155 = arith.constant 0 : i32
      %dma_wait3A_156 = tpu.memref_slice %arg7[%add3A_102, %dma_wait3A_155] : memref<10112x16xf32, #tpu.memory_space<vmem_shared>> -> memref<64x16xf32, #tpu.memory_space<vmem_shared>>
      tpu.wait_dma2 semaphore(%run_scoped3A : memref<!tpu.dma_semaphore, #tpu.memory_space<semaphore_mem>>) src(%dma_wait3A_156 : memref<64x16xf32, #tpu.memory_space<vmem_shared>>) dst(%dma_wait3A_154 : memref<64x16xf32, #tpu.memory_space<vmem>>)
      tpu.yield
    }) : () -> ()
    %add3A_103 = arith.constant 64 : i32
    %add3A_104 = arith.addi %mul3A_2, %add3A_103 : i32
    "tpu.region"() ({
      %run_scoped3A = tpu.sem_alloc : memref<!tpu.dma_semaphore, #tpu.memory_space<semaphore_mem>>
      %dma_start3A_137 = arith.constant 0 : i32
      %dma_start3A_138 = arith.constant 0 : i32
      %dma_start3A_139 = tpu.memref_slice %arg6[%dma_start3A_137, %dma_start3A_138] : memref<64x16xf32, #tpu.memory_space<vmem>> -> memref<64x16xf32, #tpu.memory_space<vmem>>
      %dma_start3A_140 = arith.constant 0 : i32
      %dma_start3A_141 = tpu.memref_slice %arg3[%arg0, %add3A_104, %dma_start3A_140] : memref<2x10112x16xf32, #tpu.memory_space<hbm>> -> memref<1x64x16xf32, #tpu.memory_space<hbm>>
      %dma_start3A_142 = tpu.memref_squeeze %dma_start3A_141 : memref<1x64x16xf32, #tpu.memory_space<hbm>> -> memref<64x16xf32, #tpu.memory_space<hbm>>
      %dma_start3A_143 = arith.constant 0 : i32
      %dma_start3A_144 = tpu.memref_slice %arg3[%arg0, %add3A_104, %dma_start3A_143] : memref<2x10112x16xf32, #tpu.memory_space<hbm>> -> memref<1x64x16xf32, #tpu.memory_space<hbm>>
      %dma_start3A_145 = tpu.memref_squeeze %dma_start3A_144 : memref<1x64x16xf32, #tpu.memory_space<hbm>> -> memref<64x16xf32, #tpu.memory_space<hbm>>
      %dma_start3A_146 = arith.constant 0 : i32
      %dma_start3A_147 = arith.constant 0 : i32
      %dma_start3A_148 = tpu.memref_slice %arg6[%dma_start3A_146, %dma_start3A_147] : memref<64x16xf32, #tpu.memory_space<vmem>> -> memref<64x16xf32, #tpu.memory_space<vmem>>
      tpu.enqueue_dma source(%dma_start3A_148 : memref<64x16xf32, #tpu.memory_space<vmem>>) target(%dma_start3A_145 : memref<64x16xf32, #tpu.memory_space<hbm>>) target_semaphore(%run_scoped3A : memref<!tpu.dma_semaphore, #tpu.memory_space<semaphore_mem>>)
      %dma_wait3A_149 = arith.constant 0 : i32
      %dma_wait3A_150 = arith.constant 0 : i32
      %dma_wait3A_151 = tpu.memref_slice %arg6[%dma_wait3A_149, %dma_wait3A_150] : memref<64x16xf32, #tpu.memory_space<vmem>> -> memref<64x16xf32, #tpu.memory_space<vmem>>
      %dma_wait3A_152 = arith.constant 0 : i32
      %dma_wait3A_153 = tpu.memref_slice %arg3[%arg0, %add3A_104, %dma_wait3A_152] : memref<2x10112x16xf32, #tpu.memory_space<hbm>> -> memref<1x64x16xf32, #tpu.memory_space<hbm>>
      %dma_wait3A_154 = tpu.memref_squeeze %dma_wait3A_153 : memref<1x64x16xf32, #tpu.memory_space<hbm>> -> memref<64x16xf32, #tpu.memory_space<hbm>>
      %dma_wait3A_155 = arith.constant 0 : i32
      %dma_wait3A_156 = tpu.memref_slice %arg3[%arg0, %add3A_104, %dma_wait3A_155] : memref<2x10112x16xf32, #tpu.memory_space<hbm>> -> memref<1x64x16xf32, #tpu.memory_space<hbm>>
      %dma_wait3A_157 = tpu.memref_squeeze %dma_wait3A_156 : memref<1x64x16xf32, #tpu.memory_space<hbm>> -> memref<64x16xf32, #tpu.memory_space<hbm>>
      %dma_wait3A_158 = arith.constant 0 : i32
      %dma_wait3A_159 = arith.constant 0 : i32
      %dma_wait3A_160 = tpu.memref_slice %arg6[%dma_wait3A_158, %dma_wait3A_159] : memref<64x16xf32, #tpu.memory_space<vmem>> -> memref<64x16xf32, #tpu.memory_space<vmem>>
      tpu.wait_dma2 semaphore(%run_scoped3A : memref<!tpu.dma_semaphore, #tpu.memory_space<semaphore_mem>>) src(%dma_wait3A_160 : memref<64x16xf32, #tpu.memory_space<vmem>>) dst(%dma_wait3A_157 : memref<64x16xf32, #tpu.memory_space<hbm>>)
      tpu.yield
    }) : () -> ()
    %add3A_105 = arith.constant 128 : i32
    %add3A_106 = arith.addi %mul3A_2, %add3A_105 : i32
    "tpu.region"() ({
      %run_scoped3A = tpu.sem_alloc : memref<!tpu.dma_semaphore, #tpu.memory_space<semaphore_mem>>
      %dma_start3A_137 = arith.constant 0 : i32
      %dma_start3A_138 = arith.constant 0 : i32
      %dma_start3A_139 = tpu.memref_slice %arg6[%dma_start3A_137, %dma_start3A_138] : memref<64x16xf32, #tpu.memory_space<vmem>> -> memref<64x16xf32, #tpu.memory_space<vmem>>
      %dma_start3A_140 = arith.constant 0 : i32
      %dma_start3A_141 = tpu.memref_slice %arg7[%add3A_106, %dma_start3A_140] : memref<10112x16xf32, #tpu.memory_space<vmem_shared>> -> memref<64x16xf32, #tpu.memory_space<vmem_shared>>
      %dma_start3A_142 = arith.constant 0 : i32
      %dma_start3A_143 = arith.constant 0 : i32
      %dma_start3A_144 = tpu.memref_slice %arg6[%dma_start3A_142, %dma_start3A_143] : memref<64x16xf32, #tpu.memory_space<vmem>> -> memref<64x16xf32, #tpu.memory_space<vmem>>
      %dma_start3A_145 = arith.constant 0 : i32
      %dma_start3A_146 = tpu.memref_slice %arg7[%add3A_106, %dma_start3A_145] : memref<10112x16xf32, #tpu.memory_space<vmem_shared>> -> memref<64x16xf32, #tpu.memory_space<vmem_shared>>
      tpu.enqueue_dma source(%dma_start3A_146 : memref<64x16xf32, #tpu.memory_space<vmem_shared>>) target(%dma_start3A_144 : memref<64x16xf32, #tpu.memory_space<vmem>>) target_semaphore(%run_scoped3A : memref<!tpu.dma_semaphore, #tpu.memory_space<semaphore_mem>>)
      %dma_wait3A_147 = arith.constant 0 : i32
      %dma_wait3A_148 = arith.constant 0 : i32
      %dma_wait3A_149 = tpu.memref_slice %arg6[%dma_wait3A_147, %dma_wait3A_148] : memref<64x16xf32, #tpu.memory_space<vmem>> -> memref<64x16xf32, #tpu.memory_space<vmem>>
      %dma_wait3A_150 = arith.constant 0 : i32
      %dma_wait3A_151 = tpu.memref_slice %arg7[%add3A_106, %dma_wait3A_150] : memref<10112x16xf32, #tpu.memory_space<vmem_shared>> -> memref<64x16xf32, #tpu.memory_space<vmem_shared>>
      %dma_wait3A_152 = arith.constant 0 : i32
      %dma_wait3A_153 = arith.constant 0 : i32
      %dma_wait3A_154 = tpu.memref_slice %arg6[%dma_wait3A_152, %dma_wait3A_153] : memref<64x16xf32, #tpu.memory_space<vmem>> -> memref<64x16xf32, #tpu.memory_space<vmem>>
      %dma_wait3A_155 = arith.constant 0 : i32
      %dma_wait3A_156 = tpu.memref_slice %arg7[%add3A_106, %dma_wait3A_155] : memref<10112x16xf32, #tpu.memory_space<vmem_shared>> -> memref<64x16xf32, #tpu.memory_space<vmem_shared>>
      tpu.wait_dma2 semaphore(%run_scoped3A : memref<!tpu.dma_semaphore, #tpu.memory_space<semaphore_mem>>) src(%dma_wait3A_156 : memref<64x16xf32, #tpu.memory_space<vmem_shared>>) dst(%dma_wait3A_154 : memref<64x16xf32, #tpu.memory_space<vmem>>)
      tpu.yield
    }) : () -> ()
    %add3A_107 = arith.constant 128 : i32
    %add3A_108 = arith.addi %mul3A_2, %add3A_107 : i32
    "tpu.region"() ({
      %run_scoped3A = tpu.sem_alloc : memref<!tpu.dma_semaphore, #tpu.memory_space<semaphore_mem>>
      %dma_start3A_137 = arith.constant 0 : i32
      %dma_start3A_138 = arith.constant 0 : i32
      %dma_start3A_139 = tpu.memref_slice %arg6[%dma_start3A_137, %dma_start3A_138] : memref<64x16xf32, #tpu.memory_space<vmem>> -> memref<64x16xf32, #tpu.memory_space<vmem>>
      %dma_start3A_140 = arith.constant 0 : i32
      %dma_start3A_141 = tpu.memref_slice %arg3[%arg0, %add3A_108, %dma_start3A_140] : memref<2x10112x16xf32, #tpu.memory_space<hbm>> -> memref<1x64x16xf32, #tpu.memory_space<hbm>>
      %dma_start3A_142 = tpu.memref_squeeze %dma_start3A_141 : memref<1x64x16xf32, #tpu.memory_space<hbm>> -> memref<64x16xf32, #tpu.memory_space<hbm>>
      %dma_start3A_143 = arith.constant 0 : i32
      %dma_start3A_144 = tpu.memref_slice %arg3[%arg0, %add3A_108, %dma_start3A_143] : memref<2x10112x16xf32, #tpu.memory_space<hbm>> -> memref<1x64x16xf32, #tpu.memory_space<hbm>>
      %dma_start3A_145 = tpu.memref_squeeze %dma_start3A_144 : memref<1x64x16xf32, #tpu.memory_space<hbm>> -> memref<64x16xf32, #tpu.memory_space<hbm>>
      %dma_start3A_146 = arith.constant 0 : i32
      %dma_start3A_147 = arith.constant 0 : i32
      %dma_start3A_148 = tpu.memref_slice %arg6[%dma_start3A_146, %dma_start3A_147] : memref<64x16xf32, #tpu.memory_space<vmem>> -> memref<64x16xf32, #tpu.memory_space<vmem>>
      tpu.enqueue_dma source(%dma_start3A_148 : memref<64x16xf32, #tpu.memory_space<vmem>>) target(%dma_start3A_145 : memref<64x16xf32, #tpu.memory_space<hbm>>) target_semaphore(%run_scoped3A : memref<!tpu.dma_semaphore, #tpu.memory_space<semaphore_mem>>)
      %dma_wait3A_149 = arith.constant 0 : i32
      %dma_wait3A_150 = arith.constant 0 : i32
      %dma_wait3A_151 = tpu.memref_slice %arg6[%dma_wait3A_149, %dma_wait3A_150] : memref<64x16xf32, #tpu.memory_space<vmem>> -> memref<64x16xf32, #tpu.memory_space<vmem>>
      %dma_wait3A_152 = arith.constant 0 : i32
      %dma_wait3A_153 = tpu.memref_slice %arg3[%arg0, %add3A_108, %dma_wait3A_152] : memref<2x10112x16xf32, #tpu.memory_space<hbm>> -> memref<1x64x16xf32, #tpu.memory_space<hbm>>
      %dma_wait3A_154 = tpu.memref_squeeze %dma_wait3A_153 : memref<1x64x16xf32, #tpu.memory_space<hbm>> -> memref<64x16xf32, #tpu.memory_space<hbm>>
      %dma_wait3A_155 = arith.constant 0 : i32
      %dma_wait3A_156 = tpu.memref_slice %arg3[%arg0, %add3A_108, %dma_wait3A_155] : memref<2x10112x16xf32, #tpu.memory_space<hbm>> -> memref<1x64x16xf32, #tpu.memory_space<hbm>>
      %dma_wait3A_157 = tpu.memref_squeeze %dma_wait3A_156 : memref<1x64x16xf32, #tpu.memory_space<hbm>> -> memref<64x16xf32, #tpu.memory_space<hbm>>
      %dma_wait3A_158 = arith.constant 0 : i32
      %dma_wait3A_159 = arith.constant 0 : i32
      %dma_wait3A_160 = tpu.memref_slice %arg6[%dma_wait3A_158, %dma_wait3A_159] : memref<64x16xf32, #tpu.memory_space<vmem>> -> memref<64x16xf32, #tpu.memory_space<vmem>>
      tpu.wait_dma2 semaphore(%run_scoped3A : memref<!tpu.dma_semaphore, #tpu.memory_space<semaphore_mem>>) src(%dma_wait3A_160 : memref<64x16xf32, #tpu.memory_space<vmem>>) dst(%dma_wait3A_157 : memref<64x16xf32, #tpu.memory_space<hbm>>)
      tpu.yield
    }) : () -> ()
    %add3A_109 = arith.constant 192 : i32
    %add3A_110 = arith.addi %mul3A_2, %add3A_109 : i32
    "tpu.region"() ({
      %run_scoped3A = tpu.sem_alloc : memref<!tpu.dma_semaphore, #tpu.memory_space<semaphore_mem>>
      %dma_start3A_137 = arith.constant 0 : i32
      %dma_start3A_138 = arith.constant 0 : i32
      %dma_start3A_139 = tpu.memref_slice %arg6[%dma_start3A_137, %dma_start3A_138] : memref<64x16xf32, #tpu.memory_space<vmem>> -> memref<64x16xf32, #tpu.memory_space<vmem>>
      %dma_start3A_140 = arith.constant 0 : i32
      %dma_start3A_141 = tpu.memref_slice %arg7[%add3A_110, %dma_start3A_140] : memref<10112x16xf32, #tpu.memory_space<vmem_shared>> -> memref<64x16xf32, #tpu.memory_space<vmem_shared>>
      %dma_start3A_142 = arith.constant 0 : i32
      %dma_start3A_143 = arith.constant 0 : i32
      %dma_start3A_144 = tpu.memref_slice %arg6[%dma_start3A_142, %dma_start3A_143] : memref<64x16xf32, #tpu.memory_space<vmem>> -> memref<64x16xf32, #tpu.memory_space<vmem>>
      %dma_start3A_145 = arith.constant 0 : i32
      %dma_start3A_146 = tpu.memref_slice %arg7[%add3A_110, %dma_start3A_145] : memref<10112x16xf32, #tpu.memory_space<vmem_shared>> -> memref<64x16xf32, #tpu.memory_space<vmem_shared>>
      tpu.enqueue_dma source(%dma_start3A_146 : memref<64x16xf32, #tpu.memory_space<vmem_shared>>) target(%dma_start3A_144 : memref<64x16xf32, #tpu.memory_space<vmem>>) target_semaphore(%run_scoped3A : memref<!tpu.dma_semaphore, #tpu.memory_space<semaphore_mem>>)
      %dma_wait3A_147 = arith.constant 0 : i32
      %dma_wait3A_148 = arith.constant 0 : i32
      %dma_wait3A_149 = tpu.memref_slice %arg6[%dma_wait3A_147, %dma_wait3A_148] : memref<64x16xf32, #tpu.memory_space<vmem>> -> memref<64x16xf32, #tpu.memory_space<vmem>>
      %dma_wait3A_150 = arith.constant 0 : i32
      %dma_wait3A_151 = tpu.memref_slice %arg7[%add3A_110, %dma_wait3A_150] : memref<10112x16xf32, #tpu.memory_space<vmem_shared>> -> memref<64x16xf32, #tpu.memory_space<vmem_shared>>
      %dma_wait3A_152 = arith.constant 0 : i32
      %dma_wait3A_153 = arith.constant 0 : i32
      %dma_wait3A_154 = tpu.memref_slice %arg6[%dma_wait3A_152, %dma_wait3A_153] : memref<64x16xf32, #tpu.memory_space<vmem>> -> memref<64x16xf32, #tpu.memory_space<vmem>>
      %dma_wait3A_155 = arith.constant 0 : i32
      %dma_wait3A_156 = tpu.memref_slice %arg7[%add3A_110, %dma_wait3A_155] : memref<10112x16xf32, #tpu.memory_space<vmem_shared>> -> memref<64x16xf32, #tpu.memory_space<vmem_shared>>
      tpu.wait_dma2 semaphore(%run_scoped3A : memref<!tpu.dma_semaphore, #tpu.memory_space<semaphore_mem>>) src(%dma_wait3A_156 : memref<64x16xf32, #tpu.memory_space<vmem_shared>>) dst(%dma_wait3A_154 : memref<64x16xf32, #tpu.memory_space<vmem>>)
      tpu.yield
    }) : () -> ()
    %add3A_111 = arith.constant 192 : i32
    %add3A_112 = arith.addi %mul3A_2, %add3A_111 : i32
    "tpu.region"() ({
      %run_scoped3A = tpu.sem_alloc : memref<!tpu.dma_semaphore, #tpu.memory_space<semaphore_mem>>
      %dma_start3A_137 = arith.constant 0 : i32
      %dma_start3A_138 = arith.constant 0 : i32
      %dma_start3A_139 = tpu.memref_slice %arg6[%dma_start3A_137, %dma_start3A_138] : memref<64x16xf32, #tpu.memory_space<vmem>> -> memref<64x16xf32, #tpu.memory_space<vmem>>
      %dma_start3A_140 = arith.constant 0 : i32
      %dma_start3A_141 = tpu.memref_slice %arg3[%arg0, %add3A_112, %dma_start3A_140] : memref<2x10112x16xf32, #tpu.memory_space<hbm>> -> memref<1x64x16xf32, #tpu.memory_space<hbm>>
      %dma_start3A_142 = tpu.memref_squeeze %dma_start3A_141 : memref<1x64x16xf32, #tpu.memory_space<hbm>> -> memref<64x16xf32, #tpu.memory_space<hbm>>
      %dma_start3A_143 = arith.constant 0 : i32
      %dma_start3A_144 = tpu.memref_slice %arg3[%arg0, %add3A_112, %dma_start3A_143] : memref<2x10112x16xf32, #tpu.memory_space<hbm>> -> memref<1x64x16xf32, #tpu.memory_space<hbm>>
      %dma_start3A_145 = tpu.memref_squeeze %dma_start3A_144 : memref<1x64x16xf32, #tpu.memory_space<hbm>> -> memref<64x16xf32, #tpu.memory_space<hbm>>
      %dma_start3A_146 = arith.constant 0 : i32
      %dma_start3A_147 = arith.constant 0 : i32
      %dma_start3A_148 = tpu.memref_slice %arg6[%dma_start3A_146, %dma_start3A_147] : memref<64x16xf32, #tpu.memory_space<vmem>> -> memref<64x16xf32, #tpu.memory_space<vmem>>
      tpu.enqueue_dma source(%dma_start3A_148 : memref<64x16xf32, #tpu.memory_space<vmem>>) target(%dma_start3A_145 : memref<64x16xf32, #tpu.memory_space<hbm>>) target_semaphore(%run_scoped3A : memref<!tpu.dma_semaphore, #tpu.memory_space<semaphore_mem>>)
      %dma_wait3A_149 = arith.constant 0 : i32
      %dma_wait3A_150 = arith.constant 0 : i32
      %dma_wait3A_151 = tpu.memref_slice %arg6[%dma_wait3A_149, %dma_wait3A_150] : memref<64x16xf32, #tpu.memory_space<vmem>> -> memref<64x16xf32, #tpu.memory_space<vmem>>
      %dma_wait3A_152 = arith.constant 0 : i32
      %dma_wait3A_153 = tpu.memref_slice %arg3[%arg0, %add3A_112, %dma_wait3A_152] : memref<2x10112x16xf32, #tpu.memory_space<hbm>> -> memref<1x64x16xf32, #tpu.memory_space<hbm>>
      %dma_wait3A_154 = tpu.memref_squeeze %dma_wait3A_153 : memref<1x64x16xf32, #tpu.memory_space<hbm>> -> memref<64x16xf32, #tpu.memory_space<hbm>>
      %dma_wait3A_155 = arith.constant 0 : i32
      %dma_wait3A_156 = tpu.memref_slice %arg3[%arg0, %add3A_112, %dma_wait3A_155] : memref<2x10112x16xf32, #tpu.memory_space<hbm>> -> memref<1x64x16xf32, #tpu.memory_space<hbm>>
      %dma_wait3A_157 = tpu.memref_squeeze %dma_wait3A_156 : memref<1x64x16xf32, #tpu.memory_space<hbm>> -> memref<64x16xf32, #tpu.memory_space<hbm>>
      %dma_wait3A_158 = arith.constant 0 : i32
      %dma_wait3A_159 = arith.constant 0 : i32
      %dma_wait3A_160 = tpu.memref_slice %arg6[%dma_wait3A_158, %dma_wait3A_159] : memref<64x16xf32, #tpu.memory_space<vmem>> -> memref<64x16xf32, #tpu.memory_space<vmem>>
      tpu.wait_dma2 semaphore(%run_scoped3A : memref<!tpu.dma_semaphore, #tpu.memory_space<semaphore_mem>>) src(%dma_wait3A_160 : memref<64x16xf32, #tpu.memory_space<vmem>>) dst(%dma_wait3A_157 : memref<64x16xf32, #tpu.memory_space<hbm>>)
      tpu.yield
    }) : () -> ()
    %add3A_113 = arith.constant 256 : i32
    %add3A_114 = arith.addi %mul3A_2, %add3A_113 : i32
    "tpu.region"() ({
      %run_scoped3A = tpu.sem_alloc : memref<!tpu.dma_semaphore, #tpu.memory_space<semaphore_mem>>
      %dma_start3A_137 = arith.constant 0 : i32
      %dma_start3A_138 = arith.constant 0 : i32
      %dma_start3A_139 = tpu.memref_slice %arg6[%dma_start3A_137, %dma_start3A_138] : memref<64x16xf32, #tpu.memory_space<vmem>> -> memref<64x16xf32, #tpu.memory_space<vmem>>
      %dma_start3A_140 = arith.constant 0 : i32
      %dma_start3A_141 = tpu.memref_slice %arg7[%add3A_114, %dma_start3A_140] : memref<10112x16xf32, #tpu.memory_space<vmem_shared>> -> memref<64x16xf32, #tpu.memory_space<vmem_shared>>
      %dma_start3A_142 = arith.constant 0 : i32
      %dma_start3A_143 = arith.constant 0 : i32
      %dma_start3A_144 = tpu.memref_slice %arg6[%dma_start3A_142, %dma_start3A_143] : memref<64x16xf32, #tpu.memory_space<vmem>> -> memref<64x16xf32, #tpu.memory_space<vmem>>
      %dma_start3A_145 = arith.constant 0 : i32
      %dma_start3A_146 = tpu.memref_slice %arg7[%add3A_114, %dma_start3A_145] : memref<10112x16xf32, #tpu.memory_space<vmem_shared>> -> memref<64x16xf32, #tpu.memory_space<vmem_shared>>
      tpu.enqueue_dma source(%dma_start3A_146 : memref<64x16xf32, #tpu.memory_space<vmem_shared>>) target(%dma_start3A_144 : memref<64x16xf32, #tpu.memory_space<vmem>>) target_semaphore(%run_scoped3A : memref<!tpu.dma_semaphore, #tpu.memory_space<semaphore_mem>>)
      %dma_wait3A_147 = arith.constant 0 : i32
      %dma_wait3A_148 = arith.constant 0 : i32
      %dma_wait3A_149 = tpu.memref_slice %arg6[%dma_wait3A_147, %dma_wait3A_148] : memref<64x16xf32, #tpu.memory_space<vmem>> -> memref<64x16xf32, #tpu.memory_space<vmem>>
      %dma_wait3A_150 = arith.constant 0 : i32
      %dma_wait3A_151 = tpu.memref_slice %arg7[%add3A_114, %dma_wait3A_150] : memref<10112x16xf32, #tpu.memory_space<vmem_shared>> -> memref<64x16xf32, #tpu.memory_space<vmem_shared>>
      %dma_wait3A_152 = arith.constant 0 : i32
      %dma_wait3A_153 = arith.constant 0 : i32
      %dma_wait3A_154 = tpu.memref_slice %arg6[%dma_wait3A_152, %dma_wait3A_153] : memref<64x16xf32, #tpu.memory_space<vmem>> -> memref<64x16xf32, #tpu.memory_space<vmem>>
      %dma_wait3A_155 = arith.constant 0 : i32
      %dma_wait3A_156 = tpu.memref_slice %arg7[%add3A_114, %dma_wait3A_155] : memref<10112x16xf32, #tpu.memory_space<vmem_shared>> -> memref<64x16xf32, #tpu.memory_space<vmem_shared>>
      tpu.wait_dma2 semaphore(%run_scoped3A : memref<!tpu.dma_semaphore, #tpu.memory_space<semaphore_mem>>) src(%dma_wait3A_156 : memref<64x16xf32, #tpu.memory_space<vmem_shared>>) dst(%dma_wait3A_154 : memref<64x16xf32, #tpu.memory_space<vmem>>)
      tpu.yield
    }) : () -> ()
    %add3A_115 = arith.constant 256 : i32
    %add3A_116 = arith.addi %mul3A_2, %add3A_115 : i32
    "tpu.region"() ({
      %run_scoped3A = tpu.sem_alloc : memref<!tpu.dma_semaphore, #tpu.memory_space<semaphore_mem>>
      %dma_start3A_137 = arith.constant 0 : i32
      %dma_start3A_138 = arith.constant 0 : i32
      %dma_start3A_139 = tpu.memref_slice %arg6[%dma_start3A_137, %dma_start3A_138] : memref<64x16xf32, #tpu.memory_space<vmem>> -> memref<64x16xf32, #tpu.memory_space<vmem>>
      %dma_start3A_140 = arith.constant 0 : i32
      %dma_start3A_141 = tpu.memref_slice %arg3[%arg0, %add3A_116, %dma_start3A_140] : memref<2x10112x16xf32, #tpu.memory_space<hbm>> -> memref<1x64x16xf32, #tpu.memory_space<hbm>>
      %dma_start3A_142 = tpu.memref_squeeze %dma_start3A_141 : memref<1x64x16xf32, #tpu.memory_space<hbm>> -> memref<64x16xf32, #tpu.memory_space<hbm>>
      %dma_start3A_143 = arith.constant 0 : i32
      %dma_start3A_144 = tpu.memref_slice %arg3[%arg0, %add3A_116, %dma_start3A_143] : memref<2x10112x16xf32, #tpu.memory_space<hbm>> -> memref<1x64x16xf32, #tpu.memory_space<hbm>>
      %dma_start3A_145 = tpu.memref_squeeze %dma_start3A_144 : memref<1x64x16xf32, #tpu.memory_space<hbm>> -> memref<64x16xf32, #tpu.memory_space<hbm>>
      %dma_start3A_146 = arith.constant 0 : i32
      %dma_start3A_147 = arith.constant 0 : i32
      %dma_start3A_148 = tpu.memref_slice %arg6[%dma_start3A_146, %dma_start3A_147] : memref<64x16xf32, #tpu.memory_space<vmem>> -> memref<64x16xf32, #tpu.memory_space<vmem>>
      tpu.enqueue_dma source(%dma_start3A_148 : memref<64x16xf32, #tpu.memory_space<vmem>>) target(%dma_start3A_145 : memref<64x16xf32, #tpu.memory_space<hbm>>) target_semaphore(%run_scoped3A : memref<!tpu.dma_semaphore, #tpu.memory_space<semaphore_mem>>)
      %dma_wait3A_149 = arith.constant 0 : i32
      %dma_wait3A_150 = arith.constant 0 : i32
      %dma_wait3A_151 = tpu.memref_slice %arg6[%dma_wait3A_149, %dma_wait3A_150] : memref<64x16xf32, #tpu.memory_space<vmem>> -> memref<64x16xf32, #tpu.memory_space<vmem>>
      %dma_wait3A_152 = arith.constant 0 : i32
      %dma_wait3A_153 = tpu.memref_slice %arg3[%arg0, %add3A_116, %dma_wait3A_152] : memref<2x10112x16xf32, #tpu.memory_space<hbm>> -> memref<1x64x16xf32, #tpu.memory_space<hbm>>
      %dma_wait3A_154 = tpu.memref_squeeze %dma_wait3A_153 : memref<1x64x16xf32, #tpu.memory_space<hbm>> -> memref<64x16xf32, #tpu.memory_space<hbm>>
      %dma_wait3A_155 = arith.constant 0 : i32
      %dma_wait3A_156 = tpu.memref_slice %arg3[%arg0, %add3A_116, %dma_wait3A_155] : memref<2x10112x16xf32, #tpu.memory_space<hbm>> -> memref<1x64x16xf32, #tpu.memory_space<hbm>>
      %dma_wait3A_157 = tpu.memref_squeeze %dma_wait3A_156 : memref<1x64x16xf32, #tpu.memory_space<hbm>> -> memref<64x16xf32, #tpu.memory_space<hbm>>
      %dma_wait3A_158 = arith.constant 0 : i32
      %dma_wait3A_159 = arith.constant 0 : i32
      %dma_wait3A_160 = tpu.memref_slice %arg6[%dma_wait3A_158, %dma_wait3A_159] : memref<64x16xf32, #tpu.memory_space<vmem>> -> memref<64x16xf32, #tpu.memory_space<vmem>>
      tpu.wait_dma2 semaphore(%run_scoped3A : memref<!tpu.dma_semaphore, #tpu.memory_space<semaphore_mem>>) src(%dma_wait3A_160 : memref<64x16xf32, #tpu.memory_space<vmem>>) dst(%dma_wait3A_157 : memref<64x16xf32, #tpu.memory_space<hbm>>)
      tpu.yield
    }) : () -> ()
    %add3A_117 = arith.constant 320 : i32
    %add3A_118 = arith.addi %mul3A_2, %add3A_117 : i32
    "tpu.region"() ({
      %run_scoped3A = tpu.sem_alloc : memref<!tpu.dma_semaphore, #tpu.memory_space<semaphore_mem>>
      %dma_start3A_137 = arith.constant 0 : i32
      %dma_start3A_138 = arith.constant 0 : i32
      %dma_start3A_139 = tpu.memref_slice %arg6[%dma_start3A_137, %dma_start3A_138] : memref<64x16xf32, #tpu.memory_space<vmem>> -> memref<64x16xf32, #tpu.memory_space<vmem>>
      %dma_start3A_140 = arith.constant 0 : i32
      %dma_start3A_141 = tpu.memref_slice %arg7[%add3A_118, %dma_start3A_140] : memref<10112x16xf32, #tpu.memory_space<vmem_shared>> -> memref<64x16xf32, #tpu.memory_space<vmem_shared>>
      %dma_start3A_142 = arith.constant 0 : i32
      %dma_start3A_143 = arith.constant 0 : i32
      %dma_start3A_144 = tpu.memref_slice %arg6[%dma_start3A_142, %dma_start3A_143] : memref<64x16xf32, #tpu.memory_space<vmem>> -> memref<64x16xf32, #tpu.memory_space<vmem>>
      %dma_start3A_145 = arith.constant 0 : i32
      %dma_start3A_146 = tpu.memref_slice %arg7[%add3A_118, %dma_start3A_145] : memref<10112x16xf32, #tpu.memory_space<vmem_shared>> -> memref<64x16xf32, #tpu.memory_space<vmem_shared>>
      tpu.enqueue_dma source(%dma_start3A_146 : memref<64x16xf32, #tpu.memory_space<vmem_shared>>) target(%dma_start3A_144 : memref<64x16xf32, #tpu.memory_space<vmem>>) target_semaphore(%run_scoped3A : memref<!tpu.dma_semaphore, #tpu.memory_space<semaphore_mem>>)
      %dma_wait3A_147 = arith.constant 0 : i32
      %dma_wait3A_148 = arith.constant 0 : i32
      %dma_wait3A_149 = tpu.memref_slice %arg6[%dma_wait3A_147, %dma_wait3A_148] : memref<64x16xf32, #tpu.memory_space<vmem>> -> memref<64x16xf32, #tpu.memory_space<vmem>>
      %dma_wait3A_150 = arith.constant 0 : i32
      %dma_wait3A_151 = tpu.memref_slice %arg7[%add3A_118, %dma_wait3A_150] : memref<10112x16xf32, #tpu.memory_space<vmem_shared>> -> memref<64x16xf32, #tpu.memory_space<vmem_shared>>
      %dma_wait3A_152 = arith.constant 0 : i32
      %dma_wait3A_153 = arith.constant 0 : i32
      %dma_wait3A_154 = tpu.memref_slice %arg6[%dma_wait3A_152, %dma_wait3A_153] : memref<64x16xf32, #tpu.memory_space<vmem>> -> memref<64x16xf32, #tpu.memory_space<vmem>>
      %dma_wait3A_155 = arith.constant 0 : i32
      %dma_wait3A_156 = tpu.memref_slice %arg7[%add3A_118, %dma_wait3A_155] : memref<10112x16xf32, #tpu.memory_space<vmem_shared>> -> memref<64x16xf32, #tpu.memory_space<vmem_shared>>
      tpu.wait_dma2 semaphore(%run_scoped3A : memref<!tpu.dma_semaphore, #tpu.memory_space<semaphore_mem>>) src(%dma_wait3A_156 : memref<64x16xf32, #tpu.memory_space<vmem_shared>>) dst(%dma_wait3A_154 : memref<64x16xf32, #tpu.memory_space<vmem>>)
      tpu.yield
    }) : () -> ()
    %add3A_119 = arith.constant 320 : i32
    %add3A_120 = arith.addi %mul3A_2, %add3A_119 : i32
    "tpu.region"() ({
      %run_scoped3A = tpu.sem_alloc : memref<!tpu.dma_semaphore, #tpu.memory_space<semaphore_mem>>
      %dma_start3A_137 = arith.constant 0 : i32
      %dma_start3A_138 = arith.constant 0 : i32
      %dma_start3A_139 = tpu.memref_slice %arg6[%dma_start3A_137, %dma_start3A_138] : memref<64x16xf32, #tpu.memory_space<vmem>> -> memref<64x16xf32, #tpu.memory_space<vmem>>
      %dma_start3A_140 = arith.constant 0 : i32
      %dma_start3A_141 = tpu.memref_slice %arg3[%arg0, %add3A_120, %dma_start3A_140] : memref<2x10112x16xf32, #tpu.memory_space<hbm>> -> memref<1x64x16xf32, #tpu.memory_space<hbm>>
      %dma_start3A_142 = tpu.memref_squeeze %dma_start3A_141 : memref<1x64x16xf32, #tpu.memory_space<hbm>> -> memref<64x16xf32, #tpu.memory_space<hbm>>
      %dma_start3A_143 = arith.constant 0 : i32
      %dma_start3A_144 = tpu.memref_slice %arg3[%arg0, %add3A_120, %dma_start3A_143] : memref<2x10112x16xf32, #tpu.memory_space<hbm>> -> memref<1x64x16xf32, #tpu.memory_space<hbm>>
      %dma_start3A_145 = tpu.memref_squeeze %dma_start3A_144 : memref<1x64x16xf32, #tpu.memory_space<hbm>> -> memref<64x16xf32, #tpu.memory_space<hbm>>
      %dma_start3A_146 = arith.constant 0 : i32
      %dma_start3A_147 = arith.constant 0 : i32
      %dma_start3A_148 = tpu.memref_slice %arg6[%dma_start3A_146, %dma_start3A_147] : memref<64x16xf32, #tpu.memory_space<vmem>> -> memref<64x16xf32, #tpu.memory_space<vmem>>
      tpu.enqueue_dma source(%dma_start3A_148 : memref<64x16xf32, #tpu.memory_space<vmem>>) target(%dma_start3A_145 : memref<64x16xf32, #tpu.memory_space<hbm>>) target_semaphore(%run_scoped3A : memref<!tpu.dma_semaphore, #tpu.memory_space<semaphore_mem>>)
      %dma_wait3A_149 = arith.constant 0 : i32
      %dma_wait3A_150 = arith.constant 0 : i32
      %dma_wait3A_151 = tpu.memref_slice %arg6[%dma_wait3A_149, %dma_wait3A_150] : memref<64x16xf32, #tpu.memory_space<vmem>> -> memref<64x16xf32, #tpu.memory_space<vmem>>
      %dma_wait3A_152 = arith.constant 0 : i32
      %dma_wait3A_153 = tpu.memref_slice %arg3[%arg0, %add3A_120, %dma_wait3A_152] : memref<2x10112x16xf32, #tpu.memory_space<hbm>> -> memref<1x64x16xf32, #tpu.memory_space<hbm>>
      %dma_wait3A_154 = tpu.memref_squeeze %dma_wait3A_153 : memref<1x64x16xf32, #tpu.memory_space<hbm>> -> memref<64x16xf32, #tpu.memory_space<hbm>>
      %dma_wait3A_155 = arith.constant 0 : i32
      %dma_wait3A_156 = tpu.memref_slice %arg3[%arg0, %add3A_120, %dma_wait3A_155] : memref<2x10112x16xf32, #tpu.memory_space<hbm>> -> memref<1x64x16xf32, #tpu.memory_space<hbm>>
      %dma_wait3A_157 = tpu.memref_squeeze %dma_wait3A_156 : memref<1x64x16xf32, #tpu.memory_space<hbm>> -> memref<64x16xf32, #tpu.memory_space<hbm>>
      %dma_wait3A_158 = arith.constant 0 : i32
      %dma_wait3A_159 = arith.constant 0 : i32
      %dma_wait3A_160 = tpu.memref_slice %arg6[%dma_wait3A_158, %dma_wait3A_159] : memref<64x16xf32, #tpu.memory_space<vmem>> -> memref<64x16xf32, #tpu.memory_space<vmem>>
      tpu.wait_dma2 semaphore(%run_scoped3A : memref<!tpu.dma_semaphore, #tpu.memory_space<semaphore_mem>>) src(%dma_wait3A_160 : memref<64x16xf32, #tpu.memory_space<vmem>>) dst(%dma_wait3A_157 : memref<64x16xf32, #tpu.memory_space<hbm>>)
      tpu.yield
    }) : () -> ()
    %add3A_121 = arith.constant 384 : i32
    %add3A_122 = arith.addi %mul3A_2, %add3A_121 : i32
    "tpu.region"() ({
      %run_scoped3A = tpu.sem_alloc : memref<!tpu.dma_semaphore, #tpu.memory_space<semaphore_mem>>
      %dma_start3A_137 = arith.constant 0 : i32
      %dma_start3A_138 = arith.constant 0 : i32
      %dma_start3A_139 = tpu.memref_slice %arg6[%dma_start3A_137, %dma_start3A_138] : memref<64x16xf32, #tpu.memory_space<vmem>> -> memref<64x16xf32, #tpu.memory_space<vmem>>
      %dma_start3A_140 = arith.constant 0 : i32
      %dma_start3A_141 = tpu.memref_slice %arg7[%add3A_122, %dma_start3A_140] : memref<10112x16xf32, #tpu.memory_space<vmem_shared>> -> memref<64x16xf32, #tpu.memory_space<vmem_shared>>
      %dma_start3A_142 = arith.constant 0 : i32
      %dma_start3A_143 = arith.constant 0 : i32
      %dma_start3A_144 = tpu.memref_slice %arg6[%dma_start3A_142, %dma_start3A_143] : memref<64x16xf32, #tpu.memory_space<vmem>> -> memref<64x16xf32, #tpu.memory_space<vmem>>
      %dma_start3A_145 = arith.constant 0 : i32
      %dma_start3A_146 = tpu.memref_slice %arg7[%add3A_122, %dma_start3A_145] : memref<10112x16xf32, #tpu.memory_space<vmem_shared>> -> memref<64x16xf32, #tpu.memory_space<vmem_shared>>
      tpu.enqueue_dma source(%dma_start3A_146 : memref<64x16xf32, #tpu.memory_space<vmem_shared>>) target(%dma_start3A_144 : memref<64x16xf32, #tpu.memory_space<vmem>>) target_semaphore(%run_scoped3A : memref<!tpu.dma_semaphore, #tpu.memory_space<semaphore_mem>>)
      %dma_wait3A_147 = arith.constant 0 : i32
      %dma_wait3A_148 = arith.constant 0 : i32
      %dma_wait3A_149 = tpu.memref_slice %arg6[%dma_wait3A_147, %dma_wait3A_148] : memref<64x16xf32, #tpu.memory_space<vmem>> -> memref<64x16xf32, #tpu.memory_space<vmem>>
      %dma_wait3A_150 = arith.constant 0 : i32
      %dma_wait3A_151 = tpu.memref_slice %arg7[%add3A_122, %dma_wait3A_150] : memref<10112x16xf32, #tpu.memory_space<vmem_shared>> -> memref<64x16xf32, #tpu.memory_space<vmem_shared>>
      %dma_wait3A_152 = arith.constant 0 : i32
      %dma_wait3A_153 = arith.constant 0 : i32
      %dma_wait3A_154 = tpu.memref_slice %arg6[%dma_wait3A_152, %dma_wait3A_153] : memref<64x16xf32, #tpu.memory_space<vmem>> -> memref<64x16xf32, #tpu.memory_space<vmem>>
      %dma_wait3A_155 = arith.constant 0 : i32
      %dma_wait3A_156 = tpu.memref_slice %arg7[%add3A_122, %dma_wait3A_155] : memref<10112x16xf32, #tpu.memory_space<vmem_shared>> -> memref<64x16xf32, #tpu.memory_space<vmem_shared>>
      tpu.wait_dma2 semaphore(%run_scoped3A : memref<!tpu.dma_semaphore, #tpu.memory_space<semaphore_mem>>) src(%dma_wait3A_156 : memref<64x16xf32, #tpu.memory_space<vmem_shared>>) dst(%dma_wait3A_154 : memref<64x16xf32, #tpu.memory_space<vmem>>)
      tpu.yield
    }) : () -> ()
    %add3A_123 = arith.constant 384 : i32
    %add3A_124 = arith.addi %mul3A_2, %add3A_123 : i32
    "tpu.region"() ({
      %run_scoped3A = tpu.sem_alloc : memref<!tpu.dma_semaphore, #tpu.memory_space<semaphore_mem>>
      %dma_start3A_137 = arith.constant 0 : i32
      %dma_start3A_138 = arith.constant 0 : i32
      %dma_start3A_139 = tpu.memref_slice %arg6[%dma_start3A_137, %dma_start3A_138] : memref<64x16xf32, #tpu.memory_space<vmem>> -> memref<64x16xf32, #tpu.memory_space<vmem>>
      %dma_start3A_140 = arith.constant 0 : i32
      %dma_start3A_141 = tpu.memref_slice %arg3[%arg0, %add3A_124, %dma_start3A_140] : memref<2x10112x16xf32, #tpu.memory_space<hbm>> -> memref<1x64x16xf32, #tpu.memory_space<hbm>>
      %dma_start3A_142 = tpu.memref_squeeze %dma_start3A_141 : memref<1x64x16xf32, #tpu.memory_space<hbm>> -> memref<64x16xf32, #tpu.memory_space<hbm>>
      %dma_start3A_143 = arith.constant 0 : i32
      %dma_start3A_144 = tpu.memref_slice %arg3[%arg0, %add3A_124, %dma_start3A_143] : memref<2x10112x16xf32, #tpu.memory_space<hbm>> -> memref<1x64x16xf32, #tpu.memory_space<hbm>>
      %dma_start3A_145 = tpu.memref_squeeze %dma_start3A_144 : memref<1x64x16xf32, #tpu.memory_space<hbm>> -> memref<64x16xf32, #tpu.memory_space<hbm>>
      %dma_start3A_146 = arith.constant 0 : i32
      %dma_start3A_147 = arith.constant 0 : i32
      %dma_start3A_148 = tpu.memref_slice %arg6[%dma_start3A_146, %dma_start3A_147] : memref<64x16xf32, #tpu.memory_space<vmem>> -> memref<64x16xf32, #tpu.memory_space<vmem>>
      tpu.enqueue_dma source(%dma_start3A_148 : memref<64x16xf32, #tpu.memory_space<vmem>>) target(%dma_start3A_145 : memref<64x16xf32, #tpu.memory_space<hbm>>) target_semaphore(%run_scoped3A : memref<!tpu.dma_semaphore, #tpu.memory_space<semaphore_mem>>)
      %dma_wait3A_149 = arith.constant 0 : i32
      %dma_wait3A_150 = arith.constant 0 : i32
      %dma_wait3A_151 = tpu.memref_slice %arg6[%dma_wait3A_149, %dma_wait3A_150] : memref<64x16xf32, #tpu.memory_space<vmem>> -> memref<64x16xf32, #tpu.memory_space<vmem>>
      %dma_wait3A_152 = arith.constant 0 : i32
      %dma_wait3A_153 = tpu.memref_slice %arg3[%arg0, %add3A_124, %dma_wait3A_152] : memref<2x10112x16xf32, #tpu.memory_space<hbm>> -> memref<1x64x16xf32, #tpu.memory_space<hbm>>
      %dma_wait3A_154 = tpu.memref_squeeze %dma_wait3A_153 : memref<1x64x16xf32, #tpu.memory_space<hbm>> -> memref<64x16xf32, #tpu.memory_space<hbm>>
      %dma_wait3A_155 = arith.constant 0 : i32
      %dma_wait3A_156 = tpu.memref_slice %arg3[%arg0, %add3A_124, %dma_wait3A_155] : memref<2x10112x16xf32, #tpu.memory_space<hbm>> -> memref<1x64x16xf32, #tpu.memory_space<hbm>>
      %dma_wait3A_157 = tpu.memref_squeeze %dma_wait3A_156 : memref<1x64x16xf32, #tpu.memory_space<hbm>> -> memref<64x16xf32, #tpu.memory_space<hbm>>
      %dma_wait3A_158 = arith.constant 0 : i32
      %dma_wait3A_159 = arith.constant 0 : i32
      %dma_wait3A_160 = tpu.memref_slice %arg6[%dma_wait3A_158, %dma_wait3A_159] : memref<64x16xf32, #tpu.memory_space<vmem>> -> memref<64x16xf32, #tpu.memory_space<vmem>>
      tpu.wait_dma2 semaphore(%run_scoped3A : memref<!tpu.dma_semaphore, #tpu.memory_space<semaphore_mem>>) src(%dma_wait3A_160 : memref<64x16xf32, #tpu.memory_space<vmem>>) dst(%dma_wait3A_157 : memref<64x16xf32, #tpu.memory_space<hbm>>)
      tpu.yield
    }) : () -> ()
    %add3A_125 = arith.constant 448 : i32
    %add3A_126 = arith.addi %mul3A_2, %add3A_125 : i32
    "tpu.region"() ({
      %run_scoped3A = tpu.sem_alloc : memref<!tpu.dma_semaphore, #tpu.memory_space<semaphore_mem>>
      %dma_start3A_137 = arith.constant 0 : i32
      %dma_start3A_138 = arith.constant 0 : i32
      %dma_start3A_139 = tpu.memref_slice %arg6[%dma_start3A_137, %dma_start3A_138] : memref<64x16xf32, #tpu.memory_space<vmem>> -> memref<64x16xf32, #tpu.memory_space<vmem>>
      %dma_start3A_140 = arith.constant 0 : i32
      %dma_start3A_141 = tpu.memref_slice %arg7[%add3A_126, %dma_start3A_140] : memref<10112x16xf32, #tpu.memory_space<vmem_shared>> -> memref<64x16xf32, #tpu.memory_space<vmem_shared>>
      %dma_start3A_142 = arith.constant 0 : i32
      %dma_start3A_143 = arith.constant 0 : i32
      %dma_start3A_144 = tpu.memref_slice %arg6[%dma_start3A_142, %dma_start3A_143] : memref<64x16xf32, #tpu.memory_space<vmem>> -> memref<64x16xf32, #tpu.memory_space<vmem>>
      %dma_start3A_145 = arith.constant 0 : i32
      %dma_start3A_146 = tpu.memref_slice %arg7[%add3A_126, %dma_start3A_145] : memref<10112x16xf32, #tpu.memory_space<vmem_shared>> -> memref<64x16xf32, #tpu.memory_space<vmem_shared>>
      tpu.enqueue_dma source(%dma_start3A_146 : memref<64x16xf32, #tpu.memory_space<vmem_shared>>) target(%dma_start3A_144 : memref<64x16xf32, #tpu.memory_space<vmem>>) target_semaphore(%run_scoped3A : memref<!tpu.dma_semaphore, #tpu.memory_space<semaphore_mem>>)
      %dma_wait3A_147 = arith.constant 0 : i32
      %dma_wait3A_148 = arith.constant 0 : i32
      %dma_wait3A_149 = tpu.memref_slice %arg6[%dma_wait3A_147, %dma_wait3A_148] : memref<64x16xf32, #tpu.memory_space<vmem>> -> memref<64x16xf32, #tpu.memory_space<vmem>>
      %dma_wait3A_150 = arith.constant 0 : i32
      %dma_wait3A_151 = tpu.memref_slice %arg7[%add3A_126, %dma_wait3A_150] : memref<10112x16xf32, #tpu.memory_space<vmem_shared>> -> memref<64x16xf32, #tpu.memory_space<vmem_shared>>
      %dma_wait3A_152 = arith.constant 0 : i32
      %dma_wait3A_153 = arith.constant 0 : i32
      %dma_wait3A_154 = tpu.memref_slice %arg6[%dma_wait3A_152, %dma_wait3A_153] : memref<64x16xf32, #tpu.memory_space<vmem>> -> memref<64x16xf32, #tpu.memory_space<vmem>>
      %dma_wait3A_155 = arith.constant 0 : i32
      %dma_wait3A_156 = tpu.memref_slice %arg7[%add3A_126, %dma_wait3A_155] : memref<10112x16xf32, #tpu.memory_space<vmem_shared>> -> memref<64x16xf32, #tpu.memory_space<vmem_shared>>
      tpu.wait_dma2 semaphore(%run_scoped3A : memref<!tpu.dma_semaphore, #tpu.memory_space<semaphore_mem>>) src(%dma_wait3A_156 : memref<64x16xf32, #tpu.memory_space<vmem_shared>>) dst(%dma_wait3A_154 : memref<64x16xf32, #tpu.memory_space<vmem>>)
      tpu.yield
    }) : () -> ()
    %add3A_127 = arith.constant 448 : i32
    %add3A_128 = arith.addi %mul3A_2, %add3A_127 : i32
    "tpu.region"() ({
      %run_scoped3A = tpu.sem_alloc : memref<!tpu.dma_semaphore, #tpu.memory_space<semaphore_mem>>
      %dma_start3A_137 = arith.constant 0 : i32
      %dma_start3A_138 = arith.constant 0 : i32
      %dma_start3A_139 = tpu.memref_slice %arg6[%dma_start3A_137, %dma_start3A_138] : memref<64x16xf32, #tpu.memory_space<vmem>> -> memref<64x16xf32, #tpu.memory_space<vmem>>
      %dma_start3A_140 = arith.constant 0 : i32
      %dma_start3A_141 = tpu.memref_slice %arg3[%arg0, %add3A_128, %dma_start3A_140] : memref<2x10112x16xf32, #tpu.memory_space<hbm>> -> memref<1x64x16xf32, #tpu.memory_space<hbm>>
      %dma_start3A_142 = tpu.memref_squeeze %dma_start3A_141 : memref<1x64x16xf32, #tpu.memory_space<hbm>> -> memref<64x16xf32, #tpu.memory_space<hbm>>
      %dma_start3A_143 = arith.constant 0 : i32
      %dma_start3A_144 = tpu.memref_slice %arg3[%arg0, %add3A_128, %dma_start3A_143] : memref<2x10112x16xf32, #tpu.memory_space<hbm>> -> memref<1x64x16xf32, #tpu.memory_space<hbm>>
      %dma_start3A_145 = tpu.memref_squeeze %dma_start3A_144 : memref<1x64x16xf32, #tpu.memory_space<hbm>> -> memref<64x16xf32, #tpu.memory_space<hbm>>
      %dma_start3A_146 = arith.constant 0 : i32
      %dma_start3A_147 = arith.constant 0 : i32
      %dma_start3A_148 = tpu.memref_slice %arg6[%dma_start3A_146, %dma_start3A_147] : memref<64x16xf32, #tpu.memory_space<vmem>> -> memref<64x16xf32, #tpu.memory_space<vmem>>
      tpu.enqueue_dma source(%dma_start3A_148 : memref<64x16xf32, #tpu.memory_space<vmem>>) target(%dma_start3A_145 : memref<64x16xf32, #tpu.memory_space<hbm>>) target_semaphore(%run_scoped3A : memref<!tpu.dma_semaphore, #tpu.memory_space<semaphore_mem>>)
      %dma_wait3A_149 = arith.constant 0 : i32
      %dma_wait3A_150 = arith.constant 0 : i32
      %dma_wait3A_151 = tpu.memref_slice %arg6[%dma_wait3A_149, %dma_wait3A_150] : memref<64x16xf32, #tpu.memory_space<vmem>> -> memref<64x16xf32, #tpu.memory_space<vmem>>
      %dma_wait3A_152 = arith.constant 0 : i32
      %dma_wait3A_153 = tpu.memref_slice %arg3[%arg0, %add3A_128, %dma_wait3A_152] : memref<2x10112x16xf32, #tpu.memory_space<hbm>> -> memref<1x64x16xf32, #tpu.memory_space<hbm>>
      %dma_wait3A_154 = tpu.memref_squeeze %dma_wait3A_153 : memref<1x64x16xf32, #tpu.memory_space<hbm>> -> memref<64x16xf32, #tpu.memory_space<hbm>>
      %dma_wait3A_155 = arith.constant 0 : i32
      %dma_wait3A_156 = tpu.memref_slice %arg3[%arg0, %add3A_128, %dma_wait3A_155] : memref<2x10112x16xf32, #tpu.memory_space<hbm>> -> memref<1x64x16xf32, #tpu.memory_space<hbm>>
      %dma_wait3A_157 = tpu.memref_squeeze %dma_wait3A_156 : memref<1x64x16xf32, #tpu.memory_space<hbm>> -> memref<64x16xf32, #tpu.memory_space<hbm>>
      %dma_wait3A_158 = arith.constant 0 : i32
      %dma_wait3A_159 = arith.constant 0 : i32
      %dma_wait3A_160 = tpu.memref_slice %arg6[%dma_wait3A_158, %dma_wait3A_159] : memref<64x16xf32, #tpu.memory_space<vmem>> -> memref<64x16xf32, #tpu.memory_space<vmem>>
      tpu.wait_dma2 semaphore(%run_scoped3A : memref<!tpu.dma_semaphore, #tpu.memory_space<semaphore_mem>>) src(%dma_wait3A_160 : memref<64x16xf32, #tpu.memory_space<vmem>>) dst(%dma_wait3A_157 : memref<64x16xf32, #tpu.memory_space<hbm>>)
      tpu.yield
    }) : () -> ()
    %add3A_129 = arith.constant 512 : i32
    %add3A_130 = arith.addi %mul3A_2, %add3A_129 : i32
    "tpu.region"() ({
      %run_scoped3A = tpu.sem_alloc : memref<!tpu.dma_semaphore, #tpu.memory_space<semaphore_mem>>
      %dma_start3A_137 = arith.constant 0 : i32
      %dma_start3A_138 = arith.constant 0 : i32
      %dma_start3A_139 = tpu.memref_slice %arg6[%dma_start3A_137, %dma_start3A_138] : memref<64x16xf32, #tpu.memory_space<vmem>> -> memref<64x16xf32, #tpu.memory_space<vmem>>
      %dma_start3A_140 = arith.constant 0 : i32
      %dma_start3A_141 = tpu.memref_slice %arg7[%add3A_130, %dma_start3A_140] : memref<10112x16xf32, #tpu.memory_space<vmem_shared>> -> memref<64x16xf32, #tpu.memory_space<vmem_shared>>
      %dma_start3A_142 = arith.constant 0 : i32
      %dma_start3A_143 = arith.constant 0 : i32
      %dma_start3A_144 = tpu.memref_slice %arg6[%dma_start3A_142, %dma_start3A_143] : memref<64x16xf32, #tpu.memory_space<vmem>> -> memref<64x16xf32, #tpu.memory_space<vmem>>
      %dma_start3A_145 = arith.constant 0 : i32
      %dma_start3A_146 = tpu.memref_slice %arg7[%add3A_130, %dma_start3A_145] : memref<10112x16xf32, #tpu.memory_space<vmem_shared>> -> memref<64x16xf32, #tpu.memory_space<vmem_shared>>
      tpu.enqueue_dma source(%dma_start3A_146 : memref<64x16xf32, #tpu.memory_space<vmem_shared>>) target(%dma_start3A_144 : memref<64x16xf32, #tpu.memory_space<vmem>>) target_semaphore(%run_scoped3A : memref<!tpu.dma_semaphore, #tpu.memory_space<semaphore_mem>>)
      %dma_wait3A_147 = arith.constant 0 : i32
      %dma_wait3A_148 = arith.constant 0 : i32
      %dma_wait3A_149 = tpu.memref_slice %arg6[%dma_wait3A_147, %dma_wait3A_148] : memref<64x16xf32, #tpu.memory_space<vmem>> -> memref<64x16xf32, #tpu.memory_space<vmem>>
      %dma_wait3A_150 = arith.constant 0 : i32
      %dma_wait3A_151 = tpu.memref_slice %arg7[%add3A_130, %dma_wait3A_150] : memref<10112x16xf32, #tpu.memory_space<vmem_shared>> -> memref<64x16xf32, #tpu.memory_space<vmem_shared>>
      %dma_wait3A_152 = arith.constant 0 : i32
      %dma_wait3A_153 = arith.constant 0 : i32
      %dma_wait3A_154 = tpu.memref_slice %arg6[%dma_wait3A_152, %dma_wait3A_153] : memref<64x16xf32, #tpu.memory_space<vmem>> -> memref<64x16xf32, #tpu.memory_space<vmem>>
      %dma_wait3A_155 = arith.constant 0 : i32
      %dma_wait3A_156 = tpu.memref_slice %arg7[%add3A_130, %dma_wait3A_155] : memref<10112x16xf32, #tpu.memory_space<vmem_shared>> -> memref<64x16xf32, #tpu.memory_space<vmem_shared>>
      tpu.wait_dma2 semaphore(%run_scoped3A : memref<!tpu.dma_semaphore, #tpu.memory_space<semaphore_mem>>) src(%dma_wait3A_156 : memref<64x16xf32, #tpu.memory_space<vmem_shared>>) dst(%dma_wait3A_154 : memref<64x16xf32, #tpu.memory_space<vmem>>)
      tpu.yield
    }) : () -> ()
    %add3A_131 = arith.constant 512 : i32
    %add3A_132 = arith.addi %mul3A_2, %add3A_131 : i32
    "tpu.region"() ({
      %run_scoped3A = tpu.sem_alloc : memref<!tpu.dma_semaphore, #tpu.memory_space<semaphore_mem>>
      %dma_start3A_137 = arith.constant 0 : i32
      %dma_start3A_138 = arith.constant 0 : i32
      %dma_start3A_139 = tpu.memref_slice %arg6[%dma_start3A_137, %dma_start3A_138] : memref<64x16xf32, #tpu.memory_space<vmem>> -> memref<64x16xf32, #tpu.memory_space<vmem>>
      %dma_start3A_140 = arith.constant 0 : i32
      %dma_start3A_141 = tpu.memref_slice %arg3[%arg0, %add3A_132, %dma_start3A_140] : memref<2x10112x16xf32, #tpu.memory_space<hbm>> -> memref<1x64x16xf32, #tpu.memory_space<hbm>>
      %dma_start3A_142 = tpu.memref_squeeze %dma_start3A_141 : memref<1x64x16xf32, #tpu.memory_space<hbm>> -> memref<64x16xf32, #tpu.memory_space<hbm>>
      %dma_start3A_143 = arith.constant 0 : i32
      %dma_start3A_144 = tpu.memref_slice %arg3[%arg0, %add3A_132, %dma_start3A_143] : memref<2x10112x16xf32, #tpu.memory_space<hbm>> -> memref<1x64x16xf32, #tpu.memory_space<hbm>>
      %dma_start3A_145 = tpu.memref_squeeze %dma_start3A_144 : memref<1x64x16xf32, #tpu.memory_space<hbm>> -> memref<64x16xf32, #tpu.memory_space<hbm>>
      %dma_start3A_146 = arith.constant 0 : i32
      %dma_start3A_147 = arith.constant 0 : i32
      %dma_start3A_148 = tpu.memref_slice %arg6[%dma_start3A_146, %dma_start3A_147] : memref<64x16xf32, #tpu.memory_space<vmem>> -> memref<64x16xf32, #tpu.memory_space<vmem>>
      tpu.enqueue_dma source(%dma_start3A_148 : memref<64x16xf32, #tpu.memory_space<vmem>>) target(%dma_start3A_145 : memref<64x16xf32, #tpu.memory_space<hbm>>) target_semaphore(%run_scoped3A : memref<!tpu.dma_semaphore, #tpu.memory_space<semaphore_mem>>)
      %dma_wait3A_149 = arith.constant 0 : i32
      %dma_wait3A_150 = arith.constant 0 : i32
      %dma_wait3A_151 = tpu.memref_slice %arg6[%dma_wait3A_149, %dma_wait3A_150] : memref<64x16xf32, #tpu.memory_space<vmem>> -> memref<64x16xf32, #tpu.memory_space<vmem>>
      %dma_wait3A_152 = arith.constant 0 : i32
      %dma_wait3A_153 = tpu.memref_slice %arg3[%arg0, %add3A_132, %dma_wait3A_152] : memref<2x10112x16xf32, #tpu.memory_space<hbm>> -> memref<1x64x16xf32, #tpu.memory_space<hbm>>
      %dma_wait3A_154 = tpu.memref_squeeze %dma_wait3A_153 : memref<1x64x16xf32, #tpu.memory_space<hbm>> -> memref<64x16xf32, #tpu.memory_space<hbm>>
      %dma_wait3A_155 = arith.constant 0 : i32
      %dma_wait3A_156 = tpu.memref_slice %arg3[%arg0, %add3A_132, %dma_wait3A_155] : memref<2x10112x16xf32, #tpu.memory_space<hbm>> -> memref<1x64x16xf32, #tpu.memory_space<hbm>>
      %dma_wait3A_157 = tpu.memref_squeeze %dma_wait3A_156 : memref<1x64x16xf32, #tpu.memory_space<hbm>> -> memref<64x16xf32, #tpu.memory_space<hbm>>
      %dma_wait3A_158 = arith.constant 0 : i32
      %dma_wait3A_159 = arith.constant 0 : i32
      %dma_wait3A_160 = tpu.memref_slice %arg6[%dma_wait3A_158, %dma_wait3A_159] : memref<64x16xf32, #tpu.memory_space<vmem>> -> memref<64x16xf32, #tpu.memory_space<vmem>>
      tpu.wait_dma2 semaphore(%run_scoped3A : memref<!tpu.dma_semaphore, #tpu.memory_space<semaphore_mem>>) src(%dma_wait3A_160 : memref<64x16xf32, #tpu.memory_space<vmem>>) dst(%dma_wait3A_157 : memref<64x16xf32, #tpu.memory_space<hbm>>)
      tpu.yield
    }) : () -> ()
    %add3A_133 = arith.constant 576 : i32
    %add3A_134 = arith.addi %mul3A_2, %add3A_133 : i32
    "tpu.region"() ({
      %run_scoped3A = tpu.sem_alloc : memref<!tpu.dma_semaphore, #tpu.memory_space<semaphore_mem>>
      %dma_start3A_137 = arith.constant 0 : i32
      %dma_start3A_138 = arith.constant 0 : i32
      %dma_start3A_139 = tpu.memref_slice %arg6[%dma_start3A_137, %dma_start3A_138] : memref<64x16xf32, #tpu.memory_space<vmem>> -> memref<56x16xf32, #tpu.memory_space<vmem>>
      %dma_start3A_140 = arith.constant 0 : i32
      %dma_start3A_141 = tpu.memref_slice %arg7[%add3A_134, %dma_start3A_140] : memref<10112x16xf32, #tpu.memory_space<vmem_shared>> -> memref<56x16xf32, #tpu.memory_space<vmem_shared>>
      %dma_start3A_142 = arith.constant 0 : i32
      %dma_start3A_143 = arith.constant 0 : i32
      %dma_start3A_144 = tpu.memref_slice %arg6[%dma_start3A_142, %dma_start3A_143] : memref<64x16xf32, #tpu.memory_space<vmem>> -> memref<56x16xf32, #tpu.memory_space<vmem>>
      %dma_start3A_145 = arith.constant 0 : i32
      %dma_start3A_146 = tpu.memref_slice %arg7[%add3A_134, %dma_start3A_145] : memref<10112x16xf32, #tpu.memory_space<vmem_shared>> -> memref<56x16xf32, #tpu.memory_space<vmem_shared>>
      tpu.enqueue_dma source(%dma_start3A_146 : memref<56x16xf32, #tpu.memory_space<vmem_shared>>) target(%dma_start3A_144 : memref<56x16xf32, #tpu.memory_space<vmem>>) target_semaphore(%run_scoped3A : memref<!tpu.dma_semaphore, #tpu.memory_space<semaphore_mem>>)
      %dma_wait3A_147 = arith.constant 0 : i32
      %dma_wait3A_148 = arith.constant 0 : i32
      %dma_wait3A_149 = tpu.memref_slice %arg6[%dma_wait3A_147, %dma_wait3A_148] : memref<64x16xf32, #tpu.memory_space<vmem>> -> memref<56x16xf32, #tpu.memory_space<vmem>>
      %dma_wait3A_150 = arith.constant 0 : i32
      %dma_wait3A_151 = tpu.memref_slice %arg7[%add3A_134, %dma_wait3A_150] : memref<10112x16xf32, #tpu.memory_space<vmem_shared>> -> memref<56x16xf32, #tpu.memory_space<vmem_shared>>
      %dma_wait3A_152 = arith.constant 0 : i32
      %dma_wait3A_153 = arith.constant 0 : i32
      %dma_wait3A_154 = tpu.memref_slice %arg6[%dma_wait3A_152, %dma_wait3A_153] : memref<64x16xf32, #tpu.memory_space<vmem>> -> memref<56x16xf32, #tpu.memory_space<vmem>>
      %dma_wait3A_155 = arith.constant 0 : i32
      %dma_wait3A_156 = tpu.memref_slice %arg7[%add3A_134, %dma_wait3A_155] : memref<10112x16xf32, #tpu.memory_space<vmem_shared>> -> memref<56x16xf32, #tpu.memory_space<vmem_shared>>
      tpu.wait_dma2 semaphore(%run_scoped3A : memref<!tpu.dma_semaphore, #tpu.memory_space<semaphore_mem>>) src(%dma_wait3A_156 : memref<56x16xf32, #tpu.memory_space<vmem_shared>>) dst(%dma_wait3A_154 : memref<56x16xf32, #tpu.memory_space<vmem>>)
      tpu.yield
    }) : () -> ()
    %add3A_135 = arith.constant 576 : i32
    %add3A_136 = arith.addi %mul3A_2, %add3A_135 : i32
    "tpu.region"() ({
      %run_scoped3A = tpu.sem_alloc : memref<!tpu.dma_semaphore, #tpu.memory_space<semaphore_mem>>
      %dma_start3A_137 = arith.constant 0 : i32
      %dma_start3A_138 = arith.constant 0 : i32
      %dma_start3A_139 = tpu.memref_slice %arg6[%dma_start3A_137, %dma_start3A_138] : memref<64x16xf32, #tpu.memory_space<vmem>> -> memref<56x16xf32, #tpu.memory_space<vmem>>
      %dma_start3A_140 = arith.constant 0 : i32
      %dma_start3A_141 = tpu.memref_slice %arg3[%arg0, %add3A_136, %dma_start3A_140] : memref<2x10112x16xf32, #tpu.memory_space<hbm>> -> memref<1x56x16xf32, #tpu.memory_space<hbm>>
      %dma_start3A_142 = tpu.memref_squeeze %dma_start3A_141 : memref<1x56x16xf32, #tpu.memory_space<hbm>> -> memref<56x16xf32, #tpu.memory_space<hbm>>
      %dma_start3A_143 = arith.constant 0 : i32
      %dma_start3A_144 = tpu.memref_slice %arg3[%arg0, %add3A_136, %dma_start3A_143] : memref<2x10112x16xf32, #tpu.memory_space<hbm>> -> memref<1x56x16xf32, #tpu.memory_space<hbm>>
      %dma_start3A_145 = tpu.memref_squeeze %dma_start3A_144 : memref<1x56x16xf32, #tpu.memory_space<hbm>> -> memref<56x16xf32, #tpu.memory_space<hbm>>
      %dma_start3A_146 = arith.constant 0 : i32
      %dma_start3A_147 = arith.constant 0 : i32
      %dma_start3A_148 = tpu.memref_slice %arg6[%dma_start3A_146, %dma_start3A_147] : memref<64x16xf32, #tpu.memory_space<vmem>> -> memref<56x16xf32, #tpu.memory_space<vmem>>
      tpu.enqueue_dma source(%dma_start3A_148 : memref<56x16xf32, #tpu.memory_space<vmem>>) target(%dma_start3A_145 : memref<56x16xf32, #tpu.memory_space<hbm>>) target_semaphore(%run_scoped3A : memref<!tpu.dma_semaphore, #tpu.memory_space<semaphore_mem>>)
      %dma_wait3A_149 = arith.constant 0 : i32
      %dma_wait3A_150 = arith.constant 0 : i32
      %dma_wait3A_151 = tpu.memref_slice %arg6[%dma_wait3A_149, %dma_wait3A_150] : memref<64x16xf32, #tpu.memory_space<vmem>> -> memref<56x16xf32, #tpu.memory_space<vmem>>
      %dma_wait3A_152 = arith.constant 0 : i32
      %dma_wait3A_153 = tpu.memref_slice %arg3[%arg0, %add3A_136, %dma_wait3A_152] : memref<2x10112x16xf32, #tpu.memory_space<hbm>> -> memref<1x56x16xf32, #tpu.memory_space<hbm>>
      %dma_wait3A_154 = tpu.memref_squeeze %dma_wait3A_153 : memref<1x56x16xf32, #tpu.memory_space<hbm>> -> memref<56x16xf32, #tpu.memory_space<hbm>>
      %dma_wait3A_155 = arith.constant 0 : i32
      %dma_wait3A_156 = tpu.memref_slice %arg3[%arg0, %add3A_136, %dma_wait3A_155] : memref<2x10112x16xf32, #tpu.memory_space<hbm>> -> memref<1x56x16xf32, #tpu.memory_space<hbm>>
      %dma_wait3A_157 = tpu.memref_squeeze %dma_wait3A_156 : memref<1x56x16xf32, #tpu.memory_space<hbm>> -> memref<56x16xf32, #tpu.memory_space<hbm>>
      %dma_wait3A_158 = arith.constant 0 : i32
      %dma_wait3A_159 = arith.constant 0 : i32
      %dma_wait3A_160 = tpu.memref_slice %arg6[%dma_wait3A_158, %dma_wait3A_159] : memref<64x16xf32, #tpu.memory_space<vmem>> -> memref<56x16xf32, #tpu.memory_space<vmem>>
      tpu.wait_dma2 semaphore(%run_scoped3A : memref<!tpu.dma_semaphore, #tpu.memory_space<semaphore_mem>>) src(%dma_wait3A_160 : memref<56x16xf32, #tpu.memory_space<vmem>>) dst(%dma_wait3A_157 : memref<56x16xf32, #tpu.memory_space<hbm>>)
      tpu.yield
    }) : () -> ()
    return
  }
}

#map = affine_map<(d0, d1) -> (0, 0)>
#map1 = affine_map<(d0, d1) -> (0, 0, 0)>
module attributes {stable_mosaic.version = 14 : i64} {
  func.func @_sc_mp(%arg0: i32, %arg1: i32, %arg2: memref<20224x64xf32, #tpu.memory_space<hbm>>, %arg3: memref<2x2688x128xi32, #tpu.memory_space<hbm>>, %arg4: memref<2688x128xi32, #tpu.memory_space<hbm>>, %arg5: memref<2x10112x64xf32, #tpu.memory_space<hbm>>, %arg6: memref<168x128xi32, #tpu.memory_space<vmem>>, %arg7: memref<168x128xi32, #tpu.memory_space<vmem>>, %arg8: memref<128x64xf32, #tpu.memory_space<vmem>>, %arg9: memref<128x64xf32, #tpu.memory_space<vmem>>, %arg10: memref<128x64xf32, #tpu.memory_space<vmem>>, %arg11: memref<128x64xf32, #tpu.memory_space<vmem>>, %arg12: memref<64x64xf32, #tpu.memory_space<vmem>>, %arg13: memref<10112x64xf32, #tpu.memory_space<vmem_shared>>, %arg14: memref<!tpu.dma_semaphore, #tpu.memory_space<semaphore_mem>>, %arg15: memref<!tpu.dma_semaphore, #tpu.memory_space<semaphore_mem>>, %arg16: memref<!tpu.dma_semaphore, #tpu.memory_space<semaphore_mem>>, %arg17: memref<!tpu.dma_semaphore, #tpu.memory_space<semaphore_mem>>, %arg18: memref<!tpu.dma_semaphore, #tpu.memory_space<semaphore_mem>>, %arg19: memref<!tpu.dma_semaphore, #tpu.memory_space<semaphore_mem>>, %arg20: memref<!tpu.dma_semaphore, #tpu.memory_space<semaphore_mem>>, %arg21: memref<!tpu.dma_semaphore, #tpu.memory_space<semaphore_mem>>) attributes {dimension_semantics = [#tpu.dimension_semantics<core_parallel>, #tpu.dimension_semantics<subcore_parallel>], iteration_bounds = array<i64: 2, 16>, scalar_prefetch = 0 : i64, scratch_operands = 16 : i64, tpu.core_type = #tpu.core_type<sc_vector_subcore>, window_params = [{transform_indices = #map}, {transform_indices = #map1}, {transform_indices = #map}, {transform_indices = #map1}]} {
    %mul3A = arith.constant 632 : i32
    %mul3A_0 = arith.muli %arg1, %mul3A : i32
    %broadcast_in_dim3A = arith.constant 0.000000e+00 : f32
    %broadcast_in_dim3A_1 = vector.broadcast %broadcast_in_dim3A : f32 to vector<16xf32>
    %scan3A = arith.constant 0 : i32
    %scan3A_2 = arith.constant 64 : i32
    %scan3A_3 = arith.addi %scan3A, %scan3A_2 : i32
    %scan3A_4 = arith.constant 1 : i32
    scf.for %scan3A_167 = %scan3A to %scan3A_3 step %scan3A_4  : i32 {
      %swap3A = arith.index_cast %scan3A_167 : i32 to index
      %swap3A_168 = arith.constant 0 : index
      %swap3A_169 = tpu.vector_load %arg12[%swap3A, %swap3A_168] {strides = array<i32>} : memref<64x64xf32, #tpu.memory_space<vmem>>, vector<16xf32>,
      tpu.vector_store %arg12[%swap3A, %swap3A_168], %broadcast_in_dim3A_1 {strides = array<i32>} : memref<64x64xf32, #tpu.memory_space<vmem>>, vector<16xf32>,
      %swap3A_170 = arith.index_cast %scan3A_167 : i32 to index
      %swap3A_171 = arith.constant 16 : index
      %swap3A_172 = tpu.vector_load %arg12[%swap3A_170, %swap3A_171] {strides = array<i32>} : memref<64x64xf32, #tpu.memory_space<vmem>>, vector<16xf32>,
      tpu.vector_store %arg12[%swap3A_170, %swap3A_171], %broadcast_in_dim3A_1 {strides = array<i32>} : memref<64x64xf32, #tpu.memory_space<vmem>>, vector<16xf32>,
      %swap3A_173 = arith.index_cast %scan3A_167 : i32 to index
      %swap3A_174 = arith.constant 32 : index
      %swap3A_175 = tpu.vector_load %arg12[%swap3A_173, %swap3A_174] {strides = array<i32>} : memref<64x64xf32, #tpu.memory_space<vmem>>, vector<16xf32>,
      tpu.vector_store %arg12[%swap3A_173, %swap3A_174], %broadcast_in_dim3A_1 {strides = array<i32>} : memref<64x64xf32, #tpu.memory_space<vmem>>, vector<16xf32>,
      %swap3A_176 = arith.index_cast %scan3A_167 : i32 to index
      %swap3A_177 = arith.constant 48 : index
      %swap3A_178 = tpu.vector_load %arg12[%swap3A_176, %swap3A_177] {strides = array<i32>} : memref<64x64xf32, #tpu.memory_space<vmem>>, vector<16xf32>,
      tpu.vector_store %arg12[%swap3A_176, %swap3A_177], %broadcast_in_dim3A_1 {strides = array<i32>} : memref<64x64xf32, #tpu.memory_space<vmem>>, vector<16xf32>,
    }
    %scan3A_5 = arith.constant 64 : i32
    %add3A = arith.constant 0 : i32
    %add3A_6 = arith.addi %mul3A_0, %add3A : i32
    "tpu.region"() ({
      %run_scoped3A = tpu.sem_alloc : memref<!tpu.dma_semaphore, #tpu.memory_space<semaphore_mem>>
      %dma_start3A_167 = arith.constant 0 : i32
      %dma_start3A_168 = arith.constant 0 : i32
      %dma_start3A_169 = tpu.memref_slice %arg12[%dma_start3A_167, %dma_start3A_168] : memref<64x64xf32, #tpu.memory_space<vmem>> -> memref<64x64xf32, #tpu.memory_space<vmem>>
      %dma_start3A_170 = arith.constant 0 : i32
      %dma_start3A_171 = tpu.memref_slice %arg13[%add3A_6, %dma_start3A_170] : memref<10112x64xf32, #tpu.memory_space<vmem_shared>> -> memref<64x64xf32, #tpu.memory_space<vmem_shared>>
      %dma_start3A_172 = arith.constant 0 : i32
      %dma_start3A_173 = tpu.memref_slice %arg13[%add3A_6, %dma_start3A_172] : memref<10112x64xf32, #tpu.memory_space<vmem_shared>> -> memref<64x64xf32, #tpu.memory_space<vmem_shared>>
      %dma_start3A_174 = arith.constant 0 : i32
      %dma_start3A_175 = arith.constant 0 : i32
      %dma_start3A_176 = tpu.memref_slice %arg12[%dma_start3A_174, %dma_start3A_175] : memref<64x64xf32, #tpu.memory_space<vmem>> -> memref<64x64xf32, #tpu.memory_space<vmem>>
      tpu.enqueue_dma source(%dma_start3A_176 : memref<64x64xf32, #tpu.memory_space<vmem>>) target(%dma_start3A_173 : memref<64x64xf32, #tpu.memory_space<vmem_shared>>) target_semaphore(%run_scoped3A : memref<!tpu.dma_semaphore, #tpu.memory_space<semaphore_mem>>)
      %dma_wait3A_177 = arith.constant 0 : i32
      %dma_wait3A_178 = arith.constant 0 : i32
      %dma_wait3A_179 = tpu.memref_slice %arg12[%dma_wait3A_177, %dma_wait3A_178] : memref<64x64xf32, #tpu.memory_space<vmem>> -> memref<64x64xf32, #tpu.memory_space<vmem>>
      %dma_wait3A_180 = arith.constant 0 : i32
      %dma_wait3A_181 = tpu.memref_slice %arg13[%add3A_6, %dma_wait3A_180] : memref<10112x64xf32, #tpu.memory_space<vmem_shared>> -> memref<64x64xf32, #tpu.memory_space<vmem_shared>>
      %dma_wait3A_182 = arith.constant 0 : i32
      %dma_wait3A_183 = tpu.memref_slice %arg13[%add3A_6, %dma_wait3A_182] : memref<10112x64xf32, #tpu.memory_space<vmem_shared>> -> memref<64x64xf32, #tpu.memory_space<vmem_shared>>
      %dma_wait3A_184 = arith.constant 0 : i32
      %dma_wait3A_185 = arith.constant 0 : i32
      %dma_wait3A_186 = tpu.memref_slice %arg12[%dma_wait3A_184, %dma_wait3A_185] : memref<64x64xf32, #tpu.memory_space<vmem>> -> memref<64x64xf32, #tpu.memory_space<vmem>>
      tpu.wait_dma2 semaphore(%run_scoped3A : memref<!tpu.dma_semaphore, #tpu.memory_space<semaphore_mem>>) src(%dma_wait3A_186 : memref<64x64xf32, #tpu.memory_space<vmem>>) dst(%dma_wait3A_183 : memref<64x64xf32, #tpu.memory_space<vmem_shared>>)
      tpu.yield
    }) : () -> ()
    %add3A_7 = arith.constant 64 : i32
    %add3A_8 = arith.addi %mul3A_0, %add3A_7 : i32
    "tpu.region"() ({
      %run_scoped3A = tpu.sem_alloc : memref<!tpu.dma_semaphore, #tpu.memory_space<semaphore_mem>>
      %dma_start3A_167 = arith.constant 0 : i32
      %dma_start3A_168 = arith.constant 0 : i32
      %dma_start3A_169 = tpu.memref_slice %arg12[%dma_start3A_167, %dma_start3A_168] : memref<64x64xf32, #tpu.memory_space<vmem>> -> memref<64x64xf32, #tpu.memory_space<vmem>>
      %dma_start3A_170 = arith.constant 0 : i32
      %dma_start3A_171 = tpu.memref_slice %arg13[%add3A_8, %dma_start3A_170] : memref<10112x64xf32, #tpu.memory_space<vmem_shared>> -> memref<64x64xf32, #tpu.memory_space<vmem_shared>>
      %dma_start3A_172 = arith.constant 0 : i32
      %dma_start3A_173 = tpu.memref_slice %arg13[%add3A_8, %dma_start3A_172] : memref<10112x64xf32, #tpu.memory_space<vmem_shared>> -> memref<64x64xf32, #tpu.memory_space<vmem_shared>>
      %dma_start3A_174 = arith.constant 0 : i32
      %dma_start3A_175 = arith.constant 0 : i32
      %dma_start3A_176 = tpu.memref_slice %arg12[%dma_start3A_174, %dma_start3A_175] : memref<64x64xf32, #tpu.memory_space<vmem>> -> memref<64x64xf32, #tpu.memory_space<vmem>>
      tpu.enqueue_dma source(%dma_start3A_176 : memref<64x64xf32, #tpu.memory_space<vmem>>) target(%dma_start3A_173 : memref<64x64xf32, #tpu.memory_space<vmem_shared>>) target_semaphore(%run_scoped3A : memref<!tpu.dma_semaphore, #tpu.memory_space<semaphore_mem>>)
      %dma_wait3A_177 = arith.constant 0 : i32
      %dma_wait3A_178 = arith.constant 0 : i32
      %dma_wait3A_179 = tpu.memref_slice %arg12[%dma_wait3A_177, %dma_wait3A_178] : memref<64x64xf32, #tpu.memory_space<vmem>> -> memref<64x64xf32, #tpu.memory_space<vmem>>
      %dma_wait3A_180 = arith.constant 0 : i32
      %dma_wait3A_181 = tpu.memref_slice %arg13[%add3A_8, %dma_wait3A_180] : memref<10112x64xf32, #tpu.memory_space<vmem_shared>> -> memref<64x64xf32, #tpu.memory_space<vmem_shared>>
      %dma_wait3A_182 = arith.constant 0 : i32
      %dma_wait3A_183 = tpu.memref_slice %arg13[%add3A_8, %dma_wait3A_182] : memref<10112x64xf32, #tpu.memory_space<vmem_shared>> -> memref<64x64xf32, #tpu.memory_space<vmem_shared>>
      %dma_wait3A_184 = arith.constant 0 : i32
      %dma_wait3A_185 = arith.constant 0 : i32
      %dma_wait3A_186 = tpu.memref_slice %arg12[%dma_wait3A_184, %dma_wait3A_185] : memref<64x64xf32, #tpu.memory_space<vmem>> -> memref<64x64xf32, #tpu.memory_space<vmem>>
      tpu.wait_dma2 semaphore(%run_scoped3A : memref<!tpu.dma_semaphore, #tpu.memory_space<semaphore_mem>>) src(%dma_wait3A_186 : memref<64x64xf32, #tpu.memory_space<vmem>>) dst(%dma_wait3A_183 : memref<64x64xf32, #tpu.memory_space<vmem_shared>>)
      tpu.yield
    }) : () -> ()
    %add3A_9 = arith.constant 128 : i32
    %add3A_10 = arith.addi %mul3A_0, %add3A_9 : i32
    "tpu.region"() ({
      %run_scoped3A = tpu.sem_alloc : memref<!tpu.dma_semaphore, #tpu.memory_space<semaphore_mem>>
      %dma_start3A_167 = arith.constant 0 : i32
      %dma_start3A_168 = arith.constant 0 : i32
      %dma_start3A_169 = tpu.memref_slice %arg12[%dma_start3A_167, %dma_start3A_168] : memref<64x64xf32, #tpu.memory_space<vmem>> -> memref<64x64xf32, #tpu.memory_space<vmem>>
      %dma_start3A_170 = arith.constant 0 : i32
      %dma_start3A_171 = tpu.memref_slice %arg13[%add3A_10, %dma_start3A_170] : memref<10112x64xf32, #tpu.memory_space<vmem_shared>> -> memref<64x64xf32, #tpu.memory_space<vmem_shared>>
      %dma_start3A_172 = arith.constant 0 : i32
      %dma_start3A_173 = tpu.memref_slice %arg13[%add3A_10, %dma_start3A_172] : memref<10112x64xf32, #tpu.memory_space<vmem_shared>> -> memref<64x64xf32, #tpu.memory_space<vmem_shared>>
      %dma_start3A_174 = arith.constant 0 : i32
      %dma_start3A_175 = arith.constant 0 : i32
      %dma_start3A_176 = tpu.memref_slice %arg12[%dma_start3A_174, %dma_start3A_175] : memref<64x64xf32, #tpu.memory_space<vmem>> -> memref<64x64xf32, #tpu.memory_space<vmem>>
      tpu.enqueue_dma source(%dma_start3A_176 : memref<64x64xf32, #tpu.memory_space<vmem>>) target(%dma_start3A_173 : memref<64x64xf32, #tpu.memory_space<vmem_shared>>) target_semaphore(%run_scoped3A : memref<!tpu.dma_semaphore, #tpu.memory_space<semaphore_mem>>)
      %dma_wait3A_177 = arith.constant 0 : i32
      %dma_wait3A_178 = arith.constant 0 : i32
      %dma_wait3A_179 = tpu.memref_slice %arg12[%dma_wait3A_177, %dma_wait3A_178] : memref<64x64xf32, #tpu.memory_space<vmem>> -> memref<64x64xf32, #tpu.memory_space<vmem>>
      %dma_wait3A_180 = arith.constant 0 : i32
      %dma_wait3A_181 = tpu.memref_slice %arg13[%add3A_10, %dma_wait3A_180] : memref<10112x64xf32, #tpu.memory_space<vmem_shared>> -> memref<64x64xf32, #tpu.memory_space<vmem_shared>>
      %dma_wait3A_182 = arith.constant 0 : i32
      %dma_wait3A_183 = tpu.memref_slice %arg13[%add3A_10, %dma_wait3A_182] : memref<10112x64xf32, #tpu.memory_space<vmem_shared>> -> memref<64x64xf32, #tpu.memory_space<vmem_shared>>
      %dma_wait3A_184 = arith.constant 0 : i32
      %dma_wait3A_185 = arith.constant 0 : i32
      %dma_wait3A_186 = tpu.memref_slice %arg12[%dma_wait3A_184, %dma_wait3A_185] : memref<64x64xf32, #tpu.memory_space<vmem>> -> memref<64x64xf32, #tpu.memory_space<vmem>>
      tpu.wait_dma2 semaphore(%run_scoped3A : memref<!tpu.dma_semaphore, #tpu.memory_space<semaphore_mem>>) src(%dma_wait3A_186 : memref<64x64xf32, #tpu.memory_space<vmem>>) dst(%dma_wait3A_183 : memref<64x64xf32, #tpu.memory_space<vmem_shared>>)
      tpu.yield
    }) : () -> ()
    %add3A_11 = arith.constant 192 : i32
    %add3A_12 = arith.addi %mul3A_0, %add3A_11 : i32
    "tpu.region"() ({
      %run_scoped3A = tpu.sem_alloc : memref<!tpu.dma_semaphore, #tpu.memory_space<semaphore_mem>>
      %dma_start3A_167 = arith.constant 0 : i32
      %dma_start3A_168 = arith.constant 0 : i32
      %dma_start3A_169 = tpu.memref_slice %arg12[%dma_start3A_167, %dma_start3A_168] : memref<64x64xf32, #tpu.memory_space<vmem>> -> memref<64x64xf32, #tpu.memory_space<vmem>>
      %dma_start3A_170 = arith.constant 0 : i32
      %dma_start3A_171 = tpu.memref_slice %arg13[%add3A_12, %dma_start3A_170] : memref<10112x64xf32, #tpu.memory_space<vmem_shared>> -> memref<64x64xf32, #tpu.memory_space<vmem_shared>>
      %dma_start3A_172 = arith.constant 0 : i32
      %dma_start3A_173 = tpu.memref_slice %arg13[%add3A_12, %dma_start3A_172] : memref<10112x64xf32, #tpu.memory_space<vmem_shared>> -> memref<64x64xf32, #tpu.memory_space<vmem_shared>>
      %dma_start3A_174 = arith.constant 0 : i32
      %dma_start3A_175 = arith.constant 0 : i32
      %dma_start3A_176 = tpu.memref_slice %arg12[%dma_start3A_174, %dma_start3A_175] : memref<64x64xf32, #tpu.memory_space<vmem>> -> memref<64x64xf32, #tpu.memory_space<vmem>>
      tpu.enqueue_dma source(%dma_start3A_176 : memref<64x64xf32, #tpu.memory_space<vmem>>) target(%dma_start3A_173 : memref<64x64xf32, #tpu.memory_space<vmem_shared>>) target_semaphore(%run_scoped3A : memref<!tpu.dma_semaphore, #tpu.memory_space<semaphore_mem>>)
      %dma_wait3A_177 = arith.constant 0 : i32
      %dma_wait3A_178 = arith.constant 0 : i32
      %dma_wait3A_179 = tpu.memref_slice %arg12[%dma_wait3A_177, %dma_wait3A_178] : memref<64x64xf32, #tpu.memory_space<vmem>> -> memref<64x64xf32, #tpu.memory_space<vmem>>
      %dma_wait3A_180 = arith.constant 0 : i32
      %dma_wait3A_181 = tpu.memref_slice %arg13[%add3A_12, %dma_wait3A_180] : memref<10112x64xf32, #tpu.memory_space<vmem_shared>> -> memref<64x64xf32, #tpu.memory_space<vmem_shared>>
      %dma_wait3A_182 = arith.constant 0 : i32
      %dma_wait3A_183 = tpu.memref_slice %arg13[%add3A_12, %dma_wait3A_182] : memref<10112x64xf32, #tpu.memory_space<vmem_shared>> -> memref<64x64xf32, #tpu.memory_space<vmem_shared>>
      %dma_wait3A_184 = arith.constant 0 : i32
      %dma_wait3A_185 = arith.constant 0 : i32
      %dma_wait3A_186 = tpu.memref_slice %arg12[%dma_wait3A_184, %dma_wait3A_185] : memref<64x64xf32, #tpu.memory_space<vmem>> -> memref<64x64xf32, #tpu.memory_space<vmem>>
      tpu.wait_dma2 semaphore(%run_scoped3A : memref<!tpu.dma_semaphore, #tpu.memory_space<semaphore_mem>>) src(%dma_wait3A_186 : memref<64x64xf32, #tpu.memory_space<vmem>>) dst(%dma_wait3A_183 : memref<64x64xf32, #tpu.memory_space<vmem_shared>>)
      tpu.yield
    }) : () -> ()
    %add3A_13 = arith.constant 256 : i32
    %add3A_14 = arith.addi %mul3A_0, %add3A_13 : i32
    "tpu.region"() ({
      %run_scoped3A = tpu.sem_alloc : memref<!tpu.dma_semaphore, #tpu.memory_space<semaphore_mem>>
      %dma_start3A_167 = arith.constant 0 : i32
      %dma_start3A_168 = arith.constant 0 : i32
      %dma_start3A_169 = tpu.memref_slice %arg12[%dma_start3A_167, %dma_start3A_168] : memref<64x64xf32, #tpu.memory_space<vmem>> -> memref<64x64xf32, #tpu.memory_space<vmem>>
      %dma_start3A_170 = arith.constant 0 : i32
      %dma_start3A_171 = tpu.memref_slice %arg13[%add3A_14, %dma_start3A_170] : memref<10112x64xf32, #tpu.memory_space<vmem_shared>> -> memref<64x64xf32, #tpu.memory_space<vmem_shared>>
      %dma_start3A_172 = arith.constant 0 : i32
      %dma_start3A_173 = tpu.memref_slice %arg13[%add3A_14, %dma_start3A_172] : memref<10112x64xf32, #tpu.memory_space<vmem_shared>> -> memref<64x64xf32, #tpu.memory_space<vmem_shared>>
      %dma_start3A_174 = arith.constant 0 : i32
      %dma_start3A_175 = arith.constant 0 : i32
      %dma_start3A_176 = tpu.memref_slice %arg12[%dma_start3A_174, %dma_start3A_175] : memref<64x64xf32, #tpu.memory_space<vmem>> -> memref<64x64xf32, #tpu.memory_space<vmem>>
      tpu.enqueue_dma source(%dma_start3A_176 : memref<64x64xf32, #tpu.memory_space<vmem>>) target(%dma_start3A_173 : memref<64x64xf32, #tpu.memory_space<vmem_shared>>) target_semaphore(%run_scoped3A : memref<!tpu.dma_semaphore, #tpu.memory_space<semaphore_mem>>)
      %dma_wait3A_177 = arith.constant 0 : i32
      %dma_wait3A_178 = arith.constant 0 : i32
      %dma_wait3A_179 = tpu.memref_slice %arg12[%dma_wait3A_177, %dma_wait3A_178] : memref<64x64xf32, #tpu.memory_space<vmem>> -> memref<64x64xf32, #tpu.memory_space<vmem>>
      %dma_wait3A_180 = arith.constant 0 : i32
      %dma_wait3A_181 = tpu.memref_slice %arg13[%add3A_14, %dma_wait3A_180] : memref<10112x64xf32, #tpu.memory_space<vmem_shared>> -> memref<64x64xf32, #tpu.memory_space<vmem_shared>>
      %dma_wait3A_182 = arith.constant 0 : i32
      %dma_wait3A_183 = tpu.memref_slice %arg13[%add3A_14, %dma_wait3A_182] : memref<10112x64xf32, #tpu.memory_space<vmem_shared>> -> memref<64x64xf32, #tpu.memory_space<vmem_shared>>
      %dma_wait3A_184 = arith.constant 0 : i32
      %dma_wait3A_185 = arith.constant 0 : i32
      %dma_wait3A_186 = tpu.memref_slice %arg12[%dma_wait3A_184, %dma_wait3A_185] : memref<64x64xf32, #tpu.memory_space<vmem>> -> memref<64x64xf32, #tpu.memory_space<vmem>>
      tpu.wait_dma2 semaphore(%run_scoped3A : memref<!tpu.dma_semaphore, #tpu.memory_space<semaphore_mem>>) src(%dma_wait3A_186 : memref<64x64xf32, #tpu.memory_space<vmem>>) dst(%dma_wait3A_183 : memref<64x64xf32, #tpu.memory_space<vmem_shared>>)
      tpu.yield
    }) : () -> ()
    %add3A_15 = arith.constant 320 : i32
    %add3A_16 = arith.addi %mul3A_0, %add3A_15 : i32
    "tpu.region"() ({
      %run_scoped3A = tpu.sem_alloc : memref<!tpu.dma_semaphore, #tpu.memory_space<semaphore_mem>>
      %dma_start3A_167 = arith.constant 0 : i32
      %dma_start3A_168 = arith.constant 0 : i32
      %dma_start3A_169 = tpu.memref_slice %arg12[%dma_start3A_167, %dma_start3A_168] : memref<64x64xf32, #tpu.memory_space<vmem>> -> memref<64x64xf32, #tpu.memory_space<vmem>>
      %dma_start3A_170 = arith.constant 0 : i32
      %dma_start3A_171 = tpu.memref_slice %arg13[%add3A_16, %dma_start3A_170] : memref<10112x64xf32, #tpu.memory_space<vmem_shared>> -> memref<64x64xf32, #tpu.memory_space<vmem_shared>>
      %dma_start3A_172 = arith.constant 0 : i32
      %dma_start3A_173 = tpu.memref_slice %arg13[%add3A_16, %dma_start3A_172] : memref<10112x64xf32, #tpu.memory_space<vmem_shared>> -> memref<64x64xf32, #tpu.memory_space<vmem_shared>>
      %dma_start3A_174 = arith.constant 0 : i32
      %dma_start3A_175 = arith.constant 0 : i32
      %dma_start3A_176 = tpu.memref_slice %arg12[%dma_start3A_174, %dma_start3A_175] : memref<64x64xf32, #tpu.memory_space<vmem>> -> memref<64x64xf32, #tpu.memory_space<vmem>>
      tpu.enqueue_dma source(%dma_start3A_176 : memref<64x64xf32, #tpu.memory_space<vmem>>) target(%dma_start3A_173 : memref<64x64xf32, #tpu.memory_space<vmem_shared>>) target_semaphore(%run_scoped3A : memref<!tpu.dma_semaphore, #tpu.memory_space<semaphore_mem>>)
      %dma_wait3A_177 = arith.constant 0 : i32
      %dma_wait3A_178 = arith.constant 0 : i32
      %dma_wait3A_179 = tpu.memref_slice %arg12[%dma_wait3A_177, %dma_wait3A_178] : memref<64x64xf32, #tpu.memory_space<vmem>> -> memref<64x64xf32, #tpu.memory_space<vmem>>
      %dma_wait3A_180 = arith.constant 0 : i32
      %dma_wait3A_181 = tpu.memref_slice %arg13[%add3A_16, %dma_wait3A_180] : memref<10112x64xf32, #tpu.memory_space<vmem_shared>> -> memref<64x64xf32, #tpu.memory_space<vmem_shared>>
      %dma_wait3A_182 = arith.constant 0 : i32
      %dma_wait3A_183 = tpu.memref_slice %arg13[%add3A_16, %dma_wait3A_182] : memref<10112x64xf32, #tpu.memory_space<vmem_shared>> -> memref<64x64xf32, #tpu.memory_space<vmem_shared>>
      %dma_wait3A_184 = arith.constant 0 : i32
      %dma_wait3A_185 = arith.constant 0 : i32
      %dma_wait3A_186 = tpu.memref_slice %arg12[%dma_wait3A_184, %dma_wait3A_185] : memref<64x64xf32, #tpu.memory_space<vmem>> -> memref<64x64xf32, #tpu.memory_space<vmem>>
      tpu.wait_dma2 semaphore(%run_scoped3A : memref<!tpu.dma_semaphore, #tpu.memory_space<semaphore_mem>>) src(%dma_wait3A_186 : memref<64x64xf32, #tpu.memory_space<vmem>>) dst(%dma_wait3A_183 : memref<64x64xf32, #tpu.memory_space<vmem_shared>>)
      tpu.yield
    }) : () -> ()
    %add3A_17 = arith.constant 384 : i32
    %add3A_18 = arith.addi %mul3A_0, %add3A_17 : i32
    "tpu.region"() ({
      %run_scoped3A = tpu.sem_alloc : memref<!tpu.dma_semaphore, #tpu.memory_space<semaphore_mem>>
      %dma_start3A_167 = arith.constant 0 : i32
      %dma_start3A_168 = arith.constant 0 : i32
      %dma_start3A_169 = tpu.memref_slice %arg12[%dma_start3A_167, %dma_start3A_168] : memref<64x64xf32, #tpu.memory_space<vmem>> -> memref<64x64xf32, #tpu.memory_space<vmem>>
      %dma_start3A_170 = arith.constant 0 : i32
      %dma_start3A_171 = tpu.memref_slice %arg13[%add3A_18, %dma_start3A_170] : memref<10112x64xf32, #tpu.memory_space<vmem_shared>> -> memref<64x64xf32, #tpu.memory_space<vmem_shared>>
      %dma_start3A_172 = arith.constant 0 : i32
      %dma_start3A_173 = tpu.memref_slice %arg13[%add3A_18, %dma_start3A_172] : memref<10112x64xf32, #tpu.memory_space<vmem_shared>> -> memref<64x64xf32, #tpu.memory_space<vmem_shared>>
      %dma_start3A_174 = arith.constant 0 : i32
      %dma_start3A_175 = arith.constant 0 : i32
      %dma_start3A_176 = tpu.memref_slice %arg12[%dma_start3A_174, %dma_start3A_175] : memref<64x64xf32, #tpu.memory_space<vmem>> -> memref<64x64xf32, #tpu.memory_space<vmem>>
      tpu.enqueue_dma source(%dma_start3A_176 : memref<64x64xf32, #tpu.memory_space<vmem>>) target(%dma_start3A_173 : memref<64x64xf32, #tpu.memory_space<vmem_shared>>) target_semaphore(%run_scoped3A : memref<!tpu.dma_semaphore, #tpu.memory_space<semaphore_mem>>)
      %dma_wait3A_177 = arith.constant 0 : i32
      %dma_wait3A_178 = arith.constant 0 : i32
      %dma_wait3A_179 = tpu.memref_slice %arg12[%dma_wait3A_177, %dma_wait3A_178] : memref<64x64xf32, #tpu.memory_space<vmem>> -> memref<64x64xf32, #tpu.memory_space<vmem>>
      %dma_wait3A_180 = arith.constant 0 : i32
      %dma_wait3A_181 = tpu.memref_slice %arg13[%add3A_18, %dma_wait3A_180] : memref<10112x64xf32, #tpu.memory_space<vmem_shared>> -> memref<64x64xf32, #tpu.memory_space<vmem_shared>>
      %dma_wait3A_182 = arith.constant 0 : i32
      %dma_wait3A_183 = tpu.memref_slice %arg13[%add3A_18, %dma_wait3A_182] : memref<10112x64xf32, #tpu.memory_space<vmem_shared>> -> memref<64x64xf32, #tpu.memory_space<vmem_shared>>
      %dma_wait3A_184 = arith.constant 0 : i32
      %dma_wait3A_185 = arith.constant 0 : i32
      %dma_wait3A_186 = tpu.memref_slice %arg12[%dma_wait3A_184, %dma_wait3A_185] : memref<64x64xf32, #tpu.memory_space<vmem>> -> memref<64x64xf32, #tpu.memory_space<vmem>>
      tpu.wait_dma2 semaphore(%run_scoped3A : memref<!tpu.dma_semaphore, #tpu.memory_space<semaphore_mem>>) src(%dma_wait3A_186 : memref<64x64xf32, #tpu.memory_space<vmem>>) dst(%dma_wait3A_183 : memref<64x64xf32, #tpu.memory_space<vmem_shared>>)
      tpu.yield
    }) : () -> ()
    %add3A_19 = arith.constant 448 : i32
    %add3A_20 = arith.addi %mul3A_0, %add3A_19 : i32
    "tpu.region"() ({
      %run_scoped3A = tpu.sem_alloc : memref<!tpu.dma_semaphore, #tpu.memory_space<semaphore_mem>>
      %dma_start3A_167 = arith.constant 0 : i32
      %dma_start3A_168 = arith.constant 0 : i32
      %dma_start3A_169 = tpu.memref_slice %arg12[%dma_start3A_167, %dma_start3A_168] : memref<64x64xf32, #tpu.memory_space<vmem>> -> memref<64x64xf32, #tpu.memory_space<vmem>>
      %dma_start3A_170 = arith.constant 0 : i32
      %dma_start3A_171 = tpu.memref_slice %arg13[%add3A_20, %dma_start3A_170] : memref<10112x64xf32, #tpu.memory_space<vmem_shared>> -> memref<64x64xf32, #tpu.memory_space<vmem_shared>>
      %dma_start3A_172 = arith.constant 0 : i32
      %dma_start3A_173 = tpu.memref_slice %arg13[%add3A_20, %dma_start3A_172] : memref<10112x64xf32, #tpu.memory_space<vmem_shared>> -> memref<64x64xf32, #tpu.memory_space<vmem_shared>>
      %dma_start3A_174 = arith.constant 0 : i32
      %dma_start3A_175 = arith.constant 0 : i32
      %dma_start3A_176 = tpu.memref_slice %arg12[%dma_start3A_174, %dma_start3A_175] : memref<64x64xf32, #tpu.memory_space<vmem>> -> memref<64x64xf32, #tpu.memory_space<vmem>>
      tpu.enqueue_dma source(%dma_start3A_176 : memref<64x64xf32, #tpu.memory_space<vmem>>) target(%dma_start3A_173 : memref<64x64xf32, #tpu.memory_space<vmem_shared>>) target_semaphore(%run_scoped3A : memref<!tpu.dma_semaphore, #tpu.memory_space<semaphore_mem>>)
      %dma_wait3A_177 = arith.constant 0 : i32
      %dma_wait3A_178 = arith.constant 0 : i32
      %dma_wait3A_179 = tpu.memref_slice %arg12[%dma_wait3A_177, %dma_wait3A_178] : memref<64x64xf32, #tpu.memory_space<vmem>> -> memref<64x64xf32, #tpu.memory_space<vmem>>
      %dma_wait3A_180 = arith.constant 0 : i32
      %dma_wait3A_181 = tpu.memref_slice %arg13[%add3A_20, %dma_wait3A_180] : memref<10112x64xf32, #tpu.memory_space<vmem_shared>> -> memref<64x64xf32, #tpu.memory_space<vmem_shared>>
      %dma_wait3A_182 = arith.constant 0 : i32
      %dma_wait3A_183 = tpu.memref_slice %arg13[%add3A_20, %dma_wait3A_182] : memref<10112x64xf32, #tpu.memory_space<vmem_shared>> -> memref<64x64xf32, #tpu.memory_space<vmem_shared>>
      %dma_wait3A_184 = arith.constant 0 : i32
      %dma_wait3A_185 = arith.constant 0 : i32
      %dma_wait3A_186 = tpu.memref_slice %arg12[%dma_wait3A_184, %dma_wait3A_185] : memref<64x64xf32, #tpu.memory_space<vmem>> -> memref<64x64xf32, #tpu.memory_space<vmem>>
      tpu.wait_dma2 semaphore(%run_scoped3A : memref<!tpu.dma_semaphore, #tpu.memory_space<semaphore_mem>>) src(%dma_wait3A_186 : memref<64x64xf32, #tpu.memory_space<vmem>>) dst(%dma_wait3A_183 : memref<64x64xf32, #tpu.memory_space<vmem_shared>>)
      tpu.yield
    }) : () -> ()
    %add3A_21 = arith.constant 512 : i32
    %add3A_22 = arith.addi %mul3A_0, %add3A_21 : i32
    "tpu.region"() ({
      %run_scoped3A = tpu.sem_alloc : memref<!tpu.dma_semaphore, #tpu.memory_space<semaphore_mem>>
      %dma_start3A_167 = arith.constant 0 : i32
      %dma_start3A_168 = arith.constant 0 : i32
      %dma_start3A_169 = tpu.memref_slice %arg12[%dma_start3A_167, %dma_start3A_168] : memref<64x64xf32, #tpu.memory_space<vmem>> -> memref<64x64xf32, #tpu.memory_space<vmem>>
      %dma_start3A_170 = arith.constant 0 : i32
      %dma_start3A_171 = tpu.memref_slice %arg13[%add3A_22, %dma_start3A_170] : memref<10112x64xf32, #tpu.memory_space<vmem_shared>> -> memref<64x64xf32, #tpu.memory_space<vmem_shared>>
      %dma_start3A_172 = arith.constant 0 : i32
      %dma_start3A_173 = tpu.memref_slice %arg13[%add3A_22, %dma_start3A_172] : memref<10112x64xf32, #tpu.memory_space<vmem_shared>> -> memref<64x64xf32, #tpu.memory_space<vmem_shared>>
      %dma_start3A_174 = arith.constant 0 : i32
      %dma_start3A_175 = arith.constant 0 : i32
      %dma_start3A_176 = tpu.memref_slice %arg12[%dma_start3A_174, %dma_start3A_175] : memref<64x64xf32, #tpu.memory_space<vmem>> -> memref<64x64xf32, #tpu.memory_space<vmem>>
      tpu.enqueue_dma source(%dma_start3A_176 : memref<64x64xf32, #tpu.memory_space<vmem>>) target(%dma_start3A_173 : memref<64x64xf32, #tpu.memory_space<vmem_shared>>) target_semaphore(%run_scoped3A : memref<!tpu.dma_semaphore, #tpu.memory_space<semaphore_mem>>)
      %dma_wait3A_177 = arith.constant 0 : i32
      %dma_wait3A_178 = arith.constant 0 : i32
      %dma_wait3A_179 = tpu.memref_slice %arg12[%dma_wait3A_177, %dma_wait3A_178] : memref<64x64xf32, #tpu.memory_space<vmem>> -> memref<64x64xf32, #tpu.memory_space<vmem>>
      %dma_wait3A_180 = arith.constant 0 : i32
      %dma_wait3A_181 = tpu.memref_slice %arg13[%add3A_22, %dma_wait3A_180] : memref<10112x64xf32, #tpu.memory_space<vmem_shared>> -> memref<64x64xf32, #tpu.memory_space<vmem_shared>>
      %dma_wait3A_182 = arith.constant 0 : i32
      %dma_wait3A_183 = tpu.memref_slice %arg13[%add3A_22, %dma_wait3A_182] : memref<10112x64xf32, #tpu.memory_space<vmem_shared>> -> memref<64x64xf32, #tpu.memory_space<vmem_shared>>
      %dma_wait3A_184 = arith.constant 0 : i32
      %dma_wait3A_185 = arith.constant 0 : i32
      %dma_wait3A_186 = tpu.memref_slice %arg12[%dma_wait3A_184, %dma_wait3A_185] : memref<64x64xf32, #tpu.memory_space<vmem>> -> memref<64x64xf32, #tpu.memory_space<vmem>>
      tpu.wait_dma2 semaphore(%run_scoped3A : memref<!tpu.dma_semaphore, #tpu.memory_space<semaphore_mem>>) src(%dma_wait3A_186 : memref<64x64xf32, #tpu.memory_space<vmem>>) dst(%dma_wait3A_183 : memref<64x64xf32, #tpu.memory_space<vmem_shared>>)
      tpu.yield
    }) : () -> ()
    %add3A_23 = arith.constant 576 : i32
    %add3A_24 = arith.addi %mul3A_0, %add3A_23 : i32
    "tpu.region"() ({
      %run_scoped3A = tpu.sem_alloc : memref<!tpu.dma_semaphore, #tpu.memory_space<semaphore_mem>>
      %dma_start3A_167 = arith.constant 0 : i32
      %dma_start3A_168 = arith.constant 0 : i32
      %dma_start3A_169 = tpu.memref_slice %arg12[%dma_start3A_167, %dma_start3A_168] : memref<64x64xf32, #tpu.memory_space<vmem>> -> memref<56x64xf32, #tpu.memory_space<vmem>>
      %dma_start3A_170 = arith.constant 0 : i32
      %dma_start3A_171 = tpu.memref_slice %arg13[%add3A_24, %dma_start3A_170] : memref<10112x64xf32, #tpu.memory_space<vmem_shared>> -> memref<56x64xf32, #tpu.memory_space<vmem_shared>>
      %dma_start3A_172 = arith.constant 0 : i32
      %dma_start3A_173 = tpu.memref_slice %arg13[%add3A_24, %dma_start3A_172] : memref<10112x64xf32, #tpu.memory_space<vmem_shared>> -> memref<56x64xf32, #tpu.memory_space<vmem_shared>>
      %dma_start3A_174 = arith.constant 0 : i32
      %dma_start3A_175 = arith.constant 0 : i32
      %dma_start3A_176 = tpu.memref_slice %arg12[%dma_start3A_174, %dma_start3A_175] : memref<64x64xf32, #tpu.memory_space<vmem>> -> memref<56x64xf32, #tpu.memory_space<vmem>>
      tpu.enqueue_dma source(%dma_start3A_176 : memref<56x64xf32, #tpu.memory_space<vmem>>) target(%dma_start3A_173 : memref<56x64xf32, #tpu.memory_space<vmem_shared>>) target_semaphore(%run_scoped3A : memref<!tpu.dma_semaphore, #tpu.memory_space<semaphore_mem>>)
      %dma_wait3A_177 = arith.constant 0 : i32
      %dma_wait3A_178 = arith.constant 0 : i32
      %dma_wait3A_179 = tpu.memref_slice %arg12[%dma_wait3A_177, %dma_wait3A_178] : memref<64x64xf32, #tpu.memory_space<vmem>> -> memref<56x64xf32, #tpu.memory_space<vmem>>
      %dma_wait3A_180 = arith.constant 0 : i32
      %dma_wait3A_181 = tpu.memref_slice %arg13[%add3A_24, %dma_wait3A_180] : memref<10112x64xf32, #tpu.memory_space<vmem_shared>> -> memref<56x64xf32, #tpu.memory_space<vmem_shared>>
      %dma_wait3A_182 = arith.constant 0 : i32
      %dma_wait3A_183 = tpu.memref_slice %arg13[%add3A_24, %dma_wait3A_182] : memref<10112x64xf32, #tpu.memory_space<vmem_shared>> -> memref<56x64xf32, #tpu.memory_space<vmem_shared>>
      %dma_wait3A_184 = arith.constant 0 : i32
      %dma_wait3A_185 = arith.constant 0 : i32
      %dma_wait3A_186 = tpu.memref_slice %arg12[%dma_wait3A_184, %dma_wait3A_185] : memref<64x64xf32, #tpu.memory_space<vmem>> -> memref<56x64xf32, #tpu.memory_space<vmem>>
      tpu.wait_dma2 semaphore(%run_scoped3A : memref<!tpu.dma_semaphore, #tpu.memory_space<semaphore_mem>>) src(%dma_wait3A_186 : memref<56x64xf32, #tpu.memory_space<vmem>>) dst(%dma_wait3A_183 : memref<56x64xf32, #tpu.memory_space<vmem_shared>>)
      tpu.yield
    }) : () -> ()
    %mul3A_25 = arith.constant 168 : i32
    %mul3A_26 = arith.muli %arg1, %mul3A_25 : i32
    "tpu.region"() ({
      %run_scoped3A = tpu.sem_alloc : memref<!tpu.dma_semaphore, #tpu.memory_space<semaphore_mem>>
      %dma_start3A_167 = arith.constant 0 : i32
      %dma_start3A_168 = tpu.memref_slice %arg3[%arg0, %mul3A_26, %dma_start3A_167] : memref<2x2688x128xi32, #tpu.memory_space<hbm>> -> memref<1x168x128xi32, #tpu.memory_space<hbm>>
      %dma_start3A_169 = tpu.memref_squeeze %dma_start3A_168 : memref<1x168x128xi32, #tpu.memory_space<hbm>> -> memref<168x128xi32, #tpu.memory_space<hbm>>
      %dma_start3A_170 = arith.constant 0 : i32
      %dma_start3A_171 = tpu.memref_slice %arg3[%arg0, %mul3A_26, %dma_start3A_170] : memref<2x2688x128xi32, #tpu.memory_space<hbm>> -> memref<1x168x128xi32, #tpu.memory_space<hbm>>
      %dma_start3A_172 = tpu.memref_squeeze %dma_start3A_171 : memref<1x168x128xi32, #tpu.memory_space<hbm>> -> memref<168x128xi32, #tpu.memory_space<hbm>>
      tpu.enqueue_dma source(%dma_start3A_172 : memref<168x128xi32, #tpu.memory_space<hbm>>) target(%arg6 : memref<168x128xi32, #tpu.memory_space<vmem>>) target_semaphore(%run_scoped3A : memref<!tpu.dma_semaphore, #tpu.memory_space<semaphore_mem>>)
      %dma_wait3A_173 = arith.constant 0 : i32
      %dma_wait3A_174 = tpu.memref_slice %arg3[%arg0, %mul3A_26, %dma_wait3A_173] : memref<2x2688x128xi32, #tpu.memory_space<hbm>> -> memref<1x168x128xi32, #tpu.memory_space<hbm>>
      %dma_wait3A_175 = tpu.memref_squeeze %dma_wait3A_174 : memref<1x168x128xi32, #tpu.memory_space<hbm>> -> memref<168x128xi32, #tpu.memory_space<hbm>>
      %dma_wait3A_176 = arith.constant 0 : i32
      %dma_wait3A_177 = tpu.memref_slice %arg3[%arg0, %mul3A_26, %dma_wait3A_176] : memref<2x2688x128xi32, #tpu.memory_space<hbm>> -> memref<1x168x128xi32, #tpu.memory_space<hbm>>
      %dma_wait3A_178 = tpu.memref_squeeze %dma_wait3A_177 : memref<1x168x128xi32, #tpu.memory_space<hbm>> -> memref<168x128xi32, #tpu.memory_space<hbm>>
      tpu.wait_dma2 semaphore(%run_scoped3A : memref<!tpu.dma_semaphore, #tpu.memory_space<semaphore_mem>>) src(%dma_wait3A_178 : memref<168x128xi32, #tpu.memory_space<hbm>>) dst(%arg6 : memref<168x128xi32, #tpu.memory_space<vmem>>)
      tpu.yield
    }) : () -> ()
    %mul3A_27 = arith.constant 168 : i32
    %mul3A_28 = arith.muli %arg1, %mul3A_27 : i32
    "tpu.region"() ({
      %run_scoped3A = tpu.sem_alloc : memref<!tpu.dma_semaphore, #tpu.memory_space<semaphore_mem>>
      %dma_start3A_167 = arith.constant 0 : i32
      %dma_start3A_168 = tpu.memref_slice %arg4[%mul3A_28, %dma_start3A_167] : memref<2688x128xi32, #tpu.memory_space<hbm>> -> memref<168x128xi32, #tpu.memory_space<hbm>>
      %dma_start3A_169 = arith.constant 0 : i32
      %dma_start3A_170 = tpu.memref_slice %arg4[%mul3A_28, %dma_start3A_169] : memref<2688x128xi32, #tpu.memory_space<hbm>> -> memref<168x128xi32, #tpu.memory_space<hbm>>
      tpu.enqueue_dma source(%dma_start3A_170 : memref<168x128xi32, #tpu.memory_space<hbm>>) target(%arg7 : memref<168x128xi32, #tpu.memory_space<vmem>>) target_semaphore(%run_scoped3A : memref<!tpu.dma_semaphore, #tpu.memory_space<semaphore_mem>>)
      %dma_wait3A_171 = arith.constant 0 : i32
      %dma_wait3A_172 = tpu.memref_slice %arg4[%mul3A_28, %dma_wait3A_171] : memref<2688x128xi32, #tpu.memory_space<hbm>> -> memref<168x128xi32, #tpu.memory_space<hbm>>
      %dma_wait3A_173 = arith.constant 0 : i32
      %dma_wait3A_174 = tpu.memref_slice %arg4[%mul3A_28, %dma_wait3A_173] : memref<2688x128xi32, #tpu.memory_space<hbm>> -> memref<168x128xi32, #tpu.memory_space<hbm>>
      tpu.wait_dma2 semaphore(%run_scoped3A : memref<!tpu.dma_semaphore, #tpu.memory_space<semaphore_mem>>) src(%dma_wait3A_174 : memref<168x128xi32, #tpu.memory_space<hbm>>) dst(%arg7 : memref<168x128xi32, #tpu.memory_space<vmem>>)
      tpu.yield
    }) : () -> ()
    %barrier3A = arith.constant 0 : index
    tpu.barrier barrier_id(%barrier3A)
    %dma_start3A = arith.constant 0 : i32
    %dma_start3A_29 = arith.constant 0 : i32
    %dma_start3A_30 = tpu.memref_slice %arg6[%dma_start3A, %dma_start3A_29] : memref<168x128xi32, #tpu.memory_space<vmem>> -> memref<1x128xi32, #tpu.memory_space<vmem>>
    %dma_start3A_31 = tpu.memref_squeeze %dma_start3A_30 : memref<1x128xi32, #tpu.memory_space<vmem>> -> memref<128xi32, #tpu.memory_space<vmem>>
    %dma_start3A_32 = arith.constant 0 : i32
    %dma_start3A_33 = arith.constant 0 : i32
    %dma_start3A_34 = tpu.memref_slice %arg2[%dma_start3A_32, %dma_start3A_33] : memref<20224x64xf32, #tpu.memory_space<hbm>> -> memref<20224x64xf32, #tpu.memory_space<hbm>>
    tpu.enqueue_indirect_dma source(%dma_start3A_34 : memref<20224x64xf32, #tpu.memory_space<hbm>>) target(%arg8 : memref<128x64xf32, #tpu.memory_space<vmem>>) offsets(%dma_start3A_31 : memref<128xi32, #tpu.memory_space<vmem>>) semaphore(%arg14 : memref<!tpu.dma_semaphore, #tpu.memory_space<semaphore_mem>>)
    %dma_start3A_35 = arith.constant 1 : i32
    %dma_start3A_36 = arith.constant 0 : i32
    %dma_start3A_37 = tpu.memref_slice %arg6[%dma_start3A_35, %dma_start3A_36] : memref<168x128xi32, #tpu.memory_space<vmem>> -> memref<1x128xi32, #tpu.memory_space<vmem>>
    %dma_start3A_38 = tpu.memref_squeeze %dma_start3A_37 : memref<1x128xi32, #tpu.memory_space<vmem>> -> memref<128xi32, #tpu.memory_space<vmem>>
    %dma_start3A_39 = arith.constant 0 : i32
    %dma_start3A_40 = arith.constant 0 : i32
    %dma_start3A_41 = tpu.memref_slice %arg2[%dma_start3A_39, %dma_start3A_40] : memref<20224x64xf32, #tpu.memory_space<hbm>> -> memref<20224x64xf32, #tpu.memory_space<hbm>>
    tpu.enqueue_indirect_dma source(%dma_start3A_41 : memref<20224x64xf32, #tpu.memory_space<hbm>>) target(%arg9 : memref<128x64xf32, #tpu.memory_space<vmem>>) offsets(%dma_start3A_38 : memref<128xi32, #tpu.memory_space<vmem>>) semaphore(%arg15 : memref<!tpu.dma_semaphore, #tpu.memory_space<semaphore_mem>>)
    %dma_wait3A = arith.constant 0 : i32
    %dma_wait3A_42 = arith.constant 0 : i32
    %dma_wait3A_43 = tpu.memref_slice %arg6[%dma_wait3A, %dma_wait3A_42] : memref<168x128xi32, #tpu.memory_space<vmem>> -> memref<1x128xi32, #tpu.memory_space<vmem>>
    %dma_wait3A_44 = tpu.memref_squeeze %dma_wait3A_43 : memref<1x128xi32, #tpu.memory_space<vmem>> -> memref<128xi32, #tpu.memory_space<vmem>>
    %dma_wait3A_45 = arith.constant 0 : i32
    %dma_wait3A_46 = arith.constant 0 : i32
    %dma_wait3A_47 = tpu.memref_slice %arg2[%dma_wait3A_45, %dma_wait3A_46] : memref<20224x64xf32, #tpu.memory_space<hbm>> -> memref<20224x64xf32, #tpu.memory_space<hbm>>
    tpu.wait_indirect_dma semaphore(%arg14 : memref<!tpu.dma_semaphore, #tpu.memory_space<semaphore_mem>>) src(%dma_wait3A_47 : memref<20224x64xf32, #tpu.memory_space<hbm>>) dst(%arg8 : memref<128x64xf32, #tpu.memory_space<vmem>>)
    %dma_start3A_48 = arith.constant 0 : i32
    %dma_start3A_49 = arith.constant 0 : i32
    %dma_start3A_50 = tpu.memref_slice %arg7[%dma_start3A_48, %dma_start3A_49] : memref<168x128xi32, #tpu.memory_space<vmem>> -> memref<1x128xi32, #tpu.memory_space<vmem>>
    %dma_start3A_51 = tpu.memref_squeeze %dma_start3A_50 : memref<1x128xi32, #tpu.memory_space<vmem>> -> memref<128xi32, #tpu.memory_space<vmem>>
    %dma_start3A_52 = arith.constant 0 : i32
    %dma_start3A_53 = arith.constant 0 : i32
    %dma_start3A_54 = tpu.memref_slice %arg13[%dma_start3A_52, %dma_start3A_53] : memref<10112x64xf32, #tpu.memory_space<vmem_shared>> -> memref<10112x64xf32, #tpu.memory_space<vmem_shared>>
    tpu.enqueue_indirect_dma source(%arg8 : memref<128x64xf32, #tpu.memory_space<vmem>>) target(%dma_start3A_54 : memref<10112x64xf32, #tpu.memory_space<vmem_shared>>) offsets(%dma_start3A_51 : memref<128xi32, #tpu.memory_space<vmem>>) semaphore(%arg18 : memref<!tpu.dma_semaphore, #tpu.memory_space<semaphore_mem>>) {add = true}
    %dma_start3A_55 = arith.constant 2 : i32
    %dma_start3A_56 = arith.constant 0 : i32
    %dma_start3A_57 = tpu.memref_slice %arg6[%dma_start3A_55, %dma_start3A_56] : memref<168x128xi32, #tpu.memory_space<vmem>> -> memref<1x128xi32, #tpu.memory_space<vmem>>
    %dma_start3A_58 = tpu.memref_squeeze %dma_start3A_57 : memref<1x128xi32, #tpu.memory_space<vmem>> -> memref<128xi32, #tpu.memory_space<vmem>>
    %dma_start3A_59 = arith.constant 0 : i32
    %dma_start3A_60 = arith.constant 0 : i32
    %dma_start3A_61 = tpu.memref_slice %arg2[%dma_start3A_59, %dma_start3A_60] : memref<20224x64xf32, #tpu.memory_space<hbm>> -> memref<20224x64xf32, #tpu.memory_space<hbm>>
    tpu.enqueue_indirect_dma source(%dma_start3A_61 : memref<20224x64xf32, #tpu.memory_space<hbm>>) target(%arg10 : memref<128x64xf32, #tpu.memory_space<vmem>>) offsets(%dma_start3A_58 : memref<128xi32, #tpu.memory_space<vmem>>) semaphore(%arg16 : memref<!tpu.dma_semaphore, #tpu.memory_space<semaphore_mem>>)
    %dma_wait3A_62 = arith.constant 1 : i32
    %dma_wait3A_63 = arith.constant 0 : i32
    %dma_wait3A_64 = tpu.memref_slice %arg6[%dma_wait3A_62, %dma_wait3A_63] : memref<168x128xi32, #tpu.memory_space<vmem>> -> memref<1x128xi32, #tpu.memory_space<vmem>>
    %dma_wait3A_65 = tpu.memref_squeeze %dma_wait3A_64 : memref<1x128xi32, #tpu.memory_space<vmem>> -> memref<128xi32, #tpu.memory_space<vmem>>
    %dma_wait3A_66 = arith.constant 0 : i32
    %dma_wait3A_67 = arith.constant 0 : i32
    %dma_wait3A_68 = tpu.memref_slice %arg2[%dma_wait3A_66, %dma_wait3A_67] : memref<20224x64xf32, #tpu.memory_space<hbm>> -> memref<20224x64xf32, #tpu.memory_space<hbm>>
    tpu.wait_indirect_dma semaphore(%arg15 : memref<!tpu.dma_semaphore, #tpu.memory_space<semaphore_mem>>) src(%dma_wait3A_68 : memref<20224x64xf32, #tpu.memory_space<hbm>>) dst(%arg9 : memref<128x64xf32, #tpu.memory_space<vmem>>)
    %dma_start3A_69 = arith.constant 1 : i32
    %dma_start3A_70 = arith.constant 0 : i32
    %dma_start3A_71 = tpu.memref_slice %arg7[%dma_start3A_69, %dma_start3A_70] : memref<168x128xi32, #tpu.memory_space<vmem>> -> memref<1x128xi32, #tpu.memory_space<vmem>>
    %dma_start3A_72 = tpu.memref_squeeze %dma_start3A_71 : memref<1x128xi32, #tpu.memory_space<vmem>> -> memref<128xi32, #tpu.memory_space<vmem>>
    %dma_start3A_73 = arith.constant 0 : i32
    %dma_start3A_74 = arith.constant 0 : i32
    %dma_start3A_75 = tpu.memref_slice %arg13[%dma_start3A_73, %dma_start3A_74] : memref<10112x64xf32, #tpu.memory_space<vmem_shared>> -> memref<10112x64xf32, #tpu.memory_space<vmem_shared>>
    tpu.enqueue_indirect_dma source(%arg9 : memref<128x64xf32, #tpu.memory_space<vmem>>) target(%dma_start3A_75 : memref<10112x64xf32, #tpu.memory_space<vmem_shared>>) offsets(%dma_start3A_72 : memref<128xi32, #tpu.memory_space<vmem>>) semaphore(%arg19 : memref<!tpu.dma_semaphore, #tpu.memory_space<semaphore_mem>>) {add = true}
    %dma_start3A_76 = arith.constant 3 : i32
    %dma_start3A_77 = arith.constant 0 : i32
    %dma_start3A_78 = tpu.memref_slice %arg6[%dma_start3A_76, %dma_start3A_77] : memref<168x128xi32, #tpu.memory_space<vmem>> -> memref<1x128xi32, #tpu.memory_space<vmem>>
    %dma_start3A_79 = tpu.memref_squeeze %dma_start3A_78 : memref<1x128xi32, #tpu.memory_space<vmem>> -> memref<128xi32, #tpu.memory_space<vmem>>
    %dma_start3A_80 = arith.constant 0 : i32
    %dma_start3A_81 = arith.constant 0 : i32
    %dma_start3A_82 = tpu.memref_slice %arg2[%dma_start3A_80, %dma_start3A_81] : memref<20224x64xf32, #tpu.memory_space<hbm>> -> memref<20224x64xf32, #tpu.memory_space<hbm>>
    tpu.enqueue_indirect_dma source(%dma_start3A_82 : memref<20224x64xf32, #tpu.memory_space<hbm>>) target(%arg11 : memref<128x64xf32, #tpu.memory_space<vmem>>) offsets(%dma_start3A_79 : memref<128xi32, #tpu.memory_space<vmem>>) semaphore(%arg17 : memref<!tpu.dma_semaphore, #tpu.memory_space<semaphore_mem>>)
    %scan3A_83 = arith.constant 0 : i32
    %scan3A_84 = arith.constant 41 : i32
    %scan3A_85 = arith.addi %scan3A_83, %scan3A_84 : i32
    %scan3A_86 = arith.constant 1 : i32
    scf.for %scan3A_167 = %scan3A_83 to %scan3A_85 step %scan3A_86  : i32 {
      %mul3A_168 = arith.constant 4 : i32
      %mul3A_169 = arith.muli %mul3A_168, %scan3A_167 : i32
      %add3A_170 = arith.constant 2 : i32
      %add3A_171 = arith.addi %mul3A_169, %add3A_170 : i32
      %add3A_172 = arith.constant 0 : i32
      %add3A_173 = arith.addi %add3A_171, %add3A_172 : i32
      %dma_wait3A_174 = arith.constant 0 : i32
      %dma_wait3A_175 = tpu.memref_slice %arg6[%add3A_173, %dma_wait3A_174] : memref<168x128xi32, #tpu.memory_space<vmem>> -> memref<1x128xi32, #tpu.memory_space<vmem>>
      %dma_wait3A_176 = tpu.memref_squeeze %dma_wait3A_175 : memref<1x128xi32, #tpu.memory_space<vmem>> -> memref<128xi32, #tpu.memory_space<vmem>>
      %dma_wait3A_177 = arith.constant 0 : i32
      %dma_wait3A_178 = arith.constant 0 : i32
      %dma_wait3A_179 = tpu.memref_slice %arg2[%dma_wait3A_177, %dma_wait3A_178] : memref<20224x64xf32, #tpu.memory_space<hbm>> -> memref<20224x64xf32, #tpu.memory_space<hbm>>
      tpu.wait_indirect_dma semaphore(%arg16 : memref<!tpu.dma_semaphore, #tpu.memory_space<semaphore_mem>>) src(%dma_wait3A_179 : memref<20224x64xf32, #tpu.memory_space<hbm>>) dst(%arg10 : memref<128x64xf32, #tpu.memory_space<vmem>>)
      %dma_start3A_180 = arith.constant 0 : i32
      %dma_start3A_181 = tpu.memref_slice %arg7[%add3A_173, %dma_start3A_180] : memref<168x128xi32, #tpu.memory_space<vmem>> -> memref<1x128xi32, #tpu.memory_space<vmem>>
      %dma_start3A_182 = tpu.memref_squeeze %dma_start3A_181 : memref<1x128xi32, #tpu.memory_space<vmem>> -> memref<128xi32, #tpu.memory_space<vmem>>
      %dma_start3A_183 = arith.constant 0 : i32
      %dma_start3A_184 = arith.constant 0 : i32
      %dma_start3A_185 = tpu.memref_slice %arg13[%dma_start3A_183, %dma_start3A_184] : memref<10112x64xf32, #tpu.memory_space<vmem_shared>> -> memref<10112x64xf32, #tpu.memory_space<vmem_shared>>
      tpu.enqueue_indirect_dma source(%arg10 : memref<128x64xf32, #tpu.memory_space<vmem>>) target(%dma_start3A_185 : memref<10112x64xf32, #tpu.memory_space<vmem_shared>>) offsets(%dma_start3A_182 : memref<128xi32, #tpu.memory_space<vmem>>) semaphore(%arg20 : memref<!tpu.dma_semaphore, #tpu.memory_space<semaphore_mem>>) {add = true}
      %sub3A = arith.constant 2 : i32
      %sub3A_186 = arith.subi %add3A_173, %sub3A : i32
      %dma_wait3A_187 = arith.constant 0 : i32
      %dma_wait3A_188 = tpu.memref_slice %arg7[%sub3A_186, %dma_wait3A_187] : memref<168x128xi32, #tpu.memory_space<vmem>> -> memref<1x128xi32, #tpu.memory_space<vmem>>
      %dma_wait3A_189 = tpu.memref_squeeze %dma_wait3A_188 : memref<1x128xi32, #tpu.memory_space<vmem>> -> memref<128xi32, #tpu.memory_space<vmem>>
      %dma_wait3A_190 = arith.constant 0 : i32
      %dma_wait3A_191 = arith.constant 0 : i32
      %dma_wait3A_192 = tpu.memref_slice %arg13[%dma_wait3A_190, %dma_wait3A_191] : memref<10112x64xf32, #tpu.memory_space<vmem_shared>> -> memref<10112x64xf32, #tpu.memory_space<vmem_shared>>
      tpu.wait_indirect_dma semaphore(%arg18 : memref<!tpu.dma_semaphore, #tpu.memory_space<semaphore_mem>>) src(%arg8 : memref<128x64xf32, #tpu.memory_space<vmem>>) dst(%dma_wait3A_192 : memref<10112x64xf32, #tpu.memory_space<vmem_shared>>)
      %add3A_193 = arith.constant 2 : i32
      %add3A_194 = arith.addi %add3A_173, %add3A_193 : i32
      %dma_start3A_195 = arith.constant 0 : i32
      %dma_start3A_196 = tpu.memref_slice %arg6[%add3A_194, %dma_start3A_195] : memref<168x128xi32, #tpu.memory_space<vmem>> -> memref<1x128xi32, #tpu.memory_space<vmem>>
      %dma_start3A_197 = tpu.memref_squeeze %dma_start3A_196 : memref<1x128xi32, #tpu.memory_space<vmem>> -> memref<128xi32, #tpu.memory_space<vmem>>
      %dma_start3A_198 = arith.constant 0 : i32
      %dma_start3A_199 = arith.constant 0 : i32
      %dma_start3A_200 = tpu.memref_slice %arg2[%dma_start3A_198, %dma_start3A_199] : memref<20224x64xf32, #tpu.memory_space<hbm>> -> memref<20224x64xf32, #tpu.memory_space<hbm>>
      tpu.enqueue_indirect_dma source(%dma_start3A_200 : memref<20224x64xf32, #tpu.memory_space<hbm>>) target(%arg8 : memref<128x64xf32, #tpu.memory_space<vmem>>) offsets(%dma_start3A_197 : memref<128xi32, #tpu.memory_space<vmem>>) semaphore(%arg14 : memref<!tpu.dma_semaphore, #tpu.memory_space<semaphore_mem>>)
      %add3A_201 = arith.constant 2 : i32
      %add3A_202 = arith.addi %mul3A_169, %add3A_201 : i32
      %add3A_203 = arith.constant 1 : i32
      %add3A_204 = arith.addi %add3A_202, %add3A_203 : i32
      %dma_wait3A_205 = arith.constant 0 : i32
      %dma_wait3A_206 = tpu.memref_slice %arg6[%add3A_204, %dma_wait3A_205] : memref<168x128xi32, #tpu.memory_space<vmem>> -> memref<1x128xi32, #tpu.memory_space<vmem>>
      %dma_wait3A_207 = tpu.memref_squeeze %dma_wait3A_206 : memref<1x128xi32, #tpu.memory_space<vmem>> -> memref<128xi32, #tpu.memory_space<vmem>>
      %dma_wait3A_208 = arith.constant 0 : i32
      %dma_wait3A_209 = arith.constant 0 : i32
      %dma_wait3A_210 = tpu.memref_slice %arg2[%dma_wait3A_208, %dma_wait3A_209] : memref<20224x64xf32, #tpu.memory_space<hbm>> -> memref<20224x64xf32, #tpu.memory_space<hbm>>
      tpu.wait_indirect_dma semaphore(%arg17 : memref<!tpu.dma_semaphore, #tpu.memory_space<semaphore_mem>>) src(%dma_wait3A_210 : memref<20224x64xf32, #tpu.memory_space<hbm>>) dst(%arg11 : memref<128x64xf32, #tpu.memory_space<vmem>>)
      %dma_start3A_211 = arith.constant 0 : i32
      %dma_start3A_212 = tpu.memref_slice %arg7[%add3A_204, %dma_start3A_211] : memref<168x128xi32, #tpu.memory_space<vmem>> -> memref<1x128xi32, #tpu.memory_space<vmem>>
      %dma_start3A_213 = tpu.memref_squeeze %dma_start3A_212 : memref<1x128xi32, #tpu.memory_space<vmem>> -> memref<128xi32, #tpu.memory_space<vmem>>
      %dma_start3A_214 = arith.constant 0 : i32
      %dma_start3A_215 = arith.constant 0 : i32
      %dma_start3A_216 = tpu.memref_slice %arg13[%dma_start3A_214, %dma_start3A_215] : memref<10112x64xf32, #tpu.memory_space<vmem_shared>> -> memref<10112x64xf32, #tpu.memory_space<vmem_shared>>
      tpu.enqueue_indirect_dma source(%arg11 : memref<128x64xf32, #tpu.memory_space<vmem>>) target(%dma_start3A_216 : memref<10112x64xf32, #tpu.memory_space<vmem_shared>>) offsets(%dma_start3A_213 : memref<128xi32, #tpu.memory_space<vmem>>) semaphore(%arg21 : memref<!tpu.dma_semaphore, #tpu.memory_space<semaphore_mem>>) {add = true}
      %sub3A_217 = arith.constant 2 : i32
      %sub3A_218 = arith.subi %add3A_204, %sub3A_217 : i32
      %dma_wait3A_219 = arith.constant 0 : i32
      %dma_wait3A_220 = tpu.memref_slice %arg7[%sub3A_218, %dma_wait3A_219] : memref<168x128xi32, #tpu.memory_space<vmem>> -> memref<1x128xi32, #tpu.memory_space<vmem>>
      %dma_wait3A_221 = tpu.memref_squeeze %dma_wait3A_220 : memref<1x128xi32, #tpu.memory_space<vmem>> -> memref<128xi32, #tpu.memory_space<vmem>>
      %dma_wait3A_222 = arith.constant 0 : i32
      %dma_wait3A_223 = arith.constant 0 : i32
      %dma_wait3A_224 = tpu.memref_slice %arg13[%dma_wait3A_222, %dma_wait3A_223] : memref<10112x64xf32, #tpu.memory_space<vmem_shared>> -> memref<10112x64xf32, #tpu.memory_space<vmem_shared>>
      tpu.wait_indirect_dma semaphore(%arg19 : memref<!tpu.dma_semaphore, #tpu.memory_space<semaphore_mem>>) src(%arg9 : memref<128x64xf32, #tpu.memory_space<vmem>>) dst(%dma_wait3A_224 : memref<10112x64xf32, #tpu.memory_space<vmem_shared>>)
      %add3A_225 = arith.constant 2 : i32
      %add3A_226 = arith.addi %add3A_204, %add3A_225 : i32
      %dma_start3A_227 = arith.constant 0 : i32
      %dma_start3A_228 = tpu.memref_slice %arg6[%add3A_226, %dma_start3A_227] : memref<168x128xi32, #tpu.memory_space<vmem>> -> memref<1x128xi32, #tpu.memory_space<vmem>>
      %dma_start3A_229 = tpu.memref_squeeze %dma_start3A_228 : memref<1x128xi32, #tpu.memory_space<vmem>> -> memref<128xi32, #tpu.memory_space<vmem>>
      %dma_start3A_230 = arith.constant 0 : i32
      %dma_start3A_231 = arith.constant 0 : i32
      %dma_start3A_232 = tpu.memref_slice %arg2[%dma_start3A_230, %dma_start3A_231] : memref<20224x64xf32, #tpu.memory_space<hbm>> -> memref<20224x64xf32, #tpu.memory_space<hbm>>
      tpu.enqueue_indirect_dma source(%dma_start3A_232 : memref<20224x64xf32, #tpu.memory_space<hbm>>) target(%arg9 : memref<128x64xf32, #tpu.memory_space<vmem>>) offsets(%dma_start3A_229 : memref<128xi32, #tpu.memory_space<vmem>>) semaphore(%arg15 : memref<!tpu.dma_semaphore, #tpu.memory_space<semaphore_mem>>)
      %add3A_233 = arith.constant 2 : i32
      %add3A_234 = arith.addi %mul3A_169, %add3A_233 : i32
      %add3A_235 = arith.constant 2 : i32
      %add3A_236 = arith.addi %add3A_234, %add3A_235 : i32
      %dma_wait3A_237 = arith.constant 0 : i32
      %dma_wait3A_238 = tpu.memref_slice %arg6[%add3A_236, %dma_wait3A_237] : memref<168x128xi32, #tpu.memory_space<vmem>> -> memref<1x128xi32, #tpu.memory_space<vmem>>
      %dma_wait3A_239 = tpu.memref_squeeze %dma_wait3A_238 : memref<1x128xi32, #tpu.memory_space<vmem>> -> memref<128xi32, #tpu.memory_space<vmem>>
      %dma_wait3A_240 = arith.constant 0 : i32
      %dma_wait3A_241 = arith.constant 0 : i32
      %dma_wait3A_242 = tpu.memref_slice %arg2[%dma_wait3A_240, %dma_wait3A_241] : memref<20224x64xf32, #tpu.memory_space<hbm>> -> memref<20224x64xf32, #tpu.memory_space<hbm>>
      tpu.wait_indirect_dma semaphore(%arg14 : memref<!tpu.dma_semaphore, #tpu.memory_space<semaphore_mem>>) src(%dma_wait3A_242 : memref<20224x64xf32, #tpu.memory_space<hbm>>) dst(%arg8 : memref<128x64xf32, #tpu.memory_space<vmem>>)
      %dma_start3A_243 = arith.constant 0 : i32
      %dma_start3A_244 = tpu.memref_slice %arg7[%add3A_236, %dma_start3A_243] : memref<168x128xi32, #tpu.memory_space<vmem>> -> memref<1x128xi32, #tpu.memory_space<vmem>>
      %dma_start3A_245 = tpu.memref_squeeze %dma_start3A_244 : memref<1x128xi32, #tpu.memory_space<vmem>> -> memref<128xi32, #tpu.memory_space<vmem>>
      %dma_start3A_246 = arith.constant 0 : i32
      %dma_start3A_247 = arith.constant 0 : i32
      %dma_start3A_248 = tpu.memref_slice %arg13[%dma_start3A_246, %dma_start3A_247] : memref<10112x64xf32, #tpu.memory_space<vmem_shared>> -> memref<10112x64xf32, #tpu.memory_space<vmem_shared>>
      tpu.enqueue_indirect_dma source(%arg8 : memref<128x64xf32, #tpu.memory_space<vmem>>) target(%dma_start3A_248 : memref<10112x64xf32, #tpu.memory_space<vmem_shared>>) offsets(%dma_start3A_245 : memref<128xi32, #tpu.memory_space<vmem>>) semaphore(%arg18 : memref<!tpu.dma_semaphore, #tpu.memory_space<semaphore_mem>>) {add = true}
      %sub3A_249 = arith.constant 2 : i32
      %sub3A_250 = arith.subi %add3A_236, %sub3A_249 : i32
      %dma_wait3A_251 = arith.constant 0 : i32
      %dma_wait3A_252 = tpu.memref_slice %arg7[%sub3A_250, %dma_wait3A_251] : memref<168x128xi32, #tpu.memory_space<vmem>> -> memref<1x128xi32, #tpu.memory_space<vmem>>
      %dma_wait3A_253 = tpu.memref_squeeze %dma_wait3A_252 : memref<1x128xi32, #tpu.memory_space<vmem>> -> memref<128xi32, #tpu.memory_space<vmem>>
      %dma_wait3A_254 = arith.constant 0 : i32
      %dma_wait3A_255 = arith.constant 0 : i32
      %dma_wait3A_256 = tpu.memref_slice %arg13[%dma_wait3A_254, %dma_wait3A_255] : memref<10112x64xf32, #tpu.memory_space<vmem_shared>> -> memref<10112x64xf32, #tpu.memory_space<vmem_shared>>
      tpu.wait_indirect_dma semaphore(%arg20 : memref<!tpu.dma_semaphore, #tpu.memory_space<semaphore_mem>>) src(%arg10 : memref<128x64xf32, #tpu.memory_space<vmem>>) dst(%dma_wait3A_256 : memref<10112x64xf32, #tpu.memory_space<vmem_shared>>)
      %add3A_257 = arith.constant 2 : i32
      %add3A_258 = arith.addi %add3A_236, %add3A_257 : i32
      %dma_start3A_259 = arith.constant 0 : i32
      %dma_start3A_260 = tpu.memref_slice %arg6[%add3A_258, %dma_start3A_259] : memref<168x128xi32, #tpu.memory_space<vmem>> -> memref<1x128xi32, #tpu.memory_space<vmem>>
      %dma_start3A_261 = tpu.memref_squeeze %dma_start3A_260 : memref<1x128xi32, #tpu.memory_space<vmem>> -> memref<128xi32, #tpu.memory_space<vmem>>
      %dma_start3A_262 = arith.constant 0 : i32
      %dma_start3A_263 = arith.constant 0 : i32
      %dma_start3A_264 = tpu.memref_slice %arg2[%dma_start3A_262, %dma_start3A_263] : memref<20224x64xf32, #tpu.memory_space<hbm>> -> memref<20224x64xf32, #tpu.memory_space<hbm>>
      tpu.enqueue_indirect_dma source(%dma_start3A_264 : memref<20224x64xf32, #tpu.memory_space<hbm>>) target(%arg10 : memref<128x64xf32, #tpu.memory_space<vmem>>) offsets(%dma_start3A_261 : memref<128xi32, #tpu.memory_space<vmem>>) semaphore(%arg16 : memref<!tpu.dma_semaphore, #tpu.memory_space<semaphore_mem>>)
      %add3A_265 = arith.constant 2 : i32
      %add3A_266 = arith.addi %mul3A_169, %add3A_265 : i32
      %add3A_267 = arith.constant 3 : i32
      %add3A_268 = arith.addi %add3A_266, %add3A_267 : i32
      %dma_wait3A_269 = arith.constant 0 : i32
      %dma_wait3A_270 = tpu.memref_slice %arg6[%add3A_268, %dma_wait3A_269] : memref<168x128xi32, #tpu.memory_space<vmem>> -> memref<1x128xi32, #tpu.memory_space<vmem>>
      %dma_wait3A_271 = tpu.memref_squeeze %dma_wait3A_270 : memref<1x128xi32, #tpu.memory_space<vmem>> -> memref<128xi32, #tpu.memory_space<vmem>>
      %dma_wait3A_272 = arith.constant 0 : i32
      %dma_wait3A_273 = arith.constant 0 : i32
      %dma_wait3A_274 = tpu.memref_slice %arg2[%dma_wait3A_272, %dma_wait3A_273] : memref<20224x64xf32, #tpu.memory_space<hbm>> -> memref<20224x64xf32, #tpu.memory_space<hbm>>
      tpu.wait_indirect_dma semaphore(%arg15 : memref<!tpu.dma_semaphore, #tpu.memory_space<semaphore_mem>>) src(%dma_wait3A_274 : memref<20224x64xf32, #tpu.memory_space<hbm>>) dst(%arg9 : memref<128x64xf32, #tpu.memory_space<vmem>>)
      %dma_start3A_275 = arith.constant 0 : i32
      %dma_start3A_276 = tpu.memref_slice %arg7[%add3A_268, %dma_start3A_275] : memref<168x128xi32, #tpu.memory_space<vmem>> -> memref<1x128xi32, #tpu.memory_space<vmem>>
      %dma_start3A_277 = tpu.memref_squeeze %dma_start3A_276 : memref<1x128xi32, #tpu.memory_space<vmem>> -> memref<128xi32, #tpu.memory_space<vmem>>
      %dma_start3A_278 = arith.constant 0 : i32
      %dma_start3A_279 = arith.constant 0 : i32
      %dma_start3A_280 = tpu.memref_slice %arg13[%dma_start3A_278, %dma_start3A_279] : memref<10112x64xf32, #tpu.memory_space<vmem_shared>> -> memref<10112x64xf32, #tpu.memory_space<vmem_shared>>
      tpu.enqueue_indirect_dma source(%arg9 : memref<128x64xf32, #tpu.memory_space<vmem>>) target(%dma_start3A_280 : memref<10112x64xf32, #tpu.memory_space<vmem_shared>>) offsets(%dma_start3A_277 : memref<128xi32, #tpu.memory_space<vmem>>) semaphore(%arg19 : memref<!tpu.dma_semaphore, #tpu.memory_space<semaphore_mem>>) {add = true}
      %sub3A_281 = arith.constant 2 : i32
      %sub3A_282 = arith.subi %add3A_268, %sub3A_281 : i32
      %dma_wait3A_283 = arith.constant 0 : i32
      %dma_wait3A_284 = tpu.memref_slice %arg7[%sub3A_282, %dma_wait3A_283] : memref<168x128xi32, #tpu.memory_space<vmem>> -> memref<1x128xi32, #tpu.memory_space<vmem>>
      %dma_wait3A_285 = tpu.memref_squeeze %dma_wait3A_284 : memref<1x128xi32, #tpu.memory_space<vmem>> -> memref<128xi32, #tpu.memory_space<vmem>>
      %dma_wait3A_286 = arith.constant 0 : i32
      %dma_wait3A_287 = arith.constant 0 : i32
      %dma_wait3A_288 = tpu.memref_slice %arg13[%dma_wait3A_286, %dma_wait3A_287] : memref<10112x64xf32, #tpu.memory_space<vmem_shared>> -> memref<10112x64xf32, #tpu.memory_space<vmem_shared>>
      tpu.wait_indirect_dma semaphore(%arg21 : memref<!tpu.dma_semaphore, #tpu.memory_space<semaphore_mem>>) src(%arg11 : memref<128x64xf32, #tpu.memory_space<vmem>>) dst(%dma_wait3A_288 : memref<10112x64xf32, #tpu.memory_space<vmem_shared>>)
      %add3A_289 = arith.constant 2 : i32
      %add3A_290 = arith.addi %add3A_268, %add3A_289 : i32
      %dma_start3A_291 = arith.constant 0 : i32
      %dma_start3A_292 = tpu.memref_slice %arg6[%add3A_290, %dma_start3A_291] : memref<168x128xi32, #tpu.memory_space<vmem>> -> memref<1x128xi32, #tpu.memory_space<vmem>>
      %dma_start3A_293 = tpu.memref_squeeze %dma_start3A_292 : memref<1x128xi32, #tpu.memory_space<vmem>> -> memref<128xi32, #tpu.memory_space<vmem>>
      %dma_start3A_294 = arith.constant 0 : i32
      %dma_start3A_295 = arith.constant 0 : i32
      %dma_start3A_296 = tpu.memref_slice %arg2[%dma_start3A_294, %dma_start3A_295] : memref<20224x64xf32, #tpu.memory_space<hbm>> -> memref<20224x64xf32, #tpu.memory_space<hbm>>
      tpu.enqueue_indirect_dma source(%dma_start3A_296 : memref<20224x64xf32, #tpu.memory_space<hbm>>) target(%arg11 : memref<128x64xf32, #tpu.memory_space<vmem>>) offsets(%dma_start3A_293 : memref<128xi32, #tpu.memory_space<vmem>>) semaphore(%arg17 : memref<!tpu.dma_semaphore, #tpu.memory_space<semaphore_mem>>)
    }
    %scan3A_87 = arith.constant 41 : i32
    %dma_wait3A_88 = arith.constant 166 : i32
    %dma_wait3A_89 = arith.constant 0 : i32
    %dma_wait3A_90 = tpu.memref_slice %arg6[%dma_wait3A_88, %dma_wait3A_89] : memref<168x128xi32, #tpu.memory_space<vmem>> -> memref<1x128xi32, #tpu.memory_space<vmem>>
    %dma_wait3A_91 = tpu.memref_squeeze %dma_wait3A_90 : memref<1x128xi32, #tpu.memory_space<vmem>> -> memref<128xi32, #tpu.memory_space<vmem>>
    %dma_wait3A_92 = arith.constant 0 : i32
    %dma_wait3A_93 = arith.constant 0 : i32
    %dma_wait3A_94 = tpu.memref_slice %arg2[%dma_wait3A_92, %dma_wait3A_93] : memref<20224x64xf32, #tpu.memory_space<hbm>> -> memref<20224x64xf32, #tpu.memory_space<hbm>>
    tpu.wait_indirect_dma semaphore(%arg16 : memref<!tpu.dma_semaphore, #tpu.memory_space<semaphore_mem>>) src(%dma_wait3A_94 : memref<20224x64xf32, #tpu.memory_space<hbm>>) dst(%arg10 : memref<128x64xf32, #tpu.memory_space<vmem>>)
    %dma_start3A_95 = arith.constant 166 : i32
    %dma_start3A_96 = arith.constant 0 : i32
    %dma_start3A_97 = tpu.memref_slice %arg7[%dma_start3A_95, %dma_start3A_96] : memref<168x128xi32, #tpu.memory_space<vmem>> -> memref<1x128xi32, #tpu.memory_space<vmem>>
    %dma_start3A_98 = tpu.memref_squeeze %dma_start3A_97 : memref<1x128xi32, #tpu.memory_space<vmem>> -> memref<128xi32, #tpu.memory_space<vmem>>
    %dma_start3A_99 = arith.constant 0 : i32
    %dma_start3A_100 = arith.constant 0 : i32
    %dma_start3A_101 = tpu.memref_slice %arg13[%dma_start3A_99, %dma_start3A_100] : memref<10112x64xf32, #tpu.memory_space<vmem_shared>> -> memref<10112x64xf32, #tpu.memory_space<vmem_shared>>
    tpu.enqueue_indirect_dma source(%arg10 : memref<128x64xf32, #tpu.memory_space<vmem>>) target(%dma_start3A_101 : memref<10112x64xf32, #tpu.memory_space<vmem_shared>>) offsets(%dma_start3A_98 : memref<128xi32, #tpu.memory_space<vmem>>) semaphore(%arg20 : memref<!tpu.dma_semaphore, #tpu.memory_space<semaphore_mem>>) {add = true}
    %dma_wait3A_102 = arith.constant 164 : i32
    %dma_wait3A_103 = arith.constant 0 : i32
    %dma_wait3A_104 = tpu.memref_slice %arg7[%dma_wait3A_102, %dma_wait3A_103] : memref<168x128xi32, #tpu.memory_space<vmem>> -> memref<1x128xi32, #tpu.memory_space<vmem>>
    %dma_wait3A_105 = tpu.memref_squeeze %dma_wait3A_104 : memref<1x128xi32, #tpu.memory_space<vmem>> -> memref<128xi32, #tpu.memory_space<vmem>>
    %dma_wait3A_106 = arith.constant 0 : i32
    %dma_wait3A_107 = arith.constant 0 : i32
    %dma_wait3A_108 = tpu.memref_slice %arg13[%dma_wait3A_106, %dma_wait3A_107] : memref<10112x64xf32, #tpu.memory_space<vmem_shared>> -> memref<10112x64xf32, #tpu.memory_space<vmem_shared>>
    tpu.wait_indirect_dma semaphore(%arg18 : memref<!tpu.dma_semaphore, #tpu.memory_space<semaphore_mem>>) src(%arg8 : memref<128x64xf32, #tpu.memory_space<vmem>>) dst(%dma_wait3A_108 : memref<10112x64xf32, #tpu.memory_space<vmem_shared>>)
    %dma_wait3A_109 = arith.constant 167 : i32
    %dma_wait3A_110 = arith.constant 0 : i32
    %dma_wait3A_111 = tpu.memref_slice %arg6[%dma_wait3A_109, %dma_wait3A_110] : memref<168x128xi32, #tpu.memory_space<vmem>> -> memref<1x128xi32, #tpu.memory_space<vmem>>
    %dma_wait3A_112 = tpu.memref_squeeze %dma_wait3A_111 : memref<1x128xi32, #tpu.memory_space<vmem>> -> memref<128xi32, #tpu.memory_space<vmem>>
    %dma_wait3A_113 = arith.constant 0 : i32
    %dma_wait3A_114 = arith.constant 0 : i32
    %dma_wait3A_115 = tpu.memref_slice %arg2[%dma_wait3A_113, %dma_wait3A_114] : memref<20224x64xf32, #tpu.memory_space<hbm>> -> memref<20224x64xf32, #tpu.memory_space<hbm>>
    tpu.wait_indirect_dma semaphore(%arg17 : memref<!tpu.dma_semaphore, #tpu.memory_space<semaphore_mem>>) src(%dma_wait3A_115 : memref<20224x64xf32, #tpu.memory_space<hbm>>) dst(%arg11 : memref<128x64xf32, #tpu.memory_space<vmem>>)
    %dma_start3A_116 = arith.constant 167 : i32
    %dma_start3A_117 = arith.constant 0 : i32
    %dma_start3A_118 = tpu.memref_slice %arg7[%dma_start3A_116, %dma_start3A_117] : memref<168x128xi32, #tpu.memory_space<vmem>> -> memref<1x128xi32, #tpu.memory_space<vmem>>
    %dma_start3A_119 = tpu.memref_squeeze %dma_start3A_118 : memref<1x128xi32, #tpu.memory_space<vmem>> -> memref<128xi32, #tpu.memory_space<vmem>>
    %dma_start3A_120 = arith.constant 0 : i32
    %dma_start3A_121 = arith.constant 0 : i32
    %dma_start3A_122 = tpu.memref_slice %arg13[%dma_start3A_120, %dma_start3A_121] : memref<10112x64xf32, #tpu.memory_space<vmem_shared>> -> memref<10112x64xf32, #tpu.memory_space<vmem_shared>>
    tpu.enqueue_indirect_dma source(%arg11 : memref<128x64xf32, #tpu.memory_space<vmem>>) target(%dma_start3A_122 : memref<10112x64xf32, #tpu.memory_space<vmem_shared>>) offsets(%dma_start3A_119 : memref<128xi32, #tpu.memory_space<vmem>>) semaphore(%arg21 : memref<!tpu.dma_semaphore, #tpu.memory_space<semaphore_mem>>) {add = true}
    %dma_wait3A_123 = arith.constant 165 : i32
    %dma_wait3A_124 = arith.constant 0 : i32
    %dma_wait3A_125 = tpu.memref_slice %arg7[%dma_wait3A_123, %dma_wait3A_124] : memref<168x128xi32, #tpu.memory_space<vmem>> -> memref<1x128xi32, #tpu.memory_space<vmem>>
    %dma_wait3A_126 = tpu.memref_squeeze %dma_wait3A_125 : memref<1x128xi32, #tpu.memory_space<vmem>> -> memref<128xi32, #tpu.memory_space<vmem>>
    %dma_wait3A_127 = arith.constant 0 : i32
    %dma_wait3A_128 = arith.constant 0 : i32
    %dma_wait3A_129 = tpu.memref_slice %arg13[%dma_wait3A_127, %dma_wait3A_128] : memref<10112x64xf32, #tpu.memory_space<vmem_shared>> -> memref<10112x64xf32, #tpu.memory_space<vmem_shared>>
    tpu.wait_indirect_dma semaphore(%arg19 : memref<!tpu.dma_semaphore, #tpu.memory_space<semaphore_mem>>) src(%arg9 : memref<128x64xf32, #tpu.memory_space<vmem>>) dst(%dma_wait3A_129 : memref<10112x64xf32, #tpu.memory_space<vmem_shared>>)
    %dma_wait3A_130 = arith.constant 166 : i32
    %dma_wait3A_131 = arith.constant 0 : i32
    %dma_wait3A_132 = tpu.memref_slice %arg7[%dma_wait3A_130, %dma_wait3A_131] : memref<168x128xi32, #tpu.memory_space<vmem>> -> memref<1x128xi32, #tpu.memory_space<vmem>>
    %dma_wait3A_133 = tpu.memref_squeeze %dma_wait3A_132 : memref<1x128xi32, #tpu.memory_space<vmem>> -> memref<128xi32, #tpu.memory_space<vmem>>
    %dma_wait3A_134 = arith.constant 0 : i32
    %dma_wait3A_135 = arith.constant 0 : i32
    %dma_wait3A_136 = tpu.memref_slice %arg13[%dma_wait3A_134, %dma_wait3A_135] : memref<10112x64xf32, #tpu.memory_space<vmem_shared>> -> memref<10112x64xf32, #tpu.memory_space<vmem_shared>>
    tpu.wait_indirect_dma semaphore(%arg20 : memref<!tpu.dma_semaphore, #tpu.memory_space<semaphore_mem>>) src(%arg10 : memref<128x64xf32, #tpu.memory_space<vmem>>) dst(%dma_wait3A_136 : memref<10112x64xf32, #tpu.memory_space<vmem_shared>>)
    %dma_wait3A_137 = arith.constant 167 : i32
    %dma_wait3A_138 = arith.constant 0 : i32
    %dma_wait3A_139 = tpu.memref_slice %arg7[%dma_wait3A_137, %dma_wait3A_138] : memref<168x128xi32, #tpu.memory_space<vmem>> -> memref<1x128xi32, #tpu.memory_space<vmem>>
    %dma_wait3A_140 = tpu.memref_squeeze %dma_wait3A_139 : memref<1x128xi32, #tpu.memory_space<vmem>> -> memref<128xi32, #tpu.memory_space<vmem>>
    %dma_wait3A_141 = arith.constant 0 : i32
    %dma_wait3A_142 = arith.constant 0 : i32
    %dma_wait3A_143 = tpu.memref_slice %arg13[%dma_wait3A_141, %dma_wait3A_142] : memref<10112x64xf32, #tpu.memory_space<vmem_shared>> -> memref<10112x64xf32, #tpu.memory_space<vmem_shared>>
    tpu.wait_indirect_dma semaphore(%arg21 : memref<!tpu.dma_semaphore, #tpu.memory_space<semaphore_mem>>) src(%arg11 : memref<128x64xf32, #tpu.memory_space<vmem>>) dst(%dma_wait3A_143 : memref<10112x64xf32, #tpu.memory_space<vmem_shared>>)
    %barrier3A_144 = arith.constant 0 : index
    tpu.barrier barrier_id(%barrier3A_144)
    %mul3A_145 = arith.constant 632 : i32
    %mul3A_146 = arith.muli %arg1, %mul3A_145 : i32
    %add3A_147 = arith.constant 0 : i32
    %add3A_148 = arith.addi %mul3A_146, %add3A_147 : i32
    "tpu.region"() ({
      %run_scoped3A = tpu.sem_alloc : memref<!tpu.dma_semaphore, #tpu.memory_space<semaphore_mem>>
      %dma_start3A_167 = arith.constant 0 : i32
      %dma_start3A_168 = arith.constant 0 : i32
      %dma_start3A_169 = tpu.memref_slice %arg8[%dma_start3A_167, %dma_start3A_168] : memref<128x64xf32, #tpu.memory_space<vmem>> -> memref<128x64xf32, #tpu.memory_space<vmem>>
      %dma_start3A_170 = arith.constant 0 : i32
      %dma_start3A_171 = tpu.memref_slice %arg13[%add3A_148, %dma_start3A_170] : memref<10112x64xf32, #tpu.memory_space<vmem_shared>> -> memref<128x64xf32, #tpu.memory_space<vmem_shared>>
      %dma_start3A_172 = arith.constant 0 : i32
      %dma_start3A_173 = arith.constant 0 : i32
      %dma_start3A_174 = tpu.memref_slice %arg8[%dma_start3A_172, %dma_start3A_173] : memref<128x64xf32, #tpu.memory_space<vmem>> -> memref<128x64xf32, #tpu.memory_space<vmem>>
      %dma_start3A_175 = arith.constant 0 : i32
      %dma_start3A_176 = tpu.memref_slice %arg13[%add3A_148, %dma_start3A_175] : memref<10112x64xf32, #tpu.memory_space<vmem_shared>> -> memref<128x64xf32, #tpu.memory_space<vmem_shared>>
      tpu.enqueue_dma source(%dma_start3A_176 : memref<128x64xf32, #tpu.memory_space<vmem_shared>>) target(%dma_start3A_174 : memref<128x64xf32, #tpu.memory_space<vmem>>) target_semaphore(%run_scoped3A : memref<!tpu.dma_semaphore, #tpu.memory_space<semaphore_mem>>)
      %dma_wait3A_177 = arith.constant 0 : i32
      %dma_wait3A_178 = arith.constant 0 : i32
      %dma_wait3A_179 = tpu.memref_slice %arg8[%dma_wait3A_177, %dma_wait3A_178] : memref<128x64xf32, #tpu.memory_space<vmem>> -> memref<128x64xf32, #tpu.memory_space<vmem>>
      %dma_wait3A_180 = arith.constant 0 : i32
      %dma_wait3A_181 = tpu.memref_slice %arg13[%add3A_148, %dma_wait3A_180] : memref<10112x64xf32, #tpu.memory_space<vmem_shared>> -> memref<128x64xf32, #tpu.memory_space<vmem_shared>>
      %dma_wait3A_182 = arith.constant 0 : i32
      %dma_wait3A_183 = arith.constant 0 : i32
      %dma_wait3A_184 = tpu.memref_slice %arg8[%dma_wait3A_182, %dma_wait3A_183] : memref<128x64xf32, #tpu.memory_space<vmem>> -> memref<128x64xf32, #tpu.memory_space<vmem>>
      %dma_wait3A_185 = arith.constant 0 : i32
      %dma_wait3A_186 = tpu.memref_slice %arg13[%add3A_148, %dma_wait3A_185] : memref<10112x64xf32, #tpu.memory_space<vmem_shared>> -> memref<128x64xf32, #tpu.memory_space<vmem_shared>>
      tpu.wait_dma2 semaphore(%run_scoped3A : memref<!tpu.dma_semaphore, #tpu.memory_space<semaphore_mem>>) src(%dma_wait3A_186 : memref<128x64xf32, #tpu.memory_space<vmem_shared>>) dst(%dma_wait3A_184 : memref<128x64xf32, #tpu.memory_space<vmem>>)
      tpu.yield
    }) : () -> ()
    %add3A_149 = arith.constant 0 : i32
    %add3A_150 = arith.addi %mul3A_146, %add3A_149 : i32
    "tpu.region"() ({
      %run_scoped3A = tpu.sem_alloc : memref<!tpu.dma_semaphore, #tpu.memory_space<semaphore_mem>>
      %dma_start3A_167 = arith.constant 0 : i32
      %dma_start3A_168 = arith.constant 0 : i32
      %dma_start3A_169 = tpu.memref_slice %arg8[%dma_start3A_167, %dma_start3A_168] : memref<128x64xf32, #tpu.memory_space<vmem>> -> memref<128x64xf32, #tpu.memory_space<vmem>>
      %dma_start3A_170 = arith.constant 0 : i32
      %dma_start3A_171 = tpu.memref_slice %arg5[%arg0, %add3A_150, %dma_start3A_170] : memref<2x10112x64xf32, #tpu.memory_space<hbm>> -> memref<1x128x64xf32, #tpu.memory_space<hbm>>
      %dma_start3A_172 = tpu.memref_squeeze %dma_start3A_171 : memref<1x128x64xf32, #tpu.memory_space<hbm>> -> memref<128x64xf32, #tpu.memory_space<hbm>>
      %dma_start3A_173 = arith.constant 0 : i32
      %dma_start3A_174 = tpu.memref_slice %arg5[%arg0, %add3A_150, %dma_start3A_173] : memref<2x10112x64xf32, #tpu.memory_space<hbm>> -> memref<1x128x64xf32, #tpu.memory_space<hbm>>
      %dma_start3A_175 = tpu.memref_squeeze %dma_start3A_174 : memref<1x128x64xf32, #tpu.memory_space<hbm>> -> memref<128x64xf32, #tpu.memory_space<hbm>>
      %dma_start3A_176 = arith.constant 0 : i32
      %dma_start3A_177 = arith.constant 0 : i32
      %dma_start3A_178 = tpu.memref_slice %arg8[%dma_start3A_176, %dma_start3A_177] : memref<128x64xf32, #tpu.memory_space<vmem>> -> memref<128x64xf32, #tpu.memory_space<vmem>>
      tpu.enqueue_dma source(%dma_start3A_178 : memref<128x64xf32, #tpu.memory_space<vmem>>) target(%dma_start3A_175 : memref<128x64xf32, #tpu.memory_space<hbm>>) target_semaphore(%run_scoped3A : memref<!tpu.dma_semaphore, #tpu.memory_space<semaphore_mem>>)
      %dma_wait3A_179 = arith.constant 0 : i32
      %dma_wait3A_180 = arith.constant 0 : i32
      %dma_wait3A_181 = tpu.memref_slice %arg8[%dma_wait3A_179, %dma_wait3A_180] : memref<128x64xf32, #tpu.memory_space<vmem>> -> memref<128x64xf32, #tpu.memory_space<vmem>>
      %dma_wait3A_182 = arith.constant 0 : i32
      %dma_wait3A_183 = tpu.memref_slice %arg5[%arg0, %add3A_150, %dma_wait3A_182] : memref<2x10112x64xf32, #tpu.memory_space<hbm>> -> memref<1x128x64xf32, #tpu.memory_space<hbm>>
      %dma_wait3A_184 = tpu.memref_squeeze %dma_wait3A_183 : memref<1x128x64xf32, #tpu.memory_space<hbm>> -> memref<128x64xf32, #tpu.memory_space<hbm>>
      %dma_wait3A_185 = arith.constant 0 : i32
      %dma_wait3A_186 = tpu.memref_slice %arg5[%arg0, %add3A_150, %dma_wait3A_185] : memref<2x10112x64xf32, #tpu.memory_space<hbm>> -> memref<1x128x64xf32, #tpu.memory_space<hbm>>
      %dma_wait3A_187 = tpu.memref_squeeze %dma_wait3A_186 : memref<1x128x64xf32, #tpu.memory_space<hbm>> -> memref<128x64xf32, #tpu.memory_space<hbm>>
      %dma_wait3A_188 = arith.constant 0 : i32
      %dma_wait3A_189 = arith.constant 0 : i32
      %dma_wait3A_190 = tpu.memref_slice %arg8[%dma_wait3A_188, %dma_wait3A_189] : memref<128x64xf32, #tpu.memory_space<vmem>> -> memref<128x64xf32, #tpu.memory_space<vmem>>
      tpu.wait_dma2 semaphore(%run_scoped3A : memref<!tpu.dma_semaphore, #tpu.memory_space<semaphore_mem>>) src(%dma_wait3A_190 : memref<128x64xf32, #tpu.memory_space<vmem>>) dst(%dma_wait3A_187 : memref<128x64xf32, #tpu.memory_space<hbm>>)
      tpu.yield
    }) : () -> ()
    %add3A_151 = arith.constant 128 : i32
    %add3A_152 = arith.addi %mul3A_146, %add3A_151 : i32
    "tpu.region"() ({
      %run_scoped3A = tpu.sem_alloc : memref<!tpu.dma_semaphore, #tpu.memory_space<semaphore_mem>>
      %dma_start3A_167 = arith.constant 0 : i32
      %dma_start3A_168 = arith.constant 0 : i32
      %dma_start3A_169 = tpu.memref_slice %arg8[%dma_start3A_167, %dma_start3A_168] : memref<128x64xf32, #tpu.memory_space<vmem>> -> memref<128x64xf32, #tpu.memory_space<vmem>>
      %dma_start3A_170 = arith.constant 0 : i32
      %dma_start3A_171 = tpu.memref_slice %arg13[%add3A_152, %dma_start3A_170] : memref<10112x64xf32, #tpu.memory_space<vmem_shared>> -> memref<128x64xf32, #tpu.memory_space<vmem_shared>>
      %dma_start3A_172 = arith.constant 0 : i32
      %dma_start3A_173 = arith.constant 0 : i32
      %dma_start3A_174 = tpu.memref_slice %arg8[%dma_start3A_172, %dma_start3A_173] : memref<128x64xf32, #tpu.memory_space<vmem>> -> memref<128x64xf32, #tpu.memory_space<vmem>>
      %dma_start3A_175 = arith.constant 0 : i32
      %dma_start3A_176 = tpu.memref_slice %arg13[%add3A_152, %dma_start3A_175] : memref<10112x64xf32, #tpu.memory_space<vmem_shared>> -> memref<128x64xf32, #tpu.memory_space<vmem_shared>>
      tpu.enqueue_dma source(%dma_start3A_176 : memref<128x64xf32, #tpu.memory_space<vmem_shared>>) target(%dma_start3A_174 : memref<128x64xf32, #tpu.memory_space<vmem>>) target_semaphore(%run_scoped3A : memref<!tpu.dma_semaphore, #tpu.memory_space<semaphore_mem>>)
      %dma_wait3A_177 = arith.constant 0 : i32
      %dma_wait3A_178 = arith.constant 0 : i32
      %dma_wait3A_179 = tpu.memref_slice %arg8[%dma_wait3A_177, %dma_wait3A_178] : memref<128x64xf32, #tpu.memory_space<vmem>> -> memref<128x64xf32, #tpu.memory_space<vmem>>
      %dma_wait3A_180 = arith.constant 0 : i32
      %dma_wait3A_181 = tpu.memref_slice %arg13[%add3A_152, %dma_wait3A_180] : memref<10112x64xf32, #tpu.memory_space<vmem_shared>> -> memref<128x64xf32, #tpu.memory_space<vmem_shared>>
      %dma_wait3A_182 = arith.constant 0 : i32
      %dma_wait3A_183 = arith.constant 0 : i32
      %dma_wait3A_184 = tpu.memref_slice %arg8[%dma_wait3A_182, %dma_wait3A_183] : memref<128x64xf32, #tpu.memory_space<vmem>> -> memref<128x64xf32, #tpu.memory_space<vmem>>
      %dma_wait3A_185 = arith.constant 0 : i32
      %dma_wait3A_186 = tpu.memref_slice %arg13[%add3A_152, %dma_wait3A_185] : memref<10112x64xf32, #tpu.memory_space<vmem_shared>> -> memref<128x64xf32, #tpu.memory_space<vmem_shared>>
      tpu.wait_dma2 semaphore(%run_scoped3A : memref<!tpu.dma_semaphore, #tpu.memory_space<semaphore_mem>>) src(%dma_wait3A_186 : memref<128x64xf32, #tpu.memory_space<vmem_shared>>) dst(%dma_wait3A_184 : memref<128x64xf32, #tpu.memory_space<vmem>>)
      tpu.yield
    }) : () -> ()
    %add3A_153 = arith.constant 128 : i32
    %add3A_154 = arith.addi %mul3A_146, %add3A_153 : i32
    "tpu.region"() ({
      %run_scoped3A = tpu.sem_alloc : memref<!tpu.dma_semaphore, #tpu.memory_space<semaphore_mem>>
      %dma_start3A_167 = arith.constant 0 : i32
      %dma_start3A_168 = arith.constant 0 : i32
      %dma_start3A_169 = tpu.memref_slice %arg8[%dma_start3A_167, %dma_start3A_168] : memref<128x64xf32, #tpu.memory_space<vmem>> -> memref<128x64xf32, #tpu.memory_space<vmem>>
      %dma_start3A_170 = arith.constant 0 : i32
      %dma_start3A_171 = tpu.memref_slice %arg5[%arg0, %add3A_154, %dma_start3A_170] : memref<2x10112x64xf32, #tpu.memory_space<hbm>> -> memref<1x128x64xf32, #tpu.memory_space<hbm>>
      %dma_start3A_172 = tpu.memref_squeeze %dma_start3A_171 : memref<1x128x64xf32, #tpu.memory_space<hbm>> -> memref<128x64xf32, #tpu.memory_space<hbm>>
      %dma_start3A_173 = arith.constant 0 : i32
      %dma_start3A_174 = tpu.memref_slice %arg5[%arg0, %add3A_154, %dma_start3A_173] : memref<2x10112x64xf32, #tpu.memory_space<hbm>> -> memref<1x128x64xf32, #tpu.memory_space<hbm>>
      %dma_start3A_175 = tpu.memref_squeeze %dma_start3A_174 : memref<1x128x64xf32, #tpu.memory_space<hbm>> -> memref<128x64xf32, #tpu.memory_space<hbm>>
      %dma_start3A_176 = arith.constant 0 : i32
      %dma_start3A_177 = arith.constant 0 : i32
      %dma_start3A_178 = tpu.memref_slice %arg8[%dma_start3A_176, %dma_start3A_177] : memref<128x64xf32, #tpu.memory_space<vmem>> -> memref<128x64xf32, #tpu.memory_space<vmem>>
      tpu.enqueue_dma source(%dma_start3A_178 : memref<128x64xf32, #tpu.memory_space<vmem>>) target(%dma_start3A_175 : memref<128x64xf32, #tpu.memory_space<hbm>>) target_semaphore(%run_scoped3A : memref<!tpu.dma_semaphore, #tpu.memory_space<semaphore_mem>>)
      %dma_wait3A_179 = arith.constant 0 : i32
      %dma_wait3A_180 = arith.constant 0 : i32
      %dma_wait3A_181 = tpu.memref_slice %arg8[%dma_wait3A_179, %dma_wait3A_180] : memref<128x64xf32, #tpu.memory_space<vmem>> -> memref<128x64xf32, #tpu.memory_space<vmem>>
      %dma_wait3A_182 = arith.constant 0 : i32
      %dma_wait3A_183 = tpu.memref_slice %arg5[%arg0, %add3A_154, %dma_wait3A_182] : memref<2x10112x64xf32, #tpu.memory_space<hbm>> -> memref<1x128x64xf32, #tpu.memory_space<hbm>>
      %dma_wait3A_184 = tpu.memref_squeeze %dma_wait3A_183 : memref<1x128x64xf32, #tpu.memory_space<hbm>> -> memref<128x64xf32, #tpu.memory_space<hbm>>
      %dma_wait3A_185 = arith.constant 0 : i32
      %dma_wait3A_186 = tpu.memref_slice %arg5[%arg0, %add3A_154, %dma_wait3A_185] : memref<2x10112x64xf32, #tpu.memory_space<hbm>> -> memref<1x128x64xf32, #tpu.memory_space<hbm>>
      %dma_wait3A_187 = tpu.memref_squeeze %dma_wait3A_186 : memref<1x128x64xf32, #tpu.memory_space<hbm>> -> memref<128x64xf32, #tpu.memory_space<hbm>>
      %dma_wait3A_188 = arith.constant 0 : i32
      %dma_wait3A_189 = arith.constant 0 : i32
      %dma_wait3A_190 = tpu.memref_slice %arg8[%dma_wait3A_188, %dma_wait3A_189] : memref<128x64xf32, #tpu.memory_space<vmem>> -> memref<128x64xf32, #tpu.memory_space<vmem>>
      tpu.wait_dma2 semaphore(%run_scoped3A : memref<!tpu.dma_semaphore, #tpu.memory_space<semaphore_mem>>) src(%dma_wait3A_190 : memref<128x64xf32, #tpu.memory_space<vmem>>) dst(%dma_wait3A_187 : memref<128x64xf32, #tpu.memory_space<hbm>>)
      tpu.yield
    }) : () -> ()
    %add3A_155 = arith.constant 256 : i32
    %add3A_156 = arith.addi %mul3A_146, %add3A_155 : i32
    "tpu.region"() ({
      %run_scoped3A = tpu.sem_alloc : memref<!tpu.dma_semaphore, #tpu.memory_space<semaphore_mem>>
      %dma_start3A_167 = arith.constant 0 : i32
      %dma_start3A_168 = arith.constant 0 : i32
      %dma_start3A_169 = tpu.memref_slice %arg8[%dma_start3A_167, %dma_start3A_168] : memref<128x64xf32, #tpu.memory_space<vmem>> -> memref<128x64xf32, #tpu.memory_space<vmem>>
      %dma_start3A_170 = arith.constant 0 : i32
      %dma_start3A_171 = tpu.memref_slice %arg13[%add3A_156, %dma_start3A_170] : memref<10112x64xf32, #tpu.memory_space<vmem_shared>> -> memref<128x64xf32, #tpu.memory_space<vmem_shared>>
      %dma_start3A_172 = arith.constant 0 : i32
      %dma_start3A_173 = arith.constant 0 : i32
      %dma_start3A_174 = tpu.memref_slice %arg8[%dma_start3A_172, %dma_start3A_173] : memref<128x64xf32, #tpu.memory_space<vmem>> -> memref<128x64xf32, #tpu.memory_space<vmem>>
      %dma_start3A_175 = arith.constant 0 : i32
      %dma_start3A_176 = tpu.memref_slice %arg13[%add3A_156, %dma_start3A_175] : memref<10112x64xf32, #tpu.memory_space<vmem_shared>> -> memref<128x64xf32, #tpu.memory_space<vmem_shared>>
      tpu.enqueue_dma source(%dma_start3A_176 : memref<128x64xf32, #tpu.memory_space<vmem_shared>>) target(%dma_start3A_174 : memref<128x64xf32, #tpu.memory_space<vmem>>) target_semaphore(%run_scoped3A : memref<!tpu.dma_semaphore, #tpu.memory_space<semaphore_mem>>)
      %dma_wait3A_177 = arith.constant 0 : i32
      %dma_wait3A_178 = arith.constant 0 : i32
      %dma_wait3A_179 = tpu.memref_slice %arg8[%dma_wait3A_177, %dma_wait3A_178] : memref<128x64xf32, #tpu.memory_space<vmem>> -> memref<128x64xf32, #tpu.memory_space<vmem>>
      %dma_wait3A_180 = arith.constant 0 : i32
      %dma_wait3A_181 = tpu.memref_slice %arg13[%add3A_156, %dma_wait3A_180] : memref<10112x64xf32, #tpu.memory_space<vmem_shared>> -> memref<128x64xf32, #tpu.memory_space<vmem_shared>>
      %dma_wait3A_182 = arith.constant 0 : i32
      %dma_wait3A_183 = arith.constant 0 : i32
      %dma_wait3A_184 = tpu.memref_slice %arg8[%dma_wait3A_182, %dma_wait3A_183] : memref<128x64xf32, #tpu.memory_space<vmem>> -> memref<128x64xf32, #tpu.memory_space<vmem>>
      %dma_wait3A_185 = arith.constant 0 : i32
      %dma_wait3A_186 = tpu.memref_slice %arg13[%add3A_156, %dma_wait3A_185] : memref<10112x64xf32, #tpu.memory_space<vmem_shared>> -> memref<128x64xf32, #tpu.memory_space<vmem_shared>>
      tpu.wait_dma2 semaphore(%run_scoped3A : memref<!tpu.dma_semaphore, #tpu.memory_space<semaphore_mem>>) src(%dma_wait3A_186 : memref<128x64xf32, #tpu.memory_space<vmem_shared>>) dst(%dma_wait3A_184 : memref<128x64xf32, #tpu.memory_space<vmem>>)
      tpu.yield
    }) : () -> ()
    %add3A_157 = arith.constant 256 : i32
    %add3A_158 = arith.addi %mul3A_146, %add3A_157 : i32
    "tpu.region"() ({
      %run_scoped3A = tpu.sem_alloc : memref<!tpu.dma_semaphore, #tpu.memory_space<semaphore_mem>>
      %dma_start3A_167 = arith.constant 0 : i32
      %dma_start3A_168 = arith.constant 0 : i32
      %dma_start3A_169 = tpu.memref_slice %arg8[%dma_start3A_167, %dma_start3A_168] : memref<128x64xf32, #tpu.memory_space<vmem>> -> memref<128x64xf32, #tpu.memory_space<vmem>>
      %dma_start3A_170 = arith.constant 0 : i32
      %dma_start3A_171 = tpu.memref_slice %arg5[%arg0, %add3A_158, %dma_start3A_170] : memref<2x10112x64xf32, #tpu.memory_space<hbm>> -> memref<1x128x64xf32, #tpu.memory_space<hbm>>
      %dma_start3A_172 = tpu.memref_squeeze %dma_start3A_171 : memref<1x128x64xf32, #tpu.memory_space<hbm>> -> memref<128x64xf32, #tpu.memory_space<hbm>>
      %dma_start3A_173 = arith.constant 0 : i32
      %dma_start3A_174 = tpu.memref_slice %arg5[%arg0, %add3A_158, %dma_start3A_173] : memref<2x10112x64xf32, #tpu.memory_space<hbm>> -> memref<1x128x64xf32, #tpu.memory_space<hbm>>
      %dma_start3A_175 = tpu.memref_squeeze %dma_start3A_174 : memref<1x128x64xf32, #tpu.memory_space<hbm>> -> memref<128x64xf32, #tpu.memory_space<hbm>>
      %dma_start3A_176 = arith.constant 0 : i32
      %dma_start3A_177 = arith.constant 0 : i32
      %dma_start3A_178 = tpu.memref_slice %arg8[%dma_start3A_176, %dma_start3A_177] : memref<128x64xf32, #tpu.memory_space<vmem>> -> memref<128x64xf32, #tpu.memory_space<vmem>>
      tpu.enqueue_dma source(%dma_start3A_178 : memref<128x64xf32, #tpu.memory_space<vmem>>) target(%dma_start3A_175 : memref<128x64xf32, #tpu.memory_space<hbm>>) target_semaphore(%run_scoped3A : memref<!tpu.dma_semaphore, #tpu.memory_space<semaphore_mem>>)
      %dma_wait3A_179 = arith.constant 0 : i32
      %dma_wait3A_180 = arith.constant 0 : i32
      %dma_wait3A_181 = tpu.memref_slice %arg8[%dma_wait3A_179, %dma_wait3A_180] : memref<128x64xf32, #tpu.memory_space<vmem>> -> memref<128x64xf32, #tpu.memory_space<vmem>>
      %dma_wait3A_182 = arith.constant 0 : i32
      %dma_wait3A_183 = tpu.memref_slice %arg5[%arg0, %add3A_158, %dma_wait3A_182] : memref<2x10112x64xf32, #tpu.memory_space<hbm>> -> memref<1x128x64xf32, #tpu.memory_space<hbm>>
      %dma_wait3A_184 = tpu.memref_squeeze %dma_wait3A_183 : memref<1x128x64xf32, #tpu.memory_space<hbm>> -> memref<128x64xf32, #tpu.memory_space<hbm>>
      %dma_wait3A_185 = arith.constant 0 : i32
      %dma_wait3A_186 = tpu.memref_slice %arg5[%arg0, %add3A_158, %dma_wait3A_185] : memref<2x10112x64xf32, #tpu.memory_space<hbm>> -> memref<1x128x64xf32, #tpu.memory_space<hbm>>
      %dma_wait3A_187 = tpu.memref_squeeze %dma_wait3A_186 : memref<1x128x64xf32, #tpu.memory_space<hbm>> -> memref<128x64xf32, #tpu.memory_space<hbm>>
      %dma_wait3A_188 = arith.constant 0 : i32
      %dma_wait3A_189 = arith.constant 0 : i32
      %dma_wait3A_190 = tpu.memref_slice %arg8[%dma_wait3A_188, %dma_wait3A_189] : memref<128x64xf32, #tpu.memory_space<vmem>> -> memref<128x64xf32, #tpu.memory_space<vmem>>
      tpu.wait_dma2 semaphore(%run_scoped3A : memref<!tpu.dma_semaphore, #tpu.memory_space<semaphore_mem>>) src(%dma_wait3A_190 : memref<128x64xf32, #tpu.memory_space<vmem>>) dst(%dma_wait3A_187 : memref<128x64xf32, #tpu.memory_space<hbm>>)
      tpu.yield
    }) : () -> ()
    %add3A_159 = arith.constant 384 : i32
    %add3A_160 = arith.addi %mul3A_146, %add3A_159 : i32
    "tpu.region"() ({
      %run_scoped3A = tpu.sem_alloc : memref<!tpu.dma_semaphore, #tpu.memory_space<semaphore_mem>>
      %dma_start3A_167 = arith.constant 0 : i32
      %dma_start3A_168 = arith.constant 0 : i32
      %dma_start3A_169 = tpu.memref_slice %arg8[%dma_start3A_167, %dma_start3A_168] : memref<128x64xf32, #tpu.memory_space<vmem>> -> memref<128x64xf32, #tpu.memory_space<vmem>>
      %dma_start3A_170 = arith.constant 0 : i32
      %dma_start3A_171 = tpu.memref_slice %arg13[%add3A_160, %dma_start3A_170] : memref<10112x64xf32, #tpu.memory_space<vmem_shared>> -> memref<128x64xf32, #tpu.memory_space<vmem_shared>>
      %dma_start3A_172 = arith.constant 0 : i32
      %dma_start3A_173 = arith.constant 0 : i32
      %dma_start3A_174 = tpu.memref_slice %arg8[%dma_start3A_172, %dma_start3A_173] : memref<128x64xf32, #tpu.memory_space<vmem>> -> memref<128x64xf32, #tpu.memory_space<vmem>>
      %dma_start3A_175 = arith.constant 0 : i32
      %dma_start3A_176 = tpu.memref_slice %arg13[%add3A_160, %dma_start3A_175] : memref<10112x64xf32, #tpu.memory_space<vmem_shared>> -> memref<128x64xf32, #tpu.memory_space<vmem_shared>>
      tpu.enqueue_dma source(%dma_start3A_176 : memref<128x64xf32, #tpu.memory_space<vmem_shared>>) target(%dma_start3A_174 : memref<128x64xf32, #tpu.memory_space<vmem>>) target_semaphore(%run_scoped3A : memref<!tpu.dma_semaphore, #tpu.memory_space<semaphore_mem>>)
      %dma_wait3A_177 = arith.constant 0 : i32
      %dma_wait3A_178 = arith.constant 0 : i32
      %dma_wait3A_179 = tpu.memref_slice %arg8[%dma_wait3A_177, %dma_wait3A_178] : memref<128x64xf32, #tpu.memory_space<vmem>> -> memref<128x64xf32, #tpu.memory_space<vmem>>
      %dma_wait3A_180 = arith.constant 0 : i32
      %dma_wait3A_181 = tpu.memref_slice %arg13[%add3A_160, %dma_wait3A_180] : memref<10112x64xf32, #tpu.memory_space<vmem_shared>> -> memref<128x64xf32, #tpu.memory_space<vmem_shared>>
      %dma_wait3A_182 = arith.constant 0 : i32
      %dma_wait3A_183 = arith.constant 0 : i32
      %dma_wait3A_184 = tpu.memref_slice %arg8[%dma_wait3A_182, %dma_wait3A_183] : memref<128x64xf32, #tpu.memory_space<vmem>> -> memref<128x64xf32, #tpu.memory_space<vmem>>
      %dma_wait3A_185 = arith.constant 0 : i32
      %dma_wait3A_186 = tpu.memref_slice %arg13[%add3A_160, %dma_wait3A_185] : memref<10112x64xf32, #tpu.memory_space<vmem_shared>> -> memref<128x64xf32, #tpu.memory_space<vmem_shared>>
      tpu.wait_dma2 semaphore(%run_scoped3A : memref<!tpu.dma_semaphore, #tpu.memory_space<semaphore_mem>>) src(%dma_wait3A_186 : memref<128x64xf32, #tpu.memory_space<vmem_shared>>) dst(%dma_wait3A_184 : memref<128x64xf32, #tpu.memory_space<vmem>>)
      tpu.yield
    }) : () -> ()
    %add3A_161 = arith.constant 384 : i32
    %add3A_162 = arith.addi %mul3A_146, %add3A_161 : i32
    "tpu.region"() ({
      %run_scoped3A = tpu.sem_alloc : memref<!tpu.dma_semaphore, #tpu.memory_space<semaphore_mem>>
      %dma_start3A_167 = arith.constant 0 : i32
      %dma_start3A_168 = arith.constant 0 : i32
      %dma_start3A_169 = tpu.memref_slice %arg8[%dma_start3A_167, %dma_start3A_168] : memref<128x64xf32, #tpu.memory_space<vmem>> -> memref<128x64xf32, #tpu.memory_space<vmem>>
      %dma_start3A_170 = arith.constant 0 : i32
      %dma_start3A_171 = tpu.memref_slice %arg5[%arg0, %add3A_162, %dma_start3A_170] : memref<2x10112x64xf32, #tpu.memory_space<hbm>> -> memref<1x128x64xf32, #tpu.memory_space<hbm>>
      %dma_start3A_172 = tpu.memref_squeeze %dma_start3A_171 : memref<1x128x64xf32, #tpu.memory_space<hbm>> -> memref<128x64xf32, #tpu.memory_space<hbm>>
      %dma_start3A_173 = arith.constant 0 : i32
      %dma_start3A_174 = tpu.memref_slice %arg5[%arg0, %add3A_162, %dma_start3A_173] : memref<2x10112x64xf32, #tpu.memory_space<hbm>> -> memref<1x128x64xf32, #tpu.memory_space<hbm>>
      %dma_start3A_175 = tpu.memref_squeeze %dma_start3A_174 : memref<1x128x64xf32, #tpu.memory_space<hbm>> -> memref<128x64xf32, #tpu.memory_space<hbm>>
      %dma_start3A_176 = arith.constant 0 : i32
      %dma_start3A_177 = arith.constant 0 : i32
      %dma_start3A_178 = tpu.memref_slice %arg8[%dma_start3A_176, %dma_start3A_177] : memref<128x64xf32, #tpu.memory_space<vmem>> -> memref<128x64xf32, #tpu.memory_space<vmem>>
      tpu.enqueue_dma source(%dma_start3A_178 : memref<128x64xf32, #tpu.memory_space<vmem>>) target(%dma_start3A_175 : memref<128x64xf32, #tpu.memory_space<hbm>>) target_semaphore(%run_scoped3A : memref<!tpu.dma_semaphore, #tpu.memory_space<semaphore_mem>>)
      %dma_wait3A_179 = arith.constant 0 : i32
      %dma_wait3A_180 = arith.constant 0 : i32
      %dma_wait3A_181 = tpu.memref_slice %arg8[%dma_wait3A_179, %dma_wait3A_180] : memref<128x64xf32, #tpu.memory_space<vmem>> -> memref<128x64xf32, #tpu.memory_space<vmem>>
      %dma_wait3A_182 = arith.constant 0 : i32
      %dma_wait3A_183 = tpu.memref_slice %arg5[%arg0, %add3A_162, %dma_wait3A_182] : memref<2x10112x64xf32, #tpu.memory_space<hbm>> -> memref<1x128x64xf32, #tpu.memory_space<hbm>>
      %dma_wait3A_184 = tpu.memref_squeeze %dma_wait3A_183 : memref<1x128x64xf32, #tpu.memory_space<hbm>> -> memref<128x64xf32, #tpu.memory_space<hbm>>
      %dma_wait3A_185 = arith.constant 0 : i32
      %dma_wait3A_186 = tpu.memref_slice %arg5[%arg0, %add3A_162, %dma_wait3A_185] : memref<2x10112x64xf32, #tpu.memory_space<hbm>> -> memref<1x128x64xf32, #tpu.memory_space<hbm>>
      %dma_wait3A_187 = tpu.memref_squeeze %dma_wait3A_186 : memref<1x128x64xf32, #tpu.memory_space<hbm>> -> memref<128x64xf32, #tpu.memory_space<hbm>>
      %dma_wait3A_188 = arith.constant 0 : i32
      %dma_wait3A_189 = arith.constant 0 : i32
      %dma_wait3A_190 = tpu.memref_slice %arg8[%dma_wait3A_188, %dma_wait3A_189] : memref<128x64xf32, #tpu.memory_space<vmem>> -> memref<128x64xf32, #tpu.memory_space<vmem>>
      tpu.wait_dma2 semaphore(%run_scoped3A : memref<!tpu.dma_semaphore, #tpu.memory_space<semaphore_mem>>) src(%dma_wait3A_190 : memref<128x64xf32, #tpu.memory_space<vmem>>) dst(%dma_wait3A_187 : memref<128x64xf32, #tpu.memory_space<hbm>>)
      tpu.yield
    }) : () -> ()
    %add3A_163 = arith.constant 512 : i32
    %add3A_164 = arith.addi %mul3A_146, %add3A_163 : i32
    "tpu.region"() ({
      %run_scoped3A = tpu.sem_alloc : memref<!tpu.dma_semaphore, #tpu.memory_space<semaphore_mem>>
      %dma_start3A_167 = arith.constant 0 : i32
      %dma_start3A_168 = arith.constant 0 : i32
      %dma_start3A_169 = tpu.memref_slice %arg8[%dma_start3A_167, %dma_start3A_168] : memref<128x64xf32, #tpu.memory_space<vmem>> -> memref<120x64xf32, #tpu.memory_space<vmem>>
      %dma_start3A_170 = arith.constant 0 : i32
      %dma_start3A_171 = tpu.memref_slice %arg13[%add3A_164, %dma_start3A_170] : memref<10112x64xf32, #tpu.memory_space<vmem_shared>> -> memref<120x64xf32, #tpu.memory_space<vmem_shared>>
      %dma_start3A_172 = arith.constant 0 : i32
      %dma_start3A_173 = arith.constant 0 : i32
      %dma_start3A_174 = tpu.memref_slice %arg8[%dma_start3A_172, %dma_start3A_173] : memref<128x64xf32, #tpu.memory_space<vmem>> -> memref<120x64xf32, #tpu.memory_space<vmem>>
      %dma_start3A_175 = arith.constant 0 : i32
      %dma_start3A_176 = tpu.memref_slice %arg13[%add3A_164, %dma_start3A_175] : memref<10112x64xf32, #tpu.memory_space<vmem_shared>> -> memref<120x64xf32, #tpu.memory_space<vmem_shared>>
      tpu.enqueue_dma source(%dma_start3A_176 : memref<120x64xf32, #tpu.memory_space<vmem_shared>>) target(%dma_start3A_174 : memref<120x64xf32, #tpu.memory_space<vmem>>) target_semaphore(%run_scoped3A : memref<!tpu.dma_semaphore, #tpu.memory_space<semaphore_mem>>)
      %dma_wait3A_177 = arith.constant 0 : i32
      %dma_wait3A_178 = arith.constant 0 : i32
      %dma_wait3A_179 = tpu.memref_slice %arg8[%dma_wait3A_177, %dma_wait3A_178] : memref<128x64xf32, #tpu.memory_space<vmem>> -> memref<120x64xf32, #tpu.memory_space<vmem>>
      %dma_wait3A_180 = arith.constant 0 : i32
      %dma_wait3A_181 = tpu.memref_slice %arg13[%add3A_164, %dma_wait3A_180] : memref<10112x64xf32, #tpu.memory_space<vmem_shared>> -> memref<120x64xf32, #tpu.memory_space<vmem_shared>>
      %dma_wait3A_182 = arith.constant 0 : i32
      %dma_wait3A_183 = arith.constant 0 : i32
      %dma_wait3A_184 = tpu.memref_slice %arg8[%dma_wait3A_182, %dma_wait3A_183] : memref<128x64xf32, #tpu.memory_space<vmem>> -> memref<120x64xf32, #tpu.memory_space<vmem>>
      %dma_wait3A_185 = arith.constant 0 : i32
      %dma_wait3A_186 = tpu.memref_slice %arg13[%add3A_164, %dma_wait3A_185] : memref<10112x64xf32, #tpu.memory_space<vmem_shared>> -> memref<120x64xf32, #tpu.memory_space<vmem_shared>>
      tpu.wait_dma2 semaphore(%run_scoped3A : memref<!tpu.dma_semaphore, #tpu.memory_space<semaphore_mem>>) src(%dma_wait3A_186 : memref<120x64xf32, #tpu.memory_space<vmem_shared>>) dst(%dma_wait3A_184 : memref<120x64xf32, #tpu.memory_space<vmem>>)
      tpu.yield
    }) : () -> ()
    %add3A_165 = arith.constant 512 : i32
    %add3A_166 = arith.addi %mul3A_146, %add3A_165 : i32
    "tpu.region"() ({
      %run_scoped3A = tpu.sem_alloc : memref<!tpu.dma_semaphore, #tpu.memory_space<semaphore_mem>>
      %dma_start3A_167 = arith.constant 0 : i32
      %dma_start3A_168 = arith.constant 0 : i32
      %dma_start3A_169 = tpu.memref_slice %arg8[%dma_start3A_167, %dma_start3A_168] : memref<128x64xf32, #tpu.memory_space<vmem>> -> memref<120x64xf32, #tpu.memory_space<vmem>>
      %dma_start3A_170 = arith.constant 0 : i32
      %dma_start3A_171 = tpu.memref_slice %arg5[%arg0, %add3A_166, %dma_start3A_170] : memref<2x10112x64xf32, #tpu.memory_space<hbm>> -> memref<1x120x64xf32, #tpu.memory_space<hbm>>
      %dma_start3A_172 = tpu.memref_squeeze %dma_start3A_171 : memref<1x120x64xf32, #tpu.memory_space<hbm>> -> memref<120x64xf32, #tpu.memory_space<hbm>>
      %dma_start3A_173 = arith.constant 0 : i32
      %dma_start3A_174 = tpu.memref_slice %arg5[%arg0, %add3A_166, %dma_start3A_173] : memref<2x10112x64xf32, #tpu.memory_space<hbm>> -> memref<1x120x64xf32, #tpu.memory_space<hbm>>
      %dma_start3A_175 = tpu.memref_squeeze %dma_start3A_174 : memref<1x120x64xf32, #tpu.memory_space<hbm>> -> memref<120x64xf32, #tpu.memory_space<hbm>>
      %dma_start3A_176 = arith.constant 0 : i32
      %dma_start3A_177 = arith.constant 0 : i32
      %dma_start3A_178 = tpu.memref_slice %arg8[%dma_start3A_176, %dma_start3A_177] : memref<128x64xf32, #tpu.memory_space<vmem>> -> memref<120x64xf32, #tpu.memory_space<vmem>>
      tpu.enqueue_dma source(%dma_start3A_178 : memref<120x64xf32, #tpu.memory_space<vmem>>) target(%dma_start3A_175 : memref<120x64xf32, #tpu.memory_space<hbm>>) target_semaphore(%run_scoped3A : memref<!tpu.dma_semaphore, #tpu.memory_space<semaphore_mem>>)
      %dma_wait3A_179 = arith.constant 0 : i32
      %dma_wait3A_180 = arith.constant 0 : i32
      %dma_wait3A_181 = tpu.memref_slice %arg8[%dma_wait3A_179, %dma_wait3A_180] : memref<128x64xf32, #tpu.memory_space<vmem>> -> memref<120x64xf32, #tpu.memory_space<vmem>>
      %dma_wait3A_182 = arith.constant 0 : i32
      %dma_wait3A_183 = tpu.memref_slice %arg5[%arg0, %add3A_166, %dma_wait3A_182] : memref<2x10112x64xf32, #tpu.memory_space<hbm>> -> memref<1x120x64xf32, #tpu.memory_space<hbm>>
      %dma_wait3A_184 = tpu.memref_squeeze %dma_wait3A_183 : memref<1x120x64xf32, #tpu.memory_space<hbm>> -> memref<120x64xf32, #tpu.memory_space<hbm>>
      %dma_wait3A_185 = arith.constant 0 : i32
      %dma_wait3A_186 = tpu.memref_slice %arg5[%arg0, %add3A_166, %dma_wait3A_185] : memref<2x10112x64xf32, #tpu.memory_space<hbm>> -> memref<1x120x64xf32, #tpu.memory_space<hbm>>
      %dma_wait3A_187 = tpu.memref_squeeze %dma_wait3A_186 : memref<1x120x64xf32, #tpu.memory_space<hbm>> -> memref<120x64xf32, #tpu.memory_space<hbm>>
      %dma_wait3A_188 = arith.constant 0 : i32
      %dma_wait3A_189 = arith.constant 0 : i32
      %dma_wait3A_190 = tpu.memref_slice %arg8[%dma_wait3A_188, %dma_wait3A_189] : memref<128x64xf32, #tpu.memory_space<vmem>> -> memref<120x64xf32, #tpu.memory_space<vmem>>
      tpu.wait_dma2 semaphore(%run_scoped3A : memref<!tpu.dma_semaphore, #tpu.memory_space<semaphore_mem>>) src(%dma_wait3A_190 : memref<120x64xf32, #tpu.memory_space<vmem>>) dst(%dma_wait3A_187 : memref<120x64xf32, #tpu.memory_space<hbm>>)
      tpu.yield
    }) : () -> ()
    return
  }
}

#map = affine_map<(d0, d1) -> (0, 0)>
#map1 = affine_map<(d0, d1) -> (0, 0, 0)>
#map2 = affine_map<(d0, d1) -> (0, 0, 0, 0)>
module attributes {stable_mosaic.version = 14 : i64} {
  func.func @_sc_mp2(%arg0: i32, %arg1: i32, %arg2: memref<20224x64xf32, #tpu.memory_space<hbm>>, %arg3: memref<2x2688x128xi32, #tpu.memory_space<hbm>>, %arg4: memref<2688x128xi32, #tpu.memory_space<hbm>>, %arg5: memref<2x3x1x4096xi32, #tpu.memory_space<hbm>>, %arg6: memref<10112x16xf32, #tpu.memory_space<hbm>>, %arg7: memref<20224x64xf32, #tpu.memory_space<hbm>>, %arg8: memref<3x2x4096x64xf32, #tpu.memory_space<hbm>>, %arg9: memref<3x4096x16xf32, #tpu.memory_space<hbm>>, %arg10: memref<168x128xi32, #tpu.memory_space<vmem>>, %arg11: memref<168x128xi32, #tpu.memory_space<vmem>>, %arg12: memref<128x64xf32, #tpu.memory_space<vmem>>, %arg13: memref<128x64xf32, #tpu.memory_space<vmem>>, %arg14: memref<128x64xf32, #tpu.memory_space<vmem>>, %arg15: memref<128x64xf32, #tpu.memory_space<vmem>>, %arg16: memref<64x64xf32, #tpu.memory_space<vmem>>, %arg17: memref<10112x64xf32, #tpu.memory_space<vmem_shared>>, %arg18: memref<!tpu.dma_semaphore, #tpu.memory_space<semaphore_mem>>, %arg19: memref<!tpu.dma_semaphore, #tpu.memory_space<semaphore_mem>>, %arg20: memref<!tpu.dma_semaphore, #tpu.memory_space<semaphore_mem>>, %arg21: memref<!tpu.dma_semaphore, #tpu.memory_space<semaphore_mem>>, %arg22: memref<!tpu.dma_semaphore, #tpu.memory_space<semaphore_mem>>, %arg23: memref<!tpu.dma_semaphore, #tpu.memory_space<semaphore_mem>>, %arg24: memref<!tpu.dma_semaphore, #tpu.memory_space<semaphore_mem>>, %arg25: memref<!tpu.dma_semaphore, #tpu.memory_space<semaphore_mem>>, %arg26: memref<3x256xi32, #tpu.memory_space<vmem>>, %arg27: memref<256x16xf32, #tpu.memory_space<vmem>>) attributes {dimension_semantics = [#tpu.dimension_semantics<core_parallel>, #tpu.dimension_semantics<subcore_parallel>], iteration_bounds = array<i64: 2, 16>, scalar_prefetch = 0 : i64, scratch_operands = 18 : i64, tpu.core_type = #tpu.core_type<sc_vector_subcore>, window_params = [{transform_indices = #map}, {transform_indices = #map1}, {transform_indices = #map}, {transform_indices = #map2}, {transform_indices = #map}, {transform_indices = #map}, {transform_indices = #map2}, {transform_indices = #map1}]} {
    %mul3A = arith.constant 256 : i32
    %mul3A_0 = arith.muli %arg1, %mul3A : i32
    %run_scoped3A = arith.constant 0 : i32
    %run_scoped3A_1 = arith.constant 0 : i32
    %run_scoped3A_2 = arith.constant 0 : i32
    "tpu.region"() ({
      %run_scoped3A_328 = tpu.sem_alloc : memref<!tpu.dma_semaphore, #tpu.memory_space<semaphore_mem>>
      %dma_start3A_329 = arith.constant 0 : i32
      %dma_start3A_330 = tpu.memref_slice %arg26[%run_scoped3A_2, %dma_start3A_329] : memref<3x256xi32, #tpu.memory_space<vmem>> -> memref<1x256xi32, #tpu.memory_space<vmem>>
      %dma_start3A_331 = tpu.memref_squeeze %dma_start3A_330 : memref<1x256xi32, #tpu.memory_space<vmem>> -> memref<256xi32, #tpu.memory_space<vmem>>
      %dma_start3A_332 = tpu.memref_slice %arg5[%arg0, %run_scoped3A, %run_scoped3A_1, %mul3A_0] : memref<2x3x1x4096xi32, #tpu.memory_space<hbm>> -> memref<1x1x1x256xi32, #tpu.memory_space<hbm>>
      %dma_start3A_333 = tpu.memref_squeeze %dma_start3A_332 : memref<1x1x1x256xi32, #tpu.memory_space<hbm>> -> memref<256xi32, #tpu.memory_space<hbm>>
      %dma_start3A_334 = arith.constant 0 : i32
      %dma_start3A_335 = tpu.memref_slice %arg26[%run_scoped3A_2, %dma_start3A_334] : memref<3x256xi32, #tpu.memory_space<vmem>> -> memref<1x256xi32, #tpu.memory_space<vmem>>
      %dma_start3A_336 = tpu.memref_squeeze %dma_start3A_335 : memref<1x256xi32, #tpu.memory_space<vmem>> -> memref<256xi32, #tpu.memory_space<vmem>>
      %dma_start3A_337 = tpu.memref_slice %arg5[%arg0, %run_scoped3A, %run_scoped3A_1, %mul3A_0] : memref<2x3x1x4096xi32, #tpu.memory_space<hbm>> -> memref<1x1x1x256xi32, #tpu.memory_space<hbm>>
      %dma_start3A_338 = tpu.memref_squeeze %dma_start3A_337 : memref<1x1x1x256xi32, #tpu.memory_space<hbm>> -> memref<256xi32, #tpu.memory_space<hbm>>
      tpu.enqueue_dma source(%dma_start3A_338 : memref<256xi32, #tpu.memory_space<hbm>>) target(%dma_start3A_336 : memref<256xi32, #tpu.memory_space<vmem>>) target_semaphore(%run_scoped3A_328 : memref<!tpu.dma_semaphore, #tpu.memory_space<semaphore_mem>>)
      %dma_wait3A_339 = arith.constant 0 : i32
      %dma_wait3A_340 = tpu.memref_slice %arg26[%run_scoped3A_2, %dma_wait3A_339] : memref<3x256xi32, #tpu.memory_space<vmem>> -> memref<1x256xi32, #tpu.memory_space<vmem>>
      %dma_wait3A_341 = tpu.memref_squeeze %dma_wait3A_340 : memref<1x256xi32, #tpu.memory_space<vmem>> -> memref<256xi32, #tpu.memory_space<vmem>>
      %dma_wait3A_342 = tpu.memref_slice %arg5[%arg0, %run_scoped3A, %run_scoped3A_1, %mul3A_0] : memref<2x3x1x4096xi32, #tpu.memory_space<hbm>> -> memref<1x1x1x256xi32, #tpu.memory_space<hbm>>
      %dma_wait3A_343 = tpu.memref_squeeze %dma_wait3A_342 : memref<1x1x1x256xi32, #tpu.memory_space<hbm>> -> memref<256xi32, #tpu.memory_space<hbm>>
      %dma_wait3A_344 = arith.constant 0 : i32
      %dma_wait3A_345 = tpu.memref_slice %arg26[%run_scoped3A_2, %dma_wait3A_344] : memref<3x256xi32, #tpu.memory_space<vmem>> -> memref<1x256xi32, #tpu.memory_space<vmem>>
      %dma_wait3A_346 = tpu.memref_squeeze %dma_wait3A_345 : memref<1x256xi32, #tpu.memory_space<vmem>> -> memref<256xi32, #tpu.memory_space<vmem>>
      %dma_wait3A_347 = tpu.memref_slice %arg5[%arg0, %run_scoped3A, %run_scoped3A_1, %mul3A_0] : memref<2x3x1x4096xi32, #tpu.memory_space<hbm>> -> memref<1x1x1x256xi32, #tpu.memory_space<hbm>>
      %dma_wait3A_348 = tpu.memref_squeeze %dma_wait3A_347 : memref<1x1x1x256xi32, #tpu.memory_space<hbm>> -> memref<256xi32, #tpu.memory_space<hbm>>
      tpu.wait_dma2 semaphore(%run_scoped3A_328 : memref<!tpu.dma_semaphore, #tpu.memory_space<semaphore_mem>>) src(%dma_wait3A_348 : memref<256xi32, #tpu.memory_space<hbm>>) dst(%dma_wait3A_346 : memref<256xi32, #tpu.memory_space<vmem>>)
      tpu.yield
    }) : () -> ()
    %mul3A_3 = arith.constant 256 : i32
    %mul3A_4 = arith.muli %arg1, %mul3A_3 : i32
    %run_scoped3A_5 = arith.constant 1 : i32
    %run_scoped3A_6 = arith.constant 0 : i32
    %run_scoped3A_7 = arith.constant 1 : i32
    "tpu.region"() ({
      %run_scoped3A_328 = tpu.sem_alloc : memref<!tpu.dma_semaphore, #tpu.memory_space<semaphore_mem>>
      %dma_start3A_329 = arith.constant 0 : i32
      %dma_start3A_330 = tpu.memref_slice %arg26[%run_scoped3A_7, %dma_start3A_329] : memref<3x256xi32, #tpu.memory_space<vmem>> -> memref<1x256xi32, #tpu.memory_space<vmem>>
      %dma_start3A_331 = tpu.memref_squeeze %dma_start3A_330 : memref<1x256xi32, #tpu.memory_space<vmem>> -> memref<256xi32, #tpu.memory_space<vmem>>
      %dma_start3A_332 = tpu.memref_slice %arg5[%arg0, %run_scoped3A_5, %run_scoped3A_6, %mul3A_4] : memref<2x3x1x4096xi32, #tpu.memory_space<hbm>> -> memref<1x1x1x256xi32, #tpu.memory_space<hbm>>
      %dma_start3A_333 = tpu.memref_squeeze %dma_start3A_332 : memref<1x1x1x256xi32, #tpu.memory_space<hbm>> -> memref<256xi32, #tpu.memory_space<hbm>>
      %dma_start3A_334 = arith.constant 0 : i32
      %dma_start3A_335 = tpu.memref_slice %arg26[%run_scoped3A_7, %dma_start3A_334] : memref<3x256xi32, #tpu.memory_space<vmem>> -> memref<1x256xi32, #tpu.memory_space<vmem>>
      %dma_start3A_336 = tpu.memref_squeeze %dma_start3A_335 : memref<1x256xi32, #tpu.memory_space<vmem>> -> memref<256xi32, #tpu.memory_space<vmem>>
      %dma_start3A_337 = tpu.memref_slice %arg5[%arg0, %run_scoped3A_5, %run_scoped3A_6, %mul3A_4] : memref<2x3x1x4096xi32, #tpu.memory_space<hbm>> -> memref<1x1x1x256xi32, #tpu.memory_space<hbm>>
      %dma_start3A_338 = tpu.memref_squeeze %dma_start3A_337 : memref<1x1x1x256xi32, #tpu.memory_space<hbm>> -> memref<256xi32, #tpu.memory_space<hbm>>
      tpu.enqueue_dma source(%dma_start3A_338 : memref<256xi32, #tpu.memory_space<hbm>>) target(%dma_start3A_336 : memref<256xi32, #tpu.memory_space<vmem>>) target_semaphore(%run_scoped3A_328 : memref<!tpu.dma_semaphore, #tpu.memory_space<semaphore_mem>>)
      %dma_wait3A_339 = arith.constant 0 : i32
      %dma_wait3A_340 = tpu.memref_slice %arg26[%run_scoped3A_7, %dma_wait3A_339] : memref<3x256xi32, #tpu.memory_space<vmem>> -> memref<1x256xi32, #tpu.memory_space<vmem>>
      %dma_wait3A_341 = tpu.memref_squeeze %dma_wait3A_340 : memref<1x256xi32, #tpu.memory_space<vmem>> -> memref<256xi32, #tpu.memory_space<vmem>>
      %dma_wait3A_342 = tpu.memref_slice %arg5[%arg0, %run_scoped3A_5, %run_scoped3A_6, %mul3A_4] : memref<2x3x1x4096xi32, #tpu.memory_space<hbm>> -> memref<1x1x1x256xi32, #tpu.memory_space<hbm>>
      %dma_wait3A_343 = tpu.memref_squeeze %dma_wait3A_342 : memref<1x1x1x256xi32, #tpu.memory_space<hbm>> -> memref<256xi32, #tpu.memory_space<hbm>>
      %dma_wait3A_344 = arith.constant 0 : i32
      %dma_wait3A_345 = tpu.memref_slice %arg26[%run_scoped3A_7, %dma_wait3A_344] : memref<3x256xi32, #tpu.memory_space<vmem>> -> memref<1x256xi32, #tpu.memory_space<vmem>>
      %dma_wait3A_346 = tpu.memref_squeeze %dma_wait3A_345 : memref<1x256xi32, #tpu.memory_space<vmem>> -> memref<256xi32, #tpu.memory_space<vmem>>
      %dma_wait3A_347 = tpu.memref_slice %arg5[%arg0, %run_scoped3A_5, %run_scoped3A_6, %mul3A_4] : memref<2x3x1x4096xi32, #tpu.memory_space<hbm>> -> memref<1x1x1x256xi32, #tpu.memory_space<hbm>>
      %dma_wait3A_348 = tpu.memref_squeeze %dma_wait3A_347 : memref<1x1x1x256xi32, #tpu.memory_space<hbm>> -> memref<256xi32, #tpu.memory_space<hbm>>
      tpu.wait_dma2 semaphore(%run_scoped3A_328 : memref<!tpu.dma_semaphore, #tpu.memory_space<semaphore_mem>>) src(%dma_wait3A_348 : memref<256xi32, #tpu.memory_space<hbm>>) dst(%dma_wait3A_346 : memref<256xi32, #tpu.memory_space<vmem>>)
      tpu.yield
    }) : () -> ()
    %mul3A_8 = arith.constant 256 : i32
    %mul3A_9 = arith.muli %arg1, %mul3A_8 : i32
    %run_scoped3A_10 = arith.constant 2 : i32
    %run_scoped3A_11 = arith.constant 0 : i32
    %run_scoped3A_12 = arith.constant 2 : i32
    "tpu.region"() ({
      %run_scoped3A_328 = tpu.sem_alloc : memref<!tpu.dma_semaphore, #tpu.memory_space<semaphore_mem>>
      %dma_start3A_329 = arith.constant 0 : i32
      %dma_start3A_330 = tpu.memref_slice %arg26[%run_scoped3A_12, %dma_start3A_329] : memref<3x256xi32, #tpu.memory_space<vmem>> -> memref<1x256xi32, #tpu.memory_space<vmem>>
      %dma_start3A_331 = tpu.memref_squeeze %dma_start3A_330 : memref<1x256xi32, #tpu.memory_space<vmem>> -> memref<256xi32, #tpu.memory_space<vmem>>
      %dma_start3A_332 = tpu.memref_slice %arg5[%arg0, %run_scoped3A_10, %run_scoped3A_11, %mul3A_9] : memref<2x3x1x4096xi32, #tpu.memory_space<hbm>> -> memref<1x1x1x256xi32, #tpu.memory_space<hbm>>
      %dma_start3A_333 = tpu.memref_squeeze %dma_start3A_332 : memref<1x1x1x256xi32, #tpu.memory_space<hbm>> -> memref<256xi32, #tpu.memory_space<hbm>>
      %dma_start3A_334 = arith.constant 0 : i32
      %dma_start3A_335 = tpu.memref_slice %arg26[%run_scoped3A_12, %dma_start3A_334] : memref<3x256xi32, #tpu.memory_space<vmem>> -> memref<1x256xi32, #tpu.memory_space<vmem>>
      %dma_start3A_336 = tpu.memref_squeeze %dma_start3A_335 : memref<1x256xi32, #tpu.memory_space<vmem>> -> memref<256xi32, #tpu.memory_space<vmem>>
      %dma_start3A_337 = tpu.memref_slice %arg5[%arg0, %run_scoped3A_10, %run_scoped3A_11, %mul3A_9] : memref<2x3x1x4096xi32, #tpu.memory_space<hbm>> -> memref<1x1x1x256xi32, #tpu.memory_space<hbm>>
      %dma_start3A_338 = tpu.memref_squeeze %dma_start3A_337 : memref<1x1x1x256xi32, #tpu.memory_space<hbm>> -> memref<256xi32, #tpu.memory_space<hbm>>
      tpu.enqueue_dma source(%dma_start3A_338 : memref<256xi32, #tpu.memory_space<hbm>>) target(%dma_start3A_336 : memref<256xi32, #tpu.memory_space<vmem>>) target_semaphore(%run_scoped3A_328 : memref<!tpu.dma_semaphore, #tpu.memory_space<semaphore_mem>>)
      %dma_wait3A_339 = arith.constant 0 : i32
      %dma_wait3A_340 = tpu.memref_slice %arg26[%run_scoped3A_12, %dma_wait3A_339] : memref<3x256xi32, #tpu.memory_space<vmem>> -> memref<1x256xi32, #tpu.memory_space<vmem>>
      %dma_wait3A_341 = tpu.memref_squeeze %dma_wait3A_340 : memref<1x256xi32, #tpu.memory_space<vmem>> -> memref<256xi32, #tpu.memory_space<vmem>>
      %dma_wait3A_342 = tpu.memref_slice %arg5[%arg0, %run_scoped3A_10, %run_scoped3A_11, %mul3A_9] : memref<2x3x1x4096xi32, #tpu.memory_space<hbm>> -> memref<1x1x1x256xi32, #tpu.memory_space<hbm>>
      %dma_wait3A_343 = tpu.memref_squeeze %dma_wait3A_342 : memref<1x1x1x256xi32, #tpu.memory_space<hbm>> -> memref<256xi32, #tpu.memory_space<hbm>>
      %dma_wait3A_344 = arith.constant 0 : i32
      %dma_wait3A_345 = tpu.memref_slice %arg26[%run_scoped3A_12, %dma_wait3A_344] : memref<3x256xi32, #tpu.memory_space<vmem>> -> memref<1x256xi32, #tpu.memory_space<vmem>>
      %dma_wait3A_346 = tpu.memref_squeeze %dma_wait3A_345 : memref<1x256xi32, #tpu.memory_space<vmem>> -> memref<256xi32, #tpu.memory_space<vmem>>
      %dma_wait3A_347 = tpu.memref_slice %arg5[%arg0, %run_scoped3A_10, %run_scoped3A_11, %mul3A_9] : memref<2x3x1x4096xi32, #tpu.memory_space<hbm>> -> memref<1x1x1x256xi32, #tpu.memory_space<hbm>>
      %dma_wait3A_348 = tpu.memref_squeeze %dma_wait3A_347 : memref<1x1x1x256xi32, #tpu.memory_space<hbm>> -> memref<256xi32, #tpu.memory_space<hbm>>
      tpu.wait_dma2 semaphore(%run_scoped3A_328 : memref<!tpu.dma_semaphore, #tpu.memory_space<semaphore_mem>>) src(%dma_wait3A_348 : memref<256xi32, #tpu.memory_space<hbm>>) dst(%dma_wait3A_346 : memref<256xi32, #tpu.memory_space<vmem>>)
      tpu.yield
    }) : () -> ()
    %mul3A_13 = arith.constant 632 : i32
    %mul3A_14 = arith.muli %arg1, %mul3A_13 : i32
    %broadcast_in_dim3A = arith.constant 0.000000e+00 : f32
    %broadcast_in_dim3A_15 = vector.broadcast %broadcast_in_dim3A : f32 to vector<16xf32>
    %scan3A = arith.constant 0 : i32
    %scan3A_16 = arith.constant 64 : i32
    %scan3A_17 = arith.addi %scan3A, %scan3A_16 : i32
    %scan3A_18 = arith.constant 1 : i32
    scf.for %scan3A_328 = %scan3A to %scan3A_17 step %scan3A_18  : i32 {
      %swap3A = arith.index_cast %scan3A_328 : i32 to index
      %swap3A_329 = arith.constant 0 : index
      %swap3A_330 = tpu.vector_load %arg16[%swap3A, %swap3A_329] {strides = array<i32>} : memref<64x64xf32, #tpu.memory_space<vmem>>, vector<16xf32>,
      tpu.vector_store %arg16[%swap3A, %swap3A_329], %broadcast_in_dim3A_15 {strides = array<i32>} : memref<64x64xf32, #tpu.memory_space<vmem>>, vector<16xf32>,
      %swap3A_331 = arith.index_cast %scan3A_328 : i32 to index
      %swap3A_332 = arith.constant 16 : index
      %swap3A_333 = tpu.vector_load %arg16[%swap3A_331, %swap3A_332] {strides = array<i32>} : memref<64x64xf32, #tpu.memory_space<vmem>>, vector<16xf32>,
      tpu.vector_store %arg16[%swap3A_331, %swap3A_332], %broadcast_in_dim3A_15 {strides = array<i32>} : memref<64x64xf32, #tpu.memory_space<vmem>>, vector<16xf32>,
      %swap3A_334 = arith.index_cast %scan3A_328 : i32 to index
      %swap3A_335 = arith.constant 32 : index
      %swap3A_336 = tpu.vector_load %arg16[%swap3A_334, %swap3A_335] {strides = array<i32>} : memref<64x64xf32, #tpu.memory_space<vmem>>, vector<16xf32>,
      tpu.vector_store %arg16[%swap3A_334, %swap3A_335], %broadcast_in_dim3A_15 {strides = array<i32>} : memref<64x64xf32, #tpu.memory_space<vmem>>, vector<16xf32>,
      %swap3A_337 = arith.index_cast %scan3A_328 : i32 to index
      %swap3A_338 = arith.constant 48 : index
      %swap3A_339 = tpu.vector_load %arg16[%swap3A_337, %swap3A_338] {strides = array<i32>} : memref<64x64xf32, #tpu.memory_space<vmem>>, vector<16xf32>,
      tpu.vector_store %arg16[%swap3A_337, %swap3A_338], %broadcast_in_dim3A_15 {strides = array<i32>} : memref<64x64xf32, #tpu.memory_space<vmem>>, vector<16xf32>,
    }
    %scan3A_19 = arith.constant 64 : i32
    %add3A = arith.constant 0 : i32
    %add3A_20 = arith.addi %mul3A_14, %add3A : i32
    "tpu.region"() ({
      %run_scoped3A_328 = tpu.sem_alloc : memref<!tpu.dma_semaphore, #tpu.memory_space<semaphore_mem>>
      %dma_start3A_329 = arith.constant 0 : i32
      %dma_start3A_330 = arith.constant 0 : i32
      %dma_start3A_331 = tpu.memref_slice %arg16[%dma_start3A_329, %dma_start3A_330] : memref<64x64xf32, #tpu.memory_space<vmem>> -> memref<64x64xf32, #tpu.memory_space<vmem>>
      %dma_start3A_332 = arith.constant 0 : i32
      %dma_start3A_333 = tpu.memref_slice %arg17[%add3A_20, %dma_start3A_332] : memref<10112x64xf32, #tpu.memory_space<vmem_shared>> -> memref<64x64xf32, #tpu.memory_space<vmem_shared>>
      %dma_start3A_334 = arith.constant 0 : i32
      %dma_start3A_335 = tpu.memref_slice %arg17[%add3A_20, %dma_start3A_334] : memref<10112x64xf32, #tpu.memory_space<vmem_shared>> -> memref<64x64xf32, #tpu.memory_space<vmem_shared>>
      %dma_start3A_336 = arith.constant 0 : i32
      %dma_start3A_337 = arith.constant 0 : i32
      %dma_start3A_338 = tpu.memref_slice %arg16[%dma_start3A_336, %dma_start3A_337] : memref<64x64xf32, #tpu.memory_space<vmem>> -> memref<64x64xf32, #tpu.memory_space<vmem>>
      tpu.enqueue_dma source(%dma_start3A_338 : memref<64x64xf32, #tpu.memory_space<vmem>>) target(%dma_start3A_335 : memref<64x64xf32, #tpu.memory_space<vmem_shared>>) target_semaphore(%run_scoped3A_328 : memref<!tpu.dma_semaphore, #tpu.memory_space<semaphore_mem>>)
      %dma_wait3A_339 = arith.constant 0 : i32
      %dma_wait3A_340 = arith.constant 0 : i32
      %dma_wait3A_341 = tpu.memref_slice %arg16[%dma_wait3A_339, %dma_wait3A_340] : memref<64x64xf32, #tpu.memory_space<vmem>> -> memref<64x64xf32, #tpu.memory_space<vmem>>
      %dma_wait3A_342 = arith.constant 0 : i32
      %dma_wait3A_343 = tpu.memref_slice %arg17[%add3A_20, %dma_wait3A_342] : memref<10112x64xf32, #tpu.memory_space<vmem_shared>> -> memref<64x64xf32, #tpu.memory_space<vmem_shared>>
      %dma_wait3A_344 = arith.constant 0 : i32
      %dma_wait3A_345 = tpu.memref_slice %arg17[%add3A_20, %dma_wait3A_344] : memref<10112x64xf32, #tpu.memory_space<vmem_shared>> -> memref<64x64xf32, #tpu.memory_space<vmem_shared>>
      %dma_wait3A_346 = arith.constant 0 : i32
      %dma_wait3A_347 = arith.constant 0 : i32
      %dma_wait3A_348 = tpu.memref_slice %arg16[%dma_wait3A_346, %dma_wait3A_347] : memref<64x64xf32, #tpu.memory_space<vmem>> -> memref<64x64xf32, #tpu.memory_space<vmem>>
      tpu.wait_dma2 semaphore(%run_scoped3A_328 : memref<!tpu.dma_semaphore, #tpu.memory_space<semaphore_mem>>) src(%dma_wait3A_348 : memref<64x64xf32, #tpu.memory_space<vmem>>) dst(%dma_wait3A_345 : memref<64x64xf32, #tpu.memory_space<vmem_shared>>)
      tpu.yield
    }) : () -> ()
    %add3A_21 = arith.constant 64 : i32
    %add3A_22 = arith.addi %mul3A_14, %add3A_21 : i32
    "tpu.region"() ({
      %run_scoped3A_328 = tpu.sem_alloc : memref<!tpu.dma_semaphore, #tpu.memory_space<semaphore_mem>>
      %dma_start3A_329 = arith.constant 0 : i32
      %dma_start3A_330 = arith.constant 0 : i32
      %dma_start3A_331 = tpu.memref_slice %arg16[%dma_start3A_329, %dma_start3A_330] : memref<64x64xf32, #tpu.memory_space<vmem>> -> memref<64x64xf32, #tpu.memory_space<vmem>>
      %dma_start3A_332 = arith.constant 0 : i32
      %dma_start3A_333 = tpu.memref_slice %arg17[%add3A_22, %dma_start3A_332] : memref<10112x64xf32, #tpu.memory_space<vmem_shared>> -> memref<64x64xf32, #tpu.memory_space<vmem_shared>>
      %dma_start3A_334 = arith.constant 0 : i32
      %dma_start3A_335 = tpu.memref_slice %arg17[%add3A_22, %dma_start3A_334] : memref<10112x64xf32, #tpu.memory_space<vmem_shared>> -> memref<64x64xf32, #tpu.memory_space<vmem_shared>>
      %dma_start3A_336 = arith.constant 0 : i32
      %dma_start3A_337 = arith.constant 0 : i32
      %dma_start3A_338 = tpu.memref_slice %arg16[%dma_start3A_336, %dma_start3A_337] : memref<64x64xf32, #tpu.memory_space<vmem>> -> memref<64x64xf32, #tpu.memory_space<vmem>>
      tpu.enqueue_dma source(%dma_start3A_338 : memref<64x64xf32, #tpu.memory_space<vmem>>) target(%dma_start3A_335 : memref<64x64xf32, #tpu.memory_space<vmem_shared>>) target_semaphore(%run_scoped3A_328 : memref<!tpu.dma_semaphore, #tpu.memory_space<semaphore_mem>>)
      %dma_wait3A_339 = arith.constant 0 : i32
      %dma_wait3A_340 = arith.constant 0 : i32
      %dma_wait3A_341 = tpu.memref_slice %arg16[%dma_wait3A_339, %dma_wait3A_340] : memref<64x64xf32, #tpu.memory_space<vmem>> -> memref<64x64xf32, #tpu.memory_space<vmem>>
      %dma_wait3A_342 = arith.constant 0 : i32
      %dma_wait3A_343 = tpu.memref_slice %arg17[%add3A_22, %dma_wait3A_342] : memref<10112x64xf32, #tpu.memory_space<vmem_shared>> -> memref<64x64xf32, #tpu.memory_space<vmem_shared>>
      %dma_wait3A_344 = arith.constant 0 : i32
      %dma_wait3A_345 = tpu.memref_slice %arg17[%add3A_22, %dma_wait3A_344] : memref<10112x64xf32, #tpu.memory_space<vmem_shared>> -> memref<64x64xf32, #tpu.memory_space<vmem_shared>>
      %dma_wait3A_346 = arith.constant 0 : i32
      %dma_wait3A_347 = arith.constant 0 : i32
      %dma_wait3A_348 = tpu.memref_slice %arg16[%dma_wait3A_346, %dma_wait3A_347] : memref<64x64xf32, #tpu.memory_space<vmem>> -> memref<64x64xf32, #tpu.memory_space<vmem>>
      tpu.wait_dma2 semaphore(%run_scoped3A_328 : memref<!tpu.dma_semaphore, #tpu.memory_space<semaphore_mem>>) src(%dma_wait3A_348 : memref<64x64xf32, #tpu.memory_space<vmem>>) dst(%dma_wait3A_345 : memref<64x64xf32, #tpu.memory_space<vmem_shared>>)
      tpu.yield
    }) : () -> ()
    %add3A_23 = arith.constant 128 : i32
    %add3A_24 = arith.addi %mul3A_14, %add3A_23 : i32
    "tpu.region"() ({
      %run_scoped3A_328 = tpu.sem_alloc : memref<!tpu.dma_semaphore, #tpu.memory_space<semaphore_mem>>
      %dma_start3A_329 = arith.constant 0 : i32
      %dma_start3A_330 = arith.constant 0 : i32
      %dma_start3A_331 = tpu.memref_slice %arg16[%dma_start3A_329, %dma_start3A_330] : memref<64x64xf32, #tpu.memory_space<vmem>> -> memref<64x64xf32, #tpu.memory_space<vmem>>
      %dma_start3A_332 = arith.constant 0 : i32
      %dma_start3A_333 = tpu.memref_slice %arg17[%add3A_24, %dma_start3A_332] : memref<10112x64xf32, #tpu.memory_space<vmem_shared>> -> memref<64x64xf32, #tpu.memory_space<vmem_shared>>
      %dma_start3A_334 = arith.constant 0 : i32
      %dma_start3A_335 = tpu.memref_slice %arg17[%add3A_24, %dma_start3A_334] : memref<10112x64xf32, #tpu.memory_space<vmem_shared>> -> memref<64x64xf32, #tpu.memory_space<vmem_shared>>
      %dma_start3A_336 = arith.constant 0 : i32
      %dma_start3A_337 = arith.constant 0 : i32
      %dma_start3A_338 = tpu.memref_slice %arg16[%dma_start3A_336, %dma_start3A_337] : memref<64x64xf32, #tpu.memory_space<vmem>> -> memref<64x64xf32, #tpu.memory_space<vmem>>
      tpu.enqueue_dma source(%dma_start3A_338 : memref<64x64xf32, #tpu.memory_space<vmem>>) target(%dma_start3A_335 : memref<64x64xf32, #tpu.memory_space<vmem_shared>>) target_semaphore(%run_scoped3A_328 : memref<!tpu.dma_semaphore, #tpu.memory_space<semaphore_mem>>)
      %dma_wait3A_339 = arith.constant 0 : i32
      %dma_wait3A_340 = arith.constant 0 : i32
      %dma_wait3A_341 = tpu.memref_slice %arg16[%dma_wait3A_339, %dma_wait3A_340] : memref<64x64xf32, #tpu.memory_space<vmem>> -> memref<64x64xf32, #tpu.memory_space<vmem>>
      %dma_wait3A_342 = arith.constant 0 : i32
      %dma_wait3A_343 = tpu.memref_slice %arg17[%add3A_24, %dma_wait3A_342] : memref<10112x64xf32, #tpu.memory_space<vmem_shared>> -> memref<64x64xf32, #tpu.memory_space<vmem_shared>>
      %dma_wait3A_344 = arith.constant 0 : i32
      %dma_wait3A_345 = tpu.memref_slice %arg17[%add3A_24, %dma_wait3A_344] : memref<10112x64xf32, #tpu.memory_space<vmem_shared>> -> memref<64x64xf32, #tpu.memory_space<vmem_shared>>
      %dma_wait3A_346 = arith.constant 0 : i32
      %dma_wait3A_347 = arith.constant 0 : i32
      %dma_wait3A_348 = tpu.memref_slice %arg16[%dma_wait3A_346, %dma_wait3A_347] : memref<64x64xf32, #tpu.memory_space<vmem>> -> memref<64x64xf32, #tpu.memory_space<vmem>>
      tpu.wait_dma2 semaphore(%run_scoped3A_328 : memref<!tpu.dma_semaphore, #tpu.memory_space<semaphore_mem>>) src(%dma_wait3A_348 : memref<64x64xf32, #tpu.memory_space<vmem>>) dst(%dma_wait3A_345 : memref<64x64xf32, #tpu.memory_space<vmem_shared>>)
      tpu.yield
    }) : () -> ()
    %add3A_25 = arith.constant 192 : i32
    %add3A_26 = arith.addi %mul3A_14, %add3A_25 : i32
    "tpu.region"() ({
      %run_scoped3A_328 = tpu.sem_alloc : memref<!tpu.dma_semaphore, #tpu.memory_space<semaphore_mem>>
      %dma_start3A_329 = arith.constant 0 : i32
      %dma_start3A_330 = arith.constant 0 : i32
      %dma_start3A_331 = tpu.memref_slice %arg16[%dma_start3A_329, %dma_start3A_330] : memref<64x64xf32, #tpu.memory_space<vmem>> -> memref<64x64xf32, #tpu.memory_space<vmem>>
      %dma_start3A_332 = arith.constant 0 : i32
      %dma_start3A_333 = tpu.memref_slice %arg17[%add3A_26, %dma_start3A_332] : memref<10112x64xf32, #tpu.memory_space<vmem_shared>> -> memref<64x64xf32, #tpu.memory_space<vmem_shared>>
      %dma_start3A_334 = arith.constant 0 : i32
      %dma_start3A_335 = tpu.memref_slice %arg17[%add3A_26, %dma_start3A_334] : memref<10112x64xf32, #tpu.memory_space<vmem_shared>> -> memref<64x64xf32, #tpu.memory_space<vmem_shared>>
      %dma_start3A_336 = arith.constant 0 : i32
      %dma_start3A_337 = arith.constant 0 : i32
      %dma_start3A_338 = tpu.memref_slice %arg16[%dma_start3A_336, %dma_start3A_337] : memref<64x64xf32, #tpu.memory_space<vmem>> -> memref<64x64xf32, #tpu.memory_space<vmem>>
      tpu.enqueue_dma source(%dma_start3A_338 : memref<64x64xf32, #tpu.memory_space<vmem>>) target(%dma_start3A_335 : memref<64x64xf32, #tpu.memory_space<vmem_shared>>) target_semaphore(%run_scoped3A_328 : memref<!tpu.dma_semaphore, #tpu.memory_space<semaphore_mem>>)
      %dma_wait3A_339 = arith.constant 0 : i32
      %dma_wait3A_340 = arith.constant 0 : i32
      %dma_wait3A_341 = tpu.memref_slice %arg16[%dma_wait3A_339, %dma_wait3A_340] : memref<64x64xf32, #tpu.memory_space<vmem>> -> memref<64x64xf32, #tpu.memory_space<vmem>>
      %dma_wait3A_342 = arith.constant 0 : i32
      %dma_wait3A_343 = tpu.memref_slice %arg17[%add3A_26, %dma_wait3A_342] : memref<10112x64xf32, #tpu.memory_space<vmem_shared>> -> memref<64x64xf32, #tpu.memory_space<vmem_shared>>
      %dma_wait3A_344 = arith.constant 0 : i32
      %dma_wait3A_345 = tpu.memref_slice %arg17[%add3A_26, %dma_wait3A_344] : memref<10112x64xf32, #tpu.memory_space<vmem_shared>> -> memref<64x64xf32, #tpu.memory_space<vmem_shared>>
      %dma_wait3A_346 = arith.constant 0 : i32
      %dma_wait3A_347 = arith.constant 0 : i32
      %dma_wait3A_348 = tpu.memref_slice %arg16[%dma_wait3A_346, %dma_wait3A_347] : memref<64x64xf32, #tpu.memory_space<vmem>> -> memref<64x64xf32, #tpu.memory_space<vmem>>
      tpu.wait_dma2 semaphore(%run_scoped3A_328 : memref<!tpu.dma_semaphore, #tpu.memory_space<semaphore_mem>>) src(%dma_wait3A_348 : memref<64x64xf32, #tpu.memory_space<vmem>>) dst(%dma_wait3A_345 : memref<64x64xf32, #tpu.memory_space<vmem_shared>>)
      tpu.yield
    }) : () -> ()
    %add3A_27 = arith.constant 256 : i32
    %add3A_28 = arith.addi %mul3A_14, %add3A_27 : i32
    "tpu.region"() ({
      %run_scoped3A_328 = tpu.sem_alloc : memref<!tpu.dma_semaphore, #tpu.memory_space<semaphore_mem>>
      %dma_start3A_329 = arith.constant 0 : i32
      %dma_start3A_330 = arith.constant 0 : i32
      %dma_start3A_331 = tpu.memref_slice %arg16[%dma_start3A_329, %dma_start3A_330] : memref<64x64xf32, #tpu.memory_space<vmem>> -> memref<64x64xf32, #tpu.memory_space<vmem>>
      %dma_start3A_332 = arith.constant 0 : i32
      %dma_start3A_333 = tpu.memref_slice %arg17[%add3A_28, %dma_start3A_332] : memref<10112x64xf32, #tpu.memory_space<vmem_shared>> -> memref<64x64xf32, #tpu.memory_space<vmem_shared>>
      %dma_start3A_334 = arith.constant 0 : i32
      %dma_start3A_335 = tpu.memref_slice %arg17[%add3A_28, %dma_start3A_334] : memref<10112x64xf32, #tpu.memory_space<vmem_shared>> -> memref<64x64xf32, #tpu.memory_space<vmem_shared>>
      %dma_start3A_336 = arith.constant 0 : i32
      %dma_start3A_337 = arith.constant 0 : i32
      %dma_start3A_338 = tpu.memref_slice %arg16[%dma_start3A_336, %dma_start3A_337] : memref<64x64xf32, #tpu.memory_space<vmem>> -> memref<64x64xf32, #tpu.memory_space<vmem>>
      tpu.enqueue_dma source(%dma_start3A_338 : memref<64x64xf32, #tpu.memory_space<vmem>>) target(%dma_start3A_335 : memref<64x64xf32, #tpu.memory_space<vmem_shared>>) target_semaphore(%run_scoped3A_328 : memref<!tpu.dma_semaphore, #tpu.memory_space<semaphore_mem>>)
      %dma_wait3A_339 = arith.constant 0 : i32
      %dma_wait3A_340 = arith.constant 0 : i32
      %dma_wait3A_341 = tpu.memref_slice %arg16[%dma_wait3A_339, %dma_wait3A_340] : memref<64x64xf32, #tpu.memory_space<vmem>> -> memref<64x64xf32, #tpu.memory_space<vmem>>
      %dma_wait3A_342 = arith.constant 0 : i32
      %dma_wait3A_343 = tpu.memref_slice %arg17[%add3A_28, %dma_wait3A_342] : memref<10112x64xf32, #tpu.memory_space<vmem_shared>> -> memref<64x64xf32, #tpu.memory_space<vmem_shared>>
      %dma_wait3A_344 = arith.constant 0 : i32
      %dma_wait3A_345 = tpu.memref_slice %arg17[%add3A_28, %dma_wait3A_344] : memref<10112x64xf32, #tpu.memory_space<vmem_shared>> -> memref<64x64xf32, #tpu.memory_space<vmem_shared>>
      %dma_wait3A_346 = arith.constant 0 : i32
      %dma_wait3A_347 = arith.constant 0 : i32
      %dma_wait3A_348 = tpu.memref_slice %arg16[%dma_wait3A_346, %dma_wait3A_347] : memref<64x64xf32, #tpu.memory_space<vmem>> -> memref<64x64xf32, #tpu.memory_space<vmem>>
      tpu.wait_dma2 semaphore(%run_scoped3A_328 : memref<!tpu.dma_semaphore, #tpu.memory_space<semaphore_mem>>) src(%dma_wait3A_348 : memref<64x64xf32, #tpu.memory_space<vmem>>) dst(%dma_wait3A_345 : memref<64x64xf32, #tpu.memory_space<vmem_shared>>)
      tpu.yield
    }) : () -> ()
    %add3A_29 = arith.constant 320 : i32
    %add3A_30 = arith.addi %mul3A_14, %add3A_29 : i32
    "tpu.region"() ({
      %run_scoped3A_328 = tpu.sem_alloc : memref<!tpu.dma_semaphore, #tpu.memory_space<semaphore_mem>>
      %dma_start3A_329 = arith.constant 0 : i32
      %dma_start3A_330 = arith.constant 0 : i32
      %dma_start3A_331 = tpu.memref_slice %arg16[%dma_start3A_329, %dma_start3A_330] : memref<64x64xf32, #tpu.memory_space<vmem>> -> memref<64x64xf32, #tpu.memory_space<vmem>>
      %dma_start3A_332 = arith.constant 0 : i32
      %dma_start3A_333 = tpu.memref_slice %arg17[%add3A_30, %dma_start3A_332] : memref<10112x64xf32, #tpu.memory_space<vmem_shared>> -> memref<64x64xf32, #tpu.memory_space<vmem_shared>>
      %dma_start3A_334 = arith.constant 0 : i32
      %dma_start3A_335 = tpu.memref_slice %arg17[%add3A_30, %dma_start3A_334] : memref<10112x64xf32, #tpu.memory_space<vmem_shared>> -> memref<64x64xf32, #tpu.memory_space<vmem_shared>>
      %dma_start3A_336 = arith.constant 0 : i32
      %dma_start3A_337 = arith.constant 0 : i32
      %dma_start3A_338 = tpu.memref_slice %arg16[%dma_start3A_336, %dma_start3A_337] : memref<64x64xf32, #tpu.memory_space<vmem>> -> memref<64x64xf32, #tpu.memory_space<vmem>>
      tpu.enqueue_dma source(%dma_start3A_338 : memref<64x64xf32, #tpu.memory_space<vmem>>) target(%dma_start3A_335 : memref<64x64xf32, #tpu.memory_space<vmem_shared>>) target_semaphore(%run_scoped3A_328 : memref<!tpu.dma_semaphore, #tpu.memory_space<semaphore_mem>>)
      %dma_wait3A_339 = arith.constant 0 : i32
      %dma_wait3A_340 = arith.constant 0 : i32
      %dma_wait3A_341 = tpu.memref_slice %arg16[%dma_wait3A_339, %dma_wait3A_340] : memref<64x64xf32, #tpu.memory_space<vmem>> -> memref<64x64xf32, #tpu.memory_space<vmem>>
      %dma_wait3A_342 = arith.constant 0 : i32
      %dma_wait3A_343 = tpu.memref_slice %arg17[%add3A_30, %dma_wait3A_342] : memref<10112x64xf32, #tpu.memory_space<vmem_shared>> -> memref<64x64xf32, #tpu.memory_space<vmem_shared>>
      %dma_wait3A_344 = arith.constant 0 : i32
      %dma_wait3A_345 = tpu.memref_slice %arg17[%add3A_30, %dma_wait3A_344] : memref<10112x64xf32, #tpu.memory_space<vmem_shared>> -> memref<64x64xf32, #tpu.memory_space<vmem_shared>>
      %dma_wait3A_346 = arith.constant 0 : i32
      %dma_wait3A_347 = arith.constant 0 : i32
      %dma_wait3A_348 = tpu.memref_slice %arg16[%dma_wait3A_346, %dma_wait3A_347] : memref<64x64xf32, #tpu.memory_space<vmem>> -> memref<64x64xf32, #tpu.memory_space<vmem>>
      tpu.wait_dma2 semaphore(%run_scoped3A_328 : memref<!tpu.dma_semaphore, #tpu.memory_space<semaphore_mem>>) src(%dma_wait3A_348 : memref<64x64xf32, #tpu.memory_space<vmem>>) dst(%dma_wait3A_345 : memref<64x64xf32, #tpu.memory_space<vmem_shared>>)
      tpu.yield
    }) : () -> ()
    %add3A_31 = arith.constant 384 : i32
    %add3A_32 = arith.addi %mul3A_14, %add3A_31 : i32
    "tpu.region"() ({
      %run_scoped3A_328 = tpu.sem_alloc : memref<!tpu.dma_semaphore, #tpu.memory_space<semaphore_mem>>
      %dma_start3A_329 = arith.constant 0 : i32
      %dma_start3A_330 = arith.constant 0 : i32
      %dma_start3A_331 = tpu.memref_slice %arg16[%dma_start3A_329, %dma_start3A_330] : memref<64x64xf32, #tpu.memory_space<vmem>> -> memref<64x64xf32, #tpu.memory_space<vmem>>
      %dma_start3A_332 = arith.constant 0 : i32
      %dma_start3A_333 = tpu.memref_slice %arg17[%add3A_32, %dma_start3A_332] : memref<10112x64xf32, #tpu.memory_space<vmem_shared>> -> memref<64x64xf32, #tpu.memory_space<vmem_shared>>
      %dma_start3A_334 = arith.constant 0 : i32
      %dma_start3A_335 = tpu.memref_slice %arg17[%add3A_32, %dma_start3A_334] : memref<10112x64xf32, #tpu.memory_space<vmem_shared>> -> memref<64x64xf32, #tpu.memory_space<vmem_shared>>
      %dma_start3A_336 = arith.constant 0 : i32
      %dma_start3A_337 = arith.constant 0 : i32
      %dma_start3A_338 = tpu.memref_slice %arg16[%dma_start3A_336, %dma_start3A_337] : memref<64x64xf32, #tpu.memory_space<vmem>> -> memref<64x64xf32, #tpu.memory_space<vmem>>
      tpu.enqueue_dma source(%dma_start3A_338 : memref<64x64xf32, #tpu.memory_space<vmem>>) target(%dma_start3A_335 : memref<64x64xf32, #tpu.memory_space<vmem_shared>>) target_semaphore(%run_scoped3A_328 : memref<!tpu.dma_semaphore, #tpu.memory_space<semaphore_mem>>)
      %dma_wait3A_339 = arith.constant 0 : i32
      %dma_wait3A_340 = arith.constant 0 : i32
      %dma_wait3A_341 = tpu.memref_slice %arg16[%dma_wait3A_339, %dma_wait3A_340] : memref<64x64xf32, #tpu.memory_space<vmem>> -> memref<64x64xf32, #tpu.memory_space<vmem>>
      %dma_wait3A_342 = arith.constant 0 : i32
      %dma_wait3A_343 = tpu.memref_slice %arg17[%add3A_32, %dma_wait3A_342] : memref<10112x64xf32, #tpu.memory_space<vmem_shared>> -> memref<64x64xf32, #tpu.memory_space<vmem_shared>>
      %dma_wait3A_344 = arith.constant 0 : i32
      %dma_wait3A_345 = tpu.memref_slice %arg17[%add3A_32, %dma_wait3A_344] : memref<10112x64xf32, #tpu.memory_space<vmem_shared>> -> memref<64x64xf32, #tpu.memory_space<vmem_shared>>
      %dma_wait3A_346 = arith.constant 0 : i32
      %dma_wait3A_347 = arith.constant 0 : i32
      %dma_wait3A_348 = tpu.memref_slice %arg16[%dma_wait3A_346, %dma_wait3A_347] : memref<64x64xf32, #tpu.memory_space<vmem>> -> memref<64x64xf32, #tpu.memory_space<vmem>>
      tpu.wait_dma2 semaphore(%run_scoped3A_328 : memref<!tpu.dma_semaphore, #tpu.memory_space<semaphore_mem>>) src(%dma_wait3A_348 : memref<64x64xf32, #tpu.memory_space<vmem>>) dst(%dma_wait3A_345 : memref<64x64xf32, #tpu.memory_space<vmem_shared>>)
      tpu.yield
    }) : () -> ()
    %add3A_33 = arith.constant 448 : i32
    %add3A_34 = arith.addi %mul3A_14, %add3A_33 : i32
    "tpu.region"() ({
      %run_scoped3A_328 = tpu.sem_alloc : memref<!tpu.dma_semaphore, #tpu.memory_space<semaphore_mem>>
      %dma_start3A_329 = arith.constant 0 : i32
      %dma_start3A_330 = arith.constant 0 : i32
      %dma_start3A_331 = tpu.memref_slice %arg16[%dma_start3A_329, %dma_start3A_330] : memref<64x64xf32, #tpu.memory_space<vmem>> -> memref<64x64xf32, #tpu.memory_space<vmem>>
      %dma_start3A_332 = arith.constant 0 : i32
      %dma_start3A_333 = tpu.memref_slice %arg17[%add3A_34, %dma_start3A_332] : memref<10112x64xf32, #tpu.memory_space<vmem_shared>> -> memref<64x64xf32, #tpu.memory_space<vmem_shared>>
      %dma_start3A_334 = arith.constant 0 : i32
      %dma_start3A_335 = tpu.memref_slice %arg17[%add3A_34, %dma_start3A_334] : memref<10112x64xf32, #tpu.memory_space<vmem_shared>> -> memref<64x64xf32, #tpu.memory_space<vmem_shared>>
      %dma_start3A_336 = arith.constant 0 : i32
      %dma_start3A_337 = arith.constant 0 : i32
      %dma_start3A_338 = tpu.memref_slice %arg16[%dma_start3A_336, %dma_start3A_337] : memref<64x64xf32, #tpu.memory_space<vmem>> -> memref<64x64xf32, #tpu.memory_space<vmem>>
      tpu.enqueue_dma source(%dma_start3A_338 : memref<64x64xf32, #tpu.memory_space<vmem>>) target(%dma_start3A_335 : memref<64x64xf32, #tpu.memory_space<vmem_shared>>) target_semaphore(%run_scoped3A_328 : memref<!tpu.dma_semaphore, #tpu.memory_space<semaphore_mem>>)
      %dma_wait3A_339 = arith.constant 0 : i32
      %dma_wait3A_340 = arith.constant 0 : i32
      %dma_wait3A_341 = tpu.memref_slice %arg16[%dma_wait3A_339, %dma_wait3A_340] : memref<64x64xf32, #tpu.memory_space<vmem>> -> memref<64x64xf32, #tpu.memory_space<vmem>>
      %dma_wait3A_342 = arith.constant 0 : i32
      %dma_wait3A_343 = tpu.memref_slice %arg17[%add3A_34, %dma_wait3A_342] : memref<10112x64xf32, #tpu.memory_space<vmem_shared>> -> memref<64x64xf32, #tpu.memory_space<vmem_shared>>
      %dma_wait3A_344 = arith.constant 0 : i32
      %dma_wait3A_345 = tpu.memref_slice %arg17[%add3A_34, %dma_wait3A_344] : memref<10112x64xf32, #tpu.memory_space<vmem_shared>> -> memref<64x64xf32, #tpu.memory_space<vmem_shared>>
      %dma_wait3A_346 = arith.constant 0 : i32
      %dma_wait3A_347 = arith.constant 0 : i32
      %dma_wait3A_348 = tpu.memref_slice %arg16[%dma_wait3A_346, %dma_wait3A_347] : memref<64x64xf32, #tpu.memory_space<vmem>> -> memref<64x64xf32, #tpu.memory_space<vmem>>
      tpu.wait_dma2 semaphore(%run_scoped3A_328 : memref<!tpu.dma_semaphore, #tpu.memory_space<semaphore_mem>>) src(%dma_wait3A_348 : memref<64x64xf32, #tpu.memory_space<vmem>>) dst(%dma_wait3A_345 : memref<64x64xf32, #tpu.memory_space<vmem_shared>>)
      tpu.yield
    }) : () -> ()
    %add3A_35 = arith.constant 512 : i32
    %add3A_36 = arith.addi %mul3A_14, %add3A_35 : i32
    "tpu.region"() ({
      %run_scoped3A_328 = tpu.sem_alloc : memref<!tpu.dma_semaphore, #tpu.memory_space<semaphore_mem>>
      %dma_start3A_329 = arith.constant 0 : i32
      %dma_start3A_330 = arith.constant 0 : i32
      %dma_start3A_331 = tpu.memref_slice %arg16[%dma_start3A_329, %dma_start3A_330] : memref<64x64xf32, #tpu.memory_space<vmem>> -> memref<64x64xf32, #tpu.memory_space<vmem>>
      %dma_start3A_332 = arith.constant 0 : i32
      %dma_start3A_333 = tpu.memref_slice %arg17[%add3A_36, %dma_start3A_332] : memref<10112x64xf32, #tpu.memory_space<vmem_shared>> -> memref<64x64xf32, #tpu.memory_space<vmem_shared>>
      %dma_start3A_334 = arith.constant 0 : i32
      %dma_start3A_335 = tpu.memref_slice %arg17[%add3A_36, %dma_start3A_334] : memref<10112x64xf32, #tpu.memory_space<vmem_shared>> -> memref<64x64xf32, #tpu.memory_space<vmem_shared>>
      %dma_start3A_336 = arith.constant 0 : i32
      %dma_start3A_337 = arith.constant 0 : i32
      %dma_start3A_338 = tpu.memref_slice %arg16[%dma_start3A_336, %dma_start3A_337] : memref<64x64xf32, #tpu.memory_space<vmem>> -> memref<64x64xf32, #tpu.memory_space<vmem>>
      tpu.enqueue_dma source(%dma_start3A_338 : memref<64x64xf32, #tpu.memory_space<vmem>>) target(%dma_start3A_335 : memref<64x64xf32, #tpu.memory_space<vmem_shared>>) target_semaphore(%run_scoped3A_328 : memref<!tpu.dma_semaphore, #tpu.memory_space<semaphore_mem>>)
      %dma_wait3A_339 = arith.constant 0 : i32
      %dma_wait3A_340 = arith.constant 0 : i32
      %dma_wait3A_341 = tpu.memref_slice %arg16[%dma_wait3A_339, %dma_wait3A_340] : memref<64x64xf32, #tpu.memory_space<vmem>> -> memref<64x64xf32, #tpu.memory_space<vmem>>
      %dma_wait3A_342 = arith.constant 0 : i32
      %dma_wait3A_343 = tpu.memref_slice %arg17[%add3A_36, %dma_wait3A_342] : memref<10112x64xf32, #tpu.memory_space<vmem_shared>> -> memref<64x64xf32, #tpu.memory_space<vmem_shared>>
      %dma_wait3A_344 = arith.constant 0 : i32
      %dma_wait3A_345 = tpu.memref_slice %arg17[%add3A_36, %dma_wait3A_344] : memref<10112x64xf32, #tpu.memory_space<vmem_shared>> -> memref<64x64xf32, #tpu.memory_space<vmem_shared>>
      %dma_wait3A_346 = arith.constant 0 : i32
      %dma_wait3A_347 = arith.constant 0 : i32
      %dma_wait3A_348 = tpu.memref_slice %arg16[%dma_wait3A_346, %dma_wait3A_347] : memref<64x64xf32, #tpu.memory_space<vmem>> -> memref<64x64xf32, #tpu.memory_space<vmem>>
      tpu.wait_dma2 semaphore(%run_scoped3A_328 : memref<!tpu.dma_semaphore, #tpu.memory_space<semaphore_mem>>) src(%dma_wait3A_348 : memref<64x64xf32, #tpu.memory_space<vmem>>) dst(%dma_wait3A_345 : memref<64x64xf32, #tpu.memory_space<vmem_shared>>)
      tpu.yield
    }) : () -> ()
    %add3A_37 = arith.constant 576 : i32
    %add3A_38 = arith.addi %mul3A_14, %add3A_37 : i32
    "tpu.region"() ({
      %run_scoped3A_328 = tpu.sem_alloc : memref<!tpu.dma_semaphore, #tpu.memory_space<semaphore_mem>>
      %dma_start3A_329 = arith.constant 0 : i32
      %dma_start3A_330 = arith.constant 0 : i32
      %dma_start3A_331 = tpu.memref_slice %arg16[%dma_start3A_329, %dma_start3A_330] : memref<64x64xf32, #tpu.memory_space<vmem>> -> memref<56x64xf32, #tpu.memory_space<vmem>>
      %dma_start3A_332 = arith.constant 0 : i32
      %dma_start3A_333 = tpu.memref_slice %arg17[%add3A_38, %dma_start3A_332] : memref<10112x64xf32, #tpu.memory_space<vmem_shared>> -> memref<56x64xf32, #tpu.memory_space<vmem_shared>>
      %dma_start3A_334 = arith.constant 0 : i32
      %dma_start3A_335 = tpu.memref_slice %arg17[%add3A_38, %dma_start3A_334] : memref<10112x64xf32, #tpu.memory_space<vmem_shared>> -> memref<56x64xf32, #tpu.memory_space<vmem_shared>>
      %dma_start3A_336 = arith.constant 0 : i32
      %dma_start3A_337 = arith.constant 0 : i32
      %dma_start3A_338 = tpu.memref_slice %arg16[%dma_start3A_336, %dma_start3A_337] : memref<64x64xf32, #tpu.memory_space<vmem>> -> memref<56x64xf32, #tpu.memory_space<vmem>>
      tpu.enqueue_dma source(%dma_start3A_338 : memref<56x64xf32, #tpu.memory_space<vmem>>) target(%dma_start3A_335 : memref<56x64xf32, #tpu.memory_space<vmem_shared>>) target_semaphore(%run_scoped3A_328 : memref<!tpu.dma_semaphore, #tpu.memory_space<semaphore_mem>>)
      %dma_wait3A_339 = arith.constant 0 : i32
      %dma_wait3A_340 = arith.constant 0 : i32
      %dma_wait3A_341 = tpu.memref_slice %arg16[%dma_wait3A_339, %dma_wait3A_340] : memref<64x64xf32, #tpu.memory_space<vmem>> -> memref<56x64xf32, #tpu.memory_space<vmem>>
      %dma_wait3A_342 = arith.constant 0 : i32
      %dma_wait3A_343 = tpu.memref_slice %arg17[%add3A_38, %dma_wait3A_342] : memref<10112x64xf32, #tpu.memory_space<vmem_shared>> -> memref<56x64xf32, #tpu.memory_space<vmem_shared>>
      %dma_wait3A_344 = arith.constant 0 : i32
      %dma_wait3A_345 = tpu.memref_slice %arg17[%add3A_38, %dma_wait3A_344] : memref<10112x64xf32, #tpu.memory_space<vmem_shared>> -> memref<56x64xf32, #tpu.memory_space<vmem_shared>>
      %dma_wait3A_346 = arith.constant 0 : i32
      %dma_wait3A_347 = arith.constant 0 : i32
      %dma_wait3A_348 = tpu.memref_slice %arg16[%dma_wait3A_346, %dma_wait3A_347] : memref<64x64xf32, #tpu.memory_space<vmem>> -> memref<56x64xf32, #tpu.memory_space<vmem>>
      tpu.wait_dma2 semaphore(%run_scoped3A_328 : memref<!tpu.dma_semaphore, #tpu.memory_space<semaphore_mem>>) src(%dma_wait3A_348 : memref<56x64xf32, #tpu.memory_space<vmem>>) dst(%dma_wait3A_345 : memref<56x64xf32, #tpu.memory_space<vmem_shared>>)
      tpu.yield
    }) : () -> ()
    %mul3A_39 = arith.constant 168 : i32
    %mul3A_40 = arith.muli %arg1, %mul3A_39 : i32
    "tpu.region"() ({
      %run_scoped3A_328 = tpu.sem_alloc : memref<!tpu.dma_semaphore, #tpu.memory_space<semaphore_mem>>
      %dma_start3A_329 = arith.constant 0 : i32
      %dma_start3A_330 = tpu.memref_slice %arg3[%arg0, %mul3A_40, %dma_start3A_329] : memref<2x2688x128xi32, #tpu.memory_space<hbm>> -> memref<1x168x128xi32, #tpu.memory_space<hbm>>
      %dma_start3A_331 = tpu.memref_squeeze %dma_start3A_330 : memref<1x168x128xi32, #tpu.memory_space<hbm>> -> memref<168x128xi32, #tpu.memory_space<hbm>>
      %dma_start3A_332 = arith.constant 0 : i32
      %dma_start3A_333 = tpu.memref_slice %arg3[%arg0, %mul3A_40, %dma_start3A_332] : memref<2x2688x128xi32, #tpu.memory_space<hbm>> -> memref<1x168x128xi32, #tpu.memory_space<hbm>>
      %dma_start3A_334 = tpu.memref_squeeze %dma_start3A_333 : memref<1x168x128xi32, #tpu.memory_space<hbm>> -> memref<168x128xi32, #tpu.memory_space<hbm>>
      tpu.enqueue_dma source(%dma_start3A_334 : memref<168x128xi32, #tpu.memory_space<hbm>>) target(%arg10 : memref<168x128xi32, #tpu.memory_space<vmem>>) target_semaphore(%run_scoped3A_328 : memref<!tpu.dma_semaphore, #tpu.memory_space<semaphore_mem>>)
      %dma_wait3A_335 = arith.constant 0 : i32
      %dma_wait3A_336 = tpu.memref_slice %arg3[%arg0, %mul3A_40, %dma_wait3A_335] : memref<2x2688x128xi32, #tpu.memory_space<hbm>> -> memref<1x168x128xi32, #tpu.memory_space<hbm>>
      %dma_wait3A_337 = tpu.memref_squeeze %dma_wait3A_336 : memref<1x168x128xi32, #tpu.memory_space<hbm>> -> memref<168x128xi32, #tpu.memory_space<hbm>>
      %dma_wait3A_338 = arith.constant 0 : i32
      %dma_wait3A_339 = tpu.memref_slice %arg3[%arg0, %mul3A_40, %dma_wait3A_338] : memref<2x2688x128xi32, #tpu.memory_space<hbm>> -> memref<1x168x128xi32, #tpu.memory_space<hbm>>
      %dma_wait3A_340 = tpu.memref_squeeze %dma_wait3A_339 : memref<1x168x128xi32, #tpu.memory_space<hbm>> -> memref<168x128xi32, #tpu.memory_space<hbm>>
      tpu.wait_dma2 semaphore(%run_scoped3A_328 : memref<!tpu.dma_semaphore, #tpu.memory_space<semaphore_mem>>) src(%dma_wait3A_340 : memref<168x128xi32, #tpu.memory_space<hbm>>) dst(%arg10 : memref<168x128xi32, #tpu.memory_space<vmem>>)
      tpu.yield
    }) : () -> ()
    %mul3A_41 = arith.constant 168 : i32
    %mul3A_42 = arith.muli %arg1, %mul3A_41 : i32
    "tpu.region"() ({
      %run_scoped3A_328 = tpu.sem_alloc : memref<!tpu.dma_semaphore, #tpu.memory_space<semaphore_mem>>
      %dma_start3A_329 = arith.constant 0 : i32
      %dma_start3A_330 = tpu.memref_slice %arg4[%mul3A_42, %dma_start3A_329] : memref<2688x128xi32, #tpu.memory_space<hbm>> -> memref<168x128xi32, #tpu.memory_space<hbm>>
      %dma_start3A_331 = arith.constant 0 : i32
      %dma_start3A_332 = tpu.memref_slice %arg4[%mul3A_42, %dma_start3A_331] : memref<2688x128xi32, #tpu.memory_space<hbm>> -> memref<168x128xi32, #tpu.memory_space<hbm>>
      tpu.enqueue_dma source(%dma_start3A_332 : memref<168x128xi32, #tpu.memory_space<hbm>>) target(%arg11 : memref<168x128xi32, #tpu.memory_space<vmem>>) target_semaphore(%run_scoped3A_328 : memref<!tpu.dma_semaphore, #tpu.memory_space<semaphore_mem>>)
      %dma_wait3A_333 = arith.constant 0 : i32
      %dma_wait3A_334 = tpu.memref_slice %arg4[%mul3A_42, %dma_wait3A_333] : memref<2688x128xi32, #tpu.memory_space<hbm>> -> memref<168x128xi32, #tpu.memory_space<hbm>>
      %dma_wait3A_335 = arith.constant 0 : i32
      %dma_wait3A_336 = tpu.memref_slice %arg4[%mul3A_42, %dma_wait3A_335] : memref<2688x128xi32, #tpu.memory_space<hbm>> -> memref<168x128xi32, #tpu.memory_space<hbm>>
      tpu.wait_dma2 semaphore(%run_scoped3A_328 : memref<!tpu.dma_semaphore, #tpu.memory_space<semaphore_mem>>) src(%dma_wait3A_336 : memref<168x128xi32, #tpu.memory_space<hbm>>) dst(%arg11 : memref<168x128xi32, #tpu.memory_space<vmem>>)
      tpu.yield
    }) : () -> ()
    %barrier3A = arith.constant 0 : index
    tpu.barrier barrier_id(%barrier3A)
    %dma_start3A = arith.constant 0 : i32
    %dma_start3A_43 = arith.constant 0 : i32
    %dma_start3A_44 = tpu.memref_slice %arg10[%dma_start3A, %dma_start3A_43] : memref<168x128xi32, #tpu.memory_space<vmem>> -> memref<1x128xi32, #tpu.memory_space<vmem>>
    %dma_start3A_45 = tpu.memref_squeeze %dma_start3A_44 : memref<1x128xi32, #tpu.memory_space<vmem>> -> memref<128xi32, #tpu.memory_space<vmem>>
    %dma_start3A_46 = arith.constant 0 : i32
    %dma_start3A_47 = arith.constant 0 : i32
    %dma_start3A_48 = tpu.memref_slice %arg2[%dma_start3A_46, %dma_start3A_47] : memref<20224x64xf32, #tpu.memory_space<hbm>> -> memref<20224x64xf32, #tpu.memory_space<hbm>>
    tpu.enqueue_indirect_dma source(%dma_start3A_48 : memref<20224x64xf32, #tpu.memory_space<hbm>>) target(%arg12 : memref<128x64xf32, #tpu.memory_space<vmem>>) offsets(%dma_start3A_45 : memref<128xi32, #tpu.memory_space<vmem>>) semaphore(%arg18 : memref<!tpu.dma_semaphore, #tpu.memory_space<semaphore_mem>>)
    %dma_start3A_49 = arith.constant 1 : i32
    %dma_start3A_50 = arith.constant 0 : i32
    %dma_start3A_51 = tpu.memref_slice %arg10[%dma_start3A_49, %dma_start3A_50] : memref<168x128xi32, #tpu.memory_space<vmem>> -> memref<1x128xi32, #tpu.memory_space<vmem>>
    %dma_start3A_52 = tpu.memref_squeeze %dma_start3A_51 : memref<1x128xi32, #tpu.memory_space<vmem>> -> memref<128xi32, #tpu.memory_space<vmem>>
    %dma_start3A_53 = arith.constant 0 : i32
    %dma_start3A_54 = arith.constant 0 : i32
    %dma_start3A_55 = tpu.memref_slice %arg2[%dma_start3A_53, %dma_start3A_54] : memref<20224x64xf32, #tpu.memory_space<hbm>> -> memref<20224x64xf32, #tpu.memory_space<hbm>>
    tpu.enqueue_indirect_dma source(%dma_start3A_55 : memref<20224x64xf32, #tpu.memory_space<hbm>>) target(%arg13 : memref<128x64xf32, #tpu.memory_space<vmem>>) offsets(%dma_start3A_52 : memref<128xi32, #tpu.memory_space<vmem>>) semaphore(%arg19 : memref<!tpu.dma_semaphore, #tpu.memory_space<semaphore_mem>>)
    %dma_wait3A = arith.constant 0 : i32
    %dma_wait3A_56 = arith.constant 0 : i32
    %dma_wait3A_57 = tpu.memref_slice %arg10[%dma_wait3A, %dma_wait3A_56] : memref<168x128xi32, #tpu.memory_space<vmem>> -> memref<1x128xi32, #tpu.memory_space<vmem>>
    %dma_wait3A_58 = tpu.memref_squeeze %dma_wait3A_57 : memref<1x128xi32, #tpu.memory_space<vmem>> -> memref<128xi32, #tpu.memory_space<vmem>>
    %dma_wait3A_59 = arith.constant 0 : i32
    %dma_wait3A_60 = arith.constant 0 : i32
    %dma_wait3A_61 = tpu.memref_slice %arg2[%dma_wait3A_59, %dma_wait3A_60] : memref<20224x64xf32, #tpu.memory_space<hbm>> -> memref<20224x64xf32, #tpu.memory_space<hbm>>
    tpu.wait_indirect_dma semaphore(%arg18 : memref<!tpu.dma_semaphore, #tpu.memory_space<semaphore_mem>>) src(%dma_wait3A_61 : memref<20224x64xf32, #tpu.memory_space<hbm>>) dst(%arg12 : memref<128x64xf32, #tpu.memory_space<vmem>>)
    %dma_start3A_62 = arith.constant 0 : i32
    %dma_start3A_63 = arith.constant 0 : i32
    %dma_start3A_64 = tpu.memref_slice %arg11[%dma_start3A_62, %dma_start3A_63] : memref<168x128xi32, #tpu.memory_space<vmem>> -> memref<1x128xi32, #tpu.memory_space<vmem>>
    %dma_start3A_65 = tpu.memref_squeeze %dma_start3A_64 : memref<1x128xi32, #tpu.memory_space<vmem>> -> memref<128xi32, #tpu.memory_space<vmem>>
    %dma_start3A_66 = arith.constant 0 : i32
    %dma_start3A_67 = arith.constant 0 : i32
    %dma_start3A_68 = tpu.memref_slice %arg17[%dma_start3A_66, %dma_start3A_67] : memref<10112x64xf32, #tpu.memory_space<vmem_shared>> -> memref<10112x64xf32, #tpu.memory_space<vmem_shared>>
    tpu.enqueue_indirect_dma source(%arg12 : memref<128x64xf32, #tpu.memory_space<vmem>>) target(%dma_start3A_68 : memref<10112x64xf32, #tpu.memory_space<vmem_shared>>) offsets(%dma_start3A_65 : memref<128xi32, #tpu.memory_space<vmem>>) semaphore(%arg22 : memref<!tpu.dma_semaphore, #tpu.memory_space<semaphore_mem>>) {add = true}
    %dma_start3A_69 = arith.constant 2 : i32
    %dma_start3A_70 = arith.constant 0 : i32
    %dma_start3A_71 = tpu.memref_slice %arg10[%dma_start3A_69, %dma_start3A_70] : memref<168x128xi32, #tpu.memory_space<vmem>> -> memref<1x128xi32, #tpu.memory_space<vmem>>
    %dma_start3A_72 = tpu.memref_squeeze %dma_start3A_71 : memref<1x128xi32, #tpu.memory_space<vmem>> -> memref<128xi32, #tpu.memory_space<vmem>>
    %dma_start3A_73 = arith.constant 0 : i32
    %dma_start3A_74 = arith.constant 0 : i32
    %dma_start3A_75 = tpu.memref_slice %arg2[%dma_start3A_73, %dma_start3A_74] : memref<20224x64xf32, #tpu.memory_space<hbm>> -> memref<20224x64xf32, #tpu.memory_space<hbm>>
    tpu.enqueue_indirect_dma source(%dma_start3A_75 : memref<20224x64xf32, #tpu.memory_space<hbm>>) target(%arg14 : memref<128x64xf32, #tpu.memory_space<vmem>>) offsets(%dma_start3A_72 : memref<128xi32, #tpu.memory_space<vmem>>) semaphore(%arg20 : memref<!tpu.dma_semaphore, #tpu.memory_space<semaphore_mem>>)
    %dma_wait3A_76 = arith.constant 1 : i32
    %dma_wait3A_77 = arith.constant 0 : i32
    %dma_wait3A_78 = tpu.memref_slice %arg10[%dma_wait3A_76, %dma_wait3A_77] : memref<168x128xi32, #tpu.memory_space<vmem>> -> memref<1x128xi32, #tpu.memory_space<vmem>>
    %dma_wait3A_79 = tpu.memref_squeeze %dma_wait3A_78 : memref<1x128xi32, #tpu.memory_space<vmem>> -> memref<128xi32, #tpu.memory_space<vmem>>
    %dma_wait3A_80 = arith.constant 0 : i32
    %dma_wait3A_81 = arith.constant 0 : i32
    %dma_wait3A_82 = tpu.memref_slice %arg2[%dma_wait3A_80, %dma_wait3A_81] : memref<20224x64xf32, #tpu.memory_space<hbm>> -> memref<20224x64xf32, #tpu.memory_space<hbm>>
    tpu.wait_indirect_dma semaphore(%arg19 : memref<!tpu.dma_semaphore, #tpu.memory_space<semaphore_mem>>) src(%dma_wait3A_82 : memref<20224x64xf32, #tpu.memory_space<hbm>>) dst(%arg13 : memref<128x64xf32, #tpu.memory_space<vmem>>)
    %dma_start3A_83 = arith.constant 1 : i32
    %dma_start3A_84 = arith.constant 0 : i32
    %dma_start3A_85 = tpu.memref_slice %arg11[%dma_start3A_83, %dma_start3A_84] : memref<168x128xi32, #tpu.memory_space<vmem>> -> memref<1x128xi32, #tpu.memory_space<vmem>>
    %dma_start3A_86 = tpu.memref_squeeze %dma_start3A_85 : memref<1x128xi32, #tpu.memory_space<vmem>> -> memref<128xi32, #tpu.memory_space<vmem>>
    %dma_start3A_87 = arith.constant 0 : i32
    %dma_start3A_88 = arith.constant 0 : i32
    %dma_start3A_89 = tpu.memref_slice %arg17[%dma_start3A_87, %dma_start3A_88] : memref<10112x64xf32, #tpu.memory_space<vmem_shared>> -> memref<10112x64xf32, #tpu.memory_space<vmem_shared>>
    tpu.enqueue_indirect_dma source(%arg13 : memref<128x64xf32, #tpu.memory_space<vmem>>) target(%dma_start3A_89 : memref<10112x64xf32, #tpu.memory_space<vmem_shared>>) offsets(%dma_start3A_86 : memref<128xi32, #tpu.memory_space<vmem>>) semaphore(%arg23 : memref<!tpu.dma_semaphore, #tpu.memory_space<semaphore_mem>>) {add = true}
    %dma_start3A_90 = arith.constant 3 : i32
    %dma_start3A_91 = arith.constant 0 : i32
    %dma_start3A_92 = tpu.memref_slice %arg10[%dma_start3A_90, %dma_start3A_91] : memref<168x128xi32, #tpu.memory_space<vmem>> -> memref<1x128xi32, #tpu.memory_space<vmem>>
    %dma_start3A_93 = tpu.memref_squeeze %dma_start3A_92 : memref<1x128xi32, #tpu.memory_space<vmem>> -> memref<128xi32, #tpu.memory_space<vmem>>
    %dma_start3A_94 = arith.constant 0 : i32
    %dma_start3A_95 = arith.constant 0 : i32
    %dma_start3A_96 = tpu.memref_slice %arg2[%dma_start3A_94, %dma_start3A_95] : memref<20224x64xf32, #tpu.memory_space<hbm>> -> memref<20224x64xf32, #tpu.memory_space<hbm>>
    tpu.enqueue_indirect_dma source(%dma_start3A_96 : memref<20224x64xf32, #tpu.memory_space<hbm>>) target(%arg15 : memref<128x64xf32, #tpu.memory_space<vmem>>) offsets(%dma_start3A_93 : memref<128xi32, #tpu.memory_space<vmem>>) semaphore(%arg21 : memref<!tpu.dma_semaphore, #tpu.memory_space<semaphore_mem>>)
    %scan3A_97 = arith.constant 0 : i32
    %scan3A_98 = arith.constant 41 : i32
    %scan3A_99 = arith.addi %scan3A_97, %scan3A_98 : i32
    %scan3A_100 = arith.constant 1 : i32
    scf.for %scan3A_328 = %scan3A_97 to %scan3A_99 step %scan3A_100  : i32 {
      %mul3A_329 = arith.constant 4 : i32
      %mul3A_330 = arith.muli %mul3A_329, %scan3A_328 : i32
      %add3A_331 = arith.constant 2 : i32
      %add3A_332 = arith.addi %mul3A_330, %add3A_331 : i32
      %add3A_333 = arith.constant 0 : i32
      %add3A_334 = arith.addi %add3A_332, %add3A_333 : i32
      %dma_wait3A_335 = arith.constant 0 : i32
      %dma_wait3A_336 = tpu.memref_slice %arg10[%add3A_334, %dma_wait3A_335] : memref<168x128xi32, #tpu.memory_space<vmem>> -> memref<1x128xi32, #tpu.memory_space<vmem>>
      %dma_wait3A_337 = tpu.memref_squeeze %dma_wait3A_336 : memref<1x128xi32, #tpu.memory_space<vmem>> -> memref<128xi32, #tpu.memory_space<vmem>>
      %dma_wait3A_338 = arith.constant 0 : i32
      %dma_wait3A_339 = arith.constant 0 : i32
      %dma_wait3A_340 = tpu.memref_slice %arg2[%dma_wait3A_338, %dma_wait3A_339] : memref<20224x64xf32, #tpu.memory_space<hbm>> -> memref<20224x64xf32, #tpu.memory_space<hbm>>
      tpu.wait_indirect_dma semaphore(%arg20 : memref<!tpu.dma_semaphore, #tpu.memory_space<semaphore_mem>>) src(%dma_wait3A_340 : memref<20224x64xf32, #tpu.memory_space<hbm>>) dst(%arg14 : memref<128x64xf32, #tpu.memory_space<vmem>>)
      %dma_start3A_341 = arith.constant 0 : i32
      %dma_start3A_342 = tpu.memref_slice %arg11[%add3A_334, %dma_start3A_341] : memref<168x128xi32, #tpu.memory_space<vmem>> -> memref<1x128xi32, #tpu.memory_space<vmem>>
      %dma_start3A_343 = tpu.memref_squeeze %dma_start3A_342 : memref<1x128xi32, #tpu.memory_space<vmem>> -> memref<128xi32, #tpu.memory_space<vmem>>
      %dma_start3A_344 = arith.constant 0 : i32
      %dma_start3A_345 = arith.constant 0 : i32
      %dma_start3A_346 = tpu.memref_slice %arg17[%dma_start3A_344, %dma_start3A_345] : memref<10112x64xf32, #tpu.memory_space<vmem_shared>> -> memref<10112x64xf32, #tpu.memory_space<vmem_shared>>
      tpu.enqueue_indirect_dma source(%arg14 : memref<128x64xf32, #tpu.memory_space<vmem>>) target(%dma_start3A_346 : memref<10112x64xf32, #tpu.memory_space<vmem_shared>>) offsets(%dma_start3A_343 : memref<128xi32, #tpu.memory_space<vmem>>) semaphore(%arg24 : memref<!tpu.dma_semaphore, #tpu.memory_space<semaphore_mem>>) {add = true}
      %sub3A = arith.constant 2 : i32
      %sub3A_347 = arith.subi %add3A_334, %sub3A : i32
      %dma_wait3A_348 = arith.constant 0 : i32
      %dma_wait3A_349 = tpu.memref_slice %arg11[%sub3A_347, %dma_wait3A_348] : memref<168x128xi32, #tpu.memory_space<vmem>> -> memref<1x128xi32, #tpu.memory_space<vmem>>
      %dma_wait3A_350 = tpu.memref_squeeze %dma_wait3A_349 : memref<1x128xi32, #tpu.memory_space<vmem>> -> memref<128xi32, #tpu.memory_space<vmem>>
      %dma_wait3A_351 = arith.constant 0 : i32
      %dma_wait3A_352 = arith.constant 0 : i32
      %dma_wait3A_353 = tpu.memref_slice %arg17[%dma_wait3A_351, %dma_wait3A_352] : memref<10112x64xf32, #tpu.memory_space<vmem_shared>> -> memref<10112x64xf32, #tpu.memory_space<vmem_shared>>
      tpu.wait_indirect_dma semaphore(%arg22 : memref<!tpu.dma_semaphore, #tpu.memory_space<semaphore_mem>>) src(%arg12 : memref<128x64xf32, #tpu.memory_space<vmem>>) dst(%dma_wait3A_353 : memref<10112x64xf32, #tpu.memory_space<vmem_shared>>)
      %add3A_354 = arith.constant 2 : i32
      %add3A_355 = arith.addi %add3A_334, %add3A_354 : i32
      %dma_start3A_356 = arith.constant 0 : i32
      %dma_start3A_357 = tpu.memref_slice %arg10[%add3A_355, %dma_start3A_356] : memref<168x128xi32, #tpu.memory_space<vmem>> -> memref<1x128xi32, #tpu.memory_space<vmem>>
      %dma_start3A_358 = tpu.memref_squeeze %dma_start3A_357 : memref<1x128xi32, #tpu.memory_space<vmem>> -> memref<128xi32, #tpu.memory_space<vmem>>
      %dma_start3A_359 = arith.constant 0 : i32
      %dma_start3A_360 = arith.constant 0 : i32
      %dma_start3A_361 = tpu.memref_slice %arg2[%dma_start3A_359, %dma_start3A_360] : memref<20224x64xf32, #tpu.memory_space<hbm>> -> memref<20224x64xf32, #tpu.memory_space<hbm>>
      tpu.enqueue_indirect_dma source(%dma_start3A_361 : memref<20224x64xf32, #tpu.memory_space<hbm>>) target(%arg12 : memref<128x64xf32, #tpu.memory_space<vmem>>) offsets(%dma_start3A_358 : memref<128xi32, #tpu.memory_space<vmem>>) semaphore(%arg18 : memref<!tpu.dma_semaphore, #tpu.memory_space<semaphore_mem>>)
      %add3A_362 = arith.constant 2 : i32
      %add3A_363 = arith.addi %mul3A_330, %add3A_362 : i32
      %add3A_364 = arith.constant 1 : i32
      %add3A_365 = arith.addi %add3A_363, %add3A_364 : i32
      %dma_wait3A_366 = arith.constant 0 : i32
      %dma_wait3A_367 = tpu.memref_slice %arg10[%add3A_365, %dma_wait3A_366] : memref<168x128xi32, #tpu.memory_space<vmem>> -> memref<1x128xi32, #tpu.memory_space<vmem>>
      %dma_wait3A_368 = tpu.memref_squeeze %dma_wait3A_367 : memref<1x128xi32, #tpu.memory_space<vmem>> -> memref<128xi32, #tpu.memory_space<vmem>>
      %dma_wait3A_369 = arith.constant 0 : i32
      %dma_wait3A_370 = arith.constant 0 : i32
      %dma_wait3A_371 = tpu.memref_slice %arg2[%dma_wait3A_369, %dma_wait3A_370] : memref<20224x64xf32, #tpu.memory_space<hbm>> -> memref<20224x64xf32, #tpu.memory_space<hbm>>
      tpu.wait_indirect_dma semaphore(%arg21 : memref<!tpu.dma_semaphore, #tpu.memory_space<semaphore_mem>>) src(%dma_wait3A_371 : memref<20224x64xf32, #tpu.memory_space<hbm>>) dst(%arg15 : memref<128x64xf32, #tpu.memory_space<vmem>>)
      %dma_start3A_372 = arith.constant 0 : i32
      %dma_start3A_373 = tpu.memref_slice %arg11[%add3A_365, %dma_start3A_372] : memref<168x128xi32, #tpu.memory_space<vmem>> -> memref<1x128xi32, #tpu.memory_space<vmem>>
      %dma_start3A_374 = tpu.memref_squeeze %dma_start3A_373 : memref<1x128xi32, #tpu.memory_space<vmem>> -> memref<128xi32, #tpu.memory_space<vmem>>
      %dma_start3A_375 = arith.constant 0 : i32
      %dma_start3A_376 = arith.constant 0 : i32
      %dma_start3A_377 = tpu.memref_slice %arg17[%dma_start3A_375, %dma_start3A_376] : memref<10112x64xf32, #tpu.memory_space<vmem_shared>> -> memref<10112x64xf32, #tpu.memory_space<vmem_shared>>
      tpu.enqueue_indirect_dma source(%arg15 : memref<128x64xf32, #tpu.memory_space<vmem>>) target(%dma_start3A_377 : memref<10112x64xf32, #tpu.memory_space<vmem_shared>>) offsets(%dma_start3A_374 : memref<128xi32, #tpu.memory_space<vmem>>) semaphore(%arg25 : memref<!tpu.dma_semaphore, #tpu.memory_space<semaphore_mem>>) {add = true}
      %sub3A_378 = arith.constant 2 : i32
      %sub3A_379 = arith.subi %add3A_365, %sub3A_378 : i32
      %dma_wait3A_380 = arith.constant 0 : i32
      %dma_wait3A_381 = tpu.memref_slice %arg11[%sub3A_379, %dma_wait3A_380] : memref<168x128xi32, #tpu.memory_space<vmem>> -> memref<1x128xi32, #tpu.memory_space<vmem>>
      %dma_wait3A_382 = tpu.memref_squeeze %dma_wait3A_381 : memref<1x128xi32, #tpu.memory_space<vmem>> -> memref<128xi32, #tpu.memory_space<vmem>>
      %dma_wait3A_383 = arith.constant 0 : i32
      %dma_wait3A_384 = arith.constant 0 : i32
      %dma_wait3A_385 = tpu.memref_slice %arg17[%dma_wait3A_383, %dma_wait3A_384] : memref<10112x64xf32, #tpu.memory_space<vmem_shared>> -> memref<10112x64xf32, #tpu.memory_space<vmem_shared>>
      tpu.wait_indirect_dma semaphore(%arg23 : memref<!tpu.dma_semaphore, #tpu.memory_space<semaphore_mem>>) src(%arg13 : memref<128x64xf32, #tpu.memory_space<vmem>>) dst(%dma_wait3A_385 : memref<10112x64xf32, #tpu.memory_space<vmem_shared>>)
      %add3A_386 = arith.constant 2 : i32
      %add3A_387 = arith.addi %add3A_365, %add3A_386 : i32
      %dma_start3A_388 = arith.constant 0 : i32
      %dma_start3A_389 = tpu.memref_slice %arg10[%add3A_387, %dma_start3A_388] : memref<168x128xi32, #tpu.memory_space<vmem>> -> memref<1x128xi32, #tpu.memory_space<vmem>>
      %dma_start3A_390 = tpu.memref_squeeze %dma_start3A_389 : memref<1x128xi32, #tpu.memory_space<vmem>> -> memref<128xi32, #tpu.memory_space<vmem>>
      %dma_start3A_391 = arith.constant 0 : i32
      %dma_start3A_392 = arith.constant 0 : i32
      %dma_start3A_393 = tpu.memref_slice %arg2[%dma_start3A_391, %dma_start3A_392] : memref<20224x64xf32, #tpu.memory_space<hbm>> -> memref<20224x64xf32, #tpu.memory_space<hbm>>
      tpu.enqueue_indirect_dma source(%dma_start3A_393 : memref<20224x64xf32, #tpu.memory_space<hbm>>) target(%arg13 : memref<128x64xf32, #tpu.memory_space<vmem>>) offsets(%dma_start3A_390 : memref<128xi32, #tpu.memory_space<vmem>>) semaphore(%arg19 : memref<!tpu.dma_semaphore, #tpu.memory_space<semaphore_mem>>)
      %add3A_394 = arith.constant 2 : i32
      %add3A_395 = arith.addi %mul3A_330, %add3A_394 : i32
      %add3A_396 = arith.constant 2 : i32
      %add3A_397 = arith.addi %add3A_395, %add3A_396 : i32
      %dma_wait3A_398 = arith.constant 0 : i32
      %dma_wait3A_399 = tpu.memref_slice %arg10[%add3A_397, %dma_wait3A_398] : memref<168x128xi32, #tpu.memory_space<vmem>> -> memref<1x128xi32, #tpu.memory_space<vmem>>
      %dma_wait3A_400 = tpu.memref_squeeze %dma_wait3A_399 : memref<1x128xi32, #tpu.memory_space<vmem>> -> memref<128xi32, #tpu.memory_space<vmem>>
      %dma_wait3A_401 = arith.constant 0 : i32
      %dma_wait3A_402 = arith.constant 0 : i32
      %dma_wait3A_403 = tpu.memref_slice %arg2[%dma_wait3A_401, %dma_wait3A_402] : memref<20224x64xf32, #tpu.memory_space<hbm>> -> memref<20224x64xf32, #tpu.memory_space<hbm>>
      tpu.wait_indirect_dma semaphore(%arg18 : memref<!tpu.dma_semaphore, #tpu.memory_space<semaphore_mem>>) src(%dma_wait3A_403 : memref<20224x64xf32, #tpu.memory_space<hbm>>) dst(%arg12 : memref<128x64xf32, #tpu.memory_space<vmem>>)
      %dma_start3A_404 = arith.constant 0 : i32
      %dma_start3A_405 = tpu.memref_slice %arg11[%add3A_397, %dma_start3A_404] : memref<168x128xi32, #tpu.memory_space<vmem>> -> memref<1x128xi32, #tpu.memory_space<vmem>>
      %dma_start3A_406 = tpu.memref_squeeze %dma_start3A_405 : memref<1x128xi32, #tpu.memory_space<vmem>> -> memref<128xi32, #tpu.memory_space<vmem>>
      %dma_start3A_407 = arith.constant 0 : i32
      %dma_start3A_408 = arith.constant 0 : i32
      %dma_start3A_409 = tpu.memref_slice %arg17[%dma_start3A_407, %dma_start3A_408] : memref<10112x64xf32, #tpu.memory_space<vmem_shared>> -> memref<10112x64xf32, #tpu.memory_space<vmem_shared>>
      tpu.enqueue_indirect_dma source(%arg12 : memref<128x64xf32, #tpu.memory_space<vmem>>) target(%dma_start3A_409 : memref<10112x64xf32, #tpu.memory_space<vmem_shared>>) offsets(%dma_start3A_406 : memref<128xi32, #tpu.memory_space<vmem>>) semaphore(%arg22 : memref<!tpu.dma_semaphore, #tpu.memory_space<semaphore_mem>>) {add = true}
      %sub3A_410 = arith.constant 2 : i32
      %sub3A_411 = arith.subi %add3A_397, %sub3A_410 : i32
      %dma_wait3A_412 = arith.constant 0 : i32
      %dma_wait3A_413 = tpu.memref_slice %arg11[%sub3A_411, %dma_wait3A_412] : memref<168x128xi32, #tpu.memory_space<vmem>> -> memref<1x128xi32, #tpu.memory_space<vmem>>
      %dma_wait3A_414 = tpu.memref_squeeze %dma_wait3A_413 : memref<1x128xi32, #tpu.memory_space<vmem>> -> memref<128xi32, #tpu.memory_space<vmem>>
      %dma_wait3A_415 = arith.constant 0 : i32
      %dma_wait3A_416 = arith.constant 0 : i32
      %dma_wait3A_417 = tpu.memref_slice %arg17[%dma_wait3A_415, %dma_wait3A_416] : memref<10112x64xf32, #tpu.memory_space<vmem_shared>> -> memref<10112x64xf32, #tpu.memory_space<vmem_shared>>
      tpu.wait_indirect_dma semaphore(%arg24 : memref<!tpu.dma_semaphore, #tpu.memory_space<semaphore_mem>>) src(%arg14 : memref<128x64xf32, #tpu.memory_space<vmem>>) dst(%dma_wait3A_417 : memref<10112x64xf32, #tpu.memory_space<vmem_shared>>)
      %add3A_418 = arith.constant 2 : i32
      %add3A_419 = arith.addi %add3A_397, %add3A_418 : i32
      %dma_start3A_420 = arith.constant 0 : i32
      %dma_start3A_421 = tpu.memref_slice %arg10[%add3A_419, %dma_start3A_420] : memref<168x128xi32, #tpu.memory_space<vmem>> -> memref<1x128xi32, #tpu.memory_space<vmem>>
      %dma_start3A_422 = tpu.memref_squeeze %dma_start3A_421 : memref<1x128xi32, #tpu.memory_space<vmem>> -> memref<128xi32, #tpu.memory_space<vmem>>
      %dma_start3A_423 = arith.constant 0 : i32
      %dma_start3A_424 = arith.constant 0 : i32
      %dma_start3A_425 = tpu.memref_slice %arg2[%dma_start3A_423, %dma_start3A_424] : memref<20224x64xf32, #tpu.memory_space<hbm>> -> memref<20224x64xf32, #tpu.memory_space<hbm>>
      tpu.enqueue_indirect_dma source(%dma_start3A_425 : memref<20224x64xf32, #tpu.memory_space<hbm>>) target(%arg14 : memref<128x64xf32, #tpu.memory_space<vmem>>) offsets(%dma_start3A_422 : memref<128xi32, #tpu.memory_space<vmem>>) semaphore(%arg20 : memref<!tpu.dma_semaphore, #tpu.memory_space<semaphore_mem>>)
      %add3A_426 = arith.constant 2 : i32
      %add3A_427 = arith.addi %mul3A_330, %add3A_426 : i32
      %add3A_428 = arith.constant 3 : i32
      %add3A_429 = arith.addi %add3A_427, %add3A_428 : i32
      %dma_wait3A_430 = arith.constant 0 : i32
      %dma_wait3A_431 = tpu.memref_slice %arg10[%add3A_429, %dma_wait3A_430] : memref<168x128xi32, #tpu.memory_space<vmem>> -> memref<1x128xi32, #tpu.memory_space<vmem>>
      %dma_wait3A_432 = tpu.memref_squeeze %dma_wait3A_431 : memref<1x128xi32, #tpu.memory_space<vmem>> -> memref<128xi32, #tpu.memory_space<vmem>>
      %dma_wait3A_433 = arith.constant 0 : i32
      %dma_wait3A_434 = arith.constant 0 : i32
      %dma_wait3A_435 = tpu.memref_slice %arg2[%dma_wait3A_433, %dma_wait3A_434] : memref<20224x64xf32, #tpu.memory_space<hbm>> -> memref<20224x64xf32, #tpu.memory_space<hbm>>
      tpu.wait_indirect_dma semaphore(%arg19 : memref<!tpu.dma_semaphore, #tpu.memory_space<semaphore_mem>>) src(%dma_wait3A_435 : memref<20224x64xf32, #tpu.memory_space<hbm>>) dst(%arg13 : memref<128x64xf32, #tpu.memory_space<vmem>>)
      %dma_start3A_436 = arith.constant 0 : i32
      %dma_start3A_437 = tpu.memref_slice %arg11[%add3A_429, %dma_start3A_436] : memref<168x128xi32, #tpu.memory_space<vmem>> -> memref<1x128xi32, #tpu.memory_space<vmem>>
      %dma_start3A_438 = tpu.memref_squeeze %dma_start3A_437 : memref<1x128xi32, #tpu.memory_space<vmem>> -> memref<128xi32, #tpu.memory_space<vmem>>
      %dma_start3A_439 = arith.constant 0 : i32
      %dma_start3A_440 = arith.constant 0 : i32
      %dma_start3A_441 = tpu.memref_slice %arg17[%dma_start3A_439, %dma_start3A_440] : memref<10112x64xf32, #tpu.memory_space<vmem_shared>> -> memref<10112x64xf32, #tpu.memory_space<vmem_shared>>
      tpu.enqueue_indirect_dma source(%arg13 : memref<128x64xf32, #tpu.memory_space<vmem>>) target(%dma_start3A_441 : memref<10112x64xf32, #tpu.memory_space<vmem_shared>>) offsets(%dma_start3A_438 : memref<128xi32, #tpu.memory_space<vmem>>) semaphore(%arg23 : memref<!tpu.dma_semaphore, #tpu.memory_space<semaphore_mem>>) {add = true}
      %sub3A_442 = arith.constant 2 : i32
      %sub3A_443 = arith.subi %add3A_429, %sub3A_442 : i32
      %dma_wait3A_444 = arith.constant 0 : i32
      %dma_wait3A_445 = tpu.memref_slice %arg11[%sub3A_443, %dma_wait3A_444] : memref<168x128xi32, #tpu.memory_space<vmem>> -> memref<1x128xi32, #tpu.memory_space<vmem>>
      %dma_wait3A_446 = tpu.memref_squeeze %dma_wait3A_445 : memref<1x128xi32, #tpu.memory_space<vmem>> -> memref<128xi32, #tpu.memory_space<vmem>>
      %dma_wait3A_447 = arith.constant 0 : i32
      %dma_wait3A_448 = arith.constant 0 : i32
      %dma_wait3A_449 = tpu.memref_slice %arg17[%dma_wait3A_447, %dma_wait3A_448] : memref<10112x64xf32, #tpu.memory_space<vmem_shared>> -> memref<10112x64xf32, #tpu.memory_space<vmem_shared>>
      tpu.wait_indirect_dma semaphore(%arg25 : memref<!tpu.dma_semaphore, #tpu.memory_space<semaphore_mem>>) src(%arg15 : memref<128x64xf32, #tpu.memory_space<vmem>>) dst(%dma_wait3A_449 : memref<10112x64xf32, #tpu.memory_space<vmem_shared>>)
      %add3A_450 = arith.constant 2 : i32
      %add3A_451 = arith.addi %add3A_429, %add3A_450 : i32
      %dma_start3A_452 = arith.constant 0 : i32
      %dma_start3A_453 = tpu.memref_slice %arg10[%add3A_451, %dma_start3A_452] : memref<168x128xi32, #tpu.memory_space<vmem>> -> memref<1x128xi32, #tpu.memory_space<vmem>>
      %dma_start3A_454 = tpu.memref_squeeze %dma_start3A_453 : memref<1x128xi32, #tpu.memory_space<vmem>> -> memref<128xi32, #tpu.memory_space<vmem>>
      %dma_start3A_455 = arith.constant 0 : i32
      %dma_start3A_456 = arith.constant 0 : i32
      %dma_start3A_457 = tpu.memref_slice %arg2[%dma_start3A_455, %dma_start3A_456] : memref<20224x64xf32, #tpu.memory_space<hbm>> -> memref<20224x64xf32, #tpu.memory_space<hbm>>
      tpu.enqueue_indirect_dma source(%dma_start3A_457 : memref<20224x64xf32, #tpu.memory_space<hbm>>) target(%arg15 : memref<128x64xf32, #tpu.memory_space<vmem>>) offsets(%dma_start3A_454 : memref<128xi32, #tpu.memory_space<vmem>>) semaphore(%arg21 : memref<!tpu.dma_semaphore, #tpu.memory_space<semaphore_mem>>)
    }
    %scan3A_101 = arith.constant 41 : i32
    %dma_wait3A_102 = arith.constant 166 : i32
    %dma_wait3A_103 = arith.constant 0 : i32
    %dma_wait3A_104 = tpu.memref_slice %arg10[%dma_wait3A_102, %dma_wait3A_103] : memref<168x128xi32, #tpu.memory_space<vmem>> -> memref<1x128xi32, #tpu.memory_space<vmem>>
    %dma_wait3A_105 = tpu.memref_squeeze %dma_wait3A_104 : memref<1x128xi32, #tpu.memory_space<vmem>> -> memref<128xi32, #tpu.memory_space<vmem>>
    %dma_wait3A_106 = arith.constant 0 : i32
    %dma_wait3A_107 = arith.constant 0 : i32
    %dma_wait3A_108 = tpu.memref_slice %arg2[%dma_wait3A_106, %dma_wait3A_107] : memref<20224x64xf32, #tpu.memory_space<hbm>> -> memref<20224x64xf32, #tpu.memory_space<hbm>>
    tpu.wait_indirect_dma semaphore(%arg20 : memref<!tpu.dma_semaphore, #tpu.memory_space<semaphore_mem>>) src(%dma_wait3A_108 : memref<20224x64xf32, #tpu.memory_space<hbm>>) dst(%arg14 : memref<128x64xf32, #tpu.memory_space<vmem>>)
    %dma_start3A_109 = arith.constant 166 : i32
    %dma_start3A_110 = arith.constant 0 : i32
    %dma_start3A_111 = tpu.memref_slice %arg11[%dma_start3A_109, %dma_start3A_110] : memref<168x128xi32, #tpu.memory_space<vmem>> -> memref<1x128xi32, #tpu.memory_space<vmem>>
    %dma_start3A_112 = tpu.memref_squeeze %dma_start3A_111 : memref<1x128xi32, #tpu.memory_space<vmem>> -> memref<128xi32, #tpu.memory_space<vmem>>
    %dma_start3A_113 = arith.constant 0 : i32
    %dma_start3A_114 = arith.constant 0 : i32
    %dma_start3A_115 = tpu.memref_slice %arg17[%dma_start3A_113, %dma_start3A_114] : memref<10112x64xf32, #tpu.memory_space<vmem_shared>> -> memref<10112x64xf32, #tpu.memory_space<vmem_shared>>
    tpu.enqueue_indirect_dma source(%arg14 : memref<128x64xf32, #tpu.memory_space<vmem>>) target(%dma_start3A_115 : memref<10112x64xf32, #tpu.memory_space<vmem_shared>>) offsets(%dma_start3A_112 : memref<128xi32, #tpu.memory_space<vmem>>) semaphore(%arg24 : memref<!tpu.dma_semaphore, #tpu.memory_space<semaphore_mem>>) {add = true}
    %dma_wait3A_116 = arith.constant 164 : i32
    %dma_wait3A_117 = arith.constant 0 : i32
    %dma_wait3A_118 = tpu.memref_slice %arg11[%dma_wait3A_116, %dma_wait3A_117] : memref<168x128xi32, #tpu.memory_space<vmem>> -> memref<1x128xi32, #tpu.memory_space<vmem>>
    %dma_wait3A_119 = tpu.memref_squeeze %dma_wait3A_118 : memref<1x128xi32, #tpu.memory_space<vmem>> -> memref<128xi32, #tpu.memory_space<vmem>>
    %dma_wait3A_120 = arith.constant 0 : i32
    %dma_wait3A_121 = arith.constant 0 : i32
    %dma_wait3A_122 = tpu.memref_slice %arg17[%dma_wait3A_120, %dma_wait3A_121] : memref<10112x64xf32, #tpu.memory_space<vmem_shared>> -> memref<10112x64xf32, #tpu.memory_space<vmem_shared>>
    tpu.wait_indirect_dma semaphore(%arg22 : memref<!tpu.dma_semaphore, #tpu.memory_space<semaphore_mem>>) src(%arg12 : memref<128x64xf32, #tpu.memory_space<vmem>>) dst(%dma_wait3A_122 : memref<10112x64xf32, #tpu.memory_space<vmem_shared>>)
    %dma_wait3A_123 = arith.constant 167 : i32
    %dma_wait3A_124 = arith.constant 0 : i32
    %dma_wait3A_125 = tpu.memref_slice %arg10[%dma_wait3A_123, %dma_wait3A_124] : memref<168x128xi32, #tpu.memory_space<vmem>> -> memref<1x128xi32, #tpu.memory_space<vmem>>
    %dma_wait3A_126 = tpu.memref_squeeze %dma_wait3A_125 : memref<1x128xi32, #tpu.memory_space<vmem>> -> memref<128xi32, #tpu.memory_space<vmem>>
    %dma_wait3A_127 = arith.constant 0 : i32
    %dma_wait3A_128 = arith.constant 0 : i32
    %dma_wait3A_129 = tpu.memref_slice %arg2[%dma_wait3A_127, %dma_wait3A_128] : memref<20224x64xf32, #tpu.memory_space<hbm>> -> memref<20224x64xf32, #tpu.memory_space<hbm>>
    tpu.wait_indirect_dma semaphore(%arg21 : memref<!tpu.dma_semaphore, #tpu.memory_space<semaphore_mem>>) src(%dma_wait3A_129 : memref<20224x64xf32, #tpu.memory_space<hbm>>) dst(%arg15 : memref<128x64xf32, #tpu.memory_space<vmem>>)
    %dma_start3A_130 = arith.constant 167 : i32
    %dma_start3A_131 = arith.constant 0 : i32
    %dma_start3A_132 = tpu.memref_slice %arg11[%dma_start3A_130, %dma_start3A_131] : memref<168x128xi32, #tpu.memory_space<vmem>> -> memref<1x128xi32, #tpu.memory_space<vmem>>
    %dma_start3A_133 = tpu.memref_squeeze %dma_start3A_132 : memref<1x128xi32, #tpu.memory_space<vmem>> -> memref<128xi32, #tpu.memory_space<vmem>>
    %dma_start3A_134 = arith.constant 0 : i32
    %dma_start3A_135 = arith.constant 0 : i32
    %dma_start3A_136 = tpu.memref_slice %arg17[%dma_start3A_134, %dma_start3A_135] : memref<10112x64xf32, #tpu.memory_space<vmem_shared>> -> memref<10112x64xf32, #tpu.memory_space<vmem_shared>>
    tpu.enqueue_indirect_dma source(%arg15 : memref<128x64xf32, #tpu.memory_space<vmem>>) target(%dma_start3A_136 : memref<10112x64xf32, #tpu.memory_space<vmem_shared>>) offsets(%dma_start3A_133 : memref<128xi32, #tpu.memory_space<vmem>>) semaphore(%arg25 : memref<!tpu.dma_semaphore, #tpu.memory_space<semaphore_mem>>) {add = true}
    %dma_wait3A_137 = arith.constant 165 : i32
    %dma_wait3A_138 = arith.constant 0 : i32
    %dma_wait3A_139 = tpu.memref_slice %arg11[%dma_wait3A_137, %dma_wait3A_138] : memref<168x128xi32, #tpu.memory_space<vmem>> -> memref<1x128xi32, #tpu.memory_space<vmem>>
    %dma_wait3A_140 = tpu.memref_squeeze %dma_wait3A_139 : memref<1x128xi32, #tpu.memory_space<vmem>> -> memref<128xi32, #tpu.memory_space<vmem>>
    %dma_wait3A_141 = arith.constant 0 : i32
    %dma_wait3A_142 = arith.constant 0 : i32
    %dma_wait3A_143 = tpu.memref_slice %arg17[%dma_wait3A_141, %dma_wait3A_142] : memref<10112x64xf32, #tpu.memory_space<vmem_shared>> -> memref<10112x64xf32, #tpu.memory_space<vmem_shared>>
    tpu.wait_indirect_dma semaphore(%arg23 : memref<!tpu.dma_semaphore, #tpu.memory_space<semaphore_mem>>) src(%arg13 : memref<128x64xf32, #tpu.memory_space<vmem>>) dst(%dma_wait3A_143 : memref<10112x64xf32, #tpu.memory_space<vmem_shared>>)
    %dma_wait3A_144 = arith.constant 166 : i32
    %dma_wait3A_145 = arith.constant 0 : i32
    %dma_wait3A_146 = tpu.memref_slice %arg11[%dma_wait3A_144, %dma_wait3A_145] : memref<168x128xi32, #tpu.memory_space<vmem>> -> memref<1x128xi32, #tpu.memory_space<vmem>>
    %dma_wait3A_147 = tpu.memref_squeeze %dma_wait3A_146 : memref<1x128xi32, #tpu.memory_space<vmem>> -> memref<128xi32, #tpu.memory_space<vmem>>
    %dma_wait3A_148 = arith.constant 0 : i32
    %dma_wait3A_149 = arith.constant 0 : i32
    %dma_wait3A_150 = tpu.memref_slice %arg17[%dma_wait3A_148, %dma_wait3A_149] : memref<10112x64xf32, #tpu.memory_space<vmem_shared>> -> memref<10112x64xf32, #tpu.memory_space<vmem_shared>>
    tpu.wait_indirect_dma semaphore(%arg24 : memref<!tpu.dma_semaphore, #tpu.memory_space<semaphore_mem>>) src(%arg14 : memref<128x64xf32, #tpu.memory_space<vmem>>) dst(%dma_wait3A_150 : memref<10112x64xf32, #tpu.memory_space<vmem_shared>>)
    %dma_wait3A_151 = arith.constant 167 : i32
    %dma_wait3A_152 = arith.constant 0 : i32
    %dma_wait3A_153 = tpu.memref_slice %arg11[%dma_wait3A_151, %dma_wait3A_152] : memref<168x128xi32, #tpu.memory_space<vmem>> -> memref<1x128xi32, #tpu.memory_space<vmem>>
    %dma_wait3A_154 = tpu.memref_squeeze %dma_wait3A_153 : memref<1x128xi32, #tpu.memory_space<vmem>> -> memref<128xi32, #tpu.memory_space<vmem>>
    %dma_wait3A_155 = arith.constant 0 : i32
    %dma_wait3A_156 = arith.constant 0 : i32
    %dma_wait3A_157 = tpu.memref_slice %arg17[%dma_wait3A_155, %dma_wait3A_156] : memref<10112x64xf32, #tpu.memory_space<vmem_shared>> -> memref<10112x64xf32, #tpu.memory_space<vmem_shared>>
    tpu.wait_indirect_dma semaphore(%arg25 : memref<!tpu.dma_semaphore, #tpu.memory_space<semaphore_mem>>) src(%arg15 : memref<128x64xf32, #tpu.memory_space<vmem>>) dst(%dma_wait3A_157 : memref<10112x64xf32, #tpu.memory_space<vmem_shared>>)
    %barrier3A_158 = arith.constant 0 : index
    tpu.barrier barrier_id(%barrier3A_158)
    %mul3A_159 = arith.constant 632 : i32
    %mul3A_160 = arith.muli %arg1, %mul3A_159 : i32
    %add3A_161 = arith.constant 0 : i32
    %add3A_162 = arith.addi %mul3A_160, %add3A_161 : i32
    "tpu.region"() ({
      %run_scoped3A_328 = tpu.sem_alloc : memref<!tpu.dma_semaphore, #tpu.memory_space<semaphore_mem>>
      %dma_start3A_329 = arith.constant 0 : i32
      %dma_start3A_330 = arith.constant 0 : i32
      %dma_start3A_331 = tpu.memref_slice %arg12[%dma_start3A_329, %dma_start3A_330] : memref<128x64xf32, #tpu.memory_space<vmem>> -> memref<128x64xf32, #tpu.memory_space<vmem>>
      %dma_start3A_332 = arith.constant 0 : i32
      %dma_start3A_333 = tpu.memref_slice %arg17[%add3A_162, %dma_start3A_332] : memref<10112x64xf32, #tpu.memory_space<vmem_shared>> -> memref<128x64xf32, #tpu.memory_space<vmem_shared>>
      %dma_start3A_334 = arith.constant 0 : i32
      %dma_start3A_335 = arith.constant 0 : i32
      %dma_start3A_336 = tpu.memref_slice %arg12[%dma_start3A_334, %dma_start3A_335] : memref<128x64xf32, #tpu.memory_space<vmem>> -> memref<128x64xf32, #tpu.memory_space<vmem>>
      %dma_start3A_337 = arith.constant 0 : i32
      %dma_start3A_338 = tpu.memref_slice %arg17[%add3A_162, %dma_start3A_337] : memref<10112x64xf32, #tpu.memory_space<vmem_shared>> -> memref<128x64xf32, #tpu.memory_space<vmem_shared>>
      tpu.enqueue_dma source(%dma_start3A_338 : memref<128x64xf32, #tpu.memory_space<vmem_shared>>) target(%dma_start3A_336 : memref<128x64xf32, #tpu.memory_space<vmem>>) target_semaphore(%run_scoped3A_328 : memref<!tpu.dma_semaphore, #tpu.memory_space<semaphore_mem>>)
      %dma_wait3A_339 = arith.constant 0 : i32
      %dma_wait3A_340 = arith.constant 0 : i32
      %dma_wait3A_341 = tpu.memref_slice %arg12[%dma_wait3A_339, %dma_wait3A_340] : memref<128x64xf32, #tpu.memory_space<vmem>> -> memref<128x64xf32, #tpu.memory_space<vmem>>
      %dma_wait3A_342 = arith.constant 0 : i32
      %dma_wait3A_343 = tpu.memref_slice %arg17[%add3A_162, %dma_wait3A_342] : memref<10112x64xf32, #tpu.memory_space<vmem_shared>> -> memref<128x64xf32, #tpu.memory_space<vmem_shared>>
      %dma_wait3A_344 = arith.constant 0 : i32
      %dma_wait3A_345 = arith.constant 0 : i32
      %dma_wait3A_346 = tpu.memref_slice %arg12[%dma_wait3A_344, %dma_wait3A_345] : memref<128x64xf32, #tpu.memory_space<vmem>> -> memref<128x64xf32, #tpu.memory_space<vmem>>
      %dma_wait3A_347 = arith.constant 0 : i32
      %dma_wait3A_348 = tpu.memref_slice %arg17[%add3A_162, %dma_wait3A_347] : memref<10112x64xf32, #tpu.memory_space<vmem_shared>> -> memref<128x64xf32, #tpu.memory_space<vmem_shared>>
      tpu.wait_dma2 semaphore(%run_scoped3A_328 : memref<!tpu.dma_semaphore, #tpu.memory_space<semaphore_mem>>) src(%dma_wait3A_348 : memref<128x64xf32, #tpu.memory_space<vmem_shared>>) dst(%dma_wait3A_346 : memref<128x64xf32, #tpu.memory_space<vmem>>)
      tpu.yield
    }) : () -> ()
    %mul3A_163 = arith.constant 10112 : i32
    %mul3A_164 = arith.muli %arg0, %mul3A_163 : i32
    %add3A_165 = arith.addi %mul3A_164, %mul3A_160 : i32
    %add3A_166 = arith.constant 0 : i32
    %add3A_167 = arith.addi %add3A_165, %add3A_166 : i32
    "tpu.region"() ({
      %run_scoped3A_328 = tpu.sem_alloc : memref<!tpu.dma_semaphore, #tpu.memory_space<semaphore_mem>>
      %dma_start3A_329 = arith.constant 0 : i32
      %dma_start3A_330 = arith.constant 0 : i32
      %dma_start3A_331 = tpu.memref_slice %arg12[%dma_start3A_329, %dma_start3A_330] : memref<128x64xf32, #tpu.memory_space<vmem>> -> memref<128x64xf32, #tpu.memory_space<vmem>>
      %dma_start3A_332 = arith.constant 0 : i32
      %dma_start3A_333 = tpu.memref_slice %arg7[%add3A_167, %dma_start3A_332] : memref<20224x64xf32, #tpu.memory_space<hbm>> -> memref<128x64xf32, #tpu.memory_space<hbm>>
      %dma_start3A_334 = arith.constant 0 : i32
      %dma_start3A_335 = tpu.memref_slice %arg7[%add3A_167, %dma_start3A_334] : memref<20224x64xf32, #tpu.memory_space<hbm>> -> memref<128x64xf32, #tpu.memory_space<hbm>>
      %dma_start3A_336 = arith.constant 0 : i32
      %dma_start3A_337 = arith.constant 0 : i32
      %dma_start3A_338 = tpu.memref_slice %arg12[%dma_start3A_336, %dma_start3A_337] : memref<128x64xf32, #tpu.memory_space<vmem>> -> memref<128x64xf32, #tpu.memory_space<vmem>>
      tpu.enqueue_dma source(%dma_start3A_338 : memref<128x64xf32, #tpu.memory_space<vmem>>) target(%dma_start3A_335 : memref<128x64xf32, #tpu.memory_space<hbm>>) target_semaphore(%run_scoped3A_328 : memref<!tpu.dma_semaphore, #tpu.memory_space<semaphore_mem>>)
      %dma_wait3A_339 = arith.constant 0 : i32
      %dma_wait3A_340 = arith.constant 0 : i32
      %dma_wait3A_341 = tpu.memref_slice %arg12[%dma_wait3A_339, %dma_wait3A_340] : memref<128x64xf32, #tpu.memory_space<vmem>> -> memref<128x64xf32, #tpu.memory_space<vmem>>
      %dma_wait3A_342 = arith.constant 0 : i32
      %dma_wait3A_343 = tpu.memref_slice %arg7[%add3A_167, %dma_wait3A_342] : memref<20224x64xf32, #tpu.memory_space<hbm>> -> memref<128x64xf32, #tpu.memory_space<hbm>>
      %dma_wait3A_344 = arith.constant 0 : i32
      %dma_wait3A_345 = tpu.memref_slice %arg7[%add3A_167, %dma_wait3A_344] : memref<20224x64xf32, #tpu.memory_space<hbm>> -> memref<128x64xf32, #tpu.memory_space<hbm>>
      %dma_wait3A_346 = arith.constant 0 : i32
      %dma_wait3A_347 = arith.constant 0 : i32
      %dma_wait3A_348 = tpu.memref_slice %arg12[%dma_wait3A_346, %dma_wait3A_347] : memref<128x64xf32, #tpu.memory_space<vmem>> -> memref<128x64xf32, #tpu.memory_space<vmem>>
      tpu.wait_dma2 semaphore(%run_scoped3A_328 : memref<!tpu.dma_semaphore, #tpu.memory_space<semaphore_mem>>) src(%dma_wait3A_348 : memref<128x64xf32, #tpu.memory_space<vmem>>) dst(%dma_wait3A_345 : memref<128x64xf32, #tpu.memory_space<hbm>>)
      tpu.yield
    }) : () -> ()
    %add3A_168 = arith.constant 128 : i32
    %add3A_169 = arith.addi %mul3A_160, %add3A_168 : i32
    "tpu.region"() ({
      %run_scoped3A_328 = tpu.sem_alloc : memref<!tpu.dma_semaphore, #tpu.memory_space<semaphore_mem>>
      %dma_start3A_329 = arith.constant 0 : i32
      %dma_start3A_330 = arith.constant 0 : i32
      %dma_start3A_331 = tpu.memref_slice %arg12[%dma_start3A_329, %dma_start3A_330] : memref<128x64xf32, #tpu.memory_space<vmem>> -> memref<128x64xf32, #tpu.memory_space<vmem>>
      %dma_start3A_332 = arith.constant 0 : i32
      %dma_start3A_333 = tpu.memref_slice %arg17[%add3A_169, %dma_start3A_332] : memref<10112x64xf32, #tpu.memory_space<vmem_shared>> -> memref<128x64xf32, #tpu.memory_space<vmem_shared>>
      %dma_start3A_334 = arith.constant 0 : i32
      %dma_start3A_335 = arith.constant 0 : i32
      %dma_start3A_336 = tpu.memref_slice %arg12[%dma_start3A_334, %dma_start3A_335] : memref<128x64xf32, #tpu.memory_space<vmem>> -> memref<128x64xf32, #tpu.memory_space<vmem>>
      %dma_start3A_337 = arith.constant 0 : i32
      %dma_start3A_338 = tpu.memref_slice %arg17[%add3A_169, %dma_start3A_337] : memref<10112x64xf32, #tpu.memory_space<vmem_shared>> -> memref<128x64xf32, #tpu.memory_space<vmem_shared>>
      tpu.enqueue_dma source(%dma_start3A_338 : memref<128x64xf32, #tpu.memory_space<vmem_shared>>) target(%dma_start3A_336 : memref<128x64xf32, #tpu.memory_space<vmem>>) target_semaphore(%run_scoped3A_328 : memref<!tpu.dma_semaphore, #tpu.memory_space<semaphore_mem>>)
      %dma_wait3A_339 = arith.constant 0 : i32
      %dma_wait3A_340 = arith.constant 0 : i32
      %dma_wait3A_341 = tpu.memref_slice %arg12[%dma_wait3A_339, %dma_wait3A_340] : memref<128x64xf32, #tpu.memory_space<vmem>> -> memref<128x64xf32, #tpu.memory_space<vmem>>
      %dma_wait3A_342 = arith.constant 0 : i32
      %dma_wait3A_343 = tpu.memref_slice %arg17[%add3A_169, %dma_wait3A_342] : memref<10112x64xf32, #tpu.memory_space<vmem_shared>> -> memref<128x64xf32, #tpu.memory_space<vmem_shared>>
      %dma_wait3A_344 = arith.constant 0 : i32
      %dma_wait3A_345 = arith.constant 0 : i32
      %dma_wait3A_346 = tpu.memref_slice %arg12[%dma_wait3A_344, %dma_wait3A_345] : memref<128x64xf32, #tpu.memory_space<vmem>> -> memref<128x64xf32, #tpu.memory_space<vmem>>
      %dma_wait3A_347 = arith.constant 0 : i32
      %dma_wait3A_348 = tpu.memref_slice %arg17[%add3A_169, %dma_wait3A_347] : memref<10112x64xf32, #tpu.memory_space<vmem_shared>> -> memref<128x64xf32, #tpu.memory_space<vmem_shared>>
      tpu.wait_dma2 semaphore(%run_scoped3A_328 : memref<!tpu.dma_semaphore, #tpu.memory_space<semaphore_mem>>) src(%dma_wait3A_348 : memref<128x64xf32, #tpu.memory_space<vmem_shared>>) dst(%dma_wait3A_346 : memref<128x64xf32, #tpu.memory_space<vmem>>)
      tpu.yield
    }) : () -> ()
    %mul3A_170 = arith.constant 10112 : i32
    %mul3A_171 = arith.muli %arg0, %mul3A_170 : i32
    %add3A_172 = arith.addi %mul3A_171, %mul3A_160 : i32
    %add3A_173 = arith.constant 128 : i32
    %add3A_174 = arith.addi %add3A_172, %add3A_173 : i32
    "tpu.region"() ({
      %run_scoped3A_328 = tpu.sem_alloc : memref<!tpu.dma_semaphore, #tpu.memory_space<semaphore_mem>>
      %dma_start3A_329 = arith.constant 0 : i32
      %dma_start3A_330 = arith.constant 0 : i32
      %dma_start3A_331 = tpu.memref_slice %arg12[%dma_start3A_329, %dma_start3A_330] : memref<128x64xf32, #tpu.memory_space<vmem>> -> memref<128x64xf32, #tpu.memory_space<vmem>>
      %dma_start3A_332 = arith.constant 0 : i32
      %dma_start3A_333 = tpu.memref_slice %arg7[%add3A_174, %dma_start3A_332] : memref<20224x64xf32, #tpu.memory_space<hbm>> -> memref<128x64xf32, #tpu.memory_space<hbm>>
      %dma_start3A_334 = arith.constant 0 : i32
      %dma_start3A_335 = tpu.memref_slice %arg7[%add3A_174, %dma_start3A_334] : memref<20224x64xf32, #tpu.memory_space<hbm>> -> memref<128x64xf32, #tpu.memory_space<hbm>>
      %dma_start3A_336 = arith.constant 0 : i32
      %dma_start3A_337 = arith.constant 0 : i32
      %dma_start3A_338 = tpu.memref_slice %arg12[%dma_start3A_336, %dma_start3A_337] : memref<128x64xf32, #tpu.memory_space<vmem>> -> memref<128x64xf32, #tpu.memory_space<vmem>>
      tpu.enqueue_dma source(%dma_start3A_338 : memref<128x64xf32, #tpu.memory_space<vmem>>) target(%dma_start3A_335 : memref<128x64xf32, #tpu.memory_space<hbm>>) target_semaphore(%run_scoped3A_328 : memref<!tpu.dma_semaphore, #tpu.memory_space<semaphore_mem>>)
      %dma_wait3A_339 = arith.constant 0 : i32
      %dma_wait3A_340 = arith.constant 0 : i32
      %dma_wait3A_341 = tpu.memref_slice %arg12[%dma_wait3A_339, %dma_wait3A_340] : memref<128x64xf32, #tpu.memory_space<vmem>> -> memref<128x64xf32, #tpu.memory_space<vmem>>
      %dma_wait3A_342 = arith.constant 0 : i32
      %dma_wait3A_343 = tpu.memref_slice %arg7[%add3A_174, %dma_wait3A_342] : memref<20224x64xf32, #tpu.memory_space<hbm>> -> memref<128x64xf32, #tpu.memory_space<hbm>>
      %dma_wait3A_344 = arith.constant 0 : i32
      %dma_wait3A_345 = tpu.memref_slice %arg7[%add3A_174, %dma_wait3A_344] : memref<20224x64xf32, #tpu.memory_space<hbm>> -> memref<128x64xf32, #tpu.memory_space<hbm>>
      %dma_wait3A_346 = arith.constant 0 : i32
      %dma_wait3A_347 = arith.constant 0 : i32
      %dma_wait3A_348 = tpu.memref_slice %arg12[%dma_wait3A_346, %dma_wait3A_347] : memref<128x64xf32, #tpu.memory_space<vmem>> -> memref<128x64xf32, #tpu.memory_space<vmem>>
      tpu.wait_dma2 semaphore(%run_scoped3A_328 : memref<!tpu.dma_semaphore, #tpu.memory_space<semaphore_mem>>) src(%dma_wait3A_348 : memref<128x64xf32, #tpu.memory_space<vmem>>) dst(%dma_wait3A_345 : memref<128x64xf32, #tpu.memory_space<hbm>>)
      tpu.yield
    }) : () -> ()
    %add3A_175 = arith.constant 256 : i32
    %add3A_176 = arith.addi %mul3A_160, %add3A_175 : i32
    "tpu.region"() ({
      %run_scoped3A_328 = tpu.sem_alloc : memref<!tpu.dma_semaphore, #tpu.memory_space<semaphore_mem>>
      %dma_start3A_329 = arith.constant 0 : i32
      %dma_start3A_330 = arith.constant 0 : i32
      %dma_start3A_331 = tpu.memref_slice %arg12[%dma_start3A_329, %dma_start3A_330] : memref<128x64xf32, #tpu.memory_space<vmem>> -> memref<128x64xf32, #tpu.memory_space<vmem>>
      %dma_start3A_332 = arith.constant 0 : i32
      %dma_start3A_333 = tpu.memref_slice %arg17[%add3A_176, %dma_start3A_332] : memref<10112x64xf32, #tpu.memory_space<vmem_shared>> -> memref<128x64xf32, #tpu.memory_space<vmem_shared>>
      %dma_start3A_334 = arith.constant 0 : i32
      %dma_start3A_335 = arith.constant 0 : i32
      %dma_start3A_336 = tpu.memref_slice %arg12[%dma_start3A_334, %dma_start3A_335] : memref<128x64xf32, #tpu.memory_space<vmem>> -> memref<128x64xf32, #tpu.memory_space<vmem>>
      %dma_start3A_337 = arith.constant 0 : i32
      %dma_start3A_338 = tpu.memref_slice %arg17[%add3A_176, %dma_start3A_337] : memref<10112x64xf32, #tpu.memory_space<vmem_shared>> -> memref<128x64xf32, #tpu.memory_space<vmem_shared>>
      tpu.enqueue_dma source(%dma_start3A_338 : memref<128x64xf32, #tpu.memory_space<vmem_shared>>) target(%dma_start3A_336 : memref<128x64xf32, #tpu.memory_space<vmem>>) target_semaphore(%run_scoped3A_328 : memref<!tpu.dma_semaphore, #tpu.memory_space<semaphore_mem>>)
      %dma_wait3A_339 = arith.constant 0 : i32
      %dma_wait3A_340 = arith.constant 0 : i32
      %dma_wait3A_341 = tpu.memref_slice %arg12[%dma_wait3A_339, %dma_wait3A_340] : memref<128x64xf32, #tpu.memory_space<vmem>> -> memref<128x64xf32, #tpu.memory_space<vmem>>
      %dma_wait3A_342 = arith.constant 0 : i32
      %dma_wait3A_343 = tpu.memref_slice %arg17[%add3A_176, %dma_wait3A_342] : memref<10112x64xf32, #tpu.memory_space<vmem_shared>> -> memref<128x64xf32, #tpu.memory_space<vmem_shared>>
      %dma_wait3A_344 = arith.constant 0 : i32
      %dma_wait3A_345 = arith.constant 0 : i32
      %dma_wait3A_346 = tpu.memref_slice %arg12[%dma_wait3A_344, %dma_wait3A_345] : memref<128x64xf32, #tpu.memory_space<vmem>> -> memref<128x64xf32, #tpu.memory_space<vmem>>
      %dma_wait3A_347 = arith.constant 0 : i32
      %dma_wait3A_348 = tpu.memref_slice %arg17[%add3A_176, %dma_wait3A_347] : memref<10112x64xf32, #tpu.memory_space<vmem_shared>> -> memref<128x64xf32, #tpu.memory_space<vmem_shared>>
      tpu.wait_dma2 semaphore(%run_scoped3A_328 : memref<!tpu.dma_semaphore, #tpu.memory_space<semaphore_mem>>) src(%dma_wait3A_348 : memref<128x64xf32, #tpu.memory_space<vmem_shared>>) dst(%dma_wait3A_346 : memref<128x64xf32, #tpu.memory_space<vmem>>)
      tpu.yield
    }) : () -> ()
    %mul3A_177 = arith.constant 10112 : i32
    %mul3A_178 = arith.muli %arg0, %mul3A_177 : i32
    %add3A_179 = arith.addi %mul3A_178, %mul3A_160 : i32
    %add3A_180 = arith.constant 256 : i32
    %add3A_181 = arith.addi %add3A_179, %add3A_180 : i32
    "tpu.region"() ({
      %run_scoped3A_328 = tpu.sem_alloc : memref<!tpu.dma_semaphore, #tpu.memory_space<semaphore_mem>>
      %dma_start3A_329 = arith.constant 0 : i32
      %dma_start3A_330 = arith.constant 0 : i32
      %dma_start3A_331 = tpu.memref_slice %arg12[%dma_start3A_329, %dma_start3A_330] : memref<128x64xf32, #tpu.memory_space<vmem>> -> memref<128x64xf32, #tpu.memory_space<vmem>>
      %dma_start3A_332 = arith.constant 0 : i32
      %dma_start3A_333 = tpu.memref_slice %arg7[%add3A_181, %dma_start3A_332] : memref<20224x64xf32, #tpu.memory_space<hbm>> -> memref<128x64xf32, #tpu.memory_space<hbm>>
      %dma_start3A_334 = arith.constant 0 : i32
      %dma_start3A_335 = tpu.memref_slice %arg7[%add3A_181, %dma_start3A_334] : memref<20224x64xf32, #tpu.memory_space<hbm>> -> memref<128x64xf32, #tpu.memory_space<hbm>>
      %dma_start3A_336 = arith.constant 0 : i32
      %dma_start3A_337 = arith.constant 0 : i32
      %dma_start3A_338 = tpu.memref_slice %arg12[%dma_start3A_336, %dma_start3A_337] : memref<128x64xf32, #tpu.memory_space<vmem>> -> memref<128x64xf32, #tpu.memory_space<vmem>>
      tpu.enqueue_dma source(%dma_start3A_338 : memref<128x64xf32, #tpu.memory_space<vmem>>) target(%dma_start3A_335 : memref<128x64xf32, #tpu.memory_space<hbm>>) target_semaphore(%run_scoped3A_328 : memref<!tpu.dma_semaphore, #tpu.memory_space<semaphore_mem>>)
      %dma_wait3A_339 = arith.constant 0 : i32
      %dma_wait3A_340 = arith.constant 0 : i32
      %dma_wait3A_341 = tpu.memref_slice %arg12[%dma_wait3A_339, %dma_wait3A_340] : memref<128x64xf32, #tpu.memory_space<vmem>> -> memref<128x64xf32, #tpu.memory_space<vmem>>
      %dma_wait3A_342 = arith.constant 0 : i32
      %dma_wait3A_343 = tpu.memref_slice %arg7[%add3A_181, %dma_wait3A_342] : memref<20224x64xf32, #tpu.memory_space<hbm>> -> memref<128x64xf32, #tpu.memory_space<hbm>>
      %dma_wait3A_344 = arith.constant 0 : i32
      %dma_wait3A_345 = tpu.memref_slice %arg7[%add3A_181, %dma_wait3A_344] : memref<20224x64xf32, #tpu.memory_space<hbm>> -> memref<128x64xf32, #tpu.memory_space<hbm>>
      %dma_wait3A_346 = arith.constant 0 : i32
      %dma_wait3A_347 = arith.constant 0 : i32
      %dma_wait3A_348 = tpu.memref_slice %arg12[%dma_wait3A_346, %dma_wait3A_347] : memref<128x64xf32, #tpu.memory_space<vmem>> -> memref<128x64xf32, #tpu.memory_space<vmem>>
      tpu.wait_dma2 semaphore(%run_scoped3A_328 : memref<!tpu.dma_semaphore, #tpu.memory_space<semaphore_mem>>) src(%dma_wait3A_348 : memref<128x64xf32, #tpu.memory_space<vmem>>) dst(%dma_wait3A_345 : memref<128x64xf32, #tpu.memory_space<hbm>>)
      tpu.yield
    }) : () -> ()
    %add3A_182 = arith.constant 384 : i32
    %add3A_183 = arith.addi %mul3A_160, %add3A_182 : i32
    "tpu.region"() ({
      %run_scoped3A_328 = tpu.sem_alloc : memref<!tpu.dma_semaphore, #tpu.memory_space<semaphore_mem>>
      %dma_start3A_329 = arith.constant 0 : i32
      %dma_start3A_330 = arith.constant 0 : i32
      %dma_start3A_331 = tpu.memref_slice %arg12[%dma_start3A_329, %dma_start3A_330] : memref<128x64xf32, #tpu.memory_space<vmem>> -> memref<128x64xf32, #tpu.memory_space<vmem>>
      %dma_start3A_332 = arith.constant 0 : i32
      %dma_start3A_333 = tpu.memref_slice %arg17[%add3A_183, %dma_start3A_332] : memref<10112x64xf32, #tpu.memory_space<vmem_shared>> -> memref<128x64xf32, #tpu.memory_space<vmem_shared>>
      %dma_start3A_334 = arith.constant 0 : i32
      %dma_start3A_335 = arith.constant 0 : i32
      %dma_start3A_336 = tpu.memref_slice %arg12[%dma_start3A_334, %dma_start3A_335] : memref<128x64xf32, #tpu.memory_space<vmem>> -> memref<128x64xf32, #tpu.memory_space<vmem>>
      %dma_start3A_337 = arith.constant 0 : i32
      %dma_start3A_338 = tpu.memref_slice %arg17[%add3A_183, %dma_start3A_337] : memref<10112x64xf32, #tpu.memory_space<vmem_shared>> -> memref<128x64xf32, #tpu.memory_space<vmem_shared>>
      tpu.enqueue_dma source(%dma_start3A_338 : memref<128x64xf32, #tpu.memory_space<vmem_shared>>) target(%dma_start3A_336 : memref<128x64xf32, #tpu.memory_space<vmem>>) target_semaphore(%run_scoped3A_328 : memref<!tpu.dma_semaphore, #tpu.memory_space<semaphore_mem>>)
      %dma_wait3A_339 = arith.constant 0 : i32
      %dma_wait3A_340 = arith.constant 0 : i32
      %dma_wait3A_341 = tpu.memref_slice %arg12[%dma_wait3A_339, %dma_wait3A_340] : memref<128x64xf32, #tpu.memory_space<vmem>> -> memref<128x64xf32, #tpu.memory_space<vmem>>
      %dma_wait3A_342 = arith.constant 0 : i32
      %dma_wait3A_343 = tpu.memref_slice %arg17[%add3A_183, %dma_wait3A_342] : memref<10112x64xf32, #tpu.memory_space<vmem_shared>> -> memref<128x64xf32, #tpu.memory_space<vmem_shared>>
      %dma_wait3A_344 = arith.constant 0 : i32
      %dma_wait3A_345 = arith.constant 0 : i32
      %dma_wait3A_346 = tpu.memref_slice %arg12[%dma_wait3A_344, %dma_wait3A_345] : memref<128x64xf32, #tpu.memory_space<vmem>> -> memref<128x64xf32, #tpu.memory_space<vmem>>
      %dma_wait3A_347 = arith.constant 0 : i32
      %dma_wait3A_348 = tpu.memref_slice %arg17[%add3A_183, %dma_wait3A_347] : memref<10112x64xf32, #tpu.memory_space<vmem_shared>> -> memref<128x64xf32, #tpu.memory_space<vmem_shared>>
      tpu.wait_dma2 semaphore(%run_scoped3A_328 : memref<!tpu.dma_semaphore, #tpu.memory_space<semaphore_mem>>) src(%dma_wait3A_348 : memref<128x64xf32, #tpu.memory_space<vmem_shared>>) dst(%dma_wait3A_346 : memref<128x64xf32, #tpu.memory_space<vmem>>)
      tpu.yield
    }) : () -> ()
    %mul3A_184 = arith.constant 10112 : i32
    %mul3A_185 = arith.muli %arg0, %mul3A_184 : i32
    %add3A_186 = arith.addi %mul3A_185, %mul3A_160 : i32
    %add3A_187 = arith.constant 384 : i32
    %add3A_188 = arith.addi %add3A_186, %add3A_187 : i32
    "tpu.region"() ({
      %run_scoped3A_328 = tpu.sem_alloc : memref<!tpu.dma_semaphore, #tpu.memory_space<semaphore_mem>>
      %dma_start3A_329 = arith.constant 0 : i32
      %dma_start3A_330 = arith.constant 0 : i32
      %dma_start3A_331 = tpu.memref_slice %arg12[%dma_start3A_329, %dma_start3A_330] : memref<128x64xf32, #tpu.memory_space<vmem>> -> memref<128x64xf32, #tpu.memory_space<vmem>>
      %dma_start3A_332 = arith.constant 0 : i32
      %dma_start3A_333 = tpu.memref_slice %arg7[%add3A_188, %dma_start3A_332] : memref<20224x64xf32, #tpu.memory_space<hbm>> -> memref<128x64xf32, #tpu.memory_space<hbm>>
      %dma_start3A_334 = arith.constant 0 : i32
      %dma_start3A_335 = tpu.memref_slice %arg7[%add3A_188, %dma_start3A_334] : memref<20224x64xf32, #tpu.memory_space<hbm>> -> memref<128x64xf32, #tpu.memory_space<hbm>>
      %dma_start3A_336 = arith.constant 0 : i32
      %dma_start3A_337 = arith.constant 0 : i32
      %dma_start3A_338 = tpu.memref_slice %arg12[%dma_start3A_336, %dma_start3A_337] : memref<128x64xf32, #tpu.memory_space<vmem>> -> memref<128x64xf32, #tpu.memory_space<vmem>>
      tpu.enqueue_dma source(%dma_start3A_338 : memref<128x64xf32, #tpu.memory_space<vmem>>) target(%dma_start3A_335 : memref<128x64xf32, #tpu.memory_space<hbm>>) target_semaphore(%run_scoped3A_328 : memref<!tpu.dma_semaphore, #tpu.memory_space<semaphore_mem>>)
      %dma_wait3A_339 = arith.constant 0 : i32
      %dma_wait3A_340 = arith.constant 0 : i32
      %dma_wait3A_341 = tpu.memref_slice %arg12[%dma_wait3A_339, %dma_wait3A_340] : memref<128x64xf32, #tpu.memory_space<vmem>> -> memref<128x64xf32, #tpu.memory_space<vmem>>
      %dma_wait3A_342 = arith.constant 0 : i32
      %dma_wait3A_343 = tpu.memref_slice %arg7[%add3A_188, %dma_wait3A_342] : memref<20224x64xf32, #tpu.memory_space<hbm>> -> memref<128x64xf32, #tpu.memory_space<hbm>>
      %dma_wait3A_344 = arith.constant 0 : i32
      %dma_wait3A_345 = tpu.memref_slice %arg7[%add3A_188, %dma_wait3A_344] : memref<20224x64xf32, #tpu.memory_space<hbm>> -> memref<128x64xf32, #tpu.memory_space<hbm>>
      %dma_wait3A_346 = arith.constant 0 : i32
      %dma_wait3A_347 = arith.constant 0 : i32
      %dma_wait3A_348 = tpu.memref_slice %arg12[%dma_wait3A_346, %dma_wait3A_347] : memref<128x64xf32, #tpu.memory_space<vmem>> -> memref<128x64xf32, #tpu.memory_space<vmem>>
      tpu.wait_dma2 semaphore(%run_scoped3A_328 : memref<!tpu.dma_semaphore, #tpu.memory_space<semaphore_mem>>) src(%dma_wait3A_348 : memref<128x64xf32, #tpu.memory_space<vmem>>) dst(%dma_wait3A_345 : memref<128x64xf32, #tpu.memory_space<hbm>>)
      tpu.yield
    }) : () -> ()
    %add3A_189 = arith.constant 512 : i32
    %add3A_190 = arith.addi %mul3A_160, %add3A_189 : i32
    "tpu.region"() ({
      %run_scoped3A_328 = tpu.sem_alloc : memref<!tpu.dma_semaphore, #tpu.memory_space<semaphore_mem>>
      %dma_start3A_329 = arith.constant 0 : i32
      %dma_start3A_330 = arith.constant 0 : i32
      %dma_start3A_331 = tpu.memref_slice %arg12[%dma_start3A_329, %dma_start3A_330] : memref<128x64xf32, #tpu.memory_space<vmem>> -> memref<120x64xf32, #tpu.memory_space<vmem>>
      %dma_start3A_332 = arith.constant 0 : i32
      %dma_start3A_333 = tpu.memref_slice %arg17[%add3A_190, %dma_start3A_332] : memref<10112x64xf32, #tpu.memory_space<vmem_shared>> -> memref<120x64xf32, #tpu.memory_space<vmem_shared>>
      %dma_start3A_334 = arith.constant 0 : i32
      %dma_start3A_335 = arith.constant 0 : i32
      %dma_start3A_336 = tpu.memref_slice %arg12[%dma_start3A_334, %dma_start3A_335] : memref<128x64xf32, #tpu.memory_space<vmem>> -> memref<120x64xf32, #tpu.memory_space<vmem>>
      %dma_start3A_337 = arith.constant 0 : i32
      %dma_start3A_338 = tpu.memref_slice %arg17[%add3A_190, %dma_start3A_337] : memref<10112x64xf32, #tpu.memory_space<vmem_shared>> -> memref<120x64xf32, #tpu.memory_space<vmem_shared>>
      tpu.enqueue_dma source(%dma_start3A_338 : memref<120x64xf32, #tpu.memory_space<vmem_shared>>) target(%dma_start3A_336 : memref<120x64xf32, #tpu.memory_space<vmem>>) target_semaphore(%run_scoped3A_328 : memref<!tpu.dma_semaphore, #tpu.memory_space<semaphore_mem>>)
      %dma_wait3A_339 = arith.constant 0 : i32
      %dma_wait3A_340 = arith.constant 0 : i32
      %dma_wait3A_341 = tpu.memref_slice %arg12[%dma_wait3A_339, %dma_wait3A_340] : memref<128x64xf32, #tpu.memory_space<vmem>> -> memref<120x64xf32, #tpu.memory_space<vmem>>
      %dma_wait3A_342 = arith.constant 0 : i32
      %dma_wait3A_343 = tpu.memref_slice %arg17[%add3A_190, %dma_wait3A_342] : memref<10112x64xf32, #tpu.memory_space<vmem_shared>> -> memref<120x64xf32, #tpu.memory_space<vmem_shared>>
      %dma_wait3A_344 = arith.constant 0 : i32
      %dma_wait3A_345 = arith.constant 0 : i32
      %dma_wait3A_346 = tpu.memref_slice %arg12[%dma_wait3A_344, %dma_wait3A_345] : memref<128x64xf32, #tpu.memory_space<vmem>> -> memref<120x64xf32, #tpu.memory_space<vmem>>
      %dma_wait3A_347 = arith.constant 0 : i32
      %dma_wait3A_348 = tpu.memref_slice %arg17[%add3A_190, %dma_wait3A_347] : memref<10112x64xf32, #tpu.memory_space<vmem_shared>> -> memref<120x64xf32, #tpu.memory_space<vmem_shared>>
      tpu.wait_dma2 semaphore(%run_scoped3A_328 : memref<!tpu.dma_semaphore, #tpu.memory_space<semaphore_mem>>) src(%dma_wait3A_348 : memref<120x64xf32, #tpu.memory_space<vmem_shared>>) dst(%dma_wait3A_346 : memref<120x64xf32, #tpu.memory_space<vmem>>)
      tpu.yield
    }) : () -> ()
    %mul3A_191 = arith.constant 10112 : i32
    %mul3A_192 = arith.muli %arg0, %mul3A_191 : i32
    %add3A_193 = arith.addi %mul3A_192, %mul3A_160 : i32
    %add3A_194 = arith.constant 512 : i32
    %add3A_195 = arith.addi %add3A_193, %add3A_194 : i32
    "tpu.region"() ({
      %run_scoped3A_328 = tpu.sem_alloc : memref<!tpu.dma_semaphore, #tpu.memory_space<semaphore_mem>>
      %dma_start3A_329 = arith.constant 0 : i32
      %dma_start3A_330 = arith.constant 0 : i32
      %dma_start3A_331 = tpu.memref_slice %arg12[%dma_start3A_329, %dma_start3A_330] : memref<128x64xf32, #tpu.memory_space<vmem>> -> memref<120x64xf32, #tpu.memory_space<vmem>>
      %dma_start3A_332 = arith.constant 0 : i32
      %dma_start3A_333 = tpu.memref_slice %arg7[%add3A_195, %dma_start3A_332] : memref<20224x64xf32, #tpu.memory_space<hbm>> -> memref<120x64xf32, #tpu.memory_space<hbm>>
      %dma_start3A_334 = arith.constant 0 : i32
      %dma_start3A_335 = tpu.memref_slice %arg7[%add3A_195, %dma_start3A_334] : memref<20224x64xf32, #tpu.memory_space<hbm>> -> memref<120x64xf32, #tpu.memory_space<hbm>>
      %dma_start3A_336 = arith.constant 0 : i32
      %dma_start3A_337 = arith.constant 0 : i32
      %dma_start3A_338 = tpu.memref_slice %arg12[%dma_start3A_336, %dma_start3A_337] : memref<128x64xf32, #tpu.memory_space<vmem>> -> memref<120x64xf32, #tpu.memory_space<vmem>>
      tpu.enqueue_dma source(%dma_start3A_338 : memref<120x64xf32, #tpu.memory_space<vmem>>) target(%dma_start3A_335 : memref<120x64xf32, #tpu.memory_space<hbm>>) target_semaphore(%run_scoped3A_328 : memref<!tpu.dma_semaphore, #tpu.memory_space<semaphore_mem>>)
      %dma_wait3A_339 = arith.constant 0 : i32
      %dma_wait3A_340 = arith.constant 0 : i32
      %dma_wait3A_341 = tpu.memref_slice %arg12[%dma_wait3A_339, %dma_wait3A_340] : memref<128x64xf32, #tpu.memory_space<vmem>> -> memref<120x64xf32, #tpu.memory_space<vmem>>
      %dma_wait3A_342 = arith.constant 0 : i32
      %dma_wait3A_343 = tpu.memref_slice %arg7[%add3A_195, %dma_wait3A_342] : memref<20224x64xf32, #tpu.memory_space<hbm>> -> memref<120x64xf32, #tpu.memory_space<hbm>>
      %dma_wait3A_344 = arith.constant 0 : i32
      %dma_wait3A_345 = tpu.memref_slice %arg7[%add3A_195, %dma_wait3A_344] : memref<20224x64xf32, #tpu.memory_space<hbm>> -> memref<120x64xf32, #tpu.memory_space<hbm>>
      %dma_wait3A_346 = arith.constant 0 : i32
      %dma_wait3A_347 = arith.constant 0 : i32
      %dma_wait3A_348 = tpu.memref_slice %arg12[%dma_wait3A_346, %dma_wait3A_347] : memref<128x64xf32, #tpu.memory_space<vmem>> -> memref<120x64xf32, #tpu.memory_space<vmem>>
      tpu.wait_dma2 semaphore(%run_scoped3A_328 : memref<!tpu.dma_semaphore, #tpu.memory_space<semaphore_mem>>) src(%dma_wait3A_348 : memref<120x64xf32, #tpu.memory_space<vmem>>) dst(%dma_wait3A_345 : memref<120x64xf32, #tpu.memory_space<hbm>>)
      tpu.yield
    }) : () -> ()
    %barrier3A_196 = arith.constant 0 : index
    tpu.barrier barrier_id(%barrier3A_196)
    %dma_start3A_197 = arith.constant 0 : i32
    %dma_start3A_198 = arith.constant 0 : i32
    %dma_start3A_199 = tpu.memref_slice %arg26[%dma_start3A_197, %dma_start3A_198] : memref<3x256xi32, #tpu.memory_space<vmem>> -> memref<1x128xi32, #tpu.memory_space<vmem>>
    %dma_start3A_200 = tpu.memref_squeeze %dma_start3A_199 : memref<1x128xi32, #tpu.memory_space<vmem>> -> memref<128xi32, #tpu.memory_space<vmem>>
    %dma_start3A_201 = arith.constant 0 : i32
    %dma_start3A_202 = arith.constant 0 : i32
    %dma_start3A_203 = tpu.memref_slice %arg7[%dma_start3A_201, %dma_start3A_202] : memref<20224x64xf32, #tpu.memory_space<hbm>> -> memref<20224x64xf32, #tpu.memory_space<hbm>>
    tpu.enqueue_indirect_dma source(%dma_start3A_203 : memref<20224x64xf32, #tpu.memory_space<hbm>>) target(%arg12 : memref<128x64xf32, #tpu.memory_space<vmem>>) offsets(%dma_start3A_200 : memref<128xi32, #tpu.memory_space<vmem>>) semaphore(%arg18 : memref<!tpu.dma_semaphore, #tpu.memory_space<semaphore_mem>>)
    %dma_start3A_204 = arith.constant 0 : i32
    %dma_start3A_205 = arith.constant 128 : i32
    %dma_start3A_206 = tpu.memref_slice %arg26[%dma_start3A_204, %dma_start3A_205] : memref<3x256xi32, #tpu.memory_space<vmem>> -> memref<1x128xi32, #tpu.memory_space<vmem>>
    %dma_start3A_207 = tpu.memref_squeeze %dma_start3A_206 : memref<1x128xi32, #tpu.memory_space<vmem>> -> memref<128xi32, #tpu.memory_space<vmem>>
    %dma_start3A_208 = arith.constant 0 : i32
    %dma_start3A_209 = arith.constant 0 : i32
    %dma_start3A_210 = tpu.memref_slice %arg7[%dma_start3A_208, %dma_start3A_209] : memref<20224x64xf32, #tpu.memory_space<hbm>> -> memref<20224x64xf32, #tpu.memory_space<hbm>>
    tpu.enqueue_indirect_dma source(%dma_start3A_210 : memref<20224x64xf32, #tpu.memory_space<hbm>>) target(%arg13 : memref<128x64xf32, #tpu.memory_space<vmem>>) offsets(%dma_start3A_207 : memref<128xi32, #tpu.memory_space<vmem>>) semaphore(%arg19 : memref<!tpu.dma_semaphore, #tpu.memory_space<semaphore_mem>>)
    %eq3A = arith.constant 0 : i32
    %eq3A_211 = arith.cmpi eq, %arg0, %eq3A : i32
    %convert_element_type3A = arith.extui %eq3A_211 : i1 to i32
    %cond3A = arith.constant 0 : i32
    %cond3A_212 = arith.cmpi ne, %convert_element_type3A, %cond3A : i32
    scf.if %cond3A_212 {
      %dma_start3A_328 = arith.constant 0 : i32
      %dma_start3A_329 = arith.constant 0 : i32
      %dma_start3A_330 = tpu.memref_slice %arg26[%dma_start3A_328, %dma_start3A_329] : memref<3x256xi32, #tpu.memory_space<vmem>> -> memref<1x256xi32, #tpu.memory_space<vmem>>
      %dma_start3A_331 = tpu.memref_squeeze %dma_start3A_330 : memref<1x256xi32, #tpu.memory_space<vmem>> -> memref<256xi32, #tpu.memory_space<vmem>>
      %dma_start3A_332 = arith.constant 0 : i32
      %dma_start3A_333 = arith.constant 0 : i32
      %dma_start3A_334 = tpu.memref_slice %arg6[%dma_start3A_332, %dma_start3A_333] : memref<10112x16xf32, #tpu.memory_space<hbm>> -> memref<10112x16xf32, #tpu.memory_space<hbm>>
      tpu.enqueue_indirect_dma source(%dma_start3A_334 : memref<10112x16xf32, #tpu.memory_space<hbm>>) target(%arg27 : memref<256x16xf32, #tpu.memory_space<vmem>>) offsets(%dma_start3A_331 : memref<256xi32, #tpu.memory_space<vmem>>) semaphore(%arg20 : memref<!tpu.dma_semaphore, #tpu.memory_space<semaphore_mem>>)
    } else {
    }
    %dma_wait3A_213 = arith.constant 0 : i32
    %dma_wait3A_214 = arith.constant 0 : i32
    %dma_wait3A_215 = tpu.memref_slice %arg26[%dma_wait3A_213, %dma_wait3A_214] : memref<3x256xi32, #tpu.memory_space<vmem>> -> memref<1x128xi32, #tpu.memory_space<vmem>>
    %dma_wait3A_216 = tpu.memref_squeeze %dma_wait3A_215 : memref<1x128xi32, #tpu.memory_space<vmem>> -> memref<128xi32, #tpu.memory_space<vmem>>
    %dma_wait3A_217 = arith.constant 0 : i32
    %dma_wait3A_218 = arith.constant 0 : i32
    %dma_wait3A_219 = tpu.memref_slice %arg7[%dma_wait3A_217, %dma_wait3A_218] : memref<20224x64xf32, #tpu.memory_space<hbm>> -> memref<20224x64xf32, #tpu.memory_space<hbm>>
    tpu.wait_indirect_dma semaphore(%arg18 : memref<!tpu.dma_semaphore, #tpu.memory_space<semaphore_mem>>) src(%dma_wait3A_219 : memref<20224x64xf32, #tpu.memory_space<hbm>>) dst(%arg12 : memref<128x64xf32, #tpu.memory_space<vmem>>)
    %mul3A_220 = arith.constant 256 : i32
    %mul3A_221 = arith.muli %arg1, %mul3A_220 : i32
    %add3A_222 = arith.constant 0 : i32
    %add3A_223 = arith.addi %mul3A_221, %add3A_222 : i32
    %run_scoped3A_224 = arith.constant 0 : i32
    "tpu.region"() ({
      %run_scoped3A_328 = tpu.sem_alloc : memref<!tpu.dma_semaphore, #tpu.memory_space<semaphore_mem>>
      %dma_start3A_329 = arith.constant 0 : i32
      %dma_start3A_330 = tpu.memref_slice %arg8[%run_scoped3A_224, %arg0, %add3A_223, %dma_start3A_329] : memref<3x2x4096x64xf32, #tpu.memory_space<hbm>> -> memref<1x1x128x64xf32, #tpu.memory_space<hbm>>
      %dma_start3A_331 = tpu.memref_squeeze %dma_start3A_330 : memref<1x1x128x64xf32, #tpu.memory_space<hbm>> -> memref<128x64xf32, #tpu.memory_space<hbm>>
      %dma_start3A_332 = arith.constant 0 : i32
      %dma_start3A_333 = tpu.memref_slice %arg8[%run_scoped3A_224, %arg0, %add3A_223, %dma_start3A_332] : memref<3x2x4096x64xf32, #tpu.memory_space<hbm>> -> memref<1x1x128x64xf32, #tpu.memory_space<hbm>>
      %dma_start3A_334 = tpu.memref_squeeze %dma_start3A_333 : memref<1x1x128x64xf32, #tpu.memory_space<hbm>> -> memref<128x64xf32, #tpu.memory_space<hbm>>
      tpu.enqueue_dma source(%arg12 : memref<128x64xf32, #tpu.memory_space<vmem>>) target(%dma_start3A_334 : memref<128x64xf32, #tpu.memory_space<hbm>>) target_semaphore(%run_scoped3A_328 : memref<!tpu.dma_semaphore, #tpu.memory_space<semaphore_mem>>)
      %dma_wait3A_335 = arith.constant 0 : i32
      %dma_wait3A_336 = tpu.memref_slice %arg8[%run_scoped3A_224, %arg0, %add3A_223, %dma_wait3A_335] : memref<3x2x4096x64xf32, #tpu.memory_space<hbm>> -> memref<1x1x128x64xf32, #tpu.memory_space<hbm>>
      %dma_wait3A_337 = tpu.memref_squeeze %dma_wait3A_336 : memref<1x1x128x64xf32, #tpu.memory_space<hbm>> -> memref<128x64xf32, #tpu.memory_space<hbm>>
      %dma_wait3A_338 = arith.constant 0 : i32
      %dma_wait3A_339 = tpu.memref_slice %arg8[%run_scoped3A_224, %arg0, %add3A_223, %dma_wait3A_338] : memref<3x2x4096x64xf32, #tpu.memory_space<hbm>> -> memref<1x1x128x64xf32, #tpu.memory_space<hbm>>
      %dma_wait3A_340 = tpu.memref_squeeze %dma_wait3A_339 : memref<1x1x128x64xf32, #tpu.memory_space<hbm>> -> memref<128x64xf32, #tpu.memory_space<hbm>>
      tpu.wait_dma2 semaphore(%run_scoped3A_328 : memref<!tpu.dma_semaphore, #tpu.memory_space<semaphore_mem>>) src(%arg12 : memref<128x64xf32, #tpu.memory_space<vmem>>) dst(%dma_wait3A_340 : memref<128x64xf32, #tpu.memory_space<hbm>>)
      tpu.yield
    }) : () -> ()
    %dma_start3A_225 = arith.constant 1 : i32
    %dma_start3A_226 = arith.constant 0 : i32
    %dma_start3A_227 = tpu.memref_slice %arg26[%dma_start3A_225, %dma_start3A_226] : memref<3x256xi32, #tpu.memory_space<vmem>> -> memref<1x128xi32, #tpu.memory_space<vmem>>
    %dma_start3A_228 = tpu.memref_squeeze %dma_start3A_227 : memref<1x128xi32, #tpu.memory_space<vmem>> -> memref<128xi32, #tpu.memory_space<vmem>>
    %dma_start3A_229 = arith.constant 0 : i32
    %dma_start3A_230 = arith.constant 0 : i32
    %dma_start3A_231 = tpu.memref_slice %arg7[%dma_start3A_229, %dma_start3A_230] : memref<20224x64xf32, #tpu.memory_space<hbm>> -> memref<20224x64xf32, #tpu.memory_space<hbm>>
    tpu.enqueue_indirect_dma source(%dma_start3A_231 : memref<20224x64xf32, #tpu.memory_space<hbm>>) target(%arg12 : memref<128x64xf32, #tpu.memory_space<vmem>>) offsets(%dma_start3A_228 : memref<128xi32, #tpu.memory_space<vmem>>) semaphore(%arg18 : memref<!tpu.dma_semaphore, #tpu.memory_space<semaphore_mem>>)
    %dma_wait3A_232 = arith.constant 0 : i32
    %dma_wait3A_233 = arith.constant 128 : i32
    %dma_wait3A_234 = tpu.memref_slice %arg26[%dma_wait3A_232, %dma_wait3A_233] : memref<3x256xi32, #tpu.memory_space<vmem>> -> memref<1x128xi32, #tpu.memory_space<vmem>>
    %dma_wait3A_235 = tpu.memref_squeeze %dma_wait3A_234 : memref<1x128xi32, #tpu.memory_space<vmem>> -> memref<128xi32, #tpu.memory_space<vmem>>
    %dma_wait3A_236 = arith.constant 0 : i32
    %dma_wait3A_237 = arith.constant 0 : i32
    %dma_wait3A_238 = tpu.memref_slice %arg7[%dma_wait3A_236, %dma_wait3A_237] : memref<20224x64xf32, #tpu.memory_space<hbm>> -> memref<20224x64xf32, #tpu.memory_space<hbm>>
    tpu.wait_indirect_dma semaphore(%arg19 : memref<!tpu.dma_semaphore, #tpu.memory_space<semaphore_mem>>) src(%dma_wait3A_238 : memref<20224x64xf32, #tpu.memory_space<hbm>>) dst(%arg13 : memref<128x64xf32, #tpu.memory_space<vmem>>)
    %mul3A_239 = arith.constant 256 : i32
    %mul3A_240 = arith.muli %arg1, %mul3A_239 : i32
    %add3A_241 = arith.constant 128 : i32
    %add3A_242 = arith.addi %mul3A_240, %add3A_241 : i32
    %run_scoped3A_243 = arith.constant 0 : i32
    "tpu.region"() ({
      %run_scoped3A_328 = tpu.sem_alloc : memref<!tpu.dma_semaphore, #tpu.memory_space<semaphore_mem>>
      %dma_start3A_329 = arith.constant 0 : i32
      %dma_start3A_330 = tpu.memref_slice %arg8[%run_scoped3A_243, %arg0, %add3A_242, %dma_start3A_329] : memref<3x2x4096x64xf32, #tpu.memory_space<hbm>> -> memref<1x1x128x64xf32, #tpu.memory_space<hbm>>
      %dma_start3A_331 = tpu.memref_squeeze %dma_start3A_330 : memref<1x1x128x64xf32, #tpu.memory_space<hbm>> -> memref<128x64xf32, #tpu.memory_space<hbm>>
      %dma_start3A_332 = arith.constant 0 : i32
      %dma_start3A_333 = tpu.memref_slice %arg8[%run_scoped3A_243, %arg0, %add3A_242, %dma_start3A_332] : memref<3x2x4096x64xf32, #tpu.memory_space<hbm>> -> memref<1x1x128x64xf32, #tpu.memory_space<hbm>>
      %dma_start3A_334 = tpu.memref_squeeze %dma_start3A_333 : memref<1x1x128x64xf32, #tpu.memory_space<hbm>> -> memref<128x64xf32, #tpu.memory_space<hbm>>
      tpu.enqueue_dma source(%arg13 : memref<128x64xf32, #tpu.memory_space<vmem>>) target(%dma_start3A_334 : memref<128x64xf32, #tpu.memory_space<hbm>>) target_semaphore(%run_scoped3A_328 : memref<!tpu.dma_semaphore, #tpu.memory_space<semaphore_mem>>)
      %dma_wait3A_335 = arith.constant 0 : i32
      %dma_wait3A_336 = tpu.memref_slice %arg8[%run_scoped3A_243, %arg0, %add3A_242, %dma_wait3A_335] : memref<3x2x4096x64xf32, #tpu.memory_space<hbm>> -> memref<1x1x128x64xf32, #tpu.memory_space<hbm>>
      %dma_wait3A_337 = tpu.memref_squeeze %dma_wait3A_336 : memref<1x1x128x64xf32, #tpu.memory_space<hbm>> -> memref<128x64xf32, #tpu.memory_space<hbm>>
      %dma_wait3A_338 = arith.constant 0 : i32
      %dma_wait3A_339 = tpu.memref_slice %arg8[%run_scoped3A_243, %arg0, %add3A_242, %dma_wait3A_338] : memref<3x2x4096x64xf32, #tpu.memory_space<hbm>> -> memref<1x1x128x64xf32, #tpu.memory_space<hbm>>
      %dma_wait3A_340 = tpu.memref_squeeze %dma_wait3A_339 : memref<1x1x128x64xf32, #tpu.memory_space<hbm>> -> memref<128x64xf32, #tpu.memory_space<hbm>>
      tpu.wait_dma2 semaphore(%run_scoped3A_328 : memref<!tpu.dma_semaphore, #tpu.memory_space<semaphore_mem>>) src(%arg13 : memref<128x64xf32, #tpu.memory_space<vmem>>) dst(%dma_wait3A_340 : memref<128x64xf32, #tpu.memory_space<hbm>>)
      tpu.yield
    }) : () -> ()
    %dma_start3A_244 = arith.constant 1 : i32
    %dma_start3A_245 = arith.constant 128 : i32
    %dma_start3A_246 = tpu.memref_slice %arg26[%dma_start3A_244, %dma_start3A_245] : memref<3x256xi32, #tpu.memory_space<vmem>> -> memref<1x128xi32, #tpu.memory_space<vmem>>
    %dma_start3A_247 = tpu.memref_squeeze %dma_start3A_246 : memref<1x128xi32, #tpu.memory_space<vmem>> -> memref<128xi32, #tpu.memory_space<vmem>>
    %dma_start3A_248 = arith.constant 0 : i32
    %dma_start3A_249 = arith.constant 0 : i32
    %dma_start3A_250 = tpu.memref_slice %arg7[%dma_start3A_248, %dma_start3A_249] : memref<20224x64xf32, #tpu.memory_space<hbm>> -> memref<20224x64xf32, #tpu.memory_space<hbm>>
    tpu.enqueue_indirect_dma source(%dma_start3A_250 : memref<20224x64xf32, #tpu.memory_space<hbm>>) target(%arg13 : memref<128x64xf32, #tpu.memory_space<vmem>>) offsets(%dma_start3A_247 : memref<128xi32, #tpu.memory_space<vmem>>) semaphore(%arg19 : memref<!tpu.dma_semaphore, #tpu.memory_space<semaphore_mem>>)
    %eq3A_251 = arith.constant 0 : i32
    %eq3A_252 = arith.cmpi eq, %arg0, %eq3A_251 : i32
    %convert_element_type3A_253 = arith.extui %eq3A_252 : i1 to i32
    %cond3A_254 = arith.constant 0 : i32
    %cond3A_255 = arith.cmpi ne, %convert_element_type3A_253, %cond3A_254 : i32
    scf.if %cond3A_255 {
      %dma_wait3A_328 = arith.constant 0 : i32
      %dma_wait3A_329 = arith.constant 0 : i32
      %dma_wait3A_330 = tpu.memref_slice %arg26[%dma_wait3A_328, %dma_wait3A_329] : memref<3x256xi32, #tpu.memory_space<vmem>> -> memref<1x256xi32, #tpu.memory_space<vmem>>
      %dma_wait3A_331 = tpu.memref_squeeze %dma_wait3A_330 : memref<1x256xi32, #tpu.memory_space<vmem>> -> memref<256xi32, #tpu.memory_space<vmem>>
      %dma_wait3A_332 = arith.constant 0 : i32
      %dma_wait3A_333 = arith.constant 0 : i32
      %dma_wait3A_334 = tpu.memref_slice %arg6[%dma_wait3A_332, %dma_wait3A_333] : memref<10112x16xf32, #tpu.memory_space<hbm>> -> memref<10112x16xf32, #tpu.memory_space<hbm>>
      tpu.wait_indirect_dma semaphore(%arg20 : memref<!tpu.dma_semaphore, #tpu.memory_space<semaphore_mem>>) src(%dma_wait3A_334 : memref<10112x16xf32, #tpu.memory_space<hbm>>) dst(%arg27 : memref<256x16xf32, #tpu.memory_space<vmem>>)
      %mul3A_335 = arith.constant 256 : i32
      %mul3A_336 = arith.muli %arg1, %mul3A_335 : i32
      %run_scoped3A_337 = arith.constant 0 : i32
      "tpu.region"() ({
        %run_scoped3A_345 = tpu.sem_alloc : memref<!tpu.dma_semaphore, #tpu.memory_space<semaphore_mem>>
        %dma_start3A_346 = arith.constant 0 : i32
        %dma_start3A_347 = tpu.memref_slice %arg9[%run_scoped3A_337, %mul3A_336, %dma_start3A_346] : memref<3x4096x16xf32, #tpu.memory_space<hbm>> -> memref<1x256x16xf32, #tpu.memory_space<hbm>>
        %dma_start3A_348 = tpu.memref_squeeze %dma_start3A_347 : memref<1x256x16xf32, #tpu.memory_space<hbm>> -> memref<256x16xf32, #tpu.memory_space<hbm>>
        %dma_start3A_349 = arith.constant 0 : i32
        %dma_start3A_350 = tpu.memref_slice %arg9[%run_scoped3A_337, %mul3A_336, %dma_start3A_349] : memref<3x4096x16xf32, #tpu.memory_space<hbm>> -> memref<1x256x16xf32, #tpu.memory_space<hbm>>
        %dma_start3A_351 = tpu.memref_squeeze %dma_start3A_350 : memref<1x256x16xf32, #tpu.memory_space<hbm>> -> memref<256x16xf32, #tpu.memory_space<hbm>>
        tpu.enqueue_dma source(%arg27 : memref<256x16xf32, #tpu.memory_space<vmem>>) target(%dma_start3A_351 : memref<256x16xf32, #tpu.memory_space<hbm>>) target_semaphore(%run_scoped3A_345 : memref<!tpu.dma_semaphore, #tpu.memory_space<semaphore_mem>>)
        %dma_wait3A_352 = arith.constant 0 : i32
        %dma_wait3A_353 = tpu.memref_slice %arg9[%run_scoped3A_337, %mul3A_336, %dma_wait3A_352] : memref<3x4096x16xf32, #tpu.memory_space<hbm>> -> memref<1x256x16xf32, #tpu.memory_space<hbm>>
        %dma_wait3A_354 = tpu.memref_squeeze %dma_wait3A_353 : memref<1x256x16xf32, #tpu.memory_space<hbm>> -> memref<256x16xf32, #tpu.memory_space<hbm>>
        %dma_wait3A_355 = arith.constant 0 : i32
        %dma_wait3A_356 = tpu.memref_slice %arg9[%run_scoped3A_337, %mul3A_336, %dma_wait3A_355] : memref<3x4096x16xf32, #tpu.memory_space<hbm>> -> memref<1x256x16xf32, #tpu.memory_space<hbm>>
        %dma_wait3A_357 = tpu.memref_squeeze %dma_wait3A_356 : memref<1x256x16xf32, #tpu.memory_space<hbm>> -> memref<256x16xf32, #tpu.memory_space<hbm>>
        tpu.wait_dma2 semaphore(%run_scoped3A_345 : memref<!tpu.dma_semaphore, #tpu.memory_space<semaphore_mem>>) src(%arg27 : memref<256x16xf32, #tpu.memory_space<vmem>>) dst(%dma_wait3A_357 : memref<256x16xf32, #tpu.memory_space<hbm>>)
        tpu.yield
      }) : () -> ()
      %dma_start3A_338 = arith.constant 1 : i32
      %dma_start3A_339 = arith.constant 0 : i32
      %dma_start3A_340 = tpu.memref_slice %arg26[%dma_start3A_338, %dma_start3A_339] : memref<3x256xi32, #tpu.memory_space<vmem>> -> memref<1x256xi32, #tpu.memory_space<vmem>>
      %dma_start3A_341 = tpu.memref_squeeze %dma_start3A_340 : memref<1x256xi32, #tpu.memory_space<vmem>> -> memref<256xi32, #tpu.memory_space<vmem>>
      %dma_start3A_342 = arith.constant 0 : i32
      %dma_start3A_343 = arith.constant 0 : i32
      %dma_start3A_344 = tpu.memref_slice %arg6[%dma_start3A_342, %dma_start3A_343] : memref<10112x16xf32, #tpu.memory_space<hbm>> -> memref<10112x16xf32, #tpu.memory_space<hbm>>
      tpu.enqueue_indirect_dma source(%dma_start3A_344 : memref<10112x16xf32, #tpu.memory_space<hbm>>) target(%arg27 : memref<256x16xf32, #tpu.memory_space<vmem>>) offsets(%dma_start3A_341 : memref<256xi32, #tpu.memory_space<vmem>>) semaphore(%arg20 : memref<!tpu.dma_semaphore, #tpu.memory_space<semaphore_mem>>)
    } else {
    }
    %dma_wait3A_256 = arith.constant 1 : i32
    %dma_wait3A_257 = arith.constant 0 : i32
    %dma_wait3A_258 = tpu.memref_slice %arg26[%dma_wait3A_256, %dma_wait3A_257] : memref<3x256xi32, #tpu.memory_space<vmem>> -> memref<1x128xi32, #tpu.memory_space<vmem>>
    %dma_wait3A_259 = tpu.memref_squeeze %dma_wait3A_258 : memref<1x128xi32, #tpu.memory_space<vmem>> -> memref<128xi32, #tpu.memory_space<vmem>>
    %dma_wait3A_260 = arith.constant 0 : i32
    %dma_wait3A_261 = arith.constant 0 : i32
    %dma_wait3A_262 = tpu.memref_slice %arg7[%dma_wait3A_260, %dma_wait3A_261] : memref<20224x64xf32, #tpu.memory_space<hbm>> -> memref<20224x64xf32, #tpu.memory_space<hbm>>
    tpu.wait_indirect_dma semaphore(%arg18 : memref<!tpu.dma_semaphore, #tpu.memory_space<semaphore_mem>>) src(%dma_wait3A_262 : memref<20224x64xf32, #tpu.memory_space<hbm>>) dst(%arg12 : memref<128x64xf32, #tpu.memory_space<vmem>>)
    %mul3A_263 = arith.constant 256 : i32
    %mul3A_264 = arith.muli %arg1, %mul3A_263 : i32
    %add3A_265 = arith.constant 0 : i32
    %add3A_266 = arith.addi %mul3A_264, %add3A_265 : i32
    %run_scoped3A_267 = arith.constant 1 : i32
    "tpu.region"() ({
      %run_scoped3A_328 = tpu.sem_alloc : memref<!tpu.dma_semaphore, #tpu.memory_space<semaphore_mem>>
      %dma_start3A_329 = arith.constant 0 : i32
      %dma_start3A_330 = tpu.memref_slice %arg8[%run_scoped3A_267, %arg0, %add3A_266, %dma_start3A_329] : memref<3x2x4096x64xf32, #tpu.memory_space<hbm>> -> memref<1x1x128x64xf32, #tpu.memory_space<hbm>>
      %dma_start3A_331 = tpu.memref_squeeze %dma_start3A_330 : memref<1x1x128x64xf32, #tpu.memory_space<hbm>> -> memref<128x64xf32, #tpu.memory_space<hbm>>
      %dma_start3A_332 = arith.constant 0 : i32
      %dma_start3A_333 = tpu.memref_slice %arg8[%run_scoped3A_267, %arg0, %add3A_266, %dma_start3A_332] : memref<3x2x4096x64xf32, #tpu.memory_space<hbm>> -> memref<1x1x128x64xf32, #tpu.memory_space<hbm>>
      %dma_start3A_334 = tpu.memref_squeeze %dma_start3A_333 : memref<1x1x128x64xf32, #tpu.memory_space<hbm>> -> memref<128x64xf32, #tpu.memory_space<hbm>>
      tpu.enqueue_dma source(%arg12 : memref<128x64xf32, #tpu.memory_space<vmem>>) target(%dma_start3A_334 : memref<128x64xf32, #tpu.memory_space<hbm>>) target_semaphore(%run_scoped3A_328 : memref<!tpu.dma_semaphore, #tpu.memory_space<semaphore_mem>>)
      %dma_wait3A_335 = arith.constant 0 : i32
      %dma_wait3A_336 = tpu.memref_slice %arg8[%run_scoped3A_267, %arg0, %add3A_266, %dma_wait3A_335] : memref<3x2x4096x64xf32, #tpu.memory_space<hbm>> -> memref<1x1x128x64xf32, #tpu.memory_space<hbm>>
      %dma_wait3A_337 = tpu.memref_squeeze %dma_wait3A_336 : memref<1x1x128x64xf32, #tpu.memory_space<hbm>> -> memref<128x64xf32, #tpu.memory_space<hbm>>
      %dma_wait3A_338 = arith.constant 0 : i32
      %dma_wait3A_339 = tpu.memref_slice %arg8[%run_scoped3A_267, %arg0, %add3A_266, %dma_wait3A_338] : memref<3x2x4096x64xf32, #tpu.memory_space<hbm>> -> memref<1x1x128x64xf32, #tpu.memory_space<hbm>>
      %dma_wait3A_340 = tpu.memref_squeeze %dma_wait3A_339 : memref<1x1x128x64xf32, #tpu.memory_space<hbm>> -> memref<128x64xf32, #tpu.memory_space<hbm>>
      tpu.wait_dma2 semaphore(%run_scoped3A_328 : memref<!tpu.dma_semaphore, #tpu.memory_space<semaphore_mem>>) src(%arg12 : memref<128x64xf32, #tpu.memory_space<vmem>>) dst(%dma_wait3A_340 : memref<128x64xf32, #tpu.memory_space<hbm>>)
      tpu.yield
    }) : () -> ()
    %dma_start3A_268 = arith.constant 2 : i32
    %dma_start3A_269 = arith.constant 0 : i32
    %dma_start3A_270 = tpu.memref_slice %arg26[%dma_start3A_268, %dma_start3A_269] : memref<3x256xi32, #tpu.memory_space<vmem>> -> memref<1x128xi32, #tpu.memory_space<vmem>>
    %dma_start3A_271 = tpu.memref_squeeze %dma_start3A_270 : memref<1x128xi32, #tpu.memory_space<vmem>> -> memref<128xi32, #tpu.memory_space<vmem>>
    %dma_start3A_272 = arith.constant 0 : i32
    %dma_start3A_273 = arith.constant 0 : i32
    %dma_start3A_274 = tpu.memref_slice %arg7[%dma_start3A_272, %dma_start3A_273] : memref<20224x64xf32, #tpu.memory_space<hbm>> -> memref<20224x64xf32, #tpu.memory_space<hbm>>
    tpu.enqueue_indirect_dma source(%dma_start3A_274 : memref<20224x64xf32, #tpu.memory_space<hbm>>) target(%arg12 : memref<128x64xf32, #tpu.memory_space<vmem>>) offsets(%dma_start3A_271 : memref<128xi32, #tpu.memory_space<vmem>>) semaphore(%arg18 : memref<!tpu.dma_semaphore, #tpu.memory_space<semaphore_mem>>)
    %dma_wait3A_275 = arith.constant 1 : i32
    %dma_wait3A_276 = arith.constant 128 : i32
    %dma_wait3A_277 = tpu.memref_slice %arg26[%dma_wait3A_275, %dma_wait3A_276] : memref<3x256xi32, #tpu.memory_space<vmem>> -> memref<1x128xi32, #tpu.memory_space<vmem>>
    %dma_wait3A_278 = tpu.memref_squeeze %dma_wait3A_277 : memref<1x128xi32, #tpu.memory_space<vmem>> -> memref<128xi32, #tpu.memory_space<vmem>>
    %dma_wait3A_279 = arith.constant 0 : i32
    %dma_wait3A_280 = arith.constant 0 : i32
    %dma_wait3A_281 = tpu.memref_slice %arg7[%dma_wait3A_279, %dma_wait3A_280] : memref<20224x64xf32, #tpu.memory_space<hbm>> -> memref<20224x64xf32, #tpu.memory_space<hbm>>
    tpu.wait_indirect_dma semaphore(%arg19 : memref<!tpu.dma_semaphore, #tpu.memory_space<semaphore_mem>>) src(%dma_wait3A_281 : memref<20224x64xf32, #tpu.memory_space<hbm>>) dst(%arg13 : memref<128x64xf32, #tpu.memory_space<vmem>>)
    %mul3A_282 = arith.constant 256 : i32
    %mul3A_283 = arith.muli %arg1, %mul3A_282 : i32
    %add3A_284 = arith.constant 128 : i32
    %add3A_285 = arith.addi %mul3A_283, %add3A_284 : i32
    %run_scoped3A_286 = arith.constant 1 : i32
    "tpu.region"() ({
      %run_scoped3A_328 = tpu.sem_alloc : memref<!tpu.dma_semaphore, #tpu.memory_space<semaphore_mem>>
      %dma_start3A_329 = arith.constant 0 : i32
      %dma_start3A_330 = tpu.memref_slice %arg8[%run_scoped3A_286, %arg0, %add3A_285, %dma_start3A_329] : memref<3x2x4096x64xf32, #tpu.memory_space<hbm>> -> memref<1x1x128x64xf32, #tpu.memory_space<hbm>>
      %dma_start3A_331 = tpu.memref_squeeze %dma_start3A_330 : memref<1x1x128x64xf32, #tpu.memory_space<hbm>> -> memref<128x64xf32, #tpu.memory_space<hbm>>
      %dma_start3A_332 = arith.constant 0 : i32
      %dma_start3A_333 = tpu.memref_slice %arg8[%run_scoped3A_286, %arg0, %add3A_285, %dma_start3A_332] : memref<3x2x4096x64xf32, #tpu.memory_space<hbm>> -> memref<1x1x128x64xf32, #tpu.memory_space<hbm>>
      %dma_start3A_334 = tpu.memref_squeeze %dma_start3A_333 : memref<1x1x128x64xf32, #tpu.memory_space<hbm>> -> memref<128x64xf32, #tpu.memory_space<hbm>>
      tpu.enqueue_dma source(%arg13 : memref<128x64xf32, #tpu.memory_space<vmem>>) target(%dma_start3A_334 : memref<128x64xf32, #tpu.memory_space<hbm>>) target_semaphore(%run_scoped3A_328 : memref<!tpu.dma_semaphore, #tpu.memory_space<semaphore_mem>>)
      %dma_wait3A_335 = arith.constant 0 : i32
      %dma_wait3A_336 = tpu.memref_slice %arg8[%run_scoped3A_286, %arg0, %add3A_285, %dma_wait3A_335] : memref<3x2x4096x64xf32, #tpu.memory_space<hbm>> -> memref<1x1x128x64xf32, #tpu.memory_space<hbm>>
      %dma_wait3A_337 = tpu.memref_squeeze %dma_wait3A_336 : memref<1x1x128x64xf32, #tpu.memory_space<hbm>> -> memref<128x64xf32, #tpu.memory_space<hbm>>
      %dma_wait3A_338 = arith.constant 0 : i32
      %dma_wait3A_339 = tpu.memref_slice %arg8[%run_scoped3A_286, %arg0, %add3A_285, %dma_wait3A_338] : memref<3x2x4096x64xf32, #tpu.memory_space<hbm>> -> memref<1x1x128x64xf32, #tpu.memory_space<hbm>>
      %dma_wait3A_340 = tpu.memref_squeeze %dma_wait3A_339 : memref<1x1x128x64xf32, #tpu.memory_space<hbm>> -> memref<128x64xf32, #tpu.memory_space<hbm>>
      tpu.wait_dma2 semaphore(%run_scoped3A_328 : memref<!tpu.dma_semaphore, #tpu.memory_space<semaphore_mem>>) src(%arg13 : memref<128x64xf32, #tpu.memory_space<vmem>>) dst(%dma_wait3A_340 : memref<128x64xf32, #tpu.memory_space<hbm>>)
      tpu.yield
    }) : () -> ()
    %dma_start3A_287 = arith.constant 2 : i32
    %dma_start3A_288 = arith.constant 128 : i32
    %dma_start3A_289 = tpu.memref_slice %arg26[%dma_start3A_287, %dma_start3A_288] : memref<3x256xi32, #tpu.memory_space<vmem>> -> memref<1x128xi32, #tpu.memory_space<vmem>>
    %dma_start3A_290 = tpu.memref_squeeze %dma_start3A_289 : memref<1x128xi32, #tpu.memory_space<vmem>> -> memref<128xi32, #tpu.memory_space<vmem>>
    %dma_start3A_291 = arith.constant 0 : i32
    %dma_start3A_292 = arith.constant 0 : i32
    %dma_start3A_293 = tpu.memref_slice %arg7[%dma_start3A_291, %dma_start3A_292] : memref<20224x64xf32, #tpu.memory_space<hbm>> -> memref<20224x64xf32, #tpu.memory_space<hbm>>
    tpu.enqueue_indirect_dma source(%dma_start3A_293 : memref<20224x64xf32, #tpu.memory_space<hbm>>) target(%arg13 : memref<128x64xf32, #tpu.memory_space<vmem>>) offsets(%dma_start3A_290 : memref<128xi32, #tpu.memory_space<vmem>>) semaphore(%arg19 : memref<!tpu.dma_semaphore, #tpu.memory_space<semaphore_mem>>)
    %eq3A_294 = arith.constant 0 : i32
    %eq3A_295 = arith.cmpi eq, %arg0, %eq3A_294 : i32
    %convert_element_type3A_296 = arith.extui %eq3A_295 : i1 to i32
    %cond3A_297 = arith.constant 0 : i32
    %cond3A_298 = arith.cmpi ne, %convert_element_type3A_296, %cond3A_297 : i32
    scf.if %cond3A_298 {
      %dma_wait3A_328 = arith.constant 1 : i32
      %dma_wait3A_329 = arith.constant 0 : i32
      %dma_wait3A_330 = tpu.memref_slice %arg26[%dma_wait3A_328, %dma_wait3A_329] : memref<3x256xi32, #tpu.memory_space<vmem>> -> memref<1x256xi32, #tpu.memory_space<vmem>>
      %dma_wait3A_331 = tpu.memref_squeeze %dma_wait3A_330 : memref<1x256xi32, #tpu.memory_space<vmem>> -> memref<256xi32, #tpu.memory_space<vmem>>
      %dma_wait3A_332 = arith.constant 0 : i32
      %dma_wait3A_333 = arith.constant 0 : i32
      %dma_wait3A_334 = tpu.memref_slice %arg6[%dma_wait3A_332, %dma_wait3A_333] : memref<10112x16xf32, #tpu.memory_space<hbm>> -> memref<10112x16xf32, #tpu.memory_space<hbm>>
      tpu.wait_indirect_dma semaphore(%arg20 : memref<!tpu.dma_semaphore, #tpu.memory_space<semaphore_mem>>) src(%dma_wait3A_334 : memref<10112x16xf32, #tpu.memory_space<hbm>>) dst(%arg27 : memref<256x16xf32, #tpu.memory_space<vmem>>)
      %mul3A_335 = arith.constant 256 : i32
      %mul3A_336 = arith.muli %arg1, %mul3A_335 : i32
      %run_scoped3A_337 = arith.constant 1 : i32
      "tpu.region"() ({
        %run_scoped3A_345 = tpu.sem_alloc : memref<!tpu.dma_semaphore, #tpu.memory_space<semaphore_mem>>
        %dma_start3A_346 = arith.constant 0 : i32
        %dma_start3A_347 = tpu.memref_slice %arg9[%run_scoped3A_337, %mul3A_336, %dma_start3A_346] : memref<3x4096x16xf32, #tpu.memory_space<hbm>> -> memref<1x256x16xf32, #tpu.memory_space<hbm>>
        %dma_start3A_348 = tpu.memref_squeeze %dma_start3A_347 : memref<1x256x16xf32, #tpu.memory_space<hbm>> -> memref<256x16xf32, #tpu.memory_space<hbm>>
        %dma_start3A_349 = arith.constant 0 : i32
        %dma_start3A_350 = tpu.memref_slice %arg9[%run_scoped3A_337, %mul3A_336, %dma_start3A_349] : memref<3x4096x16xf32, #tpu.memory_space<hbm>> -> memref<1x256x16xf32, #tpu.memory_space<hbm>>
        %dma_start3A_351 = tpu.memref_squeeze %dma_start3A_350 : memref<1x256x16xf32, #tpu.memory_space<hbm>> -> memref<256x16xf32, #tpu.memory_space<hbm>>
        tpu.enqueue_dma source(%arg27 : memref<256x16xf32, #tpu.memory_space<vmem>>) target(%dma_start3A_351 : memref<256x16xf32, #tpu.memory_space<hbm>>) target_semaphore(%run_scoped3A_345 : memref<!tpu.dma_semaphore, #tpu.memory_space<semaphore_mem>>)
        %dma_wait3A_352 = arith.constant 0 : i32
        %dma_wait3A_353 = tpu.memref_slice %arg9[%run_scoped3A_337, %mul3A_336, %dma_wait3A_352] : memref<3x4096x16xf32, #tpu.memory_space<hbm>> -> memref<1x256x16xf32, #tpu.memory_space<hbm>>
        %dma_wait3A_354 = tpu.memref_squeeze %dma_wait3A_353 : memref<1x256x16xf32, #tpu.memory_space<hbm>> -> memref<256x16xf32, #tpu.memory_space<hbm>>
        %dma_wait3A_355 = arith.constant 0 : i32
        %dma_wait3A_356 = tpu.memref_slice %arg9[%run_scoped3A_337, %mul3A_336, %dma_wait3A_355] : memref<3x4096x16xf32, #tpu.memory_space<hbm>> -> memref<1x256x16xf32, #tpu.memory_space<hbm>>
        %dma_wait3A_357 = tpu.memref_squeeze %dma_wait3A_356 : memref<1x256x16xf32, #tpu.memory_space<hbm>> -> memref<256x16xf32, #tpu.memory_space<hbm>>
        tpu.wait_dma2 semaphore(%run_scoped3A_345 : memref<!tpu.dma_semaphore, #tpu.memory_space<semaphore_mem>>) src(%arg27 : memref<256x16xf32, #tpu.memory_space<vmem>>) dst(%dma_wait3A_357 : memref<256x16xf32, #tpu.memory_space<hbm>>)
        tpu.yield
      }) : () -> ()
      %dma_start3A_338 = arith.constant 2 : i32
      %dma_start3A_339 = arith.constant 0 : i32
      %dma_start3A_340 = tpu.memref_slice %arg26[%dma_start3A_338, %dma_start3A_339] : memref<3x256xi32, #tpu.memory_space<vmem>> -> memref<1x256xi32, #tpu.memory_space<vmem>>
      %dma_start3A_341 = tpu.memref_squeeze %dma_start3A_340 : memref<1x256xi32, #tpu.memory_space<vmem>> -> memref<256xi32, #tpu.memory_space<vmem>>
      %dma_start3A_342 = arith.constant 0 : i32
      %dma_start3A_343 = arith.constant 0 : i32
      %dma_start3A_344 = tpu.memref_slice %arg6[%dma_start3A_342, %dma_start3A_343] : memref<10112x16xf32, #tpu.memory_space<hbm>> -> memref<10112x16xf32, #tpu.memory_space<hbm>>
      tpu.enqueue_indirect_dma source(%dma_start3A_344 : memref<10112x16xf32, #tpu.memory_space<hbm>>) target(%arg27 : memref<256x16xf32, #tpu.memory_space<vmem>>) offsets(%dma_start3A_341 : memref<256xi32, #tpu.memory_space<vmem>>) semaphore(%arg20 : memref<!tpu.dma_semaphore, #tpu.memory_space<semaphore_mem>>)
    } else {
    }
    %dma_wait3A_299 = arith.constant 2 : i32
    %dma_wait3A_300 = arith.constant 0 : i32
    %dma_wait3A_301 = tpu.memref_slice %arg26[%dma_wait3A_299, %dma_wait3A_300] : memref<3x256xi32, #tpu.memory_space<vmem>> -> memref<1x128xi32, #tpu.memory_space<vmem>>
    %dma_wait3A_302 = tpu.memref_squeeze %dma_wait3A_301 : memref<1x128xi32, #tpu.memory_space<vmem>> -> memref<128xi32, #tpu.memory_space<vmem>>
    %dma_wait3A_303 = arith.constant 0 : i32
    %dma_wait3A_304 = arith.constant 0 : i32
    %dma_wait3A_305 = tpu.memref_slice %arg7[%dma_wait3A_303, %dma_wait3A_304] : memref<20224x64xf32, #tpu.memory_space<hbm>> -> memref<20224x64xf32, #tpu.memory_space<hbm>>
    tpu.wait_indirect_dma semaphore(%arg18 : memref<!tpu.dma_semaphore, #tpu.memory_space<semaphore_mem>>) src(%dma_wait3A_305 : memref<20224x64xf32, #tpu.memory_space<hbm>>) dst(%arg12 : memref<128x64xf32, #tpu.memory_space<vmem>>)
    %mul3A_306 = arith.constant 256 : i32
    %mul3A_307 = arith.muli %arg1, %mul3A_306 : i32
    %add3A_308 = arith.constant 0 : i32
    %add3A_309 = arith.addi %mul3A_307, %add3A_308 : i32
    %run_scoped3A_310 = arith.constant 2 : i32
    "tpu.region"() ({
      %run_scoped3A_328 = tpu.sem_alloc : memref<!tpu.dma_semaphore, #tpu.memory_space<semaphore_mem>>
      %dma_start3A_329 = arith.constant 0 : i32
      %dma_start3A_330 = tpu.memref_slice %arg8[%run_scoped3A_310, %arg0, %add3A_309, %dma_start3A_329] : memref<3x2x4096x64xf32, #tpu.memory_space<hbm>> -> memref<1x1x128x64xf32, #tpu.memory_space<hbm>>
      %dma_start3A_331 = tpu.memref_squeeze %dma_start3A_330 : memref<1x1x128x64xf32, #tpu.memory_space<hbm>> -> memref<128x64xf32, #tpu.memory_space<hbm>>
      %dma_start3A_332 = arith.constant 0 : i32
      %dma_start3A_333 = tpu.memref_slice %arg8[%run_scoped3A_310, %arg0, %add3A_309, %dma_start3A_332] : memref<3x2x4096x64xf32, #tpu.memory_space<hbm>> -> memref<1x1x128x64xf32, #tpu.memory_space<hbm>>
      %dma_start3A_334 = tpu.memref_squeeze %dma_start3A_333 : memref<1x1x128x64xf32, #tpu.memory_space<hbm>> -> memref<128x64xf32, #tpu.memory_space<hbm>>
      tpu.enqueue_dma source(%arg12 : memref<128x64xf32, #tpu.memory_space<vmem>>) target(%dma_start3A_334 : memref<128x64xf32, #tpu.memory_space<hbm>>) target_semaphore(%run_scoped3A_328 : memref<!tpu.dma_semaphore, #tpu.memory_space<semaphore_mem>>)
      %dma_wait3A_335 = arith.constant 0 : i32
      %dma_wait3A_336 = tpu.memref_slice %arg8[%run_scoped3A_310, %arg0, %add3A_309, %dma_wait3A_335] : memref<3x2x4096x64xf32, #tpu.memory_space<hbm>> -> memref<1x1x128x64xf32, #tpu.memory_space<hbm>>
      %dma_wait3A_337 = tpu.memref_squeeze %dma_wait3A_336 : memref<1x1x128x64xf32, #tpu.memory_space<hbm>> -> memref<128x64xf32, #tpu.memory_space<hbm>>
      %dma_wait3A_338 = arith.constant 0 : i32
      %dma_wait3A_339 = tpu.memref_slice %arg8[%run_scoped3A_310, %arg0, %add3A_309, %dma_wait3A_338] : memref<3x2x4096x64xf32, #tpu.memory_space<hbm>> -> memref<1x1x128x64xf32, #tpu.memory_space<hbm>>
      %dma_wait3A_340 = tpu.memref_squeeze %dma_wait3A_339 : memref<1x1x128x64xf32, #tpu.memory_space<hbm>> -> memref<128x64xf32, #tpu.memory_space<hbm>>
      tpu.wait_dma2 semaphore(%run_scoped3A_328 : memref<!tpu.dma_semaphore, #tpu.memory_space<semaphore_mem>>) src(%arg12 : memref<128x64xf32, #tpu.memory_space<vmem>>) dst(%dma_wait3A_340 : memref<128x64xf32, #tpu.memory_space<hbm>>)
      tpu.yield
    }) : () -> ()
    %dma_wait3A_311 = arith.constant 2 : i32
    %dma_wait3A_312 = arith.constant 128 : i32
    %dma_wait3A_313 = tpu.memref_slice %arg26[%dma_wait3A_311, %dma_wait3A_312] : memref<3x256xi32, #tpu.memory_space<vmem>> -> memref<1x128xi32, #tpu.memory_space<vmem>>
    %dma_wait3A_314 = tpu.memref_squeeze %dma_wait3A_313 : memref<1x128xi32, #tpu.memory_space<vmem>> -> memref<128xi32, #tpu.memory_space<vmem>>
    %dma_wait3A_315 = arith.constant 0 : i32
    %dma_wait3A_316 = arith.constant 0 : i32
    %dma_wait3A_317 = tpu.memref_slice %arg7[%dma_wait3A_315, %dma_wait3A_316] : memref<20224x64xf32, #tpu.memory_space<hbm>> -> memref<20224x64xf32, #tpu.memory_space<hbm>>
    tpu.wait_indirect_dma semaphore(%arg19 : memref<!tpu.dma_semaphore, #tpu.memory_space<semaphore_mem>>) src(%dma_wait3A_317 : memref<20224x64xf32, #tpu.memory_space<hbm>>) dst(%arg13 : memref<128x64xf32, #tpu.memory_space<vmem>>)
    %mul3A_318 = arith.constant 256 : i32
    %mul3A_319 = arith.muli %arg1, %mul3A_318 : i32
    %add3A_320 = arith.constant 128 : i32
    %add3A_321 = arith.addi %mul3A_319, %add3A_320 : i32
    %run_scoped3A_322 = arith.constant 2 : i32
    "tpu.region"() ({
      %run_scoped3A_328 = tpu.sem_alloc : memref<!tpu.dma_semaphore, #tpu.memory_space<semaphore_mem>>
      %dma_start3A_329 = arith.constant 0 : i32
      %dma_start3A_330 = tpu.memref_slice %arg8[%run_scoped3A_322, %arg0, %add3A_321, %dma_start3A_329] : memref<3x2x4096x64xf32, #tpu.memory_space<hbm>> -> memref<1x1x128x64xf32, #tpu.memory_space<hbm>>
      %dma_start3A_331 = tpu.memref_squeeze %dma_start3A_330 : memref<1x1x128x64xf32, #tpu.memory_space<hbm>> -> memref<128x64xf32, #tpu.memory_space<hbm>>
      %dma_start3A_332 = arith.constant 0 : i32
      %dma_start3A_333 = tpu.memref_slice %arg8[%run_scoped3A_322, %arg0, %add3A_321, %dma_start3A_332] : memref<3x2x4096x64xf32, #tpu.memory_space<hbm>> -> memref<1x1x128x64xf32, #tpu.memory_space<hbm>>
      %dma_start3A_334 = tpu.memref_squeeze %dma_start3A_333 : memref<1x1x128x64xf32, #tpu.memory_space<hbm>> -> memref<128x64xf32, #tpu.memory_space<hbm>>
      tpu.enqueue_dma source(%arg13 : memref<128x64xf32, #tpu.memory_space<vmem>>) target(%dma_start3A_334 : memref<128x64xf32, #tpu.memory_space<hbm>>) target_semaphore(%run_scoped3A_328 : memref<!tpu.dma_semaphore, #tpu.memory_space<semaphore_mem>>)
      %dma_wait3A_335 = arith.constant 0 : i32
      %dma_wait3A_336 = tpu.memref_slice %arg8[%run_scoped3A_322, %arg0, %add3A_321, %dma_wait3A_335] : memref<3x2x4096x64xf32, #tpu.memory_space<hbm>> -> memref<1x1x128x64xf32, #tpu.memory_space<hbm>>
      %dma_wait3A_337 = tpu.memref_squeeze %dma_wait3A_336 : memref<1x1x128x64xf32, #tpu.memory_space<hbm>> -> memref<128x64xf32, #tpu.memory_space<hbm>>
      %dma_wait3A_338 = arith.constant 0 : i32
      %dma_wait3A_339 = tpu.memref_slice %arg8[%run_scoped3A_322, %arg0, %add3A_321, %dma_wait3A_338] : memref<3x2x4096x64xf32, #tpu.memory_space<hbm>> -> memref<1x1x128x64xf32, #tpu.memory_space<hbm>>
      %dma_wait3A_340 = tpu.memref_squeeze %dma_wait3A_339 : memref<1x1x128x64xf32, #tpu.memory_space<hbm>> -> memref<128x64xf32, #tpu.memory_space<hbm>>
      tpu.wait_dma2 semaphore(%run_scoped3A_328 : memref<!tpu.dma_semaphore, #tpu.memory_space<semaphore_mem>>) src(%arg13 : memref<128x64xf32, #tpu.memory_space<vmem>>) dst(%dma_wait3A_340 : memref<128x64xf32, #tpu.memory_space<hbm>>)
      tpu.yield
    }) : () -> ()
    %eq3A_323 = arith.constant 0 : i32
    %eq3A_324 = arith.cmpi eq, %arg0, %eq3A_323 : i32
    %convert_element_type3A_325 = arith.extui %eq3A_324 : i1 to i32
    %cond3A_326 = arith.constant 0 : i32
    %cond3A_327 = arith.cmpi ne, %convert_element_type3A_325, %cond3A_326 : i32
    scf.if %cond3A_327 {
      %dma_wait3A_328 = arith.constant 2 : i32
      %dma_wait3A_329 = arith.constant 0 : i32
      %dma_wait3A_330 = tpu.memref_slice %arg26[%dma_wait3A_328, %dma_wait3A_329] : memref<3x256xi32, #tpu.memory_space<vmem>> -> memref<1x256xi32, #tpu.memory_space<vmem>>
      %dma_wait3A_331 = tpu.memref_squeeze %dma_wait3A_330 : memref<1x256xi32, #tpu.memory_space<vmem>> -> memref<256xi32, #tpu.memory_space<vmem>>
      %dma_wait3A_332 = arith.constant 0 : i32
      %dma_wait3A_333 = arith.constant 0 : i32
      %dma_wait3A_334 = tpu.memref_slice %arg6[%dma_wait3A_332, %dma_wait3A_333] : memref<10112x16xf32, #tpu.memory_space<hbm>> -> memref<10112x16xf32, #tpu.memory_space<hbm>>
      tpu.wait_indirect_dma semaphore(%arg20 : memref<!tpu.dma_semaphore, #tpu.memory_space<semaphore_mem>>) src(%dma_wait3A_334 : memref<10112x16xf32, #tpu.memory_space<hbm>>) dst(%arg27 : memref<256x16xf32, #tpu.memory_space<vmem>>)
      %mul3A_335 = arith.constant 256 : i32
      %mul3A_336 = arith.muli %arg1, %mul3A_335 : i32
      %run_scoped3A_337 = arith.constant 2 : i32
      "tpu.region"() ({
        %run_scoped3A_338 = tpu.sem_alloc : memref<!tpu.dma_semaphore, #tpu.memory_space<semaphore_mem>>
        %dma_start3A_339 = arith.constant 0 : i32
        %dma_start3A_340 = tpu.memref_slice %arg9[%run_scoped3A_337, %mul3A_336, %dma_start3A_339] : memref<3x4096x16xf32, #tpu.memory_space<hbm>> -> memref<1x256x16xf32, #tpu.memory_space<hbm>>
        %dma_start3A_341 = tpu.memref_squeeze %dma_start3A_340 : memref<1x256x16xf32, #tpu.memory_space<hbm>> -> memref<256x16xf32, #tpu.memory_space<hbm>>
        %dma_start3A_342 = arith.constant 0 : i32
        %dma_start3A_343 = tpu.memref_slice %arg9[%run_scoped3A_337, %mul3A_336, %dma_start3A_342] : memref<3x4096x16xf32, #tpu.memory_space<hbm>> -> memref<1x256x16xf32, #tpu.memory_space<hbm>>
        %dma_start3A_344 = tpu.memref_squeeze %dma_start3A_343 : memref<1x256x16xf32, #tpu.memory_space<hbm>> -> memref<256x16xf32, #tpu.memory_space<hbm>>
        tpu.enqueue_dma source(%arg27 : memref<256x16xf32, #tpu.memory_space<vmem>>) target(%dma_start3A_344 : memref<256x16xf32, #tpu.memory_space<hbm>>) target_semaphore(%run_scoped3A_338 : memref<!tpu.dma_semaphore, #tpu.memory_space<semaphore_mem>>)
        %dma_wait3A_345 = arith.constant 0 : i32
        %dma_wait3A_346 = tpu.memref_slice %arg9[%run_scoped3A_337, %mul3A_336, %dma_wait3A_345] : memref<3x4096x16xf32, #tpu.memory_space<hbm>> -> memref<1x256x16xf32, #tpu.memory_space<hbm>>
        %dma_wait3A_347 = tpu.memref_squeeze %dma_wait3A_346 : memref<1x256x16xf32, #tpu.memory_space<hbm>> -> memref<256x16xf32, #tpu.memory_space<hbm>>
        %dma_wait3A_348 = arith.constant 0 : i32
        %dma_wait3A_349 = tpu.memref_slice %arg9[%run_scoped3A_337, %mul3A_336, %dma_wait3A_348] : memref<3x4096x16xf32, #tpu.memory_space<hbm>> -> memref<1x256x16xf32, #tpu.memory_space<hbm>>
        %dma_wait3A_350 = tpu.memref_squeeze %dma_wait3A_349 : memref<1x256x16xf32, #tpu.memory_space<hbm>> -> memref<256x16xf32, #tpu.memory_space<hbm>>
        tpu.wait_dma2 semaphore(%run_scoped3A_338 : memref<!tpu.dma_semaphore, #tpu.memory_space<semaphore_mem>>) src(%arg27 : memref<256x16xf32, #tpu.memory_space<vmem>>) dst(%dma_wait3A_350 : memref<256x16xf32, #tpu.memory_space<hbm>>)
        tpu.yield
      }) : () -> ()
    } else {
    }
    return
  }
}

module attributes {stable_mosaic.version = 14 : i64} {
  func.func @_tc1_body(%arg0: i32, %arg1: memref<1264x128xf32, #tpu.memory_space<vmem>>, %arg2: memref<128x128xf32, #tpu.memory_space<vmem>>, %arg3: memref<1x128xf32, #tpu.memory_space<vmem>>, %arg4: memref<2x1264x16xf32, #tpu.memory_space<vmem>>, %arg5: memref<2x1264x64xf32, #tpu.memory_space<vmem>>, %arg6: memref<1264x16xf32, #tpu.memory_space<vmem>>) attributes {dimension_semantics = [#tpu.dimension_semantics<arbitrary>], iteration_bounds = array<i64: 8>, scalar_prefetch = 0 : i64, scratch_operands = 0 : i64, tpu.core_type = #tpu.core_type<tc>, window_params = [{transform_indices = @transform_0, window_bounds = array<i64: 1264, 128>}, {pipeline_mode = #tpu.pipeline_mode<synchronous>, transform_indices = @transform_1, window_bounds = array<i64: 128, 128>}, {pipeline_mode = #tpu.pipeline_mode<synchronous>, transform_indices = @transform_2, window_bounds = array<i64: 1, 128>}, {transform_indices = @transform_3, window_bounds = array<i64: 2, 1264, 16>}, {transform_indices = @transform_4, window_bounds = array<i64: 2, 1264, 64>}, {transform_indices = @transform_5, window_bounds = array<i64: 1264, 16>}]} {
    %get3A = arith.constant 0 : index
    %get3A_0 = arith.constant 0 : index
    %get3A_1 = arith.constant 0 : index
    %get3A_2 = vector.load %arg4[%get3A, %get3A_0, %get3A_1] : memref<2x1264x16xf32, #tpu.memory_space<vmem>>, vector<1x1264x1xf32>
    %get3A_3 = vector.shape_cast %get3A_2 : vector<1x1264x1xf32> to vector<1264x1xf32>
    %get3A_4 = arith.constant 1 : index
    %get3A_5 = arith.constant 0 : index
    %get3A_6 = arith.constant 0 : index
    %get3A_7 = vector.load %arg4[%get3A_4, %get3A_5, %get3A_6] : memref<2x1264x16xf32, #tpu.memory_space<vmem>>, vector<1x1264x1xf32>
    %get3A_8 = vector.shape_cast %get3A_7 : vector<1x1264x1xf32> to vector<1264x1xf32>
    %add3A = arith.addf %get3A_3, %get3A_8 : vector<1264x1xf32>
    %max3A = arith.constant 1.000000e+00 : f32
    %max3A_9 = vector.broadcast %max3A : f32 to vector<1264x1xf32>
    %max3A_10 = arith.maximumf %add3A, %max3A_9 : vector<1264x1xf32>
    %rsqrt3A = math.rsqrt %max3A_10 : vector<1264x1xf32>
    %iota3A = tpu.iota {dimensions = array<i32: 0>} : vector<1264x1xi32>
    %mul3A = arith.constant 1264 : i32
    %mul3A_11 = arith.muli %arg0, %mul3A : i32
    %add3A_12 = vector.broadcast %mul3A_11 : i32 to vector<1264x1xi32>
    %add3A_13 = arith.addi %iota3A, %add3A_12 : vector<1264x1xi32>
    %lt3A = arith.constant 10000 : i32
    %lt3A_14 = vector.broadcast %lt3A : i32 to vector<1264x1xi32>
    %lt3A_15 = arith.cmpi slt, %add3A_13, %lt3A_14 : vector<1264x1xi32>
    %jit3A = arith.constant 0.000000e+00 : f32
    %broadcast_in_dim3A = vector.broadcast %jit3A : f32 to vector<1264x1xf32>
    %select_n3A = arith.select %lt3A_15, %rsqrt3A, %broadcast_in_dim3A : vector<1264x1xi1>, vector<1264x1xf32>
    %get3A_16 = arith.constant 0 : index
    %get3A_17 = arith.constant 0 : index
    %get3A_18 = vector.load %arg1[%get3A_16, %get3A_17] : memref<1264x128xf32, #tpu.memory_space<vmem>>, vector<1264x128xf32>
    %get3A_19 = arith.constant 0 : index
    %get3A_20 = arith.constant 0 : index
    %get3A_21 = vector.load %arg2[%get3A_19, %get3A_20] : memref<128x128xf32, #tpu.memory_space<vmem>>, vector<128x128xf32>
    %dot_general3A = arith.constant dense<0.000000e+00> : vector<1264x128xf32>
    %dot_general3A_22 = tpu.matmul %get3A_18, %get3A_21, %dot_general3A {dimension_numbers = #tpu.dot_dimension_numbers<[1], [0], [0], [1], [0, 0, 1, 1], [], []>, transpose_lhs_hint = false} : vector<1264x128xf32>, vector<128x128xf32>, vector<1264x128xf32> -> vector<1264x128xf32>
    %get3A_23 = arith.constant 0 : index
    %get3A_24 = arith.constant 0 : index
    %get3A_25 = vector.load %arg3[%get3A_23, %get3A_24] : memref<1x128xf32, #tpu.memory_space<vmem>>, vector<1x128xf32>
    %add3A_26 = vector.broadcast %get3A_25 : vector<1x128xf32> to vector<1264x128xf32>
    %add3A_27 = arith.addf %dot_general3A_22, %add3A_26 : vector<1264x128xf32>
    %mul3A_28 = vector.broadcast %select_n3A : vector<1264x1xf32> to vector<1264x128xf32>
    %mul3A_29 = arith.mulf %add3A_27, %mul3A_28 : vector<1264x128xf32>
    %slice3A = vector.extract_strided_slice %mul3A_29 {offsets = [0, 0], sizes = [1264, 64], strides = [1, 1]} : vector<1264x128xf32> to vector<1264x64xf32>
    %swap3A = arith.constant 0 : index
    %swap3A_30 = arith.constant 0 : index
    %swap3A_31 = arith.constant 0 : index
    %swap3A_32 = vector.load %arg5[%swap3A, %swap3A_30, %swap3A_31] : memref<2x1264x64xf32, #tpu.memory_space<vmem>>, vector<1x1264x64xf32>
    %swap3A_33 = vector.shape_cast %swap3A_32 : vector<1x1264x64xf32> to vector<1264x64xf32>
    %swap3A_34 = vector.shape_cast %slice3A : vector<1264x64xf32> to vector<1x1264x64xf32>
    tpu.vector_store %arg5[%swap3A, %swap3A_30, %swap3A_31], %swap3A_34 {strides = array<i32>} : memref<2x1264x64xf32, #tpu.memory_space<vmem>>, vector<1x1264x64xf32>,
    %slice3A_35 = vector.extract_strided_slice %mul3A_29 {offsets = [0, 64], sizes = [1264, 64], strides = [1, 1]} : vector<1264x128xf32> to vector<1264x64xf32>
    %swap3A_36 = arith.constant 1 : index
    %swap3A_37 = arith.constant 0 : index
    %swap3A_38 = arith.constant 0 : index
    %swap3A_39 = vector.load %arg5[%swap3A_36, %swap3A_37, %swap3A_38] : memref<2x1264x64xf32, #tpu.memory_space<vmem>>, vector<1x1264x64xf32>
    %swap3A_40 = vector.shape_cast %swap3A_39 : vector<1x1264x64xf32> to vector<1264x64xf32>
    %swap3A_41 = vector.shape_cast %slice3A_35 : vector<1264x64xf32> to vector<1x1264x64xf32>
    tpu.vector_store %arg5[%swap3A_36, %swap3A_37, %swap3A_38], %swap3A_41 {strides = array<i32>} : memref<2x1264x64xf32, #tpu.memory_space<vmem>>, vector<1x1264x64xf32>,
    %broadcast_in_dim3A_42 = vector.shape_cast %select_n3A : vector<1264x1xf32> to vector<1264x1xf32>
    %broadcast_in_dim3A_43 = vector.broadcast %broadcast_in_dim3A_42 : vector<1264x1xf32> to vector<1264x16xf32>
    %swap3A_44 = arith.constant 0 : index
    %swap3A_45 = arith.constant 0 : index
    %swap3A_46 = vector.load %arg6[%swap3A_44, %swap3A_45] : memref<1264x16xf32, #tpu.memory_space<vmem>>, vector<1264x16xf32>
    tpu.vector_store %arg6[%swap3A_44, %swap3A_45], %broadcast_in_dim3A_43 {strides = array<i32>} : memref<1264x16xf32, #tpu.memory_space<vmem>>, vector<1264x16xf32>,
    return
  }
  func.func @transform_0(%arg0: i32) -> (i32, i32) {
    %c0_i32 = arith.constant 0 : i32
    %c0_i32_0 = arith.constant 0 : i32
    return %arg0, %c0_i32 : i32, i32
  }
  func.func @transform_1(%arg0: i32) -> (i32, i32) {
    %c0_i32 = arith.constant 0 : i32
    %c0_i32_0 = arith.constant 0 : i32
    %c0_i32_1 = arith.constant 0 : i32
    return %c0_i32, %c0_i32_0 : i32, i32
  }
  func.func @transform_2(%arg0: i32) -> (i32, i32) {
    %c0_i32 = arith.constant 0 : i32
    %c0_i32_0 = arith.constant 0 : i32
    %c0_i32_1 = arith.constant 0 : i32
    return %c0_i32, %c0_i32_0 : i32, i32
  }
  func.func @transform_3(%arg0: i32) -> (i32, i32, i32) {
    %c0_i32 = arith.constant 0 : i32
    %c0_i32_0 = arith.constant 0 : i32
    %c0_i32_1 = arith.constant 0 : i32
    return %c0_i32, %arg0, %c0_i32_0 : i32, i32, i32
  }
  func.func @transform_4(%arg0: i32) -> (i32, i32, i32) {
    %c0_i32 = arith.constant 0 : i32
    %c0_i32_0 = arith.constant 0 : i32
    %c0_i32_1 = arith.constant 0 : i32
    return %c0_i32, %arg0, %c0_i32_0 : i32, i32, i32
  }
  func.func @transform_5(%arg0: i32) -> (i32, i32) {
    %c0_i32 = arith.constant 0 : i32
    %c0_i32_0 = arith.constant 0 : i32
    return %arg0, %c0_i32 : i32, i32
  }
}

module attributes {stable_mosaic.version = 14 : i64} {
  func.func @_tc2_body(%arg0: i32, %arg1: memref<2x1264x64xf32, #tpu.memory_space<vmem>>, %arg2: memref<128x128xf32, #tpu.memory_space<vmem>>, %arg3: memref<1x128xf32, #tpu.memory_space<vmem>>, %arg4: memref<2x1264x16xf32, #tpu.memory_space<vmem>>, %arg5: memref<2x1264x64xf32, #tpu.memory_space<vmem>>) attributes {dimension_semantics = [#tpu.dimension_semantics<arbitrary>], iteration_bounds = array<i64: 8>, scalar_prefetch = 0 : i64, scratch_operands = 0 : i64, tpu.core_type = #tpu.core_type<tc>, window_params = [{transform_indices = @transform_0, window_bounds = array<i64: 2, 1264, 64>}, {pipeline_mode = #tpu.pipeline_mode<synchronous>, transform_indices = @transform_1, window_bounds = array<i64: 128, 128>}, {pipeline_mode = #tpu.pipeline_mode<synchronous>, transform_indices = @transform_2, window_bounds = array<i64: 1, 128>}, {transform_indices = @transform_3, window_bounds = array<i64: 2, 1264, 16>}, {transform_indices = @transform_4, window_bounds = array<i64: 2, 1264, 64>}]} {
    %get3A = arith.constant 0 : index
    %get3A_0 = arith.constant 0 : index
    %get3A_1 = arith.constant 0 : index
    %get3A_2 = vector.load %arg4[%get3A, %get3A_0, %get3A_1] : memref<2x1264x16xf32, #tpu.memory_space<vmem>>, vector<1x1264x1xf32>
    %get3A_3 = vector.shape_cast %get3A_2 : vector<1x1264x1xf32> to vector<1264x1xf32>
    %get3A_4 = arith.constant 1 : index
    %get3A_5 = arith.constant 0 : index
    %get3A_6 = arith.constant 0 : index
    %get3A_7 = vector.load %arg4[%get3A_4, %get3A_5, %get3A_6] : memref<2x1264x16xf32, #tpu.memory_space<vmem>>, vector<1x1264x1xf32>
    %get3A_8 = vector.shape_cast %get3A_7 : vector<1x1264x1xf32> to vector<1264x1xf32>
    %add3A = arith.addf %get3A_3, %get3A_8 : vector<1264x1xf32>
    %max3A = arith.constant 1.000000e+00 : f32
    %max3A_9 = vector.broadcast %max3A : f32 to vector<1264x1xf32>
    %max3A_10 = arith.maximumf %add3A, %max3A_9 : vector<1264x1xf32>
    %rsqrt3A = math.rsqrt %max3A_10 : vector<1264x1xf32>
    %iota3A = tpu.iota {dimensions = array<i32: 0>} : vector<1264x1xi32>
    %mul3A = arith.constant 1264 : i32
    %mul3A_11 = arith.muli %arg0, %mul3A : i32
    %add3A_12 = vector.broadcast %mul3A_11 : i32 to vector<1264x1xi32>
    %add3A_13 = arith.addi %iota3A, %add3A_12 : vector<1264x1xi32>
    %lt3A = arith.constant 10000 : i32
    %lt3A_14 = vector.broadcast %lt3A : i32 to vector<1264x1xi32>
    %lt3A_15 = arith.cmpi slt, %add3A_13, %lt3A_14 : vector<1264x1xi32>
    %jit3A = arith.constant 0.000000e+00 : f32
    %broadcast_in_dim3A = vector.broadcast %jit3A : f32 to vector<1264x1xf32>
    %select_n3A = arith.select %lt3A_15, %rsqrt3A, %broadcast_in_dim3A : vector<1264x1xi1>, vector<1264x1xf32>
    %get3A_16 = arith.constant 0 : index
    %get3A_17 = arith.constant 0 : index
    %get3A_18 = arith.constant 0 : index
    %get3A_19 = vector.load %arg1[%get3A_16, %get3A_17, %get3A_18] : memref<2x1264x64xf32, #tpu.memory_space<vmem>>, vector<1x1264x64xf32>
    %get3A_20 = vector.shape_cast %get3A_19 : vector<1x1264x64xf32> to vector<1264x64xf32>
    %mul3A_21 = vector.broadcast %select_n3A : vector<1264x1xf32> to vector<1264x64xf32>
    %mul3A_22 = arith.mulf %get3A_20, %mul3A_21 : vector<1264x64xf32>
    %max3A_23 = arith.constant 0.000000e+00 : f32
    %max3A_24 = vector.broadcast %max3A_23 : f32 to vector<1264x64xf32>
    %max3A_25 = arith.maximumf %mul3A_22, %max3A_24 : vector<1264x64xf32>
    %get3A_26 = arith.constant 1 : index
    %get3A_27 = arith.constant 0 : index
    %get3A_28 = arith.constant 0 : index
    %get3A_29 = vector.load %arg1[%get3A_26, %get3A_27, %get3A_28] : memref<2x1264x64xf32, #tpu.memory_space<vmem>>, vector<1x1264x64xf32>
    %get3A_30 = vector.shape_cast %get3A_29 : vector<1x1264x64xf32> to vector<1264x64xf32>
    %mul3A_31 = vector.broadcast %select_n3A : vector<1264x1xf32> to vector<1264x64xf32>
    %mul3A_32 = arith.mulf %get3A_30, %mul3A_31 : vector<1264x64xf32>
    %max3A_33 = arith.constant 0.000000e+00 : f32
    %max3A_34 = vector.broadcast %max3A_33 : f32 to vector<1264x64xf32>
    %max3A_35 = arith.maximumf %mul3A_32, %max3A_34 : vector<1264x64xf32>
    %get3A_36 = arith.constant 0 : index
    %get3A_37 = arith.constant 0 : index
    %get3A_38 = vector.load %arg2[%get3A_36, %get3A_37] : memref<128x128xf32, #tpu.memory_space<vmem>>, vector<64x128xf32>
    %dot_general3A = arith.constant dense<0.000000e+00> : vector<1264x128xf32>
    %dot_general3A_39 = tpu.matmul %max3A_25, %get3A_38, %dot_general3A {dimension_numbers = #tpu.dot_dimension_numbers<[1], [0], [0], [1], [0, 0, 1, 1], [], []>, transpose_lhs_hint = false} : vector<1264x64xf32>, vector<64x128xf32>, vector<1264x128xf32> -> vector<1264x128xf32>
    %get3A_40 = arith.constant 64 : index
    %get3A_41 = arith.constant 0 : index
    %get3A_42 = vector.load %arg2[%get3A_40, %get3A_41] : memref<128x128xf32, #tpu.memory_space<vmem>>, vector<64x128xf32>
    %dot_general3A_43 = arith.constant dense<0.000000e+00> : vector<1264x128xf32>
    %dot_general3A_44 = tpu.matmul %max3A_35, %get3A_42, %dot_general3A_43 {dimension_numbers = #tpu.dot_dimension_numbers<[1], [0], [0], [1], [0, 0, 1, 1], [], []>, transpose_lhs_hint = false} : vector<1264x64xf32>, vector<64x128xf32>, vector<1264x128xf32> -> vector<1264x128xf32>
    %add3A_45 = arith.addf %dot_general3A_39, %dot_general3A_44 : vector<1264x128xf32>
    %get3A_46 = arith.constant 0 : index
    %get3A_47 = arith.constant 0 : index
    %get3A_48 = vector.load %arg3[%get3A_46, %get3A_47] : memref<1x128xf32, #tpu.memory_space<vmem>>, vector<1x128xf32>
    %add3A_49 = vector.broadcast %get3A_48 : vector<1x128xf32> to vector<1264x128xf32>
    %add3A_50 = arith.addf %add3A_45, %add3A_49 : vector<1264x128xf32>
    %mul3A_51 = vector.broadcast %select_n3A : vector<1264x1xf32> to vector<1264x128xf32>
    %mul3A_52 = arith.mulf %add3A_50, %mul3A_51 : vector<1264x128xf32>
    %slice3A = vector.extract_strided_slice %mul3A_52 {offsets = [0, 0], sizes = [1264, 64], strides = [1, 1]} : vector<1264x128xf32> to vector<1264x64xf32>
    %swap3A = arith.constant 0 : index
    %swap3A_53 = arith.constant 0 : index
    %swap3A_54 = arith.constant 0 : index
    %swap3A_55 = vector.load %arg5[%swap3A, %swap3A_53, %swap3A_54] : memref<2x1264x64xf32, #tpu.memory_space<vmem>>, vector<1x1264x64xf32>
    %swap3A_56 = vector.shape_cast %swap3A_55 : vector<1x1264x64xf32> to vector<1264x64xf32>
    %swap3A_57 = vector.shape_cast %slice3A : vector<1264x64xf32> to vector<1x1264x64xf32>
    tpu.vector_store %arg5[%swap3A, %swap3A_53, %swap3A_54], %swap3A_57 {strides = array<i32>} : memref<2x1264x64xf32, #tpu.memory_space<vmem>>, vector<1x1264x64xf32>,
    %slice3A_58 = vector.extract_strided_slice %mul3A_52 {offsets = [0, 64], sizes = [1264, 64], strides = [1, 1]} : vector<1264x128xf32> to vector<1264x64xf32>
    %swap3A_59 = arith.constant 1 : index
    %swap3A_60 = arith.constant 0 : index
    %swap3A_61 = arith.constant 0 : index
    %swap3A_62 = vector.load %arg5[%swap3A_59, %swap3A_60, %swap3A_61] : memref<2x1264x64xf32, #tpu.memory_space<vmem>>, vector<1x1264x64xf32>
    %swap3A_63 = vector.shape_cast %swap3A_62 : vector<1x1264x64xf32> to vector<1264x64xf32>
    %swap3A_64 = vector.shape_cast %slice3A_58 : vector<1264x64xf32> to vector<1x1264x64xf32>
    tpu.vector_store %arg5[%swap3A_59, %swap3A_60, %swap3A_61], %swap3A_64 {strides = array<i32>} : memref<2x1264x64xf32, #tpu.memory_space<vmem>>, vector<1x1264x64xf32>,
    return
  }
  func.func @transform_0(%arg0: i32) -> (i32, i32, i32) {
    %c0_i32 = arith.constant 0 : i32
    %c0_i32_0 = arith.constant 0 : i32
    %c0_i32_1 = arith.constant 0 : i32
    return %c0_i32, %arg0, %c0_i32_0 : i32, i32, i32
  }
  func.func @transform_1(%arg0: i32) -> (i32, i32) {
    %c0_i32 = arith.constant 0 : i32
    %c0_i32_0 = arith.constant 0 : i32
    %c0_i32_1 = arith.constant 0 : i32
    return %c0_i32, %c0_i32_0 : i32, i32
  }
  func.func @transform_2(%arg0: i32) -> (i32, i32) {
    %c0_i32 = arith.constant 0 : i32
    %c0_i32_0 = arith.constant 0 : i32
    %c0_i32_1 = arith.constant 0 : i32
    return %c0_i32, %c0_i32_0 : i32, i32
  }
  func.func @transform_3(%arg0: i32) -> (i32, i32, i32) {
    %c0_i32 = arith.constant 0 : i32
    %c0_i32_0 = arith.constant 0 : i32
    %c0_i32_1 = arith.constant 0 : i32
    return %c0_i32, %arg0, %c0_i32_0 : i32, i32, i32
  }
  func.func @transform_4(%arg0: i32) -> (i32, i32, i32) {
    %c0_i32 = arith.constant 0 : i32
    %c0_i32_0 = arith.constant 0 : i32
    %c0_i32_1 = arith.constant 0 : i32
    return %c0_i32, %arg0, %c0_i32_0 : i32, i32, i32
  }
}

module attributes {stable_mosaic.version = 14 : i64} {
  func.func @_tc3_body(%arg0: memref<3x2x4096x64xf32, #tpu.memory_space<vmem>>, %arg1: memref<3x4096x16xf32, #tpu.memory_space<vmem>>, %arg2: memref<128x128xf32, #tpu.memory_space<vmem>>, %arg3: memref<1x128xf32, #tpu.memory_space<vmem>>, %arg4: memref<128x128xf32, #tpu.memory_space<vmem>>, %arg5: memref<1x128xf32, #tpu.memory_space<vmem>>, %arg6: memref<1x1xf32, #tpu.memory_space<vmem>>) attributes {dimension_semantics = [], scalar_prefetch = 0 : i64, scratch_operands = 0 : i64, tpu.core_type = #tpu.core_type<tc>} {
    %get3A = arith.constant 0 : index
    %get3A_0 = arith.constant 0 : index
    %get3A_1 = arith.constant 0 : index
    %get3A_2 = vector.load %arg1[%get3A, %get3A_0, %get3A_1] : memref<3x4096x16xf32, #tpu.memory_space<vmem>>, vector<1x4096x1xf32>
    %get3A_3 = vector.shape_cast %get3A_2 : vector<1x4096x1xf32> to vector<4096x1xf32>
    %get3A_4 = arith.constant 0 : index
    %get3A_5 = arith.constant 0 : index
    %get3A_6 = arith.constant 0 : index
    %get3A_7 = arith.constant 0 : index
    %get3A_8 = vector.load %arg0[%get3A_4, %get3A_5, %get3A_6, %get3A_7] : memref<3x2x4096x64xf32, #tpu.memory_space<vmem>>, vector<1x1x4096x64xf32>
    %get3A_9 = vector.shape_cast %get3A_8 : vector<1x1x4096x64xf32> to vector<4096x64xf32>
    %mul3A = vector.broadcast %get3A_3 : vector<4096x1xf32> to vector<4096x64xf32>
    %mul3A_10 = arith.mulf %get3A_9, %mul3A : vector<4096x64xf32>
    %get3A_11 = arith.constant 0 : index
    %get3A_12 = arith.constant 1 : index
    %get3A_13 = arith.constant 0 : index
    %get3A_14 = arith.constant 0 : index
    %get3A_15 = vector.load %arg0[%get3A_11, %get3A_12, %get3A_13, %get3A_14] : memref<3x2x4096x64xf32, #tpu.memory_space<vmem>>, vector<1x1x4096x64xf32>
    %get3A_16 = vector.shape_cast %get3A_15 : vector<1x1x4096x64xf32> to vector<4096x64xf32>
    %mul3A_17 = vector.broadcast %get3A_3 : vector<4096x1xf32> to vector<4096x64xf32>
    %mul3A_18 = arith.mulf %get3A_16, %mul3A_17 : vector<4096x64xf32>
    %get3A_19 = arith.constant 0 : index
    %get3A_20 = arith.constant 0 : index
    %get3A_21 = vector.load %arg2[%get3A_19, %get3A_20] : memref<128x128xf32, #tpu.memory_space<vmem>>, vector<64x128xf32>
    %dot_general3A = arith.constant dense<0.000000e+00> : vector<4096x128xf32>
    %dot_general3A_22 = tpu.matmul %mul3A_10, %get3A_21, %dot_general3A {dimension_numbers = #tpu.dot_dimension_numbers<[1], [0], [0], [1], [0, 0, 1, 1], [], []>, transpose_lhs_hint = false} : vector<4096x64xf32>, vector<64x128xf32>, vector<4096x128xf32> -> vector<4096x128xf32>
    %get3A_23 = arith.constant 64 : index
    %get3A_24 = arith.constant 0 : index
    %get3A_25 = vector.load %arg2[%get3A_23, %get3A_24] : memref<128x128xf32, #tpu.memory_space<vmem>>, vector<64x128xf32>
    %dot_general3A_26 = arith.constant dense<0.000000e+00> : vector<4096x128xf32>
    %dot_general3A_27 = tpu.matmul %mul3A_18, %get3A_25, %dot_general3A_26 {dimension_numbers = #tpu.dot_dimension_numbers<[1], [0], [0], [1], [0, 0, 1, 1], [], []>, transpose_lhs_hint = false} : vector<4096x64xf32>, vector<64x128xf32>, vector<4096x128xf32> -> vector<4096x128xf32>
    %add3A = arith.addf %dot_general3A_22, %dot_general3A_27 : vector<4096x128xf32>
    %get3A_28 = arith.constant 0 : index
    %get3A_29 = arith.constant 0 : index
    %get3A_30 = vector.load %arg3[%get3A_28, %get3A_29] : memref<1x128xf32, #tpu.memory_space<vmem>>, vector<1x128xf32>
    %add3A_31 = vector.broadcast %get3A_30 : vector<1x128xf32> to vector<4096x128xf32>
    %add3A_32 = arith.addf %add3A, %add3A_31 : vector<4096x128xf32>
    %max3A = arith.constant 0.000000e+00 : f32
    %max3A_33 = vector.broadcast %max3A : f32 to vector<4096x128xf32>
    %max3A_34 = arith.maximumf %add3A_32, %max3A_33 : vector<4096x128xf32>
    %get3A_35 = arith.constant 0 : index
    %get3A_36 = arith.constant 0 : index
    %get3A_37 = vector.load %arg4[%get3A_35, %get3A_36] : memref<128x128xf32, #tpu.memory_space<vmem>>, vector<128x128xf32>
    %dot_general3A_38 = arith.constant dense<0.000000e+00> : vector<4096x128xf32>
    %dot_general3A_39 = tpu.matmul %max3A_34, %get3A_37, %dot_general3A_38 {dimension_numbers = #tpu.dot_dimension_numbers<[1], [0], [0], [1], [0, 0, 1, 1], [], []>, transpose_lhs_hint = false} : vector<4096x128xf32>, vector<128x128xf32>, vector<4096x128xf32> -> vector<4096x128xf32>
    %get3A_40 = arith.constant 0 : index
    %get3A_41 = arith.constant 0 : index
    %get3A_42 = vector.load %arg5[%get3A_40, %get3A_41] : memref<1x128xf32, #tpu.memory_space<vmem>>, vector<1x128xf32>
    %add3A_43 = vector.broadcast %get3A_42 : vector<1x128xf32> to vector<4096x128xf32>
    %add3A_44 = arith.addf %dot_general3A_39, %add3A_43 : vector<4096x128xf32>
    %get3A_45 = arith.constant 1 : index
    %get3A_46 = arith.constant 0 : index
    %get3A_47 = arith.constant 0 : index
    %get3A_48 = vector.load %arg1[%get3A_45, %get3A_46, %get3A_47] : memref<3x4096x16xf32, #tpu.memory_space<vmem>>, vector<1x4096x1xf32>
    %get3A_49 = vector.shape_cast %get3A_48 : vector<1x4096x1xf32> to vector<4096x1xf32>
    %get3A_50 = arith.constant 1 : index
    %get3A_51 = arith.constant 0 : index
    %get3A_52 = arith.constant 0 : index
    %get3A_53 = arith.constant 0 : index
    %get3A_54 = vector.load %arg0[%get3A_50, %get3A_51, %get3A_52, %get3A_53] : memref<3x2x4096x64xf32, #tpu.memory_space<vmem>>, vector<1x1x4096x64xf32>
    %get3A_55 = vector.shape_cast %get3A_54 : vector<1x1x4096x64xf32> to vector<4096x64xf32>
    %mul3A_56 = vector.broadcast %get3A_49 : vector<4096x1xf32> to vector<4096x64xf32>
    %mul3A_57 = arith.mulf %get3A_55, %mul3A_56 : vector<4096x64xf32>
    %get3A_58 = arith.constant 1 : index
    %get3A_59 = arith.constant 1 : index
    %get3A_60 = arith.constant 0 : index
    %get3A_61 = arith.constant 0 : index
    %get3A_62 = vector.load %arg0[%get3A_58, %get3A_59, %get3A_60, %get3A_61] : memref<3x2x4096x64xf32, #tpu.memory_space<vmem>>, vector<1x1x4096x64xf32>
    %get3A_63 = vector.shape_cast %get3A_62 : vector<1x1x4096x64xf32> to vector<4096x64xf32>
    %mul3A_64 = vector.broadcast %get3A_49 : vector<4096x1xf32> to vector<4096x64xf32>
    %mul3A_65 = arith.mulf %get3A_63, %mul3A_64 : vector<4096x64xf32>
    %get3A_66 = arith.constant 0 : index
    %get3A_67 = arith.constant 0 : index
    %get3A_68 = vector.load %arg2[%get3A_66, %get3A_67] : memref<128x128xf32, #tpu.memory_space<vmem>>, vector<64x128xf32>
    %dot_general3A_69 = arith.constant dense<0.000000e+00> : vector<4096x128xf32>
    %dot_general3A_70 = tpu.matmul %mul3A_57, %get3A_68, %dot_general3A_69 {dimension_numbers = #tpu.dot_dimension_numbers<[1], [0], [0], [1], [0, 0, 1, 1], [], []>, transpose_lhs_hint = false} : vector<4096x64xf32>, vector<64x128xf32>, vector<4096x128xf32> -> vector<4096x128xf32>
    %get3A_71 = arith.constant 64 : index
    %get3A_72 = arith.constant 0 : index
    %get3A_73 = vector.load %arg2[%get3A_71, %get3A_72] : memref<128x128xf32, #tpu.memory_space<vmem>>, vector<64x128xf32>
    %dot_general3A_74 = arith.constant dense<0.000000e+00> : vector<4096x128xf32>
    %dot_general3A_75 = tpu.matmul %mul3A_65, %get3A_73, %dot_general3A_74 {dimension_numbers = #tpu.dot_dimension_numbers<[1], [0], [0], [1], [0, 0, 1, 1], [], []>, transpose_lhs_hint = false} : vector<4096x64xf32>, vector<64x128xf32>, vector<4096x128xf32> -> vector<4096x128xf32>
    %add3A_76 = arith.addf %dot_general3A_70, %dot_general3A_75 : vector<4096x128xf32>
    %get3A_77 = arith.constant 0 : index
    %get3A_78 = arith.constant 0 : index
    %get3A_79 = vector.load %arg3[%get3A_77, %get3A_78] : memref<1x128xf32, #tpu.memory_space<vmem>>, vector<1x128xf32>
    %add3A_80 = vector.broadcast %get3A_79 : vector<1x128xf32> to vector<4096x128xf32>
    %add3A_81 = arith.addf %add3A_76, %add3A_80 : vector<4096x128xf32>
    %max3A_82 = arith.constant 0.000000e+00 : f32
    %max3A_83 = vector.broadcast %max3A_82 : f32 to vector<4096x128xf32>
    %max3A_84 = arith.maximumf %add3A_81, %max3A_83 : vector<4096x128xf32>
    %get3A_85 = arith.constant 0 : index
    %get3A_86 = arith.constant 0 : index
    %get3A_87 = vector.load %arg4[%get3A_85, %get3A_86] : memref<128x128xf32, #tpu.memory_space<vmem>>, vector<128x128xf32>
    %dot_general3A_88 = arith.constant dense<0.000000e+00> : vector<4096x128xf32>
    %dot_general3A_89 = tpu.matmul %max3A_84, %get3A_87, %dot_general3A_88 {dimension_numbers = #tpu.dot_dimension_numbers<[1], [0], [0], [1], [0, 0, 1, 1], [], []>, transpose_lhs_hint = false} : vector<4096x128xf32>, vector<128x128xf32>, vector<4096x128xf32> -> vector<4096x128xf32>
    %get3A_90 = arith.constant 0 : index
    %get3A_91 = arith.constant 0 : index
    %get3A_92 = vector.load %arg5[%get3A_90, %get3A_91] : memref<1x128xf32, #tpu.memory_space<vmem>>, vector<1x128xf32>
    %add3A_93 = vector.broadcast %get3A_92 : vector<1x128xf32> to vector<4096x128xf32>
    %add3A_94 = arith.addf %dot_general3A_89, %add3A_93 : vector<4096x128xf32>
    %get3A_95 = arith.constant 2 : index
    %get3A_96 = arith.constant 0 : index
    %get3A_97 = arith.constant 0 : index
    %get3A_98 = vector.load %arg1[%get3A_95, %get3A_96, %get3A_97] : memref<3x4096x16xf32, #tpu.memory_space<vmem>>, vector<1x4096x1xf32>
    %get3A_99 = vector.shape_cast %get3A_98 : vector<1x4096x1xf32> to vector<4096x1xf32>
    %get3A_100 = arith.constant 2 : index
    %get3A_101 = arith.constant 0 : index
    %get3A_102 = arith.constant 0 : index
    %get3A_103 = arith.constant 0 : index
    %get3A_104 = vector.load %arg0[%get3A_100, %get3A_101, %get3A_102, %get3A_103] : memref<3x2x4096x64xf32, #tpu.memory_space<vmem>>, vector<1x1x4096x64xf32>
    %get3A_105 = vector.shape_cast %get3A_104 : vector<1x1x4096x64xf32> to vector<4096x64xf32>
    %mul3A_106 = vector.broadcast %get3A_99 : vector<4096x1xf32> to vector<4096x64xf32>
    %mul3A_107 = arith.mulf %get3A_105, %mul3A_106 : vector<4096x64xf32>
    %get3A_108 = arith.constant 2 : index
    %get3A_109 = arith.constant 1 : index
    %get3A_110 = arith.constant 0 : index
    %get3A_111 = arith.constant 0 : index
    %get3A_112 = vector.load %arg0[%get3A_108, %get3A_109, %get3A_110, %get3A_111] : memref<3x2x4096x64xf32, #tpu.memory_space<vmem>>, vector<1x1x4096x64xf32>
    %get3A_113 = vector.shape_cast %get3A_112 : vector<1x1x4096x64xf32> to vector<4096x64xf32>
    %mul3A_114 = vector.broadcast %get3A_99 : vector<4096x1xf32> to vector<4096x64xf32>
    %mul3A_115 = arith.mulf %get3A_113, %mul3A_114 : vector<4096x64xf32>
    %get3A_116 = arith.constant 0 : index
    %get3A_117 = arith.constant 0 : index
    %get3A_118 = vector.load %arg2[%get3A_116, %get3A_117] : memref<128x128xf32, #tpu.memory_space<vmem>>, vector<64x128xf32>
    %dot_general3A_119 = arith.constant dense<0.000000e+00> : vector<4096x128xf32>
    %dot_general3A_120 = tpu.matmul %mul3A_107, %get3A_118, %dot_general3A_119 {dimension_numbers = #tpu.dot_dimension_numbers<[1], [0], [0], [1], [0, 0, 1, 1], [], []>, transpose_lhs_hint = false} : vector<4096x64xf32>, vector<64x128xf32>, vector<4096x128xf32> -> vector<4096x128xf32>
    %get3A_121 = arith.constant 64 : index
    %get3A_122 = arith.constant 0 : index
    %get3A_123 = vector.load %arg2[%get3A_121, %get3A_122] : memref<128x128xf32, #tpu.memory_space<vmem>>, vector<64x128xf32>
    %dot_general3A_124 = arith.constant dense<0.000000e+00> : vector<4096x128xf32>
    %dot_general3A_125 = tpu.matmul %mul3A_115, %get3A_123, %dot_general3A_124 {dimension_numbers = #tpu.dot_dimension_numbers<[1], [0], [0], [1], [0, 0, 1, 1], [], []>, transpose_lhs_hint = false} : vector<4096x64xf32>, vector<64x128xf32>, vector<4096x128xf32> -> vector<4096x128xf32>
    %add3A_126 = arith.addf %dot_general3A_120, %dot_general3A_125 : vector<4096x128xf32>
    %get3A_127 = arith.constant 0 : index
    %get3A_128 = arith.constant 0 : index
    %get3A_129 = vector.load %arg3[%get3A_127, %get3A_128] : memref<1x128xf32, #tpu.memory_space<vmem>>, vector<1x128xf32>
    %add3A_130 = vector.broadcast %get3A_129 : vector<1x128xf32> to vector<4096x128xf32>
    %add3A_131 = arith.addf %add3A_126, %add3A_130 : vector<4096x128xf32>
    %max3A_132 = arith.constant 0.000000e+00 : f32
    %max3A_133 = vector.broadcast %max3A_132 : f32 to vector<4096x128xf32>
    %max3A_134 = arith.maximumf %add3A_131, %max3A_133 : vector<4096x128xf32>
    %get3A_135 = arith.constant 0 : index
    %get3A_136 = arith.constant 0 : index
    %get3A_137 = vector.load %arg4[%get3A_135, %get3A_136] : memref<128x128xf32, #tpu.memory_space<vmem>>, vector<128x128xf32>
    %dot_general3A_138 = arith.constant dense<0.000000e+00> : vector<4096x128xf32>
    %dot_general3A_139 = tpu.matmul %max3A_134, %get3A_137, %dot_general3A_138 {dimension_numbers = #tpu.dot_dimension_numbers<[1], [0], [0], [1], [0, 0, 1, 1], [], []>, transpose_lhs_hint = false} : vector<4096x128xf32>, vector<128x128xf32>, vector<4096x128xf32> -> vector<4096x128xf32>
    %get3A_140 = arith.constant 0 : index
    %get3A_141 = arith.constant 0 : index
    %get3A_142 = vector.load %arg5[%get3A_140, %get3A_141] : memref<1x128xf32, #tpu.memory_space<vmem>>, vector<1x128xf32>
    %add3A_143 = vector.broadcast %get3A_142 : vector<1x128xf32> to vector<4096x128xf32>
    %add3A_144 = arith.addf %dot_general3A_139, %add3A_143 : vector<4096x128xf32>
    %mul3A_145 = arith.mulf %add3A_44, %add3A_44 : vector<4096x128xf32>
    %reduce_sum3A = arith.constant dense<0.000000e+00> : vector<4096xf32>
    %reduce_sum3A_146 = vector.multi_reduction <add>, %mul3A_145, %reduce_sum3A [1] : vector<4096x128xf32> to vector<4096xf32>
    %broadcast_in_dim3A = vector.shape_cast %reduce_sum3A_146 : vector<4096xf32> to vector<4096x1xf32>
    %sqrt3A = math.sqrt %broadcast_in_dim3A : vector<4096x1xf32>
    %max3A_147 = arith.constant 9.99999993E-9 : f32
    %max3A_148 = vector.broadcast %max3A_147 : f32 to vector<4096x1xf32>
    %max3A_149 = arith.maximumf %sqrt3A, %max3A_148 : vector<4096x1xf32>
    %mul3A_150 = arith.mulf %add3A_44, %add3A_94 : vector<4096x128xf32>
    %reduce_sum3A_151 = arith.constant dense<0.000000e+00> : vector<4096xf32>
    %reduce_sum3A_152 = vector.multi_reduction <add>, %mul3A_150, %reduce_sum3A_151 [1] : vector<4096x128xf32> to vector<4096xf32>
    %broadcast_in_dim3A_153 = vector.shape_cast %reduce_sum3A_152 : vector<4096xf32> to vector<4096x1xf32>
    %mul3A_154 = arith.mulf %add3A_94, %add3A_94 : vector<4096x128xf32>
    %reduce_sum3A_155 = arith.constant dense<0.000000e+00> : vector<4096xf32>
    %reduce_sum3A_156 = vector.multi_reduction <add>, %mul3A_154, %reduce_sum3A_155 [1] : vector<4096x128xf32> to vector<4096xf32>
    %broadcast_in_dim3A_157 = vector.shape_cast %reduce_sum3A_156 : vector<4096xf32> to vector<4096x1xf32>
    %sqrt3A_158 = math.sqrt %broadcast_in_dim3A_157 : vector<4096x1xf32>
    %max3A_159 = arith.constant 9.99999993E-9 : f32
    %max3A_160 = vector.broadcast %max3A_159 : f32 to vector<4096x1xf32>
    %max3A_161 = arith.maximumf %sqrt3A_158, %max3A_160 : vector<4096x1xf32>
    %mul3A_162 = arith.mulf %max3A_149, %max3A_161 : vector<4096x1xf32>
    %div3A = arith.divf %broadcast_in_dim3A_153, %mul3A_162 : vector<4096x1xf32>
    %mul3A_163 = arith.mulf %add3A_44, %add3A_144 : vector<4096x128xf32>
    %reduce_sum3A_164 = arith.constant dense<0.000000e+00> : vector<4096xf32>
    %reduce_sum3A_165 = vector.multi_reduction <add>, %mul3A_163, %reduce_sum3A_164 [1] : vector<4096x128xf32> to vector<4096xf32>
    %broadcast_in_dim3A_166 = vector.shape_cast %reduce_sum3A_165 : vector<4096xf32> to vector<4096x1xf32>
    %mul3A_167 = arith.mulf %add3A_144, %add3A_144 : vector<4096x128xf32>
    %reduce_sum3A_168 = arith.constant dense<0.000000e+00> : vector<4096xf32>
    %reduce_sum3A_169 = vector.multi_reduction <add>, %mul3A_167, %reduce_sum3A_168 [1] : vector<4096x128xf32> to vector<4096xf32>
    %broadcast_in_dim3A_170 = vector.shape_cast %reduce_sum3A_169 : vector<4096xf32> to vector<4096x1xf32>
    %sqrt3A_171 = math.sqrt %broadcast_in_dim3A_170 : vector<4096x1xf32>
    %max3A_172 = arith.constant 9.99999993E-9 : f32
    %max3A_173 = vector.broadcast %max3A_172 : f32 to vector<4096x1xf32>
    %max3A_174 = arith.maximumf %sqrt3A_171, %max3A_173 : vector<4096x1xf32>
    %mul3A_175 = arith.mulf %max3A_149, %max3A_174 : vector<4096x1xf32>
    %div3A_176 = arith.divf %broadcast_in_dim3A_166, %mul3A_175 : vector<4096x1xf32>
    %sub3A = arith.subf %div3A_176, %div3A : vector<4096x1xf32>
    %div3A_177 = arith.constant 2.000000e-01 : f32
    %div3A_178 = vector.broadcast %div3A_177 : f32 to vector<4096x1xf32>
    %div3A_179 = arith.divf %sub3A, %div3A_178 : vector<4096x1xf32>
    %exp3A = math.exp %div3A_179 : vector<4096x1xf32>
    %add3A_180 = arith.constant 1.000000e+00 : f32
    %add3A_181 = vector.broadcast %add3A_180 : f32 to vector<4096x1xf32>
    %add3A_182 = arith.addf %add3A_181, %exp3A : vector<4096x1xf32>
    %log3A = math.log %add3A_182 : vector<4096x1xf32>
    %reduce_sum3A_183 = arith.constant dense<0.000000e+00> : vector<1xf32>
    %reduce_sum3A_184 = vector.multi_reduction <add>, %log3A, %reduce_sum3A_183 [0] : vector<4096x1xf32> to vector<1xf32>
    %broadcast_in_dim3A_185 = vector.shape_cast %reduce_sum3A_184 : vector<1xf32> to vector<1x1xf32>
    %div3A_186 = arith.constant 4.096000e+03 : f32
    %div3A_187 = vector.broadcast %div3A_186 : f32 to vector<1x1xf32>
    %div3A_188 = arith.divf %broadcast_in_dim3A_185, %div3A_187 : vector<1x1xf32>
    %swap3A = arith.constant 0 : index
    %swap3A_189 = arith.constant 0 : index
    %swap3A_190 = vector.load %arg6[%swap3A, %swap3A_189] : memref<1x1xf32, #tpu.memory_space<vmem>>, vector<1x1xf32>
    tpu.vector_store %arg6[%swap3A, %swap3A_189], %div3A_188 {strides = array<i32>} : memref<1x1xf32, #tpu.memory_space<vmem>>, vector<1x1xf32>,
    return
  }
}

</mosaic_0001>

<sc_bundles>
// kernel: kernel.11.cloned.1.call-start
scs
__scs_entry_jumppad:
0x0: {  	(pc) =	sbr.rel $0x88, $3  }
0x1: {  	(tag) =	ssettag $0x0;
	lr =	simm.s32 $0x1  }
0x2: {  	[smem:$0x3F94] =	sst lr;
	_ =	strace $0xD0000000  }
0x3: {  	_ = 	snop  }
0x4: {  	_ = 	snop  }
0x5: {  	_ = 	snop  }
0x6: {  	_ = 	snop  }
0x7: {  	_ = 	snop  }
__scs_overlays_trampoline_lowered:
0x8: {  	[smem:$0x3FA3] =	sst s0  }
0x9: {  	[smem:$0x3FA4] =	sst s1  }
0xa: {  	[smem:$0x3FA5] =	sst s2  }
0xb: {  	[smem:$0x3FA6] =	sst s3  }
0xc: {  	[smem:$0x3FA7] =	sst s4  }
0xd: {  	[smem:$0x3FA8] =	sst s5  }
0xe: {  	[smem:$0x3FA9] =	sst s6  }
0xf: {  	[smem:$0x3FAA] =	sst s7  }
0x10: {  	[smem:$0x3FAB] =	sst s8  }
0x11: {  	[smem:$0x3FAC] =	sst s9;
	s0 =	simm.s32 @!p0 $0x0  }
0x12: {  	s1 =	sld [smem:$0x3F92];
	s0 =	simm.s32 @p0 $0x1  }
0x13: {  	[smem:$0x3FAD] =	sst s0;
	s0 =	simm.s32 @!p1 $0x0  }
0x14: {  	s2 =	sld [smem:$0x3F91];
	s0 =	simm.s32 @p1 $0x1  }
0x15: {  	[smem:$0x3FAE] =	sst s0;
	s0 =	simm.s32 @!p2 $0x0  }
0x16: {  	s3 =	sld [smem:$0x3FDB];
	s0 =	simm.s32 @p2 $0x1  }
0x17: {  	s4 =	simm.s32 $0x1BF5;
	[smem:$0x3FB0] =	sst s0  }
0x18: {  	s0 =	sld [smem:$0x3F93];
	_ =	swait.ge [sflag:s4], $0x0  }
0x19: {  	s7 =	sld [smem:$0x3F94]  }
0x1a: {  	s8 =	sadd.s32 $0xFFFFE003, lr  }
0x1b: {  	s9 =	sadd.s32 $0xFFFFFEF7, lr;
	s5 =	simm.s32 $0xFFFFFFFF;
	p2 =	slt.u32 s8, $0xFFFFF086  }
0x1c: {  	p1 =	slt.u32 s9, $0xF7A;
	s5 =	simm.s32 @!p2 $0x0  }
0x1d: {  	s5 =	simm.s32 @p1 $0x1;
	p0 =	seq.s32 s7, s2  }
0x1e: {  	s7 =	smul.u32 @!p0 $0xF7A, s2;
	p2 =	seq.s32 @!p0 s5, $0x0  }
0x1f: {  	s9 =	smul.u32 $0xF7A, s1;
	s8 =	simm.s32 @!p0 $0x1BF5;
	p2 =	por !p2, p0  }
0x20: {  	[sflag:s8] =	ssyncset.s32 @!p0 $0xFFFFF086;
	s6 =	sadd.s32 @!p0 s3, s7;
	s7 =	simm.s32 @!p0 $0x108  }
0x21: {  	s3 =	sadd.s32 s3, s9;
	s6 =	sadd.s32 @!p0 $0x88, s6;
	s7 =	simm.s32 @p2 $0x1082  }
0x22: {  	[simem:s7], [sflag:s8] =	dma.local @!p0 [hbm:s6], $0xF7A  }
0x23: {  	s9 =	sor.u32 $0xD0000000, s2;
	s6 =	simm.s32 $0x108;
	_ =	swait.ge @!p0 [sflag:s8], $0x0  }
0x24: {  	s3 =	sadd.s32 $0x88, s3;
	s6 =	simm.s32 @!p1 $0x1082;
	[sflag:s4] =	ssyncset.s32 $0xFFFFF086  }
0x25: {  	[simem:s6], [sflag:s4] =	dma.local [hbm:s3], $0xF7A  }
0x26: {  	[smem:$0x3F94] =	sst s1;
	(tag) =	ssettag s2;
	_ =	strace s9  }
0x27: {  	s1 =	sld [smem:$0x3FA4]  }
0x28: {  	s2 =	sld [smem:$0x3FA5]  }
0x29: {  	s4 =	sld [smem:$0x3FA7]  }
0x2a: {  	p0 =	seq.s32 s5, $0x0;
	s5 =	sld [smem:$0x3FA8]  }
0x2b: {  	s6 =	sld [smem:$0x3FA9]  }
0x2c: {  	s7 =	sld [smem:$0x3FAA]  }
0x2d: {  	s3 =	simm.s32 $0x108;
	s8 =	sld [smem:$0x3FAB]  }
0x2e: {  	s3 =	simm.s32 @!p0 $0x1082;
	s9 =	sld [smem:$0x3FAC]  }
0x2f: {  	lr =	sadd.s32 s0, s3;
	s0 =	sld [smem:$0x3FA3]  }
0x30: {  	s3 =	sld [smem:$0x3FA6]  }
0x31: {  	[smem:$0x3FAF] =	sst s10  }
0x32: {  	s10 =	sld [smem:$0x3FAD];
	_ =	sdelay $0x3  }
0x33: {  	p0 =	seq.s32 s10, $0x1;
	s10 =	sld [smem:$0x3FAF];
	_ =	sdelay $0x3  }
0x34: {  	[smem:$0x3FAF] =	sst s10  }
0x35: {  	s10 =	sld [smem:$0x3FAE];
	_ =	sdelay $0x3  }
0x36: {  	p1 =	seq.s32 s10, $0x1;
	s10 =	sld [smem:$0x3FAF];
	_ =	sdelay $0x3  }
0x37: {  	[smem:$0x3FAF] =	sst s10  }
0x38: {  	s10 =	sld [smem:$0x3FB0]  }
0x39: {  	_ = 	snop;
	(pc) =	sbr.ind lr, $3  }
0x3a: {  	_ = 	snop  }
0x3b: {  	_ = 	snop  }
0x3c: {  	p2 =	seq.s32 s10, $0x1;
	s10 =	sld [smem:$0x3FAF]  }
0x3d: {  	_ =	shalt  }
0x3e: {  	_ =	shalt  }
0x3f: {  	_ =	shalt  }
0x40: {  	_ =	shalt  }
0x41: {  	_ =	shalt  }
0x42: {  	_ =	shalt  }
0x43: {  	_ =	shalt  }
0x44: {  	_ =	shalt  }
0x45: {  	_ =	shalt  }
0x46: {  	_ =	shalt  }
0x47: {  	_ =	shalt  }
0x48: {  	_ =	shalt  }
0x49: {  	_ =	shalt  }
0x4a: {  	_ =	shalt  }
0x4b: {  	_ =	shalt  }
0x4c: {  	_ =	shalt  }
0x4d: {  	_ =	shalt  }
0x4e: {  	_ =	shalt  }
0x4f: {  	_ =	shalt  }
0x50: {  	_ =	shalt  }
0x51: {  	_ =	shalt  }
0x52: {  	_ =	shalt  }
0x53: {  	_ =	shalt  }
0x54: {  	_ =	shalt  }
0x55: {  	_ =	shalt  }
0x56: {  	_ =	shalt  }
0x57: {  	_ =	shalt  }
0x58: {  	_ =	shalt  }
0x59: {  	_ =	shalt  }
0x5a: {  	_ =	shalt  }
0x5b: {  	_ =	shalt  }
0x5c: {  	_ =	shalt  }
0x5d: {  	_ =	shalt  }
0x5e: {  	_ =	shalt  }
0x5f: {  	_ =	shalt  }
0x60: {  	_ =	shalt  }
0x61: {  	_ =	shalt  }
0x62: {  	_ =	shalt  }
0x63: {  	_ =	shalt  }
0x64: {  	_ =	shalt  }
0x65: {  	_ =	shalt  }
0x66: {  	_ =	shalt  }
0x67: {  	_ =	shalt  }
0x68: {  	_ =	shalt  }
0x69: {  	_ =	shalt  }
0x6a: {  	_ =	shalt  }
0x6b: {  	_ =	shalt  }
0x6c: {  	_ =	shalt  }
0x6d: {  	_ =	shalt  }
0x6e: {  	_ =	shalt  }
0x6f: {  	_ =	shalt  }
0x70: {  	_ =	shalt  }
0x71: {  	_ =	shalt  }
0x72: {  	_ =	shalt  }
0x73: {  	_ =	shalt  }
0x74: {  	_ =	shalt  }
0x75: {  	_ =	shalt  }
0x76: {  	_ =	shalt  }
0x77: {  	_ =	shalt  }
0x78: {  	_ =	shalt  }
0x79: {  	_ =	shalt  }
0x7a: {  	_ =	shalt  }
0x7b: {  	_ =	shalt  }
0x7c: {  	_ =	shalt  }
0x7d: {  	_ =	shalt  }
0x7e: {  	_ =	shalt  }
0x7f: {  	_ =	shalt  }
0x80: {  	_ =	shalt  }
0x81: {  	_ =	shalt  }
0x82: {  	_ =	shalt  }
0x83: {  	_ =	shalt  }
0x84: {  	_ =	shalt  }
0x85: {  	_ =	shalt  }
0x86: {  	_ =	shalt  }
0x87: {  	_ =	shalt  }
.Lfunc_end0:
.L_simem_size_0:
called_computation.1_lowered:
.L_overlay_start_0:
0x88: {  	s2 =	sld [smem:$0x3FD9]  }
0x89: {  	s3 =	sld [smem:$0x3FFE];
	_ =	sdelay $0x1  }
0x8a: {  	s1 =	srdreg.scid  }
0x8b: {  	s0 =	sand.u32 $0x1, s1  }
0x8c: {  	s16 =	sshll.u32 s0, $0xA;
	s2 =	sadd.s32 s3, s2  }
0x8d: {  	s2 =	sadd.s32 s2, s16  }
0x8e: {  	[smem:$0x3FBB] =	sst s2  }
0x8f: {  	_ = 	snop  }
0x90: {  	(tm) =	ssettm $0x1  }
0x91: {  	s17 =	sld [smem:$0x3FFB];
	_ =	sdelay $0x3  }
0x92: {  	_ =	strace s17  }
0x93: {  	s2 =	sld [smem:$0x3FFC];
	_ =	sdelay $0x3  }
0x94: {  	_ =	strace s2  }
0x95: {  	s2 =	sld [smem:$0x3FFD];
	_ =	sdelay $0x3  }
0x96: {  	_ =	strace s2  }
0x97: {  	_ =	strace $0x8FFFFFFF  }
0x98: {  	s18 =	sld [smem:$0x3FDB];
	_ =	sdelay $0x1  }
0x99: {  	s19 =	simm.s32 $_scs_section_size  }
0x9a: {  	s4 =	simm.s32 $_size__tile_overlayer_lowered;
	s5 =	simm.s32 $_tile_overlayer_lowered  }
0x9b: {  	s22 =	simm.s32 $0x1BFF;
	s21 =	sshll.u32 s5, $0x1;
	s2 =	sadd.s32 s19, s18  }
0x9c: {  	s6 =	simm.s32 $0x0;
	s20 =	sshll.u32 s4, $0x1;
	s4 =	sadd.s32 s21, s2  }
0x9d: {  	[timem:s6], [sflag:s22] =	dma.local [hbm:s4], s20  }
0x9e: {  	_ =	swait.ge [sflag:s22], s20  }
0x9f: {  	s3 =	ssub.s32 $0x0, s20;
	[sflag:s22] =	ssyncset.done $0x0  }
0xa0: {  	[sflag:s22] =	ssyncadd.s32 s3;
	_ =	sdelay $0x1  }
0xa1: {  	s23 =	simm.s32 $0x1B8B  }
0xa2: {  	_ =	swait.ge [sflag:s23], $0x1  }
0xa3: {  	[sflag:s23] =	ssyncset.done $0x0  }
0xa4: {  	s25 =	simm.s32 $0x1B8E;
	s24 =	sld [smem:$0x3FFE];
	[sflag:s23] =	ssyncadd.s32 $0xFFFFFFFF  }
0xa5: {  	s26 =	simm.s32 $execute0_lowered;
	[smem:$0x3FD2] =	sst s25  }
0xa6: {  	s4 =	sshll.u32 s26, $0x1;
	_ =	strace $0x80000049;
	[dreg:$0x1] =	wrdreg $0xFFFFFFFF  }
0xa7: {  	s28 =	simm.s32 $_size_execute0_lowered;
	s2 =	sadd.s32 s2, s4;
	[dreg:$0x0] =	wrdreg $0x0  }
0xa8: {  	s4 =	sshll.u32 s28, $0x1;
	[dreg:$0x2] =	wrdreg s2  }
0xa9: {  	[dreg:$0x3] =	wrdreg s4  }
0xaa: {  	[dreg:$0x4] =	wrdreg $0xC0  }
0xab: {  	_ =	task [dreg:s6], $0x5FFFF  }
0xac: {  	[dreg:$0x1] =	wrdreg $0xFFFFFFFF  }
0xad: {  	[dreg:$0x0] =	wrdreg $0x60  }
0xae: {  	[dreg:$0x2] =	wrdreg s24  }
0xaf: {  	[dreg:$0x3] =	wrdreg $0x138000  }
0xb0: {  	[dreg:$0x4] =	wrdreg $0x9  }
0xb1: {  	_ =	task.clear_ibuf [dreg:s6], $0x5FFFF;
	_ =	strace $0x90000049  }
0xb2: {  	s29 =	simm.s32 $0x9;
	_ =	strace $0x8000004B  }
0xb3: {  	_ =	swait.ge [sflag:s29], $0x1  }
0xb4: {  	[sflag:s29] =	ssyncadd.s32 $0xFFFFFFFF  }
0xb5: {  	_ =	strace $0x9000004B  }
0xb6: {  	_ =	sfence  }
0xb7: {  	s30 =	sld [smem:$0x0];
	_ =	sdelay $0x2  }
0xb8: {  	s31 =	sshll.u32 s1, $0xD;
	s1 =	sshrl.u32 s1, $0x2  }
0xb9: {  	s3 =	sand.u32 $0x4000, s31;
	s1 =	sadd.s32 s1, s30  }
0xba: {  	s0 =	sor.u32 s3, s0;
	s1 =	sshll.u32 s1, $0x11  }
0xbb: {  	s0 =	sor.u32 s1, s0  }
0xbc: {  	s0 =	sadd.s32 $0x8F2B, s0  }
0xbd: {  	[sflag:s0] =	ssyncadd.remote.s32 $0x1  }
0xbe: {  	_ =	sfence.sel $0xFFFF  }
0xbf: {  	[dreg:$0x0] =	wrdreg $0xFFFFFFFF;
	(pc) =	sbr.abs _section_cstart, $3  }
0xc0: {  	[dreg:$0x1] =	wrdreg $0xFFFFFFFF  }
0xc1: {  	_ =	task.clear_ibuf [dreg:s6], $0x2FFFF;
	_ =	strace $0x9FFFFFFF  }
0xc2: {  	(tm) =	ssettm $0x7FFFFFFF  }
0xc3: {  	_ =	shalt  }
tec
execute0_lowered:
.L_overlay_start_1:
0x0: {  	(tag) =	ssettag $0x1  }
0x1: {  	s0 =	srdreg.scid  }
0x2: {  	s9 =	stileid.u32;
	s1 =	rddreg [dreg:$0x0]  }
0x3: {  	s2 =	rddreg [dreg:$0x1];
	s3 =	simm.s32 $0x0;
	s5 =	smul.u32 $0x5400, s9  }
0x4: {  	s28 =	simm.s32 $0xA800;
	s29 =	simm.s32 $0xC800;
	s7 =	smul.u32 $0x27800, s9  }
0x5: {  	s30 =	simm.s32 $0x1;
	s0 =	sand.u32 $0x1, s0;
	s10 =	smul.u32 $0x9E00, s9  }
0x6: {  	s31 =	simm.s32 $0x10800;
	[smem:$0x7FF] =	sst s3;
	s4 =	smul.u32 $0x54000, s0  }
0x7: {  	_ =	strace $0x8000004A;
	s19 =	ssub.s32 $0x2, s0;
	s0 =	smul.u32 $0x9E000, s0  }
0x8: {  	s20 =	sshrl.u32 s19, $0x1;
	s7 =	sshrl.u32 s7, $0x2;
	s15 =	sadd.s32 $0x2000, s10  }
0x9: {  	s16 =	sadd.s32 $0x4000, s10;
	s17 =	sadd.s32 $0x6000, s10;
	s18 =	sadd.s32 $0x8000, s10  }
0xa: {  	s6 =	sadd.s32 s5, s4;
	s4 =	sadd.s32 $0x7B200, s1;
	s5 =	sshrl.u32 s5, $0x3  }
0xb: {  	s12 =	ssub.s32 s19, s20;
	s14 =	sadd.s32 s7, s2;
	s9 =	sadd.s32 s16, s2  }
0xc: {  	s23 =	sadd.s32 s0, s15;
	s25 =	sadd.s32 s0, s16;
	s26 =	sadd.s32 s0, s17  }
0xd: {  	s16 =	simm.s32 $0x0;
	s6 =	sshrl.u32 s6, $0x3;
	s8 =	sadd.s32 s5, s1  }
0xe: {  	s5 =	sadd.s32 s10, s2;
	s7 =	sadd.s32 $0x1000, s14;
	s21 =	sadd.s32 $0x3000, s14  }
0xf: {  	s11 =	sadd.s32 $0x5000, s14;
	s13 =	sadd.s32 $0x7000, s14;
	s14 =	sadd.s32 $0x9000, s14  }
0x10: {  	s10 =	sadd.s32 s10, s0;
	s24 =	sshrl.u32 s23, $0x3;
	[dreg:$0x3] =	wrdreg s7  }
0x11: {  	s0 =	sadd.s32 s0, s18;
	s23 =	simm.s32 $0x12800;
	[dreg:$0x4] =	wrdreg s21  }
0x12: {  	s6 =	sadd.s32 s6, s1;
	s1 =	sadd.s32 $0xA2A00, s1;
	[dreg:$0x5] =	wrdreg s11  }
0x13: {  	s7 =	sadd.s32 s15, s2;
	s11 =	sadd.s32 s17, s2;
	[dreg:$0x6] =	wrdreg s13  }
0x14: {  	s13 =	sadd.s32 s18, s2;
	[dreg:$0x7] =	wrdreg s14;
	s22 =	sshrl.u32 s10, $0x3  }
0x15: {  	s8 =	sadd.s32 $0x2C00, s8;
	s0 =	sshrl.u32 s0, $0x3;
	s10 =	simm.s32 $0x4  }
0x16: {  	s14 =	simm.s32 $0x7;
	s15 =	simm.s32 $0x8;
	s6 =	sadd.s32 $0x17200, s6  }
0x17: {  	[dreg:$0x9] =	wrdreg s8;
	s8 =	sshrl.u32 s26, $0x3;
	s21 =	sadd.s32 s1, s0  }
0x18: {  	s26 =	simm.s32 $0x80;
	s0 =	simm.s32 $0x2;
	[dreg:$0x8] =	wrdreg s6  }
0x19: {  	s6 =	sadd.s32 s1, s22;
	s20 =	sadd.s32 s1, s8;
	s22 =	smax.u32 s12, $0x1  }
0x1a: {  	s8 =	simm.s32 $0x5;
	[dreg:$0xa] =	wrdreg s6;
	s6 =	sadd.s32 s1, s24  }
0x1b: {  	s12 =	simm.s32 $0x6;
	[dreg:$0xb] =	wrdreg s6;
	s6 =	sshrl.u32 s25, $0x3  }
0x1c: {  	s24 =	simm.s32 $0x9;
	s25 =	simm.s32 $0x5400;
	s6 =	sadd.s32 s1, s6  }
0x1d: {  	v0 =	vimm.f32 $0.0e+00;
	s1 =	simm.s32 $0xE800;
	[dreg:$0xc] =	wrdreg s6;
	s6 =	simm.s32 $0x3  }
.LBB2_1:
0x1e: {  	s18 =	simm.s32 $0x100;
	s17 =	simm.s32 $0x0  }
.LBB2_2:
0x1f: {  	p0 =	sne.s32 s18, $0x3F00;
	[tilespmem:s17+$0x12830] =	vst v0;
	s19 =	smov.u32 s18;
	s18 =	sadd.s32 $0x100, s18  }
.Ltmp0:
0x20: {  	[tilespmem:s17+$0x12820] =	vst v0;
	(pc) =	sbr.rel @p0 .LBB2_2-.Ltmp0, $3  }
0x21: {  	[tilespmem:s17+$0x12800] =	vst v0  }
0x22: {  	[tilespmem:s17+$0x12810] =	vst v0;
	_ =	sdelay $0x1  }
0x23: {  	s17 =	sshra.s32 s19, $0x2  }
0x24: {  	[tilespmem:s17+$0x12830] =	vst v0  }
0x25: {  	[tilespmem:s17+$0x12820] =	vst v0  }
0x26: {  	[tilespmem:s17+$0x12800] =	vst v0  }
0x27: {  	[tilespmem:s17+$0x12810] =	vst v0  }
0x28: {  	[spmem:s5] =	stream.linear.scatter [tilespmem:s23], [sflag:$0x9], $0x1000, $0x38;
	[tilespmem:$0x1D600] =	vst v63  }
0x29: {  	_ =	swait.ge [sflag:s24], $0x1000  }
0x2a: {  	[sflag:s24] =	ssyncset.done $0x0  }
0x2b: {  	s18 =	rddreg [dreg:$0x3];
	[sflag:s24] =	ssyncadd.s32 $0xFFFFF000  }
0x2c: {  	[spmem:s18] =	stream.linear.scatter [tilespmem:s23], [sflag:$0x9], $0x1000, $0x38;
	[tilespmem:$0x1D600] =	vst v63  }
0x2d: {  	_ =	swait.ge [sflag:s24], $0x1000  }
0x2e: {  	[sflag:s24] =	ssyncset.done $0x0  }
0x2f: {  	[sflag:s24] =	ssyncadd.s32 $0xFFFFF000  }
0x30: {  	[spmem:s7] =	stream.linear.scatter [tilespmem:s23], [sflag:$0x9], $0x1000, $0x38;
	[tilespmem:$0x1D600] =	vst v63  }
0x31: {  	_ =	swait.ge [sflag:s24], $0x1000  }
0x32: {  	[sflag:s24] =	ssyncset.done $0x0  }
0x33: {  	s19 =	rddreg [dreg:$0x4];
	[sflag:s24] =	ssyncadd.s32 $0xFFFFF000  }
0x34: {  	[spmem:s19] =	stream.linear.scatter [tilespmem:s23], [sflag:$0x9], $0x1000, $0x38;
	[tilespmem:$0x1D600] =	vst v63  }
0x35: {  	_ =	swait.ge [sflag:s24], $0x1000  }
0x36: {  	[sflag:s24] =	ssyncset.done $0x0  }
0x37: {  	[sflag:s24] =	ssyncadd.s32 $0xFFFFF000  }
0x38: {  	[spmem:s9] =	stream.linear.scatter [tilespmem:s23], [sflag:$0x9], $0x1000, $0x38;
	[tilespmem:$0x1D600] =	vst v63  }
0x39: {  	_ =	swait.ge [sflag:s24], $0x1000  }
0x3a: {  	[sflag:s24] =	ssyncset.done $0x0  }
0x3b: {  	s18 =	rddreg [dreg:$0x5];
	[sflag:s24] =	ssyncadd.s32 $0xFFFFF000  }
0x3c: {  	[spmem:s18] =	stream.linear.scatter [tilespmem:s23], [sflag:$0x9], $0x1000, $0x38;
	[tilespmem:$0x1D600] =	vst v63  }
0x3d: {  	_ =	swait.ge [sflag:s24], $0x1000  }
0x3e: {  	[sflag:s24] =	ssyncset.done $0x0  }
0x3f: {  	[sflag:s24] =	ssyncadd.s32 $0xFFFFF000  }
0x40: {  	[spmem:s11] =	stream.linear.scatter [tilespmem:s23], [sflag:$0x9], $0x1000, $0x38;
	[tilespmem:$0x1D600] =	vst v63  }
0x41: {  	_ =	swait.ge [sflag:s24], $0x1000  }
0x42: {  	[sflag:s24] =	ssyncset.done $0x0  }
0x43: {  	s19 =	rddreg [dreg:$0x6];
	[sflag:s24] =	ssyncadd.s32 $0xFFFFF000  }
0x44: {  	[spmem:s19] =	stream.linear.scatter [tilespmem:s23], [sflag:$0x9], $0x1000, $0x38;
	[tilespmem:$0x1D600] =	vst v63  }
0x45: {  	_ =	swait.ge [sflag:s24], $0x1000  }
0x46: {  	[sflag:s24] =	ssyncset.done $0x0  }
0x47: {  	[sflag:s24] =	ssyncadd.s32 $0xFFFFF000  }
0x48: {  	[spmem:s13] =	stream.linear.scatter [tilespmem:s23], [sflag:$0x9], $0x1000, $0x38;
	[tilespmem:$0x1D600] =	vst v63  }
0x49: {  	_ =	swait.ge [sflag:s24], $0x1000  }
0x4a: {  	[sflag:s24] =	ssyncset.done $0x0  }
0x4b: {  	s18 =	rddreg [dreg:$0x7];
	[sflag:s24] =	ssyncadd.s32 $0xFFFFF000  }
0x4c: {  	[spmem:s18] =	stream.linear.scatter [tilespmem:s23], [sflag:$0x9], $0xE00, $0x38;
	[tilespmem:$0x1D600] =	vst v63  }
0x4d: {  	_ =	swait.ge [sflag:s24], $0xE00  }
0x4e: {  	[sflag:s24] =	ssyncset.done $0x0  }
0x4f: {  	s17 =	simm.s32 $0x0;
	s18 =	rddreg [dreg:$0x8];
	[sflag:s24] =	ssyncadd.s32 $0xFFFFF200  }
0x50: {  	[tilespmem:s17], [sflag:$0x9] =	stream.linear.gather [hbm4b:s18+s17], $0x5400, $0x38;
	[tilespmem:$0x1D600] =	vst v63  }
0x51: {  	_ =	swait.ge [sflag:s24], $0x5400  }
0x52: {  	[sflag:s24] =	ssyncset.done $0x0  }
0x53: {  	s19 =	rddreg [dreg:$0x9];
	[sflag:s24] =	ssyncadd.s32 $0xFFFFAC00  }
0x54: {  	[tilespmem:s25], [sflag:$0x9] =	stream.linear.gather [hbm4b:s19+s17], $0x5400, $0x38;
	[tilespmem:$0x1D600] =	vst v63  }
0x55: {  	_ =	swait.ge [sflag:s24], $0x5400  }
0x56: {  	[sflag:s24] =	ssyncset.done $0x0  }
0x57: {  	[sflag:s24] =	ssyncadd.s32 $0xFFFFAC00  }
0x58: {  	[bflag:$0x0] =	sbarrier.arrive $0xFFFF  }
0x59: {  	[tilespmem:s28], [sflag:$0x1] =	stream.indirect.gather [hbm4b:s4+s26], $0x40, s17, s26, $0xb8;
	[tilespmem:$0x1D600] =	vst v63  }
0x5a: {  	_ = 	snop  }
0x5b: {  	[tilespmem:s29], [sflag:$0x2] =	stream.indirect.gather [hbm4b:s4+s26], $0x40, s26, s26, $0xb8;
	[tilespmem:$0x1D600] =	vst v63  }
0x5c: {  	_ =	swait.ge [sflag:s30], $0x2000  }
0x5d: {  	[sflag:s30] =	ssyncset.done $0x0  }
0x5e: {  	[sflag:s30] =	ssyncadd.s32 $0xFFFFE000  }
0x5f: {  	[spmem:s2] =	stream.indirect.scatter.add.f32 [tilespmem:s28], [sflag:$0x5], $0x40, s25, s26, $0xb8;
	[tilespmem:$0x1D600] =	vst v63  }
0x60: {  	s18 =	simm.s32 $0x100  }
0x61: {  	[tilespmem:s1], [sflag:$0x3] =	stream.indirect.gather [hbm4b:s4+s26], $0x40, s18, s26, $0xb8;
	[tilespmem:$0x1D600] =	vst v63  }
0x62: {  	_ =	swait.ge [sflag:s0], $0x2000  }
0x63: {  	[sflag:s0] =	ssyncset.done $0x0  }
0x64: {  	s19 =	simm.s32 $0x5480;
	[sflag:s0] =	ssyncadd.s32 $0xFFFFE000  }
0x65: {  	[spmem:s2] =	stream.indirect.scatter.add.f32 [tilespmem:s29], [sflag:$0x6], $0x40, s19, s26, $0xb8;
	[tilespmem:$0x1D600] =	vst v63  }
0x66: {  	s18 =	simm.s32 $0x180  }
0x67: {  	[tilespmem:s31], [sflag:$0x4] =	stream.indirect.gather [hbm4b:s4+s26], $0x40, s18, s26, $0xb8;
	[tilespmem:$0x1D600] =	vst v63  }
0x68: {  	_ =	swait.ge [sflag:s6], $0x2000  }
0x69: {  	[sflag:s6] =	ssyncset.done $0x0  }
0x6a: {  	s19 =	simm.s32 $0x5500;
	[sflag:s6] =	ssyncadd.s32 $0xFFFFE000  }
0x6b: {  	[spmem:s2] =	stream.indirect.scatter.add.f32 [tilespmem:s1], [sflag:$0x7], $0x40, s19, s26, $0xb8;
	[tilespmem:$0x1D600] =	vst v63  }
0x6c: {  	_ =	swait.ge [sflag:s8], $0x2000  }
0x6d: {  	[sflag:s8] =	ssyncset.done $0x0  }
0x6e: {  	s18 =	simm.s32 $0x200;
	[sflag:s8] =	ssyncadd.s32 $0xFFFFE000  }
0x6f: {  	[tilespmem:s28], [sflag:$0x1] =	stream.indirect.gather [hbm4b:s4+s26], $0x40, s18, s26, $0xb8;
	[tilespmem:$0x1D600] =	vst v63  }
0x70: {  	_ =	swait.ge [sflag:s10], $0x2000  }
0x71: {  	[sflag:s10] =	ssyncset.done $0x0  }
0x72: {  	s19 =	simm.s32 $0x5580;
	[sflag:s10] =	ssyncadd.s32 $0xFFFFE000  }
0x73: {  	[spmem:s2] =	stream.indirect.scatter.add.f32 [tilespmem:s31], [sflag:$0x8], $0x40, s19, s26, $0xb8;
	[tilespmem:$0x1D600] =	vst v63  }
0x74: {  	_ =	swait.ge [sflag:s12], $0x2000  }
0x75: {  	[sflag:s12] =	ssyncset.done $0x0  }
0x76: {  	s18 =	simm.s32 $0x280;
	[sflag:s12] =	ssyncadd.s32 $0xFFFFE000  }
0x77: {  	[tilespmem:s29], [sflag:$0x2] =	stream.indirect.gather [hbm4b:s4+s26], $0x40, s18, s26, $0xb8;
	[tilespmem:$0x1D600] =	vst v63  }
0x78: {  	_ =	swait.ge [sflag:s30], $0x2000  }
0x79: {  	[sflag:s30] =	ssyncset.done $0x0  }
0x7a: {  	s19 =	simm.s32 $0x5600;
	[sflag:s30] =	ssyncadd.s32 $0xFFFFE000  }
0x7b: {  	[spmem:s2] =	stream.indirect.scatter.add.f32 [tilespmem:s28], [sflag:$0x5], $0x40, s19, s26, $0xb8;
	[tilespmem:$0x1D600] =	vst v63  }
0x7c: {  	_ =	swait.ge [sflag:s14], $0x2000  }
0x7d: {  	[sflag:s14] =	ssyncset.done $0x0  }
0x7e: {  	s18 =	simm.s32 $0x300;
	[sflag:s14] =	ssyncadd.s32 $0xFFFFE000  }
0x7f: {  	[tilespmem:s1], [sflag:$0x3] =	stream.indirect.gather [hbm4b:s4+s26], $0x40, s18, s26, $0xb8;
	[tilespmem:$0x1D600] =	vst v63  }
0x80: {  	_ =	swait.ge [sflag:s0], $0x2000  }
0x81: {  	[sflag:s0] =	ssyncset.done $0x0  }
0x82: {  	s19 =	simm.s32 $0x5680;
	[sflag:s0] =	ssyncadd.s32 $0xFFFFE000  }
0x83: {  	[spmem:s2] =	stream.indirect.scatter.add.f32 [tilespmem:s29], [sflag:$0x6], $0x40, s19, s26, $0xb8;
	[tilespmem:$0x1D600] =	vst v63  }
0x84: {  	_ =	swait.ge [sflag:s15], $0x2000  }
0x85: {  	[sflag:s15] =	ssyncset.done $0x0  }
0x86: {  	s17 =	simm.s32 $0x800;
	s18 =	simm.s32 $0x380;
	[sflag:s15] =	ssyncadd.s32 $0xFFFFE000  }
.LBB2_4:
0x87: {  	[tilespmem:s31], [sflag:$0x4] =	stream.indirect.gather [hbm4b:s4+s26], $0x40, s18, s26, $0xb8;
	[tilespmem:$0x1D600] =	vst v63  }
0x88: {  	s18 =	smov.u32 s17  }
0x89: {  	p0 =	sne.s32 s17, $0x14000;
	s17 =	sadd.s32 $0x800, s17;
	_ =	swait.ge [sflag:s6], $0x2000  }
0x8a: {  	s18 =	sshra.s32 s18, $0x2;
	[sflag:s6] =	ssyncset.done $0x0  }
0x8b: {  	s19 =	sadd.s32 $0x5500, s18;
	[sflag:s6] =	ssyncadd.s32 $0xFFFFE000  }
0x8c: {  	[spmem:s2] =	stream.indirect.scatter.add.f32 [tilespmem:s1], [sflag:$0x7], $0x40, s19, s26, $0xb8;
	[tilespmem:$0x1D600] =	vst v63  }
0x8d: {  	_ =	swait.ge [sflag:s8], $0x2000  }
0x8e: {  	[sflag:s8] =	ssyncset.done $0x0  }
0x8f: {  	s19 =	sadd.s32 $0x200, s18;
	[sflag:s8] =	ssyncadd.s32 $0xFFFFE000  }
0x90: {  	[tilespmem:s28], [sflag:$0x1] =	stream.indirect.gather [hbm4b:s4+s26], $0x40, s19, s26, $0xb8;
	[tilespmem:$0x1D600] =	vst v63  }
0x91: {  	_ =	swait.ge [sflag:s10], $0x2000  }
0x92: {  	[sflag:s10] =	ssyncset.done $0x0  }
0x93: {  	s19 =	sadd.s32 $0x5580, s18;
	[sflag:s10] =	ssyncadd.s32 $0xFFFFE000  }
0x94: {  	[spmem:s2] =	stream.indirect.scatter.add.f32 [tilespmem:s31], [sflag:$0x8], $0x40, s19, s26, $0xb8;
	[tilespmem:$0x1D600] =	vst v63  }
0x95: {  	_ =	swait.ge [sflag:s12], $0x2000  }
0x96: {  	[sflag:s12] =	ssyncset.done $0x0  }
0x97: {  	s19 =	sadd.s32 $0x280, s18;
	[sflag:s12] =	ssyncadd.s32 $0xFFFFE000  }
0x98: {  	[tilespmem:s29], [sflag:$0x2] =	stream.indirect.gather [hbm4b:s4+s26], $0x40, s19, s26, $0xb8;
	[tilespmem:$0x1D600] =	vst v63  }
0x99: {  	_ =	swait.ge [sflag:s30], $0x2000  }
0x9a: {  	[sflag:s30] =	ssyncset.done $0x0  }
0x9b: {  	s19 =	sadd.s32 $0x5600, s18;
	[sflag:s30] =	ssyncadd.s32 $0xFFFFE000  }
0x9c: {  	[spmem:s2] =	stream.indirect.scatter.add.f32 [tilespmem:s28], [sflag:$0x5], $0x40, s19, s26, $0xb8;
	[tilespmem:$0x1D600] =	vst v63  }
0x9d: {  	_ =	swait.ge [sflag:s14], $0x2000  }
0x9e: {  	[sflag:s14] =	ssyncset.done $0x0  }
0x9f: {  	s19 =	sadd.s32 $0x300, s18;
	[sflag:s14] =	ssyncadd.s32 $0xFFFFE000  }
0xa0: {  	[tilespmem:s1], [sflag:$0x3] =	stream.indirect.gather [hbm4b:s4+s26], $0x40, s19, s26, $0xb8;
	[tilespmem:$0x1D600] =	vst v63  }
0xa1: {  	_ =	swait.ge [sflag:s0], $0x2000  }
0xa2: {  	[sflag:s0] =	ssyncset.done $0x0  }
.Ltmp1:
0xa3: {  	s19 =	sadd.s32 $0x5680, s18;
	[sflag:s0] =	ssyncadd.s32 $0xFFFFE000;
	(pc) =	sbr.rel @p0 .LBB2_4-.Ltmp1, $4  }
0xa4: {  	[spmem:s2] =	stream.indirect.scatter.add.f32 [tilespmem:s29], [sflag:$0x6], $0x40, s19, s26, $0xb8;
	[tilespmem:$0x1D600] =	vst v63  }
0xa5: {  	_ =	swait.ge [sflag:s15], $0x2000  }
0xa6: {  	[sflag:s15] =	ssyncset.done $0x0  }
0xa7: {  	s18 =	sadd.s32 $0x380, s18;
	[sflag:s15] =	ssyncadd.s32 $0xFFFFE000  }
0xa8: {  	[tilespmem:s31], [sflag:$0x4] =	stream.indirect.gather [hbm4b:s4+s26], $0x40, s18, s26, $0xb8;
	[tilespmem:$0x1D600] =	vst v63  }
0xa9: {  	_ =	swait.ge [sflag:s6], $0x2000  }
0xaa: {  	[sflag:s6] =	ssyncset.done $0x0  }
0xab: {  	s17 =	simm.s32 $0xA700;
	[sflag:s6] =	ssyncadd.s32 $0xFFFFE000  }
0xac: {  	[spmem:s2] =	stream.indirect.scatter.add.f32 [tilespmem:s1], [sflag:$0x7], $0x40, s17, s26, $0xb8;
	[tilespmem:$0x1D600] =	vst v63  }
0xad: {  	_ =	swait.ge [sflag:s8], $0x2000  }
0xae: {  	[sflag:s8] =	ssyncset.done $0x0  }
0xaf: {  	[sflag:s8] =	ssyncadd.s32 $0xFFFFE000  }
0xb0: {  	_ =	swait.ge [sflag:s10], $0x2000  }
0xb1: {  	[sflag:s10] =	ssyncset.done $0x0  }
0xb2: {  	s18 =	simm.s32 $0xA780;
	[sflag:s10] =	ssyncadd.s32 $0xFFFFE000  }
0xb3: {  	[spmem:s2] =	stream.indirect.scatter.add.f32 [tilespmem:s31], [sflag:$0x8], $0x40, s18, s26, $0xb8;
	[tilespmem:$0x1D600] =	vst v63  }
0xb4: {  	_ =	swait.ge [sflag:s12], $0x2000  }
0xb5: {  	[sflag:s12] =	ssyncset.done $0x0  }
0xb6: {  	[sflag:s12] =	ssyncadd.s32 $0xFFFFE000  }
0xb7: {  	_ =	swait.ge [sflag:s14], $0x2000  }
0xb8: {  	[sflag:s14] =	ssyncset.done $0x0  }
0xb9: {  	[sflag:s14] =	ssyncadd.s32 $0xFFFFE000  }
0xba: {  	_ =	swait.ge [sflag:s15], $0x2000  }
0xbb: {  	[sflag:s15] =	ssyncset.done $0x0  }
0xbc: {  	[sflag:s15] =	ssyncadd.s32 $0xFFFFE000  }
0xbd: {  	[bflag:$0x0] =	sbarrier.arrive $0xFFFF  }
0xbe: {  	[tilespmem:s28], [sflag:$0x9] =	stream.linear.gather [spmem:s5], $0x2000, $0x38;
	[tilespmem:$0x1D600] =	vst v63  }
0xbf: {  	_ =	swait.ge [sflag:s24], $0x2000  }
0xc0: {  	[sflag:s24] =	ssyncset.done $0x0  }
0xc1: {  	s19 =	rddreg [dreg:$0xa];
	[sflag:s24] =	ssyncadd.s32 $0xFFFFE000  }
0xc2: {  	[hbm4b:s19+s3] =	stream.linear.scatter [tilespmem:s28], [sflag:$0x9], $0x2000, $0x38;
	[tilespmem:$0x1D600] =	vst v63  }
0xc3: {  	_ =	swait.ge [sflag:s24], $0x2000  }
0xc4: {  	[sflag:s24] =	ssyncset.done $0x0  }
0xc5: {  	[sflag:s24] =	ssyncadd.s32 $0xFFFFE000  }
0xc6: {  	[tilespmem:s28], [sflag:$0x9] =	stream.linear.gather [spmem:s7], $0x2000, $0x38;
	[tilespmem:$0x1D600] =	vst v63  }
0xc7: {  	_ =	swait.ge [sflag:s24], $0x2000  }
0xc8: {  	[sflag:s24] =	ssyncset.done $0x0  }
0xc9: {  	s18 =	rddreg [dreg:$0xb];
	[sflag:s24] =	ssyncadd.s32 $0xFFFFE000  }
0xca: {  	[hbm4b:s18+s3] =	stream.linear.scatter [tilespmem:s28], [sflag:$0x9], $0x2000, $0x38;
	[tilespmem:$0x1D600] =	vst v63  }
0xcb: {  	_ =	swait.ge [sflag:s24], $0x2000  }
0xcc: {  	[sflag:s24] =	ssyncset.done $0x0  }
0xcd: {  	[sflag:s24] =	ssyncadd.s32 $0xFFFFE000  }
0xce: {  	[tilespmem:s28], [sflag:$0x9] =	stream.linear.gather [spmem:s9], $0x2000, $0x38;
	[tilespmem:$0x1D600] =	vst v63  }
0xcf: {  	_ =	swait.ge [sflag:s24], $0x2000  }
0xd0: {  	[sflag:s24] =	ssyncset.done $0x0  }
0xd1: {  	s19 =	rddreg [dreg:$0xc];
	[sflag:s24] =	ssyncadd.s32 $0xFFFFE000  }
0xd2: {  	[hbm4b:s19+s3] =	stream.linear.scatter [tilespmem:s28], [sflag:$0x9], $0x2000, $0x38;
	[tilespmem:$0x1D600] =	vst v63  }
0xd3: {  	_ =	swait.ge [sflag:s24], $0x2000  }
0xd4: {  	[sflag:s24] =	ssyncset.done $0x0  }
0xd5: {  	[sflag:s24] =	ssyncadd.s32 $0xFFFFE000  }
0xd6: {  	[tilespmem:s28], [sflag:$0x9] =	stream.linear.gather [spmem:s11], $0x2000, $0x38;
	[tilespmem:$0x1D600] =	vst v63  }
0xd7: {  	_ =	swait.ge [sflag:s24], $0x2000  }
0xd8: {  	[sflag:s24] =	ssyncset.done $0x0  }
0xd9: {  	[sflag:s24] =	ssyncadd.s32 $0xFFFFE000  }
0xda: {  	[hbm4b:s20+s3] =	stream.linear.scatter [tilespmem:s28], [sflag:$0x9], $0x2000, $0x38;
	[tilespmem:$0x1D600] =	vst v63  }
0xdb: {  	_ =	swait.ge [sflag:s24], $0x2000  }
0xdc: {  	[sflag:s24] =	ssyncset.done $0x0  }
0xdd: {  	[sflag:s24] =	ssyncadd.s32 $0xFFFFE000  }
0xde: {  	[tilespmem:s28], [sflag:$0x9] =	stream.linear.gather [spmem:s13], $0x1E00, $0x38;
	[tilespmem:$0x1D600] =	vst v63  }
0xdf: {  	s16 =	sadd.s32 $0x1, s16;
	_ =	swait.ge [sflag:s24], $0x1E00  }
0xe0: {  	p0 =	sne.s32 s16, s22;
	[sflag:s24] =	ssyncset.done $0x0  }
.Ltmp2:
0xe1: {  	[sflag:s24] =	ssyncadd.s32 $0xFFFFE200;
	(pc) =	sbr.rel @p0 .LBB2_1-.Ltmp2, $4  }
0xe2: {  	[hbm4b:s21+s3] =	stream.linear.scatter [tilespmem:s28], [sflag:$0x9], $0x1E00, $0x38;
	[tilespmem:$0x1D600] =	vst v63  }
0xe3: {  	_ =	swait.ge [sflag:s24], $0x1E00  }
0xe4: {  	[sflag:s24] =	ssyncset.done $0x0  }
0xe5: {  	[sflag:s24] =	ssyncadd.s32 $0xFFFFE200  }
0xe6: {  	_ =	sfence.sel $0x180000  }
0xe7: {  	[bflag:$0x0] =	sbarrier.arrive $0xFFFF  }
0xe8: {  	_ =	strace $0x9000004A  }
0xe9: {  	s0 =	stileid.u32;
	[bflag:$0x2] =	sbarrier.arrive $0xFFFF  }
0xea: {  	p0 =	sne.s32 s0, $0x0;
	s0 =	rddreg [dreg:$0x2]  }
0xeb: {  	s0 =	sadd.s32 @!p0 $0x100000, s0  }
0xec: {  	[sflag:s0] =	ssyncadd.tile.s32 @!p0 $0x1;
	_ =	shalt  }
.Lfunc_end2:
_tile_overlayer_lowered:
.L_overlay_start_2:
0xed: {  	(tag) =	ssettag $0x2  }
0xee: {  	s0 =	rddreg [dreg:$0x0];
	s2 =	stileid.u32  }
0xef: {  	s1 =	rddreg [dreg:$0x1];
	p0 =	sne.s32 s2, $0x0  }
0xf0: {  	s3 =	rddreg [dreg:$0x2];
	[bflag:$0x3] =	sbarrier.arrive $0xFFFF;
	s2 =	simm.s32 @!p0 $0x1C09  }
0xf1: {  	[timem:s3], [sflag:s2] =	dma.local @!p0 [hbm:s0], s1  }
0xf2: {  	s0 =	simm.s32 @!p0 $0x9  }
0xf3: {  	_ =	swait.ge @!p0 [sflag:s0], s1  }
0xf4: {  	s1 =	ssub.s32 @!p0 $0x0, s1;
	[sflag:s0] =	ssyncset.done @!p0 $0x0  }
0xf5: {  	[sflag:s0] =	ssyncadd.s32 @!p0 s1  }
0xf6: {  	[bflag:$0x3] =	sbarrier.arrive $0xFFFF  }
0xf7: {  	_ =	shalt  }

// kernel: kernel.14.cloned.1.call-start
scs
__scs_entry_jumppad:
0x0: {  	(pc) =	sbr.rel $0x88, $3  }
0x1: {  	(tag) =	ssettag $0x0;
	lr =	simm.s32 $0x1  }
0x2: {  	[smem:$0x3F94] =	sst lr;
	_ =	strace $0xD0000000  }
0x3: {  	_ = 	snop  }
0x4: {  	_ = 	snop  }
0x5: {  	_ = 	snop  }
0x6: {  	_ = 	snop  }
0x7: {  	_ = 	snop  }
__scs_overlays_trampoline_lowered:
0x8: {  	[smem:$0x3FA3] =	sst s0  }
0x9: {  	[smem:$0x3FA4] =	sst s1  }
0xa: {  	[smem:$0x3FA5] =	sst s2  }
0xb: {  	[smem:$0x3FA6] =	sst s3  }
0xc: {  	[smem:$0x3FA7] =	sst s4  }
0xd: {  	[smem:$0x3FA8] =	sst s5  }
0xe: {  	[smem:$0x3FA9] =	sst s6  }
0xf: {  	[smem:$0x3FAA] =	sst s7  }
0x10: {  	[smem:$0x3FAB] =	sst s8  }
0x11: {  	[smem:$0x3FAC] =	sst s9;
	s0 =	simm.s32 @!p0 $0x0  }
0x12: {  	s1 =	sld [smem:$0x3F92];
	s0 =	simm.s32 @p0 $0x1  }
0x13: {  	[smem:$0x3FAD] =	sst s0;
	s0 =	simm.s32 @!p1 $0x0  }
0x14: {  	s2 =	sld [smem:$0x3F91];
	s0 =	simm.s32 @p1 $0x1  }
0x15: {  	[smem:$0x3FAE] =	sst s0;
	s0 =	simm.s32 @!p2 $0x0  }
0x16: {  	s3 =	sld [smem:$0x3FDB];
	s0 =	simm.s32 @p2 $0x1  }
0x17: {  	s4 =	simm.s32 $0x1BF5;
	[smem:$0x3FB0] =	sst s0  }
0x18: {  	s0 =	sld [smem:$0x3F93];
	_ =	swait.ge [sflag:s4], $0x0  }
0x19: {  	s7 =	sld [smem:$0x3F94]  }
0x1a: {  	s8 =	sadd.s32 $0xFFFFE003, lr  }
0x1b: {  	s9 =	sadd.s32 $0xFFFFFEF7, lr;
	s5 =	simm.s32 $0xFFFFFFFF;
	p2 =	slt.u32 s8, $0xFFFFF086  }
0x1c: {  	p1 =	slt.u32 s9, $0xF7A;
	s5 =	simm.s32 @!p2 $0x0  }
0x1d: {  	s5 =	simm.s32 @p1 $0x1;
	p0 =	seq.s32 s7, s2  }
0x1e: {  	s7 =	smul.u32 @!p0 $0xF7A, s2;
	p2 =	seq.s32 @!p0 s5, $0x0  }
0x1f: {  	s9 =	smul.u32 $0xF7A, s1;
	s8 =	simm.s32 @!p0 $0x1BF5;
	p2 =	por !p2, p0  }
0x20: {  	[sflag:s8] =	ssyncset.s32 @!p0 $0xFFFFF086;
	s6 =	sadd.s32 @!p0 s3, s7;
	s7 =	simm.s32 @!p0 $0x108  }
0x21: {  	s3 =	sadd.s32 s3, s9;
	s6 =	sadd.s32 @!p0 $0x88, s6;
	s7 =	simm.s32 @p2 $0x1082  }
0x22: {  	[simem:s7], [sflag:s8] =	dma.local @!p0 [hbm:s6], $0xF7A  }
0x23: {  	s9 =	sor.u32 $0xD0000000, s2;
	s6 =	simm.s32 $0x108;
	_ =	swait.ge @!p0 [sflag:s8], $0x0  }
0x24: {  	s3 =	sadd.s32 $0x88, s3;
	s6 =	simm.s32 @!p1 $0x1082;
	[sflag:s4] =	ssyncset.s32 $0xFFFFF086  }
0x25: {  	[simem:s6], [sflag:s4] =	dma.local [hbm:s3], $0xF7A  }
0x26: {  	[smem:$0x3F94] =	sst s1;
	(tag) =	ssettag s2;
	_ =	strace s9  }
0x27: {  	s1 =	sld [smem:$0x3FA4]  }
0x28: {  	s2 =	sld [smem:$0x3FA5]  }
0x29: {  	s4 =	sld [smem:$0x3FA7]  }
0x2a: {  	p0 =	seq.s32 s5, $0x0;
	s5 =	sld [smem:$0x3FA8]  }
0x2b: {  	s6 =	sld [smem:$0x3FA9]  }
0x2c: {  	s7 =	sld [smem:$0x3FAA]  }
0x2d: {  	s3 =	simm.s32 $0x108;
	s8 =	sld [smem:$0x3FAB]  }
0x2e: {  	s3 =	simm.s32 @!p0 $0x1082;
	s9 =	sld [smem:$0x3FAC]  }
0x2f: {  	lr =	sadd.s32 s0, s3;
	s0 =	sld [smem:$0x3FA3]  }
0x30: {  	s3 =	sld [smem:$0x3FA6]  }
0x31: {  	[smem:$0x3FAF] =	sst s10  }
0x32: {  	s10 =	sld [smem:$0x3FAD];
	_ =	sdelay $0x3  }
0x33: {  	p0 =	seq.s32 s10, $0x1;
	s10 =	sld [smem:$0x3FAF];
	_ =	sdelay $0x3  }
0x34: {  	[smem:$0x3FAF] =	sst s10  }
0x35: {  	s10 =	sld [smem:$0x3FAE];
	_ =	sdelay $0x3  }
0x36: {  	p1 =	seq.s32 s10, $0x1;
	s10 =	sld [smem:$0x3FAF];
	_ =	sdelay $0x3  }
0x37: {  	[smem:$0x3FAF] =	sst s10  }
0x38: {  	s10 =	sld [smem:$0x3FB0]  }
0x39: {  	_ = 	snop;
	(pc) =	sbr.ind lr, $3  }
0x3a: {  	_ = 	snop  }
0x3b: {  	_ = 	snop  }
0x3c: {  	p2 =	seq.s32 s10, $0x1;
	s10 =	sld [smem:$0x3FAF]  }
0x3d: {  	_ =	shalt  }
0x3e: {  	_ =	shalt  }
0x3f: {  	_ =	shalt  }
0x40: {  	_ =	shalt  }
0x41: {  	_ =	shalt  }
0x42: {  	_ =	shalt  }
0x43: {  	_ =	shalt  }
0x44: {  	_ =	shalt  }
0x45: {  	_ =	shalt  }
0x46: {  	_ =	shalt  }
0x47: {  	_ =	shalt  }
0x48: {  	_ =	shalt  }
0x49: {  	_ =	shalt  }
0x4a: {  	_ =	shalt  }
0x4b: {  	_ =	shalt  }
0x4c: {  	_ =	shalt  }
0x4d: {  	_ =	shalt  }
0x4e: {  	_ =	shalt  }
0x4f: {  	_ =	shalt  }
0x50: {  	_ =	shalt  }
0x51: {  	_ =	shalt  }
0x52: {  	_ =	shalt  }
0x53: {  	_ =	shalt  }
0x54: {  	_ =	shalt  }
0x55: {  	_ =	shalt  }
0x56: {  	_ =	shalt  }
0x57: {  	_ =	shalt  }
0x58: {  	_ =	shalt  }
0x59: {  	_ =	shalt  }
0x5a: {  	_ =	shalt  }
0x5b: {  	_ =	shalt  }
0x5c: {  	_ =	shalt  }
0x5d: {  	_ =	shalt  }
0x5e: {  	_ =	shalt  }
0x5f: {  	_ =	shalt  }
0x60: {  	_ =	shalt  }
0x61: {  	_ =	shalt  }
0x62: {  	_ =	shalt  }
0x63: {  	_ =	shalt  }
0x64: {  	_ =	shalt  }
0x65: {  	_ =	shalt  }
0x66: {  	_ =	shalt  }
0x67: {  	_ =	shalt  }
0x68: {  	_ =	shalt  }
0x69: {  	_ =	shalt  }
0x6a: {  	_ =	shalt  }
0x6b: {  	_ =	shalt  }
0x6c: {  	_ =	shalt  }
0x6d: {  	_ =	shalt  }
0x6e: {  	_ =	shalt  }
0x6f: {  	_ =	shalt  }
0x70: {  	_ =	shalt  }
0x71: {  	_ =	shalt  }
0x72: {  	_ =	shalt  }
0x73: {  	_ =	shalt  }
0x74: {  	_ =	shalt  }
0x75: {  	_ =	shalt  }
0x76: {  	_ =	shalt  }
0x77: {  	_ =	shalt  }
0x78: {  	_ =	shalt  }
0x79: {  	_ =	shalt  }
0x7a: {  	_ =	shalt  }
0x7b: {  	_ =	shalt  }
0x7c: {  	_ =	shalt  }
0x7d: {  	_ =	shalt  }
0x7e: {  	_ =	shalt  }
0x7f: {  	_ =	shalt  }
0x80: {  	_ =	shalt  }
0x81: {  	_ =	shalt  }
0x82: {  	_ =	shalt  }
0x83: {  	_ =	shalt  }
0x84: {  	_ =	shalt  }
0x85: {  	_ =	shalt  }
0x86: {  	_ =	shalt  }
0x87: {  	_ =	shalt  }
.Lfunc_end0:
.L_simem_size_0:
called_computation.2_lowered:
.L_overlay_start_0:
0x88: {  	s2 =	sld [smem:$0x3FD9]  }
0x89: {  	s3 =	sld [smem:$0x3FFE];
	_ =	sdelay $0x1  }
0x8a: {  	s1 =	srdreg.scid  }
0x8b: {  	s0 =	sand.u32 $0x1, s1  }
0x8c: {  	s16 =	sshll.u32 s0, $0xA;
	s2 =	sadd.s32 s3, s2  }
0x8d: {  	s2 =	sadd.s32 s2, s16  }
0x8e: {  	[smem:$0x3FBB] =	sst s2  }
0x8f: {  	_ = 	snop  }
0x90: {  	(tm) =	ssettm $0x1  }
0x91: {  	s17 =	sld [smem:$0x3FFB];
	_ =	sdelay $0x3  }
0x92: {  	_ =	strace s17  }
0x93: {  	s2 =	sld [smem:$0x3FFC];
	_ =	sdelay $0x3  }
0x94: {  	_ =	strace s2  }
0x95: {  	s2 =	sld [smem:$0x3FFD];
	_ =	sdelay $0x3  }
0x96: {  	_ =	strace s2  }
0x97: {  	_ =	strace $0x8FFFFFFF  }
0x98: {  	s18 =	sld [smem:$0x3FDB];
	_ =	sdelay $0x1  }
0x99: {  	s19 =	simm.s32 $_scs_section_size  }
0x9a: {  	s4 =	simm.s32 $_size__tile_overlayer_lowered;
	s5 =	simm.s32 $_tile_overlayer_lowered  }
0x9b: {  	s22 =	simm.s32 $0x1BFF;
	s21 =	sshll.u32 s5, $0x1;
	s2 =	sadd.s32 s19, s18  }
0x9c: {  	s6 =	simm.s32 $0x0;
	s20 =	sshll.u32 s4, $0x1;
	s4 =	sadd.s32 s21, s2  }
0x9d: {  	[timem:s6], [sflag:s22] =	dma.local [hbm:s4], s20  }
0x9e: {  	_ =	swait.ge [sflag:s22], s20  }
0x9f: {  	s3 =	ssub.s32 $0x0, s20;
	[sflag:s22] =	ssyncset.done $0x0  }
0xa0: {  	[sflag:s22] =	ssyncadd.s32 s3;
	_ =	sdelay $0x1  }
0xa1: {  	s23 =	simm.s32 $0x1B8B  }
0xa2: {  	_ =	swait.ge [sflag:s23], $0x1  }
0xa3: {  	[sflag:s23] =	ssyncset.done $0x0  }
0xa4: {  	s25 =	simm.s32 $0x1B8E;
	s24 =	sld [smem:$0x3FFE];
	[sflag:s23] =	ssyncadd.s32 $0xFFFFFFFF  }
0xa5: {  	s26 =	simm.s32 $execute0_lowered;
	[smem:$0x3FD2] =	sst s25  }
0xa6: {  	s4 =	sshll.u32 s26, $0x1;
	_ =	strace $0x8000004C;
	[dreg:$0x1] =	wrdreg $0xFFFFFFFF  }
0xa7: {  	s28 =	simm.s32 $_size_execute0_lowered;
	s2 =	sadd.s32 s2, s4;
	[dreg:$0x0] =	wrdreg $0x0  }
0xa8: {  	s4 =	sshll.u32 s28, $0x1;
	[dreg:$0x2] =	wrdreg s2  }
0xa9: {  	[dreg:$0x3] =	wrdreg s4  }
0xaa: {  	[dreg:$0x4] =	wrdreg $0xC0  }
0xab: {  	_ =	task [dreg:s6], $0x5FFFF  }
0xac: {  	[dreg:$0x1] =	wrdreg $0xFFFFFFFF  }
0xad: {  	[dreg:$0x0] =	wrdreg $0x60  }
0xae: {  	[dreg:$0x2] =	wrdreg s24  }
0xaf: {  	[dreg:$0x3] =	wrdreg $0x138000  }
0xb0: {  	[dreg:$0x4] =	wrdreg $0x9  }
0xb1: {  	_ =	task.clear_ibuf [dreg:s6], $0x5FFFF;
	_ =	strace $0x9000004C  }
0xb2: {  	s29 =	simm.s32 $0x9;
	_ =	strace $0x8000004E  }
0xb3: {  	_ =	swait.ge [sflag:s29], $0x1  }
0xb4: {  	[sflag:s29] =	ssyncadd.s32 $0xFFFFFFFF  }
0xb5: {  	_ =	strace $0x9000004E  }
0xb6: {  	_ =	sfence  }
0xb7: {  	s30 =	sld [smem:$0x0];
	_ =	sdelay $0x2  }
0xb8: {  	s31 =	sshll.u32 s1, $0xD;
	s1 =	sshrl.u32 s1, $0x2  }
0xb9: {  	s3 =	sand.u32 $0x4000, s31;
	s1 =	sadd.s32 s1, s30  }
0xba: {  	s0 =	sor.u32 s3, s0;
	s1 =	sshll.u32 s1, $0x11  }
0xbb: {  	s0 =	sor.u32 s1, s0  }
0xbc: {  	s0 =	sadd.s32 $0x8F2B, s0  }
0xbd: {  	[sflag:s0] =	ssyncadd.remote.s32 $0x1  }
0xbe: {  	_ =	sfence.sel $0xFFFF  }
0xbf: {  	[dreg:$0x0] =	wrdreg $0xFFFFFFFF;
	(pc) =	sbr.abs _section_cstart, $3  }
0xc0: {  	[dreg:$0x1] =	wrdreg $0xFFFFFFFF  }
0xc1: {  	_ =	task.clear_ibuf [dreg:s6], $0x2FFFF;
	_ =	strace $0x9FFFFFFF  }
0xc2: {  	(tm) =	ssettm $0x7FFFFFFF  }
0xc3: {  	_ =	shalt  }
tec
execute0_lowered:
.L_overlay_start_1:
0x0: {  	(tag) =	ssettag $0x1  }
0x1: {  	s0 =	rddreg [dreg:$0x0]  }
0x2: {  	s1 =	srdreg.scid;
	s17 =	stileid.u32  }
0x3: {  	s2 =	rddreg [dreg:$0x1];
	s3 =	simm.s32 $0x0;
	s5 =	smul.u32 $0x5400, s17  }
0x4: {  	s29 =	simm.s32 $0x3;
	s31 =	simm.s32 $0x5;
	s14 =	smul.u32 $0x27800, s17  }
0x5: {  	s1 =	sand.u32 $0x1, s1;
	[smem:$0x7FF] =	sst s3;
	s15 =	smul.u32 $0x278, s17  }
0x6: {  	s8 =	sshll.u32 s17, $0x8;
	s11 =	sadd.s32 $0x81200, s0;
	s4 =	smul.u32 $0x54000, s1  }
0x7: {  	s12 =	sshll.u32 s17, $0x9;
	s20 =	sshll.u32 s17, $0xB;
	s6 =	smul.u32 $0x3000, s1  }
0x8: {  	_ =	strace $0x8000004D;
	s10 =	ssub.s32 $0x2, s1;
	s16 =	sadd.s32 s12, s0  }
0x9: {  	s25 =	smul.u32 $0x2780, s1;
	s19 =	sshll.u32 s1, $0xF;
	p0 =	sne.s32 s1, $0x0  }
0xa: {  	s13 =	sshrl.u32 s10, $0x1;
	s24 =	sshrl.u32 s14, $0x2;
	s17 =	sadd.s32 $0x7F200, s16  }
0xb: {  	s7 =	sadd.s32 s5, s4;
	s4 =	sadd.s32 $0x2C200, s0;
	s6 =	sor.u32 s8, s6  }
0xc: {  	s5 =	sshrl.u32 s5, $0x3;
	s13 =	ssub.s32 s10, s13;
	s10 =	sadd.s32 s24, s2  }
0xd: {  	s18 =	sadd.s32 s15, s25;
	s25 =	sadd.s32 $0x91200, s0;
	s15 =	sadd.s32 $0x7D200, s16  }
0xe: {  	[dreg:$0x13] =	wrdreg s17;
	s17 =	simm.s32 $0x0;
	s7 =	sshrl.u32 s7, $0x3  }
0xf: {  	s6 =	sshrl.u32 s6, $0x3;
	s26 =	sadd.s32 $0x1000, s10;
	[dreg:$0x12] =	wrdreg s15  }
0x10: {  	s21 =	sadd.s32 s5, s0;
	s14 =	sadd.s32 $0x2000, s10;
	[dreg:$0x6] =	wrdreg s26  }
0x11: {  	s5 =	sadd.s32 $0xE000, s0;
	[dreg:$0x7] =	wrdreg s14;
	s8 =	sadd.s32 $0x2C00, s21  }
0x12: {  	s28 =	sadd.s32 $0x4000, s10;
	s14 =	sadd.s32 $0x7B200, s16;
	[dreg:$0x9] =	wrdreg s8  }
0x13: {  	s21 =	sor.u32 s20, s19;
	s19 =	sadd.s32 $0x3000, s10;
	[dreg:$0x11] =	wrdreg s14  }
0x14: {  	s9 =	sadd.s32 s6, s0;
	s20 =	sadd.s32 $0x5000, s10;
	[dreg:$0x15] =	wrdreg s19  }
0x15: {  	s30 =	sadd.s32 $0x6000, s10;
	s22 =	sadd.s32 $0xD400, s9;
	[dreg:$0x16] =	wrdreg s20  }
0x16: {  	s1 =	sadd.s32 $0x8000, s10;
	s23 =	sadd.s32 $0xD600, s9;
	[dreg:$0x3] =	wrdreg s22  }
0x17: {  	s7 =	sadd.s32 s7, s0;
	s9 =	sadd.s32 $0xD800, s9;
	[dreg:$0x4] =	wrdreg s23  }
0x18: {  	s6 =	sadd.s32 $0x53A00, s0;
	s7 =	sadd.s32 $0x17200, s7;
	[dreg:$0x5] =	wrdreg s9  }
0x19: {  	s0 =	sadd.s32 $0xA1200, s0;
	s26 =	sadd.s32 s21, s25;
	[dreg:$0x8] =	wrdreg s7  }
0x1a: {  	s16 =	simm.s32 $0x7;
	s8 =	sadd.s32 s21, s0;
	[dreg:$0xd] =	wrdreg s26  }
0x1b: {  	s14 =	simm.s32 $0x9;
	s22 =	sadd.s32 s11, s21;
	[dreg:$0xf] =	wrdreg s8  }
0x1c: {  	s7 =	sshll.u32 s18, $0x3;
	s18 =	smax.u32 s13, $0x1;
	[dreg:$0xb] =	wrdreg s22  }
0x1d: {  	s23 =	sor.u32 $0x400, s21;
	s21 =	sadd.s32 $0x7000, s10;
	[dreg:$0x14] =	wrdreg s18  }
0x1e: {  	s20 =	simm.s32 $0x80;
	s24 =	sadd.s32 s11, s23;
	[dreg:$0x17] =	wrdreg s21  }
0x1f: {  	s13 =	simm.s32 $0x4;
	s9 =	sadd.s32 s23, s25;
	[dreg:$0xc] =	wrdreg s24  }
0x20: {  	s12 =	sadd.s32 s6, s7;
	s0 =	sadd.s32 s23, s0;
	[dreg:$0xe] =	wrdreg s9  }
0x21: {  	s22 =	sadd.s32 $0x9000, s10;
	s11 =	simm.s32 $0x1D600;
	[dreg:$0x10] =	wrdreg s0  }
0x22: {  	s18 =	simm.s32 $0x12800;
	s21 =	simm.s32 $0xA800;
	[dreg:$0x18] =	wrdreg s22  }
0x23: {  	s7 =	simm.s32 $0x8;
	s23 =	sadd.s32 $0x400, s12;
	[dreg:$0xa] =	wrdreg s12  }
0x24: {  	s24 =	sadd.s32 $0x800, s12;
	s25 =	sadd.s32 $0xC00, s12;
	[dreg:$0x19] =	wrdreg s23  }
0x25: {  	s26 =	sadd.s32 $0x1000, s12;
	s12 =	simm.s32 $0x1D700;
	[dreg:$0x1a] =	wrdreg s24  }
0x26: {  	s9 =	simm.s32 $0x1D800;
	s22 =	simm.s32 $0xC800;
	[dreg:$0x1b] =	wrdreg s25  }
0x27: {  	s0 =	simm.s32 $0x6;
	[dreg:$0x1c] =	wrdreg s26;
	s23 =	simm.s32 $0x1  }
0x28: {  	v0 =	vimm.f32 $0.0e+00;
	s24 =	simm.s32 $0xE800;
	s25 =	simm.s32 $0x2;
	s26 =	simm.s32 $0x10800  }
.LBB2_1:
0x29: {  	s8 =	rddreg [dreg:$0x3]  }
0x2a: {  	[tilespmem:s11], [sflag:$0x9] =	stream.linear.gather [hbm4b:s8+s3], $0x100, $0x38;
	[tilespmem:$0x1E900] =	vst v63  }
0x2b: {  	_ =	swait.ge [sflag:s14], $0x100  }
0x2c: {  	[sflag:s14] =	ssyncset.done $0x0  }
0x2d: {  	s15 =	rddreg [dreg:$0x4];
	[sflag:s14] =	ssyncadd.s32 $0xFFFFFF00  }
0x2e: {  	[tilespmem:s12], [sflag:$0x9] =	stream.linear.gather [hbm4b:s15+s3], $0x100, $0x38;
	[tilespmem:$0x1E900] =	vst v63  }
0x2f: {  	_ =	swait.ge [sflag:s14], $0x100  }
0x30: {  	[sflag:s14] =	ssyncset.done $0x0  }
0x31: {  	s19 =	rddreg [dreg:$0x5];
	[sflag:s14] =	ssyncadd.s32 $0xFFFFFF00  }
0x32: {  	[tilespmem:s9], [sflag:$0x9] =	stream.linear.gather [hbm4b:s19+s3], $0x100, $0x38;
	[tilespmem:$0x1E900] =	vst v63  }
0x33: {  	_ =	swait.ge [sflag:s14], $0x100  }
0x34: {  	[sflag:s14] =	ssyncset.done $0x0  }
0x35: {  	s8 =	simm.s32 $0x0;
	s9 =	simm.s32 $0x100;
	[sflag:s14] =	ssyncadd.s32 $0xFFFFFF00  }
.LBB2_2:
0x36: {  	p1 =	sne.s32 s9, $0x3F00;
	[tilespmem:s8+$0x12830] =	vst v0;
	s19 =	smov.u32 s9;
	s9 =	sadd.s32 $0x100, s9  }
.Ltmp0:
0x37: {  	[tilespmem:s8+$0x12820] =	vst v0;
	(pc) =	sbr.rel @p1 .LBB2_2-.Ltmp0, $3  }
0x38: {  	[tilespmem:s8+$0x12800] =	vst v0  }
0x39: {  	[tilespmem:s8+$0x12810] =	vst v0;
	_ =	sdelay $0x1  }
0x3a: {  	s8 =	sshra.s32 s19, $0x2  }
0x3b: {  	[tilespmem:s8+$0x12830] =	vst v0  }
0x3c: {  	[tilespmem:s8+$0x12820] =	vst v0  }
0x3d: {  	[tilespmem:s8+$0x12800] =	vst v0  }
0x3e: {  	[tilespmem:s8+$0x12810] =	vst v0  }
0x3f: {  	[spmem:s10] =	stream.linear.scatter [tilespmem:s18], [sflag:$0x9], $0x1000, $0x38;
	[tilespmem:$0x1E900] =	vst v63  }
0x40: {  	_ =	swait.ge [sflag:s14], $0x1000  }
0x41: {  	[sflag:s14] =	ssyncset.done $0x0  }
0x42: {  	s19 =	rddreg [dreg:$0x6];
	[sflag:s14] =	ssyncadd.s32 $0xFFFFF000  }
0x43: {  	[spmem:s19] =	stream.linear.scatter [tilespmem:s18], [sflag:$0x9], $0x1000, $0x38;
	[tilespmem:$0x1E900] =	vst v63  }
0x44: {  	_ =	swait.ge [sflag:s14], $0x1000  }
0x45: {  	[sflag:s14] =	ssyncset.done $0x0  }
0x46: {  	s9 =	rddreg [dreg:$0x7];
	[sflag:s14] =	ssyncadd.s32 $0xFFFFF000  }
0x47: {  	[spmem:s9] =	stream.linear.scatter [tilespmem:s18], [sflag:$0x9], $0x1000, $0x38;
	[tilespmem:$0x1E900] =	vst v63  }
0x48: {  	_ =	swait.ge [sflag:s14], $0x1000  }
0x49: {  	[sflag:s14] =	ssyncset.done $0x0  }
0x4a: {  	s15 =	rddreg [dreg:$0x15];
	[sflag:s14] =	ssyncadd.s32 $0xFFFFF000  }
0x4b: {  	[spmem:s15] =	stream.linear.scatter [tilespmem:s18], [sflag:$0x9], $0x1000, $0x38;
	[tilespmem:$0x1E900] =	vst v63  }
0x4c: {  	_ =	swait.ge [sflag:s14], $0x1000  }
0x4d: {  	[sflag:s14] =	ssyncset.done $0x0  }
0x4e: {  	[sflag:s14] =	ssyncadd.s32 $0xFFFFF000  }
0x4f: {  	[spmem:s28] =	stream.linear.scatter [tilespmem:s18], [sflag:$0x9], $0x1000, $0x38;
	[tilespmem:$0x1E900] =	vst v63  }
0x50: {  	_ =	swait.ge [sflag:s14], $0x1000  }
0x51: {  	[sflag:s14] =	ssyncset.done $0x0  }
0x52: {  	s19 =	rddreg [dreg:$0x16];
	[sflag:s14] =	ssyncadd.s32 $0xFFFFF000  }
0x53: {  	[spmem:s19] =	stream.linear.scatter [tilespmem:s18], [sflag:$0x9], $0x1000, $0x38;
	[tilespmem:$0x1E900] =	vst v63  }
0x54: {  	_ =	swait.ge [sflag:s14], $0x1000  }
0x55: {  	[sflag:s14] =	ssyncset.done $0x0  }
0x56: {  	[sflag:s14] =	ssyncadd.s32 $0xFFFFF000  }
0x57: {  	[spmem:s30] =	stream.linear.scatter [tilespmem:s18], [sflag:$0x9], $0x1000, $0x38;
	[tilespmem:$0x1E900] =	vst v63  }
0x58: {  	_ =	swait.ge [sflag:s14], $0x1000  }
0x59: {  	[sflag:s14] =	ssyncset.done $0x0  }
0x5a: {  	s9 =	rddreg [dreg:$0x17];
	[sflag:s14] =	ssyncadd.s32 $0xFFFFF000  }
0x5b: {  	[spmem:s9] =	stream.linear.scatter [tilespmem:s18], [sflag:$0x9], $0x1000, $0x38;
	[tilespmem:$0x1E900] =	vst v63  }
0x5c: {  	_ =	swait.ge [sflag:s14], $0x1000  }
0x5d: {  	[sflag:s14] =	ssyncset.done $0x0  }
0x5e: {  	[sflag:s14] =	ssyncadd.s32 $0xFFFFF000  }
0x5f: {  	[spmem:s1] =	stream.linear.scatter [tilespmem:s18], [sflag:$0x9], $0x1000, $0x38;
	[tilespmem:$0x1E900] =	vst v63  }
0x60: {  	_ =	swait.ge [sflag:s14], $0x1000  }
0x61: {  	[sflag:s14] =	ssyncset.done $0x0  }
0x62: {  	s15 =	rddreg [dreg:$0x18];
	[sflag:s14] =	ssyncadd.s32 $0xFFFFF000  }
0x63: {  	[spmem:s15] =	stream.linear.scatter [tilespmem:s18], [sflag:$0x9], $0xE00, $0x38;
	[tilespmem:$0x1E900] =	vst v63  }
0x64: {  	_ =	swait.ge [sflag:s14], $0xE00  }
0x65: {  	[sflag:s14] =	ssyncset.done $0x0  }
0x66: {  	s8 =	simm.s32 $0x0;
	s9 =	rddreg [dreg:$0x8];
	[sflag:s14] =	ssyncadd.s32 $0xFFFFF200  }
0x67: {  	[tilespmem:s8], [sflag:$0x9] =	stream.linear.gather [hbm4b:s9+s8], $0x5400, $0x38;
	[tilespmem:$0x1E900] =	vst v63  }
0x68: {  	_ =	swait.ge [sflag:s14], $0x5400  }
0x69: {  	[sflag:s14] =	ssyncset.done $0x0  }
0x6a: {  	s15 =	simm.s32 $0x5400;
	s19 =	rddreg [dreg:$0x9];
	[sflag:s14] =	ssyncadd.s32 $0xFFFFAC00  }
0x6b: {  	[tilespmem:s15], [sflag:$0x9] =	stream.linear.gather [hbm4b:s19+s8], $0x5400, $0x38;
	[tilespmem:$0x1E900] =	vst v63  }
0x6c: {  	_ =	swait.ge [sflag:s14], $0x5400  }
0x6d: {  	[sflag:s14] =	ssyncset.done $0x0  }
0x6e: {  	[sflag:s14] =	ssyncadd.s32 $0xFFFFAC00  }
0x6f: {  	[bflag:$0x0] =	sbarrier.arrive $0xFFFF  }
0x70: {  	[tilespmem:s21], [sflag:$0x1] =	stream.indirect.gather [hbm4b:s4+s20], $0x40, s8, s20, $0xb8;
	[tilespmem:$0x1E900] =	vst v63  }
0x71: {  	_ = 	snop  }
0x72: {  	[tilespmem:s22], [sflag:$0x2] =	stream.indirect.gather [hbm4b:s4+s20], $0x40, s20, s20, $0xb8;
	[tilespmem:$0x1E900] =	vst v63  }
0x73: {  	_ =	swait.ge [sflag:s23], $0x2000  }
0x74: {  	[sflag:s23] =	ssyncset.done $0x0  }
0x75: {  	[sflag:s23] =	ssyncadd.s32 $0xFFFFE000  }
0x76: {  	[spmem:s2] =	stream.indirect.scatter.add.f32 [tilespmem:s21], [sflag:$0x5], $0x40, s15, s20, $0xb8;
	[tilespmem:$0x1E900] =	vst v63  }
0x77: {  	s19 =	simm.s32 $0x100  }
0x78: {  	[tilespmem:s24], [sflag:$0x3] =	stream.indirect.gather [hbm4b:s4+s20], $0x40, s19, s20, $0xb8;
	[tilespmem:$0x1E900] =	vst v63  }
0x79: {  	_ =	swait.ge [sflag:s25], $0x2000  }
0x7a: {  	[sflag:s25] =	ssyncset.done $0x0  }
0x7b: {  	s9 =	simm.s32 $0x5480;
	[sflag:s25] =	ssyncadd.s32 $0xFFFFE000  }
0x7c: {  	[spmem:s2] =	stream.indirect.scatter.add.f32 [tilespmem:s22], [sflag:$0x6], $0x40, s9, s20, $0xb8;
	[tilespmem:$0x1E900] =	vst v63  }
0x7d: {  	s15 =	simm.s32 $0x180  }
0x7e: {  	[tilespmem:s26], [sflag:$0x4] =	stream.indirect.gather [hbm4b:s4+s20], $0x40, s15, s20, $0xb8;
	[tilespmem:$0x1E900] =	vst v63  }
0x7f: {  	_ =	swait.ge [sflag:s29], $0x2000  }
0x80: {  	[sflag:s29] =	ssyncset.done $0x0  }
0x81: {  	s19 =	simm.s32 $0x5500;
	[sflag:s29] =	ssyncadd.s32 $0xFFFFE000  }
0x82: {  	[spmem:s2] =	stream.indirect.scatter.add.f32 [tilespmem:s24], [sflag:$0x7], $0x40, s19, s20, $0xb8;
	[tilespmem:$0x1E900] =	vst v63  }
0x83: {  	_ =	swait.ge [sflag:s31], $0x2000  }
0x84: {  	[sflag:s31] =	ssyncset.done $0x0  }
0x85: {  	s9 =	simm.s32 $0x200;
	[sflag:s31] =	ssyncadd.s32 $0xFFFFE000  }
0x86: {  	[tilespmem:s21], [sflag:$0x1] =	stream.indirect.gather [hbm4b:s4+s20], $0x40, s9, s20, $0xb8;
	[tilespmem:$0x1E900] =	vst v63  }
0x87: {  	_ =	swait.ge [sflag:s13], $0x2000  }
0x88: {  	[sflag:s13] =	ssyncset.done $0x0  }
0x89: {  	s15 =	simm.s32 $0x5580;
	[sflag:s13] =	ssyncadd.s32 $0xFFFFE000  }
0x8a: {  	[spmem:s2] =	stream.indirect.scatter.add.f32 [tilespmem:s26], [sflag:$0x8], $0x40, s15, s20, $0xb8;
	[tilespmem:$0x1E900] =	vst v63  }
0x8b: {  	_ =	swait.ge [sflag:s0], $0x2000  }
0x8c: {  	[sflag:s0] =	ssyncset.done $0x0  }
0x8d: {  	s19 =	simm.s32 $0x280;
	[sflag:s0] =	ssyncadd.s32 $0xFFFFE000  }
0x8e: {  	[tilespmem:s22], [sflag:$0x2] =	stream.indirect.gather [hbm4b:s4+s20], $0x40, s19, s20, $0xb8;
	[tilespmem:$0x1E900] =	vst v63  }
0x8f: {  	_ =	swait.ge [sflag:s23], $0x2000  }
0x90: {  	[sflag:s23] =	ssyncset.done $0x0  }
0x91: {  	s9 =	simm.s32 $0x5600;
	[sflag:s23] =	ssyncadd.s32 $0xFFFFE000  }
0x92: {  	[spmem:s2] =	stream.indirect.scatter.add.f32 [tilespmem:s21], [sflag:$0x5], $0x40, s9, s20, $0xb8;
	[tilespmem:$0x1E900] =	vst v63  }
0x93: {  	_ =	swait.ge [sflag:s16], $0x2000  }
0x94: {  	[sflag:s16] =	ssyncset.done $0x0  }
0x95: {  	s15 =	simm.s32 $0x300;
	[sflag:s16] =	ssyncadd.s32 $0xFFFFE000  }
0x96: {  	[tilespmem:s24], [sflag:$0x3] =	stream.indirect.gather [hbm4b:s4+s20], $0x40, s15, s20, $0xb8;
	[tilespmem:$0x1E900] =	vst v63  }
0x97: {  	_ =	swait.ge [sflag:s25], $0x2000  }
0x98: {  	[sflag:s25] =	ssyncset.done $0x0  }
0x99: {  	s19 =	simm.s32 $0x5680;
	[sflag:s25] =	ssyncadd.s32 $0xFFFFE000  }
0x9a: {  	[spmem:s2] =	stream.indirect.scatter.add.f32 [tilespmem:s22], [sflag:$0x6], $0x40, s19, s20, $0xb8;
	[tilespmem:$0x1E900] =	vst v63  }
0x9b: {  	_ =	swait.ge [sflag:s7], $0x2000  }
0x9c: {  	[sflag:s7] =	ssyncset.done $0x0  }
0x9d: {  	s8 =	simm.s32 $0x800;
	s9 =	simm.s32 $0x380;
	[sflag:s7] =	ssyncadd.s32 $0xFFFFE000  }
.LBB2_4:
0x9e: {  	[tilespmem:s26], [sflag:$0x4] =	stream.indirect.gather [hbm4b:s4+s20], $0x40, s9, s20, $0xb8;
	[tilespmem:$0x1E900] =	vst v63  }
0x9f: {  	s9 =	smov.u32 s8  }
0xa0: {  	p1 =	sne.s32 s8, $0x14000;
	s8 =	sadd.s32 $0x800, s8;
	_ =	swait.ge [sflag:s29], $0x2000  }
0xa1: {  	s9 =	sshra.s32 s9, $0x2;
	[sflag:s29] =	ssyncset.done $0x0  }
0xa2: {  	s19 =	sadd.s32 $0x5500, s9;
	[sflag:s29] =	ssyncadd.s32 $0xFFFFE000  }
0xa3: {  	[spmem:s2] =	stream.indirect.scatter.add.f32 [tilespmem:s24], [sflag:$0x7], $0x40, s19, s20, $0xb8;
	[tilespmem:$0x1E900] =	vst v63  }
0xa4: {  	_ =	swait.ge [sflag:s31], $0x2000  }
0xa5: {  	[sflag:s31] =	ssyncset.done $0x0  }
0xa6: {  	s19 =	sadd.s32 $0x200, s9;
	[sflag:s31] =	ssyncadd.s32 $0xFFFFE000  }
0xa7: {  	[tilespmem:s21], [sflag:$0x1] =	stream.indirect.gather [hbm4b:s4+s20], $0x40, s19, s20, $0xb8;
	[tilespmem:$0x1E900] =	vst v63  }
0xa8: {  	_ =	swait.ge [sflag:s13], $0x2000  }
0xa9: {  	[sflag:s13] =	ssyncset.done $0x0  }
0xaa: {  	s19 =	sadd.s32 $0x5580, s9;
	[sflag:s13] =	ssyncadd.s32 $0xFFFFE000  }
0xab: {  	[spmem:s2] =	stream.indirect.scatter.add.f32 [tilespmem:s26], [sflag:$0x8], $0x40, s19, s20, $0xb8;
	[tilespmem:$0x1E900] =	vst v63  }
0xac: {  	_ =	swait.ge [sflag:s0], $0x2000  }
0xad: {  	[sflag:s0] =	ssyncset.done $0x0  }
0xae: {  	s19 =	sadd.s32 $0x280, s9;
	[sflag:s0] =	ssyncadd.s32 $0xFFFFE000  }
0xaf: {  	[tilespmem:s22], [sflag:$0x2] =	stream.indirect.gather [hbm4b:s4+s20], $0x40, s19, s20, $0xb8;
	[tilespmem:$0x1E900] =	vst v63  }
0xb0: {  	_ =	swait.ge [sflag:s23], $0x2000  }
0xb1: {  	[sflag:s23] =	ssyncset.done $0x0  }
0xb2: {  	s19 =	sadd.s32 $0x5600, s9;
	[sflag:s23] =	ssyncadd.s32 $0xFFFFE000  }
0xb3: {  	[spmem:s2] =	stream.indirect.scatter.add.f32 [tilespmem:s21], [sflag:$0x5], $0x40, s19, s20, $0xb8;
	[tilespmem:$0x1E900] =	vst v63  }
0xb4: {  	_ =	swait.ge [sflag:s16], $0x2000  }
0xb5: {  	[sflag:s16] =	ssyncset.done $0x0  }
0xb6: {  	s19 =	sadd.s32 $0x300, s9;
	[sflag:s16] =	ssyncadd.s32 $0xFFFFE000  }
0xb7: {  	[tilespmem:s24], [sflag:$0x3] =	stream.indirect.gather [hbm4b:s4+s20], $0x40, s19, s20, $0xb8;
	[tilespmem:$0x1E900] =	vst v63  }
0xb8: {  	_ =	swait.ge [sflag:s25], $0x2000  }
0xb9: {  	[sflag:s25] =	ssyncset.done $0x0  }
.Ltmp1:
0xba: {  	s19 =	sadd.s32 $0x5680, s9;
	[sflag:s25] =	ssyncadd.s32 $0xFFFFE000;
	(pc) =	sbr.rel @p1 .LBB2_4-.Ltmp1, $4  }
0xbb: {  	[spmem:s2] =	stream.indirect.scatter.add.f32 [tilespmem:s22], [sflag:$0x6], $0x40, s19, s20, $0xb8;
	[tilespmem:$0x1E900] =	vst v63  }
0xbc: {  	_ =	swait.ge [sflag:s7], $0x2000  }
0xbd: {  	[sflag:s7] =	ssyncset.done $0x0  }
0xbe: {  	s9 =	sadd.s32 $0x380, s9;
	[sflag:s7] =	ssyncadd.s32 $0xFFFFE000  }
0xbf: {  	[tilespmem:s26], [sflag:$0x4] =	stream.indirect.gather [hbm4b:s4+s20], $0x40, s9, s20, $0xb8;
	[tilespmem:$0x1E900] =	vst v63  }
0xc0: {  	_ =	swait.ge [sflag:s29], $0x2000  }
0xc1: {  	[sflag:s29] =	ssyncset.done $0x0  }
0xc2: {  	s8 =	simm.s32 $0xA700;
	[sflag:s29] =	ssyncadd.s32 $0xFFFFE000  }
0xc3: {  	[spmem:s2] =	stream.indirect.scatter.add.f32 [tilespmem:s24], [sflag:$0x7], $0x40, s8, s20, $0xb8;
	[tilespmem:$0x1E900] =	vst v63  }
0xc4: {  	_ =	swait.ge [sflag:s31], $0x2000  }
0xc5: {  	[sflag:s31] =	ssyncset.done $0x0  }
0xc6: {  	[sflag:s31] =	ssyncadd.s32 $0xFFFFE000  }
0xc7: {  	_ =	swait.ge [sflag:s13], $0x2000  }
0xc8: {  	[sflag:s13] =	ssyncset.done $0x0  }
0xc9: {  	s9 =	simm.s32 $0xA780;
	[sflag:s13] =	ssyncadd.s32 $0xFFFFE000  }
0xca: {  	[spmem:s2] =	stream.indirect.scatter.add.f32 [tilespmem:s26], [sflag:$0x8], $0x40, s9, s20, $0xb8;
	[tilespmem:$0x1E900] =	vst v63  }
0xcb: {  	_ =	swait.ge [sflag:s0], $0x2000  }
0xcc: {  	[sflag:s0] =	ssyncset.done $0x0  }
0xcd: {  	[sflag:s0] =	ssyncadd.s32 $0xFFFFE000  }
0xce: {  	_ =	swait.ge [sflag:s16], $0x2000  }
0xcf: {  	[sflag:s16] =	ssyncset.done $0x0  }
0xd0: {  	[sflag:s16] =	ssyncadd.s32 $0xFFFFE000  }
0xd1: {  	_ =	swait.ge [sflag:s7], $0x2000  }
0xd2: {  	[sflag:s7] =	ssyncset.done $0x0  }
0xd3: {  	[sflag:s7] =	ssyncadd.s32 $0xFFFFE000  }
0xd4: {  	[bflag:$0x0] =	sbarrier.arrive $0xFFFF  }
0xd5: {  	[tilespmem:s21], [sflag:$0x9] =	stream.linear.gather [spmem:s10], $0x2000, $0x38;
	[tilespmem:$0x1E900] =	vst v63  }
0xd6: {  	_ =	swait.ge [sflag:s14], $0x2000  }
0xd7: {  	[sflag:s14] =	ssyncset.done $0x0  }
0xd8: {  	s15 =	rddreg [dreg:$0xa];
	[sflag:s14] =	ssyncadd.s32 $0xFFFFE000  }
0xd9: {  	[hbm4b:s15+s3] =	stream.linear.scatter [tilespmem:s21], [sflag:$0x9], $0x2000, $0x38;
	[tilespmem:$0x1E900] =	vst v63  }
0xda: {  	_ =	swait.ge [sflag:s14], $0x2000  }
0xdb: {  	[sflag:s14] =	ssyncset.done $0x0  }
0xdc: {  	s19 =	rddreg [dreg:$0x7];
	[sflag:s14] =	ssyncadd.s32 $0xFFFFE000  }
0xdd: {  	[tilespmem:s21], [sflag:$0x9] =	stream.linear.gather [spmem:s19], $0x2000, $0x38;
	[tilespmem:$0x1E900] =	vst v63  }
0xde: {  	_ =	swait.ge [sflag:s14], $0x2000  }
0xdf: {  	[sflag:s14] =	ssyncset.done $0x0  }
0xe0: {  	s9 =	rddreg [dreg:$0x19];
	[sflag:s14] =	ssyncadd.s32 $0xFFFFE000  }
0xe1: {  	[hbm4b:s9+s3] =	stream.linear.scatter [tilespmem:s21], [sflag:$0x9], $0x2000, $0x38;
	[tilespmem:$0x1E900] =	vst v63  }
0xe2: {  	_ =	swait.ge [sflag:s14], $0x2000  }
0xe3: {  	[sflag:s14] =	ssyncset.done $0x0  }
0xe4: {  	[sflag:s14] =	ssyncadd.s32 $0xFFFFE000  }
0xe5: {  	[tilespmem:s21], [sflag:$0x9] =	stream.linear.gather [spmem:s28], $0x2000, $0x38;
	[tilespmem:$0x1E900] =	vst v63  }
0xe6: {  	_ =	swait.ge [sflag:s14], $0x2000  }
0xe7: {  	[sflag:s14] =	ssyncset.done $0x0  }
0xe8: {  	s15 =	rddreg [dreg:$0x1a];
	[sflag:s14] =	ssyncadd.s32 $0xFFFFE000  }
0xe9: {  	[hbm4b:s15+s3] =	stream.linear.scatter [tilespmem:s21], [sflag:$0x9], $0x2000, $0x38;
	[tilespmem:$0x1E900] =	vst v63  }
0xea: {  	_ =	swait.ge [sflag:s14], $0x2000  }
0xeb: {  	[sflag:s14] =	ssyncset.done $0x0  }
0xec: {  	[sflag:s14] =	ssyncadd.s32 $0xFFFFE000  }
0xed: {  	[tilespmem:s21], [sflag:$0x9] =	stream.linear.gather [spmem:s30], $0x2000, $0x38;
	[tilespmem:$0x1E900] =	vst v63  }
0xee: {  	_ =	swait.ge [sflag:s14], $0x2000  }
0xef: {  	[sflag:s14] =	ssyncset.done $0x0  }
0xf0: {  	s19 =	rddreg [dreg:$0x1b];
	[sflag:s14] =	ssyncadd.s32 $0xFFFFE000  }
0xf1: {  	[hbm4b:s19+s3] =	stream.linear.scatter [tilespmem:s21], [sflag:$0x9], $0x2000, $0x38;
	[tilespmem:$0x1E900] =	vst v63  }
0xf2: {  	_ =	swait.ge [sflag:s14], $0x2000  }
0xf3: {  	[sflag:s14] =	ssyncset.done $0x0  }
0xf4: {  	[sflag:s14] =	ssyncadd.s32 $0xFFFFE000  }
0xf5: {  	[tilespmem:s21], [sflag:$0x9] =	stream.linear.gather [spmem:s1], $0x1E00, $0x38;
	[tilespmem:$0x1E900] =	vst v63  }
0xf6: {  	_ =	swait.ge [sflag:s14], $0x1E00  }
0xf7: {  	[sflag:s14] =	ssyncset.done $0x0  }
0xf8: {  	s9 =	rddreg [dreg:$0x1c];
	[sflag:s14] =	ssyncadd.s32 $0xFFFFE200  }
0xf9: {  	[hbm4b:s9+s3] =	stream.linear.scatter [tilespmem:s21], [sflag:$0x9], $0x1E00, $0x38;
	[tilespmem:$0x1E900] =	vst v63  }
0xfa: {  	_ =	swait.ge [sflag:s14], $0x1E00  }
0xfb: {  	[sflag:s14] =	ssyncset.done $0x0  }
0xfc: {  	[sflag:s14] =	ssyncadd.s32 $0xFFFFE200  }
0xfd: {  	[bflag:$0x0] =	sbarrier.arrive $0xFFFF  }
0xfe: {  	[tilespmem:s21], [sflag:$0x1] =	stream.indirect.gather [hbm4b:s6+s20], $0x40, s11, s20, $0xb8;
	[tilespmem:$0x1E900] =	vst v63  }
0xff: {  	s15 =	simm.s32 $0x1D680  }
0x100: {  	[tilespmem:s22], [sflag:$0x2] =	stream.indirect.gather [hbm4b:s6+s20], $0x40, s15, s20, $0xb8;
	[tilespmem:$0x1E900] =	vst v63  }
0x101: {  	s8 =	simm.s32 @!p0 $0x1D900;
	s19 =	simm.s32 @!p0 $0x1D600;
	s9 =	simm.s32 @!p0 $0x100  }
0x102: {  	[tilespmem:s8], [sflag:$0x3] =	stream.indirect.gather @!p0 [hbm4b:s5+s9], $0x10, s19, s9, $0xb8;
	[tilespmem:$0x1E900] =	vst v63  }
0x103: {  	_ =	swait.ge [sflag:s23], $0x2000  }
0x104: {  	[sflag:s23] =	ssyncset.done $0x0  }
0x105: {  	s19 =	rddreg [dreg:$0xb];
	[sflag:s23] =	ssyncadd.s32 $0xFFFFE000  }
0x106: {  	[hbm4b:s19+s3] =	stream.linear.scatter [tilespmem:s21], [sflag:$0x9], $0x2000, $0x38;
	[tilespmem:$0x1E900] =	vst v63  }
0x107: {  	_ =	swait.ge [sflag:s14], $0x2000  }
0x108: {  	[sflag:s14] =	ssyncset.done $0x0  }
0x109: {  	[sflag:s14] =	ssyncadd.s32 $0xFFFFE000  }
0x10a: {  	[tilespmem:s21], [sflag:$0x1] =	stream.indirect.gather [hbm4b:s6+s20], $0x40, s12, s20, $0xb8;
	[tilespmem:$0x1E900] =	vst v63  }
0x10b: {  	_ =	swait.ge [sflag:s25], $0x2000  }
0x10c: {  	[sflag:s25] =	ssyncset.done $0x0  }
0x10d: {  	s12 =	rddreg [dreg:$0xc];
	[sflag:s25] =	ssyncadd.s32 $0xFFFFE000  }
0x10e: {  	[hbm4b:s12+s3] =	stream.linear.scatter [tilespmem:s22], [sflag:$0x9], $0x2000, $0x38;
	[tilespmem:$0x1E900] =	vst v63  }
0x10f: {  	_ =	swait.ge [sflag:s14], $0x2000  }
0x110: {  	[sflag:s14] =	ssyncset.done $0x0  }
0x111: {  	s15 =	simm.s32 $0x1D780;
	s19 =	simm.s32 @!p0 $0x3;
	[sflag:s14] =	ssyncadd.s32 $0xFFFFE000  }
0x112: {  	[tilespmem:s22], [sflag:$0x2] =	stream.indirect.gather [hbm4b:s6+s20], $0x40, s15, s20, $0xb8;
	[tilespmem:$0x1E900] =	vst v63  }
0x113: {  	_ =	swait.ge @!p0 [sflag:s19], $0x1000  }
0x114: {  	s11 =	simm.s32 @!p0 $0x0;
	[sflag:s19] =	ssyncset.done @!p0 $0x0  }
0x115: {  	s15 =	simm.s32 @!p0 $0x9;
	s12 =	rddreg [dreg:$0x11];
	[sflag:s19] =	ssyncadd.s32 @!p0 $0xFFFFF000  }
0x116: {  	[hbm4b:s12+s11] =	stream.linear.scatter @!p0 [tilespmem:s8], [sflag:$0x9], $0x1000, $0x38;
	[tilespmem:$0x1E900] =	vst v63  }
0x117: {  	_ =	swait.ge @!p0 [sflag:s15], $0x1000  }
0x118: {  	[sflag:s15] =	ssyncset.done @!p0 $0x0  }
0x119: {  	s12 =	simm.s32 @!p0 $0x1D700;
	[sflag:s15] =	ssyncadd.s32 @!p0 $0xFFFFF000  }
0x11a: {  	[tilespmem:s8], [sflag:$0x3] =	stream.indirect.gather @!p0 [hbm4b:s5+s9], $0x10, s12, s9, $0xb8;
	[tilespmem:$0x1E900] =	vst v63  }
0x11b: {  	_ =	swait.ge [sflag:s23], $0x2000  }
0x11c: {  	[sflag:s23] =	ssyncset.done $0x0  }
0x11d: {  	s12 =	rddreg [dreg:$0xd];
	[sflag:s23] =	ssyncadd.s32 $0xFFFFE000  }
0x11e: {  	[hbm4b:s12+s3] =	stream.linear.scatter [tilespmem:s21], [sflag:$0x9], $0x2000, $0x38;
	[tilespmem:$0x1E900] =	vst v63  }
0x11f: {  	_ =	swait.ge [sflag:s14], $0x2000  }
0x120: {  	[sflag:s14] =	ssyncset.done $0x0  }
0x121: {  	s12 =	simm.s32 $0x1D800;
	[sflag:s14] =	ssyncadd.s32 $0xFFFFE000  }
0x122: {  	[tilespmem:s21], [sflag:$0x1] =	stream.indirect.gather [hbm4b:s6+s20], $0x40, s12, s20, $0xb8;
	[tilespmem:$0x1E900] =	vst v63  }
0x123: {  	_ =	swait.ge [sflag:s25], $0x2000  }
0x124: {  	[sflag:s25] =	ssyncset.done $0x0  }
0x125: {  	s12 =	rddreg [dreg:$0xe];
	[sflag:s25] =	ssyncadd.s32 $0xFFFFE000  }
0x126: {  	[hbm4b:s12+s3] =	stream.linear.scatter [tilespmem:s22], [sflag:$0x9], $0x2000, $0x38;
	[tilespmem:$0x1E900] =	vst v63  }
0x127: {  	_ =	swait.ge [sflag:s14], $0x2000  }
0x128: {  	[sflag:s14] =	ssyncset.done $0x0  }
0x129: {  	s12 =	simm.s32 $0x1D880;
	[sflag:s14] =	ssyncadd.s32 $0xFFFFE000  }
0x12a: {  	[tilespmem:s22], [sflag:$0x2] =	stream.indirect.gather [hbm4b:s6+s20], $0x40, s12, s20, $0xb8;
	[tilespmem:$0x1E900] =	vst v63  }
0x12b: {  	_ =	swait.ge @!p0 [sflag:s19], $0x1000  }
0x12c: {  	[sflag:s19] =	ssyncset.done @!p0 $0x0  }
0x12d: {  	s12 =	rddreg [dreg:$0x12];
	[sflag:s19] =	ssyncadd.s32 @!p0 $0xFFFFF000  }
0x12e: {  	[hbm4b:s12+s11] =	stream.linear.scatter @!p0 [tilespmem:s8], [sflag:$0x9], $0x1000, $0x38;
	[tilespmem:$0x1E900] =	vst v63  }
0x12f: {  	_ =	swait.ge @!p0 [sflag:s15], $0x1000  }
0x130: {  	[sflag:s15] =	ssyncset.done @!p0 $0x0  }
0x131: {  	s12 =	simm.s32 @!p0 $0x1D800;
	[sflag:s15] =	ssyncadd.s32 @!p0 $0xFFFFF000  }
0x132: {  	[tilespmem:s8], [sflag:$0x3] =	stream.indirect.gather @!p0 [hbm4b:s5+s9], $0x10, s12, s9, $0xb8;
	[tilespmem:$0x1E900] =	vst v63  }
0x133: {  	_ =	swait.ge [sflag:s23], $0x2000  }
0x134: {  	[sflag:s23] =	ssyncset.done $0x0  }
0x135: {  	s9 =	rddreg [dreg:$0xf];
	[sflag:s23] =	ssyncadd.s32 $0xFFFFE000  }
0x136: {  	[hbm4b:s9+s3] =	stream.linear.scatter [tilespmem:s21], [sflag:$0x9], $0x2000, $0x38;
	[tilespmem:$0x1E900] =	vst v63  }
0x137: {  	_ =	swait.ge [sflag:s14], $0x2000  }
0x138: {  	[sflag:s14] =	ssyncset.done $0x0  }
0x139: {  	[sflag:s14] =	ssyncadd.s32 $0xFFFFE000  }
0x13a: {  	_ =	swait.ge [sflag:s25], $0x2000  }
0x13b: {  	[sflag:s25] =	ssyncset.done $0x0  }
0x13c: {  	s9 =	rddreg [dreg:$0x10];
	[sflag:s25] =	ssyncadd.s32 $0xFFFFE000  }
0x13d: {  	[hbm4b:s9+s3] =	stream.linear.scatter [tilespmem:s22], [sflag:$0x9], $0x2000, $0x38;
	[tilespmem:$0x1E900] =	vst v63  }
0x13e: {  	_ =	swait.ge [sflag:s14], $0x2000  }
0x13f: {  	[sflag:s14] =	ssyncset.done $0x0  }
0x140: {  	[sflag:s14] =	ssyncadd.s32 $0xFFFFE000  }
0x141: {  	_ =	swait.ge @!p0 [sflag:s19], $0x1000  }
0x142: {  	[sflag:s19] =	ssyncset.done @!p0 $0x0  }
0x143: {  	s9 =	rddreg [dreg:$0x13];
	[sflag:s19] =	ssyncadd.s32 @!p0 $0xFFFFF000  }
0x144: {  	[hbm4b:s9+s11] =	stream.linear.scatter @!p0 [tilespmem:s8], [sflag:$0x9], $0x1000, $0x38;
	[tilespmem:$0x1E900] =	vst v63  }
0x145: {  	_ =	swait.ge @!p0 [sflag:s15], $0x1000  }
0x146: {  	s17 =	sadd.s32 $0x1, s17;
	s19 =	rddreg [dreg:$0x14]  }
0x147: {  	p1 =	sne.s32 s17, s19  }
.Ltmp2:
0x148: {  	_ = 	snop;
	(pc) =	sbr.rel @p1 .LBB2_1-.Ltmp2, $3  }
0x149: {  	_ =	sdelay $0x1  }
0x14a: {  	s12 =	simm.s32 $0x1D700;
	[sflag:s15] =	ssyncset.done @!p0 $0x0  }
0x14b: {  	s9 =	simm.s32 $0x1D800;
	s11 =	simm.s32 $0x1D600;
	[sflag:s15] =	ssyncadd.s32 @!p0 $0xFFFFF000  }
0x14c: {  	_ =	sfence.sel $0x180000  }
0x14d: {  	[bflag:$0x0] =	sbarrier.arrive $0xFFFF  }
0x14e: {  	_ =	strace $0x9000004D  }
0x14f: {  	s0 =	stileid.u32;
	[bflag:$0x2] =	sbarrier.arrive $0xFFFF  }
0x150: {  	p0 =	sne.s32 s0, $0x0;
	s0 =	rddreg [dreg:$0x2]  }
0x151: {  	s0 =	sadd.s32 @!p0 $0x100000, s0  }
0x152: {  	[sflag:s0] =	ssyncadd.tile.s32 @!p0 $0x1;
	_ =	shalt  }
.Lfunc_end2:
_tile_overlayer_lowered:
.L_overlay_start_2:
0x153: {  	(tag) =	ssettag $0x2  }
0x154: {  	s0 =	rddreg [dreg:$0x0];
	s2 =	stileid.u32  }
0x155: {  	s1 =	rddreg [dreg:$0x1];
	p0 =	sne.s32 s2, $0x0  }
0x156: {  	s3 =	rddreg [dreg:$0x2];
	[bflag:$0x3] =	sbarrier.arrive $0xFFFF;
	s2 =	simm.s32 @!p0 $0x1C09  }
0x157: {  	[timem:s3], [sflag:s2] =	dma.local @!p0 [hbm:s0], s1  }
0x158: {  	s0 =	simm.s32 @!p0 $0x9  }
0x159: {  	_ =	swait.ge @!p0 [sflag:s0], s1  }
0x15a: {  	s1 =	ssub.s32 @!p0 $0x0, s1;
	[sflag:s0] =	ssyncset.done @!p0 $0x0  }
0x15b: {  	[sflag:s0] =	ssyncadd.s32 @!p0 s1  }
0x15c: {  	[bflag:$0x3] =	sbarrier.arrive $0xFFFF  }
0x15d: {  	_ =	shalt  }

// kernel: kernel.8.cloned.1.call-start
scs
__scs_entry_jumppad:
0x0: {  	(pc) =	sbr.rel $0x88, $3  }
0x1: {  	(tag) =	ssettag $0x0;
	lr =	simm.s32 $0x1  }
0x2: {  	[smem:$0x3F94] =	sst lr;
	_ =	strace $0xD0000000  }
0x3: {  	_ = 	snop  }
0x4: {  	_ = 	snop  }
0x5: {  	_ = 	snop  }
0x6: {  	_ = 	snop  }
0x7: {  	_ = 	snop  }
__scs_overlays_trampoline_lowered:
0x8: {  	[smem:$0x3FA3] =	sst s0  }
0x9: {  	[smem:$0x3FA4] =	sst s1  }
0xa: {  	[smem:$0x3FA5] =	sst s2  }
0xb: {  	[smem:$0x3FA6] =	sst s3  }
0xc: {  	[smem:$0x3FA7] =	sst s4  }
0xd: {  	[smem:$0x3FA8] =	sst s5  }
0xe: {  	[smem:$0x3FA9] =	sst s6  }
0xf: {  	[smem:$0x3FAA] =	sst s7  }
0x10: {  	[smem:$0x3FAB] =	sst s8  }
0x11: {  	[smem:$0x3FAC] =	sst s9;
	s0 =	simm.s32 @!p0 $0x0  }
0x12: {  	s1 =	sld [smem:$0x3F92];
	s0 =	simm.s32 @p0 $0x1  }
0x13: {  	[smem:$0x3FAD] =	sst s0;
	s0 =	simm.s32 @!p1 $0x0  }
0x14: {  	s2 =	sld [smem:$0x3F91];
	s0 =	simm.s32 @p1 $0x1  }
0x15: {  	[smem:$0x3FAE] =	sst s0;
	s0 =	simm.s32 @!p2 $0x0  }
0x16: {  	s3 =	sld [smem:$0x3FDB];
	s0 =	simm.s32 @p2 $0x1  }
0x17: {  	s4 =	simm.s32 $0x1BF5;
	[smem:$0x3FB0] =	sst s0  }
0x18: {  	s0 =	sld [smem:$0x3F93];
	_ =	swait.ge [sflag:s4], $0x0  }
0x19: {  	s7 =	sld [smem:$0x3F94]  }
0x1a: {  	s8 =	sadd.s32 $0xFFFFE003, lr  }
0x1b: {  	s9 =	sadd.s32 $0xFFFFFEF7, lr;
	s5 =	simm.s32 $0xFFFFFFFF;
	p2 =	slt.u32 s8, $0xFFFFF086  }
0x1c: {  	p1 =	slt.u32 s9, $0xF7A;
	s5 =	simm.s32 @!p2 $0x0  }
0x1d: {  	s5 =	simm.s32 @p1 $0x1;
	p0 =	seq.s32 s7, s2  }
0x1e: {  	s7 =	smul.u32 @!p0 $0xF7A, s2;
	p2 =	seq.s32 @!p0 s5, $0x0  }
0x1f: {  	s9 =	smul.u32 $0xF7A, s1;
	s8 =	simm.s32 @!p0 $0x1BF5;
	p2 =	por !p2, p0  }
0x20: {  	[sflag:s8] =	ssyncset.s32 @!p0 $0xFFFFF086;
	s6 =	sadd.s32 @!p0 s3, s7;
	s7 =	simm.s32 @!p0 $0x108  }
0x21: {  	s3 =	sadd.s32 s3, s9;
	s6 =	sadd.s32 @!p0 $0x88, s6;
	s7 =	simm.s32 @p2 $0x1082  }
0x22: {  	[simem:s7], [sflag:s8] =	dma.local @!p0 [hbm:s6], $0xF7A  }
0x23: {  	s9 =	sor.u32 $0xD0000000, s2;
	s6 =	simm.s32 $0x108;
	_ =	swait.ge @!p0 [sflag:s8], $0x0  }
0x24: {  	s3 =	sadd.s32 $0x88, s3;
	s6 =	simm.s32 @!p1 $0x1082;
	[sflag:s4] =	ssyncset.s32 $0xFFFFF086  }
0x25: {  	[simem:s6], [sflag:s4] =	dma.local [hbm:s3], $0xF7A  }
0x26: {  	[smem:$0x3F94] =	sst s1;
	(tag) =	ssettag s2;
	_ =	strace s9  }
0x27: {  	s1 =	sld [smem:$0x3FA4]  }
0x28: {  	s2 =	sld [smem:$0x3FA5]  }
0x29: {  	s4 =	sld [smem:$0x3FA7]  }
0x2a: {  	p0 =	seq.s32 s5, $0x0;
	s5 =	sld [smem:$0x3FA8]  }
0x2b: {  	s6 =	sld [smem:$0x3FA9]  }
0x2c: {  	s7 =	sld [smem:$0x3FAA]  }
0x2d: {  	s3 =	simm.s32 $0x108;
	s8 =	sld [smem:$0x3FAB]  }
0x2e: {  	s3 =	simm.s32 @!p0 $0x1082;
	s9 =	sld [smem:$0x3FAC]  }
0x2f: {  	lr =	sadd.s32 s0, s3;
	s0 =	sld [smem:$0x3FA3]  }
0x30: {  	s3 =	sld [smem:$0x3FA6]  }
0x31: {  	[smem:$0x3FAF] =	sst s10  }
0x32: {  	s10 =	sld [smem:$0x3FAD];
	_ =	sdelay $0x3  }
0x33: {  	p0 =	seq.s32 s10, $0x1;
	s10 =	sld [smem:$0x3FAF];
	_ =	sdelay $0x3  }
0x34: {  	[smem:$0x3FAF] =	sst s10  }
0x35: {  	s10 =	sld [smem:$0x3FAE];
	_ =	sdelay $0x3  }
0x36: {  	p1 =	seq.s32 s10, $0x1;
	s10 =	sld [smem:$0x3FAF];
	_ =	sdelay $0x3  }
0x37: {  	[smem:$0x3FAF] =	sst s10  }
0x38: {  	s10 =	sld [smem:$0x3FB0]  }
0x39: {  	_ = 	snop;
	(pc) =	sbr.ind lr, $3  }
0x3a: {  	_ = 	snop  }
0x3b: {  	_ = 	snop  }
0x3c: {  	p2 =	seq.s32 s10, $0x1;
	s10 =	sld [smem:$0x3FAF]  }
0x3d: {  	_ =	shalt  }
0x3e: {  	_ =	shalt  }
0x3f: {  	_ =	shalt  }
0x40: {  	_ =	shalt  }
0x41: {  	_ =	shalt  }
0x42: {  	_ =	shalt  }
0x43: {  	_ =	shalt  }
0x44: {  	_ =	shalt  }
0x45: {  	_ =	shalt  }
0x46: {  	_ =	shalt  }
0x47: {  	_ =	shalt  }
0x48: {  	_ =	shalt  }
0x49: {  	_ =	shalt  }
0x4a: {  	_ =	shalt  }
0x4b: {  	_ =	shalt  }
0x4c: {  	_ =	shalt  }
0x4d: {  	_ =	shalt  }
0x4e: {  	_ =	shalt  }
0x4f: {  	_ =	shalt  }
0x50: {  	_ =	shalt  }
0x51: {  	_ =	shalt  }
0x52: {  	_ =	shalt  }
0x53: {  	_ =	shalt  }
0x54: {  	_ =	shalt  }
0x55: {  	_ =	shalt  }
0x56: {  	_ =	shalt  }
0x57: {  	_ =	shalt  }
0x58: {  	_ =	shalt  }
0x59: {  	_ =	shalt  }
0x5a: {  	_ =	shalt  }
0x5b: {  	_ =	shalt  }
0x5c: {  	_ =	shalt  }
0x5d: {  	_ =	shalt  }
0x5e: {  	_ =	shalt  }
0x5f: {  	_ =	shalt  }
0x60: {  	_ =	shalt  }
0x61: {  	_ =	shalt  }
0x62: {  	_ =	shalt  }
0x63: {  	_ =	shalt  }
0x64: {  	_ =	shalt  }
0x65: {  	_ =	shalt  }
0x66: {  	_ =	shalt  }
0x67: {  	_ =	shalt  }
0x68: {  	_ =	shalt  }
0x69: {  	_ =	shalt  }
0x6a: {  	_ =	shalt  }
0x6b: {  	_ =	shalt  }
0x6c: {  	_ =	shalt  }
0x6d: {  	_ =	shalt  }
0x6e: {  	_ =	shalt  }
0x6f: {  	_ =	shalt  }
0x70: {  	_ =	shalt  }
0x71: {  	_ =	shalt  }
0x72: {  	_ =	shalt  }
0x73: {  	_ =	shalt  }
0x74: {  	_ =	shalt  }
0x75: {  	_ =	shalt  }
0x76: {  	_ =	shalt  }
0x77: {  	_ =	shalt  }
0x78: {  	_ =	shalt  }
0x79: {  	_ =	shalt  }
0x7a: {  	_ =	shalt  }
0x7b: {  	_ =	shalt  }
0x7c: {  	_ =	shalt  }
0x7d: {  	_ =	shalt  }
0x7e: {  	_ =	shalt  }
0x7f: {  	_ =	shalt  }
0x80: {  	_ =	shalt  }
0x81: {  	_ =	shalt  }
0x82: {  	_ =	shalt  }
0x83: {  	_ =	shalt  }
0x84: {  	_ =	shalt  }
0x85: {  	_ =	shalt  }
0x86: {  	_ =	shalt  }
0x87: {  	_ =	shalt  }
.Lfunc_end0:
.L_simem_size_0:
called_computation_lowered:
.L_overlay_start_0:
0x88: {  	s2 =	sld [smem:$0x3FD9]  }
0x89: {  	s3 =	sld [smem:$0x3FFE];
	_ =	sdelay $0x1  }
0x8a: {  	s1 =	srdreg.scid  }
0x8b: {  	s0 =	sand.u32 $0x1, s1  }
0x8c: {  	s16 =	sshll.u32 s0, $0xA;
	s2 =	sadd.s32 s3, s2  }
0x8d: {  	s2 =	sadd.s32 s2, s16  }
0x8e: {  	[smem:$0x3FBB] =	sst s2  }
0x8f: {  	_ = 	snop  }
0x90: {  	(tm) =	ssettm $0x1  }
0x91: {  	s17 =	sld [smem:$0x3FFB];
	_ =	sdelay $0x3  }
0x92: {  	_ =	strace s17  }
0x93: {  	s2 =	sld [smem:$0x3FFC];
	_ =	sdelay $0x3  }
0x94: {  	_ =	strace s2  }
0x95: {  	s2 =	sld [smem:$0x3FFD];
	_ =	sdelay $0x3  }
0x96: {  	_ =	strace s2  }
0x97: {  	_ =	strace $0x8FFFFFFF  }
0x98: {  	s18 =	sld [smem:$0x3FDB];
	_ =	sdelay $0x1  }
0x99: {  	s19 =	simm.s32 $_scs_section_size  }
0x9a: {  	s4 =	simm.s32 $_size__tile_overlayer_lowered;
	s5 =	simm.s32 $_tile_overlayer_lowered  }
0x9b: {  	s22 =	simm.s32 $0x1BFF;
	s21 =	sshll.u32 s5, $0x1;
	s2 =	sadd.s32 s19, s18  }
0x9c: {  	s6 =	simm.s32 $0x0;
	s20 =	sshll.u32 s4, $0x1;
	s4 =	sadd.s32 s21, s2  }
0x9d: {  	[timem:s6], [sflag:s22] =	dma.local [hbm:s4], s20  }
0x9e: {  	_ =	swait.ge [sflag:s22], s20  }
0x9f: {  	s3 =	ssub.s32 $0x0, s20;
	[sflag:s22] =	ssyncset.done $0x0  }
0xa0: {  	[sflag:s22] =	ssyncadd.s32 s3;
	_ =	sdelay $0x1  }
0xa1: {  	s23 =	simm.s32 $0x1B8B  }
0xa2: {  	_ =	swait.ge [sflag:s23], $0x1  }
0xa3: {  	[sflag:s23] =	ssyncset.done $0x0  }
0xa4: {  	s25 =	simm.s32 $0x1B8E;
	s24 =	sld [smem:$0x3FFE];
	[sflag:s23] =	ssyncadd.s32 $0xFFFFFFFF  }
0xa5: {  	s26 =	simm.s32 $execute0_lowered;
	[smem:$0x3FD2] =	sst s25  }
0xa6: {  	s4 =	sshll.u32 s26, $0x1;
	_ =	strace $0x80000046;
	[dreg:$0x1] =	wrdreg $0xFFFFFFFF  }
0xa7: {  	s28 =	simm.s32 $_size_execute0_lowered;
	s2 =	sadd.s32 s2, s4;
	[dreg:$0x0] =	wrdreg $0x0  }
0xa8: {  	s4 =	sshll.u32 s28, $0x1;
	[dreg:$0x2] =	wrdreg s2  }
0xa9: {  	[dreg:$0x3] =	wrdreg s4  }
0xaa: {  	[dreg:$0x4] =	wrdreg $0xC0  }
0xab: {  	_ =	task [dreg:s6], $0x5FFFF  }
0xac: {  	[dreg:$0x1] =	wrdreg $0xFFFFFFFF  }
0xad: {  	[dreg:$0x0] =	wrdreg $0x60  }
0xae: {  	[dreg:$0x2] =	wrdreg s24  }
0xaf: {  	[dreg:$0x3] =	wrdreg $0x36000  }
0xb0: {  	[dreg:$0x4] =	wrdreg $0x9  }
0xb1: {  	_ =	task.clear_ibuf [dreg:s6], $0x5FFFF;
	_ =	strace $0x90000046  }
0xb2: {  	s29 =	simm.s32 $0x9;
	_ =	strace $0x80000048  }
0xb3: {  	_ =	swait.ge [sflag:s29], $0x1  }
0xb4: {  	[sflag:s29] =	ssyncadd.s32 $0xFFFFFFFF  }
0xb5: {  	_ =	strace $0x90000048  }
0xb6: {  	_ =	sfence  }
0xb7: {  	s30 =	sld [smem:$0x0];
	_ =	sdelay $0x2  }
0xb8: {  	s31 =	sshll.u32 s1, $0xD;
	s1 =	sshrl.u32 s1, $0x2  }
0xb9: {  	s3 =	sand.u32 $0x4000, s31;
	s1 =	sadd.s32 s1, s30  }
0xba: {  	s0 =	sor.u32 s3, s0;
	s1 =	sshll.u32 s1, $0x11  }
0xbb: {  	s0 =	sor.u32 s1, s0  }
0xbc: {  	s0 =	sadd.s32 $0x8F2B, s0  }
0xbd: {  	[sflag:s0] =	ssyncadd.remote.s32 $0x1  }
0xbe: {  	_ =	sfence.sel $0xFFFF  }
0xbf: {  	[dreg:$0x0] =	wrdreg $0xFFFFFFFF;
	(pc) =	sbr.abs _section_cstart, $3  }
0xc0: {  	[dreg:$0x1] =	wrdreg $0xFFFFFFFF  }
0xc1: {  	_ =	task.clear_ibuf [dreg:s6], $0x2FFFF;
	_ =	strace $0x9FFFFFFF  }
0xc2: {  	(tm) =	ssettm $0x7FFFFFFF  }
0xc3: {  	_ =	shalt  }
tec
execute0_lowered:
.L_overlay_start_1:
0x0: {  	(tag) =	ssettag $0x1  }
0x1: {  	s0 =	srdreg.scid;
	s3 =	rddreg [dreg:$0x0]  }
0x2: {  	s6 =	stileid.u32;
	s2 =	rddreg [dreg:$0x1];
	s28 =	simm.s32 $0x5  }
0x3: {  	s29 =	simm.s32 $0x80;
	s30 =	simm.s32 $0x2A00;
	s31 =	simm.s32 $0x2  }
0x4: {  	s0 =	sand.u32 $0x1, s0;
	s1 =	sshll.u32 s6, $0x1;
	s6 =	smul.u32 $0x2780, s6  }
0x5: {  	s1 =	sor.u32 s0, s1;
	s4 =	ssub.s32 $0x2, s0;
	s0 =	smul.u32 $0x27800, s0  }
0x6: {  	s1 =	smul.u32 $0x540, s1;
	s5 =	sshrl.u32 s4, $0x1;
	s16 =	sadd.s32 $0x800, s6  }
0x7: {  	s17 =	sadd.s32 $0xC00, s6;
	s18 =	sadd.s32 $0x1000, s6;
	s19 =	sadd.s32 $0x1400, s6  }
0x8: {  	s20 =	sadd.s32 $0x1800, s6;
	s21 =	sadd.s32 $0x1C00, s6;
	s22 =	sadd.s32 $0x2000, s6  }
0x9: {  	s23 =	sadd.s32 $0x2400, s6;
	s4 =	ssub.s32 s4, s5;
	s5 =	sadd.s32 $0x400, s6  }
0xa: {  	s7 =	sadd.s32 s6, s0;
	s13 =	sadd.s32 s0, s16;
	s14 =	sadd.s32 s0, s17  }
0xb: {  	s9 =	sadd.s32 s0, s18;
	s25 =	sadd.s32 s0, s19;
	s26 =	sadd.s32 s0, s20  }
0xc: {  	s10 =	sadd.s32 s0, s21;
	s11 =	sadd.s32 s0, s22;
	s16 =	sadd.s32 s16, s2  }
0xd: {  	s17 =	sadd.s32 s17, s2;
	s18 =	sadd.s32 s18, s2;
	s19 =	sadd.s32 s19, s2  }
0xe: {  	s20 =	sadd.s32 s20, s2;
	s21 =	sadd.s32 s21, s2;
	s22 =	sadd.s32 s22, s2  }
0xf: {  	s1 =	sadd.s32 s1, s3;
	s3 =	sadd.s32 $0xD400, s3;
	s7 =	sshrl.u32 s7, $0x3  }
0x10: {  	s8 =	sadd.s32 s0, s5;
	s24 =	sshrl.u32 s9, $0x3;
	s9 =	sshrl.u32 s26, $0x3  }
0x11: {  	s10 =	sshrl.u32 s10, $0x3;
	s0 =	sadd.s32 s0, s23;
	s23 =	sadd.s32 s23, s2  }
0x12: {  	s26 =	simm.s32 $0x3200;
	s7 =	sadd.s32 s3, s7;
	s12 =	sshrl.u32 s8, $0x3  }
0x13: {  	s8 =	sshrl.u32 s14, $0x3;
	s9 =	sadd.s32 s3, s9;
	s10 =	sadd.s32 s3, s10  }
0x14: {  	s0 =	sshrl.u32 s0, $0x3;
	s14 =	sadd.s32 s6, s2;
	[dreg:$0x3] =	wrdreg s7  }
0x15: {  	s7 =	sadd.s32 s3, s12;
	s15 =	sadd.s32 s3, s8;
	s8 =	sshrl.u32 s25, $0x3  }
0x16: {  	s12 =	sshrl.u32 s11, $0x3;
	s11 =	simm.s32 $0x0;
	s25 =	smax.u32 s4, $0x1  }
0x17: {  	s4 =	simm.s32 $0x0;
	[dreg:$0x4] =	wrdreg s7;
	s7 =	sshrl.u32 s13, $0x3  }
0x18: {  	[dreg:$0x6] =	wrdreg s15;
	s8 =	sadd.s32 s3, s8;
	s12 =	sadd.s32 s3, s12  }
0x19: {  	s13 =	sadd.s32 s3, s0;
	[smem:$0x7FF] =	sst s11;
	s7 =	sadd.s32 s3, s7  }
0x1a: {  	s15 =	sadd.s32 s5, s2;
	[dreg:$0x5] =	wrdreg s7;
	s7 =	sadd.s32 s3, s24  }
0x1b: {  	s0 =	simm.s32 $0x1;
	s24 =	sadd.s32 $0x2C00, s1;
	[dreg:$0x7] =	wrdreg s7  }
0x1c: {  	v0 =	vimm.f32 $0.0e+00;
	v1 =	vimm.f32 $1.000000000e+00;
	s1 =	simm.s32 $0x3;
	s3 =	simm.s32 $0x4;
	_ =	strace $0x80000047  }
.LBB2_1:
0x1d: {  	s5 =	simm.s32 $0x0  }
.LBB2_2:
0x1e: {  	p0 =	sne.s32 s5, $0xFC0  }
.Ltmp0:
0x1f: {  	_ = 	snop;
	(pc) =	sbr.rel @p0 .LBB2_2-.Ltmp0, $3  }
0x20: {  	_ =	sdelay $0x1  }
0x21: {  	s6 =	sshra.s32 s5, $0x2  }
0x22: {  	s5 =	sadd.s32 $0x40, s5;
	[tilespmem:s6+$0x3200] =	vst v0  }
0x23: {  	s5 =	simm.s32 $0x40;
	s6 =	simm.s32 $0x0  }
.LBB2_4:
0x24: {  	p0 =	sne.s32 s5, $0x1FC0;
	[tilespmem:s6+$0x2A00] =	vst v1;
	s6 =	smov.u32 s5;
	s5 =	sadd.s32 $0x40, s5  }
.Ltmp1:
0x25: {  	(pc) =	sbr.rel @p0 .LBB2_4-.Ltmp1, $2  }
0x26: {  	_ =	sdelay $0x2  }
0x27: {  	s6 =	sshra.s32 s6, $0x2  }
0x28: {  	[tilespmem:s6+$0x2A00] =	vst v1  }
0x29: {  	[spmem:s14] =	stream.linear.scatter [tilespmem:s26], [sflag:$0x5], $0x400, $0x38;
	[tilespmem:$0x5D80] =	vst v63  }
0x2a: {  	_ =	swait.ge [sflag:s28], $0x400  }
0x2b: {  	[sflag:s28] =	ssyncset.done $0x0  }
0x2c: {  	[sflag:s28] =	ssyncadd.s32 $0xFFFFFC00  }
0x2d: {  	[spmem:s15] =	stream.linear.scatter [tilespmem:s26], [sflag:$0x5], $0x400, $0x38;
	[tilespmem:$0x5D80] =	vst v63  }
0x2e: {  	_ =	swait.ge [sflag:s28], $0x400  }
0x2f: {  	[sflag:s28] =	ssyncset.done $0x0  }
0x30: {  	[sflag:s28] =	ssyncadd.s32 $0xFFFFFC00  }
0x31: {  	[spmem:s16] =	stream.linear.scatter [tilespmem:s26], [sflag:$0x5], $0x400, $0x38;
	[tilespmem:$0x5D80] =	vst v63  }
0x32: {  	_ =	swait.ge [sflag:s28], $0x400  }
0x33: {  	[sflag:s28] =	ssyncset.done $0x0  }
0x34: {  	[sflag:s28] =	ssyncadd.s32 $0xFFFFFC00  }
0x35: {  	[spmem:s17] =	stream.linear.scatter [tilespmem:s26], [sflag:$0x5], $0x400, $0x38;
	[tilespmem:$0x5D80] =	vst v63  }
0x36: {  	_ =	swait.ge [sflag:s28], $0x400  }
0x37: {  	[sflag:s28] =	ssyncset.done $0x0  }
0x38: {  	[sflag:s28] =	ssyncadd.s32 $0xFFFFFC00  }
0x39: {  	[spmem:s18] =	stream.linear.scatter [tilespmem:s26], [sflag:$0x5], $0x400, $0x38;
	[tilespmem:$0x5D80] =	vst v63  }
0x3a: {  	_ =	swait.ge [sflag:s28], $0x400  }
0x3b: {  	[sflag:s28] =	ssyncset.done $0x0  }
0x3c: {  	[sflag:s28] =	ssyncadd.s32 $0xFFFFFC00  }
0x3d: {  	[spmem:s19] =	stream.linear.scatter [tilespmem:s26], [sflag:$0x5], $0x400, $0x38;
	[tilespmem:$0x5D80] =	vst v63  }
0x3e: {  	_ =	swait.ge [sflag:s28], $0x400  }
0x3f: {  	[sflag:s28] =	ssyncset.done $0x0  }
0x40: {  	[sflag:s28] =	ssyncadd.s32 $0xFFFFFC00  }
0x41: {  	[spmem:s20] =	stream.linear.scatter [tilespmem:s26], [sflag:$0x5], $0x400, $0x38;
	[tilespmem:$0x5D80] =	vst v63  }
0x42: {  	_ =	swait.ge [sflag:s28], $0x400  }
0x43: {  	[sflag:s28] =	ssyncset.done $0x0  }
0x44: {  	[sflag:s28] =	ssyncadd.s32 $0xFFFFFC00  }
0x45: {  	[spmem:s21] =	stream.linear.scatter [tilespmem:s26], [sflag:$0x5], $0x400, $0x38;
	[tilespmem:$0x5D80] =	vst v63  }
0x46: {  	_ =	swait.ge [sflag:s28], $0x400  }
0x47: {  	[sflag:s28] =	ssyncset.done $0x0  }
0x48: {  	[sflag:s28] =	ssyncadd.s32 $0xFFFFFC00  }
0x49: {  	[spmem:s22] =	stream.linear.scatter [tilespmem:s26], [sflag:$0x5], $0x400, $0x38;
	[tilespmem:$0x5D80] =	vst v63  }
0x4a: {  	_ =	swait.ge [sflag:s28], $0x400  }
0x4b: {  	[sflag:s28] =	ssyncset.done $0x0  }
0x4c: {  	[sflag:s28] =	ssyncadd.s32 $0xFFFFFC00  }
0x4d: {  	[spmem:s23] =	stream.linear.scatter [tilespmem:s26], [sflag:$0x5], $0x380, $0x38;
	[tilespmem:$0x5D80] =	vst v63  }
0x4e: {  	_ =	swait.ge [sflag:s28], $0x380  }
0x4f: {  	[sflag:s28] =	ssyncset.done $0x0  }
0x50: {  	[sflag:s28] =	ssyncadd.s32 $0xFFFFFC80  }
0x51: {  	[tilespmem:s11], [sflag:$0x5] =	stream.linear.gather [hbm4b:s24+s11], $0x2A00, $0x38;
	[tilespmem:$0x5D80] =	vst v63  }
0x52: {  	_ =	swait.ge [sflag:s28], $0x2A00  }
0x53: {  	[sflag:s28] =	ssyncset.done $0x0  }
0x54: {  	[sflag:s28] =	ssyncadd.s32 $0xFFFFD600  }
0x55: {  	[bflag:$0x0] =	sbarrier.arrive $0xFFFF  }
0x56: {  	[spmem:s2] =	stream.indirect.scatter.add.f32 [tilespmem:s30], [sflag:$0x1], $0x10, s11, s29, $0xb8;
	[tilespmem:$0x5D80] =	vst v63  }
0x57: {  	_ = 	snop  }
0x58: {  	[spmem:s2] =	stream.indirect.scatter.add.f32 [tilespmem:s30], [sflag:$0x2], $0x10, s29, s29, $0xb8;
	[tilespmem:$0x5D80] =	vst v63  }
0x59: {  	s5 =	simm.s32 $0x100  }
0x5a: {  	[spmem:s2] =	stream.indirect.scatter.add.f32 [tilespmem:s30], [sflag:$0x3], $0x10, s5, s29, $0xb8;
	[tilespmem:$0x5D80] =	vst v63  }
0x5b: {  	s6 =	simm.s32 $0x180  }
0x5c: {  	[spmem:s2] =	stream.indirect.scatter.add.f32 [tilespmem:s30], [sflag:$0x4], $0x10, s6, s29, $0xb8;
	[tilespmem:$0x5D80] =	vst v63  }
0x5d: {  	_ =	swait.ge [sflag:s0], $0x800  }
0x5e: {  	[sflag:s0] =	ssyncset.done $0x0  }
0x5f: {  	s7 =	simm.s32 $0x200;
	[sflag:s0] =	ssyncadd.s32 $0xFFFFF800  }
0x60: {  	[spmem:s2] =	stream.indirect.scatter.add.f32 [tilespmem:s30], [sflag:$0x1], $0x10, s7, s29, $0xb8;
	[tilespmem:$0x5D80] =	vst v63  }
0x61: {  	_ =	swait.ge [sflag:s31], $0x800  }
0x62: {  	[sflag:s31] =	ssyncset.done $0x0  }
0x63: {  	s6 =	simm.s32 $0x280;
	[sflag:s31] =	ssyncadd.s32 $0xFFFFF800  }
0x64: {  	[spmem:s2] =	stream.indirect.scatter.add.f32 [tilespmem:s30], [sflag:$0x2], $0x10, s6, s29, $0xb8;
	[tilespmem:$0x5D80] =	vst v63  }
0x65: {  	_ =	swait.ge [sflag:s1], $0x800  }
0x66: {  	[sflag:s1] =	ssyncset.done $0x0  }
0x67: {  	s7 =	simm.s32 $0x300;
	[sflag:s1] =	ssyncadd.s32 $0xFFFFF800  }
0x68: {  	[spmem:s2] =	stream.indirect.scatter.add.f32 [tilespmem:s30], [sflag:$0x3], $0x10, s7, s29, $0xb8;
	[tilespmem:$0x5D80] =	vst v63  }
0x69: {  	_ =	swait.ge [sflag:s3], $0x800  }
0x6a: {  	[sflag:s3] =	ssyncset.done $0x0  }
0x6b: {  	s5 =	simm.s32 $0xFFFF6800;
	s6 =	simm.s32 $0x380;
	[sflag:s3] =	ssyncadd.s32 $0xFFFFF800  }
.LBB2_6:
0x6c: {  	[spmem:s2] =	stream.indirect.scatter.add.f32 [tilespmem:s30], [sflag:$0x4], $0x10, s6, s29, $0xb8;
	[tilespmem:$0x5D80] =	vst v63  }
0x6d: {  	s6 =	smov.u32 s5  }
0x6e: {  	p0 =	sne.s32 s5, $0xFFFFF800;
	s5 =	sadd.s32 $0x800, s5;
	_ =	swait.ge [sflag:s0], $0x800  }
0x6f: {  	s6 =	sshra.s32 s6, $0x2;
	[sflag:s0] =	ssyncset.done $0x0  }
0x70: {  	s7 =	sadd.s32 $0x2A00, s6;
	[sflag:s0] =	ssyncadd.s32 $0xFFFFF800  }
0x71: {  	[spmem:s2] =	stream.indirect.scatter.add.f32 [tilespmem:s30], [sflag:$0x1], $0x10, s7, s29, $0xb8;
	[tilespmem:$0x5D80] =	vst v63  }
0x72: {  	_ =	swait.ge [sflag:s31], $0x800  }
0x73: {  	[sflag:s31] =	ssyncset.done $0x0  }
0x74: {  	s7 =	sadd.s32 $0x2A80, s6;
	[sflag:s31] =	ssyncadd.s32 $0xFFFFF800  }
0x75: {  	[spmem:s2] =	stream.indirect.scatter.add.f32 [tilespmem:s30], [sflag:$0x2], $0x10, s7, s29, $0xb8;
	[tilespmem:$0x5D80] =	vst v63  }
0x76: {  	_ =	swait.ge [sflag:s1], $0x800  }
0x77: {  	[sflag:s1] =	ssyncset.done $0x0  }
.Ltmp2:
0x78: {  	s7 =	sadd.s32 $0x2B00, s6;
	[sflag:s1] =	ssyncadd.s32 $0xFFFFF800;
	(pc) =	sbr.rel @p0 .LBB2_6-.Ltmp2, $4  }
0x79: {  	[spmem:s2] =	stream.indirect.scatter.add.f32 [tilespmem:s30], [sflag:$0x3], $0x10, s7, s29, $0xb8;
	[tilespmem:$0x5D80] =	vst v63  }
0x7a: {  	_ =	swait.ge [sflag:s3], $0x800  }
0x7b: {  	[sflag:s3] =	ssyncset.done $0x0  }
0x7c: {  	s6 =	sadd.s32 $0x2B80, s6;
	[sflag:s3] =	ssyncadd.s32 $0xFFFFF800  }
0x7d: {  	[spmem:s2] =	stream.indirect.scatter.add.f32 [tilespmem:s30], [sflag:$0x4], $0x10, s6, s29, $0xb8;
	[tilespmem:$0x5D80] =	vst v63  }
0x7e: {  	_ =	swait.ge [sflag:s0], $0x800  }
0x7f: {  	[sflag:s0] =	ssyncset.done $0x0  }
0x80: {  	[sflag:s0] =	ssyncadd.s32 $0xFFFFF800  }
0x81: {  	_ =	swait.ge [sflag:s31], $0x800  }
0x82: {  	[sflag:s31] =	ssyncset.done $0x0  }
0x83: {  	[sflag:s31] =	ssyncadd.s32 $0xFFFFF800  }
0x84: {  	_ =	swait.ge [sflag:s1], $0x800  }
0x85: {  	[sflag:s1] =	ssyncset.done $0x0  }
0x86: {  	[sflag:s1] =	ssyncadd.s32 $0xFFFFF800  }
0x87: {  	_ =	swait.ge [sflag:s3], $0x800  }
0x88: {  	[sflag:s3] =	ssyncset.done $0x0  }
0x89: {  	[sflag:s3] =	ssyncadd.s32 $0xFFFFF800  }
0x8a: {  	[bflag:$0x0] =	sbarrier.arrive $0xFFFF  }
0x8b: {  	[tilespmem:s26], [sflag:$0x5] =	stream.linear.gather [spmem:s14], $0x400, $0x38;
	[tilespmem:$0x5D80] =	vst v63  }
0x8c: {  	_ =	swait.ge [sflag:s28], $0x400  }
0x8d: {  	[sflag:s28] =	ssyncset.done $0x0  }
0x8e: {  	s5 =	rddreg [dreg:$0x3];
	[sflag:s28] =	ssyncadd.s32 $0xFFFFFC00  }
0x8f: {  	[hbm4b:s5+s11] =	stream.linear.scatter [tilespmem:s26], [sflag:$0x5], $0x400, $0x38;
	[tilespmem:$0x5D80] =	vst v63  }
0x90: {  	_ =	swait.ge [sflag:s28], $0x400  }
0x91: {  	[sflag:s28] =	ssyncset.done $0x0  }
0x92: {  	[sflag:s28] =	ssyncadd.s32 $0xFFFFFC00  }
0x93: {  	[tilespmem:s26], [sflag:$0x5] =	stream.linear.gather [spmem:s15], $0x400, $0x38;
	[tilespmem:$0x5D80] =	vst v63  }
0x94: {  	_ =	swait.ge [sflag:s28], $0x400  }
0x95: {  	[sflag:s28] =	ssyncset.done $0x0  }
0x96: {  	s6 =	rddreg [dreg:$0x4];
	[sflag:s28] =	ssyncadd.s32 $0xFFFFFC00  }
0x97: {  	[hbm4b:s6+s11] =	stream.linear.scatter [tilespmem:s26], [sflag:$0x5], $0x400, $0x38;
	[tilespmem:$0x5D80] =	vst v63  }
0x98: {  	_ =	swait.ge [sflag:s28], $0x400  }
0x99: {  	[sflag:s28] =	ssyncset.done $0x0  }
0x9a: {  	[sflag:s28] =	ssyncadd.s32 $0xFFFFFC00  }
0x9b: {  	[tilespmem:s26], [sflag:$0x5] =	stream.linear.gather [spmem:s16], $0x400, $0x38;
	[tilespmem:$0x5D80] =	vst v63  }
0x9c: {  	_ =	swait.ge [sflag:s28], $0x400  }
0x9d: {  	[sflag:s28] =	ssyncset.done $0x0  }
0x9e: {  	s7 =	rddreg [dreg:$0x5];
	[sflag:s28] =	ssyncadd.s32 $0xFFFFFC00  }
0x9f: {  	[hbm4b:s7+s11] =	stream.linear.scatter [tilespmem:s26], [sflag:$0x5], $0x400, $0x38;
	[tilespmem:$0x5D80] =	vst v63  }
0xa0: {  	_ =	swait.ge [sflag:s28], $0x400  }
0xa1: {  	[sflag:s28] =	ssyncset.done $0x0  }
0xa2: {  	[sflag:s28] =	ssyncadd.s32 $0xFFFFFC00  }
0xa3: {  	[tilespmem:s26], [sflag:$0x5] =	stream.linear.gather [spmem:s17], $0x400, $0x38;
	[tilespmem:$0x5D80] =	vst v63  }
0xa4: {  	_ =	swait.ge [sflag:s28], $0x400  }
0xa5: {  	[sflag:s28] =	ssyncset.done $0x0  }
0xa6: {  	s6 =	rddreg [dreg:$0x6];
	[sflag:s28] =	ssyncadd.s32 $0xFFFFFC00  }
0xa7: {  	[hbm4b:s6+s11] =	stream.linear.scatter [tilespmem:s26], [sflag:$0x5], $0x400, $0x38;
	[tilespmem:$0x5D80] =	vst v63  }
0xa8: {  	_ =	swait.ge [sflag:s28], $0x400  }
0xa9: {  	[sflag:s28] =	ssyncset.done $0x0  }
0xaa: {  	[sflag:s28] =	ssyncadd.s32 $0xFFFFFC00  }
0xab: {  	[tilespmem:s26], [sflag:$0x5] =	stream.linear.gather [spmem:s18], $0x400, $0x38;
	[tilespmem:$0x5D80] =	vst v63  }
0xac: {  	_ =	swait.ge [sflag:s28], $0x400  }
0xad: {  	[sflag:s28] =	ssyncset.done $0x0  }
0xae: {  	s7 =	rddreg [dreg:$0x7];
	[sflag:s28] =	ssyncadd.s32 $0xFFFFFC00  }
0xaf: {  	[hbm4b:s7+s11] =	stream.linear.scatter [tilespmem:s26], [sflag:$0x5], $0x400, $0x38;
	[tilespmem:$0x5D80] =	vst v63  }
0xb0: {  	_ =	swait.ge [sflag:s28], $0x400  }
0xb1: {  	[sflag:s28] =	ssyncset.done $0x0  }
0xb2: {  	[sflag:s28] =	ssyncadd.s32 $0xFFFFFC00  }
0xb3: {  	[tilespmem:s26], [sflag:$0x5] =	stream.linear.gather [spmem:s19], $0x400, $0x38;
	[tilespmem:$0x5D80] =	vst v63  }
0xb4: {  	_ =	swait.ge [sflag:s28], $0x400  }
0xb5: {  	[sflag:s28] =	ssyncset.done $0x0  }
0xb6: {  	[sflag:s28] =	ssyncadd.s32 $0xFFFFFC00  }
0xb7: {  	[hbm4b:s8+s11] =	stream.linear.scatter [tilespmem:s26], [sflag:$0x5], $0x400, $0x38;
	[tilespmem:$0x5D80] =	vst v63  }
0xb8: {  	_ =	swait.ge [sflag:s28], $0x400  }
0xb9: {  	[sflag:s28] =	ssyncset.done $0x0  }
0xba: {  	[sflag:s28] =	ssyncadd.s32 $0xFFFFFC00  }
0xbb: {  	[tilespmem:s26], [sflag:$0x5] =	stream.linear.gather [spmem:s20], $0x400, $0x38;
	[tilespmem:$0x5D80] =	vst v63  }
0xbc: {  	_ =	swait.ge [sflag:s28], $0x400  }
0xbd: {  	[sflag:s28] =	ssyncset.done $0x0  }
0xbe: {  	[sflag:s28] =	ssyncadd.s32 $0xFFFFFC00  }
0xbf: {  	[hbm4b:s9+s11] =	stream.linear.scatter [tilespmem:s26], [sflag:$0x5], $0x400, $0x38;
	[tilespmem:$0x5D80] =	vst v63  }
0xc0: {  	_ =	swait.ge [sflag:s28], $0x400  }
0xc1: {  	[sflag:s28] =	ssyncset.done $0x0  }
0xc2: {  	[sflag:s28] =	ssyncadd.s32 $0xFFFFFC00  }
0xc3: {  	[tilespmem:s26], [sflag:$0x5] =	stream.linear.gather [spmem:s21], $0x400, $0x38;
	[tilespmem:$0x5D80] =	vst v63  }
0xc4: {  	_ =	swait.ge [sflag:s28], $0x400  }
0xc5: {  	[sflag:s28] =	ssyncset.done $0x0  }
0xc6: {  	[sflag:s28] =	ssyncadd.s32 $0xFFFFFC00  }
0xc7: {  	[hbm4b:s10+s11] =	stream.linear.scatter [tilespmem:s26], [sflag:$0x5], $0x400, $0x38;
	[tilespmem:$0x5D80] =	vst v63  }
0xc8: {  	_ =	swait.ge [sflag:s28], $0x400  }
0xc9: {  	[sflag:s28] =	ssyncset.done $0x0  }
0xca: {  	[sflag:s28] =	ssyncadd.s32 $0xFFFFFC00  }
0xcb: {  	[tilespmem:s26], [sflag:$0x5] =	stream.linear.gather [spmem:s22], $0x400, $0x38;
	[tilespmem:$0x5D80] =	vst v63  }
0xcc: {  	_ =	swait.ge [sflag:s28], $0x400  }
0xcd: {  	[sflag:s28] =	ssyncset.done $0x0  }
0xce: {  	[sflag:s28] =	ssyncadd.s32 $0xFFFFFC00  }
0xcf: {  	[hbm4b:s12+s11] =	stream.linear.scatter [tilespmem:s26], [sflag:$0x5], $0x400, $0x38;
	[tilespmem:$0x5D80] =	vst v63  }
0xd0: {  	_ =	swait.ge [sflag:s28], $0x400  }
0xd1: {  	[sflag:s28] =	ssyncset.done $0x0  }
0xd2: {  	[sflag:s28] =	ssyncadd.s32 $0xFFFFFC00  }
0xd3: {  	[tilespmem:s26], [sflag:$0x5] =	stream.linear.gather [spmem:s23], $0x380, $0x38;
	[tilespmem:$0x5D80] =	vst v63  }
0xd4: {  	s4 =	sadd.s32 $0x1, s4;
	_ =	swait.ge [sflag:s28], $0x380  }
0xd5: {  	p0 =	sne.s32 s4, s25;
	[sflag:s28] =	ssyncset.done $0x0  }
.Ltmp3:
0xd6: {  	[sflag:s28] =	ssyncadd.s32 $0xFFFFFC80;
	(pc) =	sbr.rel @p0 .LBB2_1-.Ltmp3, $4  }
0xd7: {  	[hbm4b:s13+s11] =	stream.linear.scatter [tilespmem:s26], [sflag:$0x5], $0x380, $0x38;
	[tilespmem:$0x5D80] =	vst v63  }
0xd8: {  	_ =	swait.ge [sflag:s28], $0x380  }
0xd9: {  	[sflag:s28] =	ssyncset.done $0x0  }
0xda: {  	[sflag:s28] =	ssyncadd.s32 $0xFFFFFC80  }
0xdb: {  	_ =	sfence.sel $0x180000  }
0xdc: {  	[bflag:$0x0] =	sbarrier.arrive $0xFFFF  }
0xdd: {  	_ =	strace $0x90000047  }
0xde: {  	s0 =	stileid.u32;
	[bflag:$0x2] =	sbarrier.arrive $0xFFFF  }
0xdf: {  	p0 =	sne.s32 s0, $0x0;
	s0 =	rddreg [dreg:$0x2]  }
0xe0: {  	s0 =	sadd.s32 @!p0 $0x100000, s0  }
0xe1: {  	[sflag:s0] =	ssyncadd.tile.s32 @!p0 $0x1;
	_ =	shalt  }
.Lfunc_end2:
_tile_overlayer_lowered:
.L_overlay_start_2:
0xe2: {  	(tag) =	ssettag $0x2  }
0xe3: {  	s0 =	rddreg [dreg:$0x0];
	s2 =	stileid.u32  }
0xe4: {  	s1 =	rddreg [dreg:$0x1];
	p0 =	sne.s32 s2, $0x0  }
0xe5: {  	s3 =	rddreg [dreg:$0x2];
	[bflag:$0x3] =	sbarrier.arrive $0xFFFF;
	s2 =	simm.s32 @!p0 $0x1C05  }
0xe6: {  	[timem:s3], [sflag:s2] =	dma.local @!p0 [hbm:s0], s1  }
0xe7: {  	s0 =	simm.s32 @!p0 $0x5  }
0xe8: {  	_ =	swait.ge @!p0 [sflag:s0], s1  }
0xe9: {  	s1 =	ssub.s32 @!p0 $0x0, s1;
	[sflag:s0] =	ssyncset.done @!p0 $0x0  }
0xea: {  	[sflag:s0] =	ssyncadd.s32 @!p0 s1  }
0xeb: {  	[bflag:$0x3] =	sbarrier.arrive $0xFFFF  }
0xec: {  	_ =	shalt  }

</sc_bundles>
